<compile_context>
chip_gen: v7x
topology: tpu7x:2x2x1
jax: 0.10.2.dev20260603
libtpu: 0.0.44.dev20260713+nightly
codegen_flags: <defaults>
</compile_context>

<pallas_src>
import functools

import jax
import jax.numpy as jnp
from jax import lax
from jax.experimental import pallas as pl
from jax.experimental.pallas import tpu as pltpu
from jax.experimental.pallas import tpu_sc as plsc

B = 16384
D = 32
L = 16
NC = 2
NS = 16
NW = NC * NS
BPW = B // NW
NG = D // 8
BLK = 128
NBUF = 8
NGRP = BPW // L

_mesh = plsc.VectorSubcoreMesh(core_axis_name="c", subcore_axis_name="s")


@functools.partial(
    pl.kernel,
    out_type=jax.ShapeDtypeStruct((B,), jnp.float32),
    mesh=_mesh,
    compiler_params=pltpu.CompilerParams(needs_layout_passes=False),
    scratch_types=[
        pltpu.VMEM((BPW,), jnp.int32),
        pltpu.VMEM((BPW,), jnp.int32),
        pltpu.VMEM((NBUF, NG, 8, BLK), jnp.float32),
        pltpu.VMEM((NBUF, NG, 8, BLK), jnp.float32),
        pltpu.VMEM((BPW * L,), jnp.float32),
        pltpu.VMEM((BPW,), jnp.float32),
        pltpu.SemaphoreType.DMA((NBUF,)),
        pltpu.SemaphoreType.DMA((NBUF,)),
    ],
)
def _cf_sc_kernel(uids, pids, utab, ptab, out, idu, idp, ublk, pblk,
                  sbuf, outv, semu, semp):
    wid = lax.axis_index("s") * NC + lax.axis_index("c")
    base = wid * BPW
    lanes = lax.iota(jnp.int32, L)

    for j in range(BPW // BLK):
        pltpu.sync_copy(uids.at[pl.ds(base + j * BLK, BLK)],
                        idu.at[pl.ds(j * BLK, BLK)])
        pltpu.sync_copy(pids.at[pl.ds(base + j * BLK, BLK)],
                        idp.at[pl.ds(j * BLK, BLK)])

    g_lo = lanes // 8
    g_hi = g_lo + 2
    j_idx = lanes % 8

    def fetch(slot, uid, pid, dep=0):
        bu = pl.multiple_of((uid >> 7) * BLK + dep, BLK)
        bp = pl.multiple_of((pid >> 7) * BLK + dep, BLK)
        pltpu.async_copy(utab.at[:, :, pl.ds(bu, BLK)], ublk.at[slot],
                         semu.at[slot])
        pltpu.async_copy(ptab.at[:, :, pl.ds(bp, BLK)], pblk.at[slot],
                         semp.at[slot])

    def drain(slot):
        pltpu.make_async_copy(utab.at[:, :, pl.ds(0, BLK)], ublk.at[slot],
                              semu.at[slot]).wait()
        pltpu.make_async_copy(ptab.at[:, :, pl.ds(0, BLK)], pblk.at[slot],
                              semp.at[slot]).wait()

    uvec0 = idu[pl.ds(0, L)]
    pvec0 = idp[pl.ds(0, L)]
    for k in range(NBUF):
        fetch(k, uvec0[k], pvec0[k])

    def grp_body(g, _):
        sl = pl.ds(g * L, L)
        uvec = idu[sl]
        pvec = idp[sl]
        nxt = pl.ds(jnp.minimum(g + 1, NGRP - 1) * L, L)
        nuvec = idu[nxt]
        npvec = idp[nxt]
        for r in range(L):
            slot = r % NBUF
            drain(slot)
            ru = uvec[r] & (BLK - 1)
            rp = pvec[r] & (BLK - 1)
            colu = jnp.zeros((L,), jnp.int32) + ru
            colp = jnp.zeros((L,), jnp.int32) + rp
            ub = ublk.at[slot]
            pb = pblk.at[slot]
            u_lo = plsc.load_gather(ub, [g_lo, j_idx, colu])
            u_hi = plsc.load_gather(ub, [g_hi, j_idx, colu])
            p_lo = plsc.load_gather(pb, [g_lo, j_idx, colp])
            p_hi = plsc.load_gather(pb, [g_hi, j_idx, colp])
            ssl = pl.ds((g * L + r) * L, L)
            sbuf[ssl] = u_lo * p_lo + u_hi * p_hi
            lb = sbuf[ssl][0]
            dep = lax.select(lb == lb, jnp.int32(0), jnp.int32(1))
            if r + NBUF < L:
                fetch(slot, uvec[r + NBUF], pvec[r + NBUF], dep)
            else:
                fetch(slot, nuvec[r + NBUF - L], npvec[r + NBUF - L], dep)
        return 0

    lax.fori_loop(0, NGRP, grp_body, 0)

    for k in range(NBUF):
        drain(k)

    lane_strided = lanes * L

    def red_body(b, _):
        block = b * (L * L)
        acc = plsc.load_gather(sbuf, [lane_strided + block])
        for c in range(1, L):
            acc = acc + plsc.load_gather(sbuf, [lane_strided + (block + c)])
        e = jnp.exp(-jnp.abs(acc))
        denom = 1.0 + e
        outv[pl.ds(b * L, L)] = jnp.where(acc >= 0.0, 1.0 / denom, e / denom)
        return 0

    lax.fori_loop(0, BPW // L, red_body, 0)

    pltpu.sync_copy(outv, out.at[pl.ds(base, BPW)])


def kernel(user_ids, post_ids, user_table, post_table):
    uids = user_ids.astype(jnp.int32)
    pids = post_ids.astype(jnp.int32)
    ut3 = user_table.T.reshape(NG, 8, -1)
    pt3 = post_table.T.reshape(NG, 8, -1)
    return _cf_sc_kernel(uids, pids, ut3, pt3)

# --- scband reference (transcript-rebuilt; emitter-appended) ---
"""Pipeline reference for scband-collaborative-filtering-model-10033043604027 (READ-ONLY COPY).

The authoritative reference and input builder live on the scoring server;
editing this copy changes nothing except your own understanding.
"""

import jax, jax.numpy as jnp
import numpy as np

NUM_USERS = 1000000
NUM_POSTS = 1000000
EMBED_DIM = 32
BATCH = 16384

def setup_inputs(seed: int = 0) -> dict:
    key = jax.random.key(seed)
    k1, k2, k3, k4 = jax.random.split(key, 4)
    user_ids = jax.random.randint(k1, (BATCH,), 0, NUM_USERS, dtype=jnp.int64) if jax.config.jax_enable_x64 else jax.random.randint(k1, (BATCH,), 0, NUM_USERS, dtype=jnp.int32)
    post_ids = jax.random.randint(k2, (BATCH,), 0, NUM_POSTS, dtype=jnp.int32)
    user_table = jax.random.normal(k3, (NUM_USERS, EMBED_DIM), dtype=jnp.float32)
    post_table = jax.random.normal(k4, (NUM_POSTS, EMBED_DIM), dtype=jnp.float32)
    return {"user_ids": user_ids, "post_ids": post_ids, "user_table": user_table, "post_table": post_table}

def reference(user_ids, post_ids, user_table, post_table):
    user_ids = user_ids % NUM_USERS
    post_ids = post_ids % NUM_POSTS
    user_embedded = jnp.take(user_table, user_ids, axis=0)
    post_embedded = jnp.take(post_table, post_ids, axis=0)
    interaction = (user_embedded * post_embedded).sum(axis=1)
    prediction = jax.nn.sigmoid(interaction)
    return prediction

if __name__ == "__main__":
    import jax
    _d = setup_inputs()
    print(jax.jit(kernel)(*tuple(_d.values())))

</pallas_src>

<mosaic_0001>
#map = affine_map<(d0, d1) -> (0)>
#map1 = affine_map<(d0, d1) -> (0, 0, 0)>
module attributes {stable_mosaic.version = 14 : i64} {
  func.func @_cf_sc_kernel(%arg0: i32, %arg1: i32, %arg2: memref<16384xi32, #tpu.memory_space<hbm>>, %arg3: memref<16384xi32, #tpu.memory_space<hbm>>, %arg4: memref<4x8x1000000xf32, #tpu.memory_space<hbm>>, %arg5: memref<4x8x1000000xf32, #tpu.memory_space<hbm>>, %arg6: memref<16384xf32, #tpu.memory_space<hbm>>, %arg7: memref<512xi32, #tpu.memory_space<vmem>>, %arg8: memref<512xi32, #tpu.memory_space<vmem>>, %arg9: memref<8x4x8x128xf32, #tpu.memory_space<vmem>>, %arg10: memref<8x4x8x128xf32, #tpu.memory_space<vmem>>, %arg11: memref<8192xf32, #tpu.memory_space<vmem>>, %arg12: memref<512xf32, #tpu.memory_space<vmem>>, %arg13: memref<8x!tpu.dma_semaphore, #tpu.memory_space<semaphore_mem>>, %arg14: memref<8x!tpu.dma_semaphore, #tpu.memory_space<semaphore_mem>>) attributes {dimension_semantics = [#tpu.dimension_semantics<core_parallel>, #tpu.dimension_semantics<subcore_parallel>], iteration_bounds = array<i64: 2, 16>, scalar_prefetch = 0 : i64, scratch_operands = 8 : i64, tpu.core_type = #tpu.core_type<sc_vector_subcore>, window_params = [{transform_indices = #map}, {transform_indices = #map}, {transform_indices = #map1}, {transform_indices = #map1}, {transform_indices = #map}]} {
    %mul3A = arith.constant 2 : i32
    %mul3A_0 = arith.muli %arg1, %mul3A : i32
    %add3A = arith.addi %mul3A_0, %arg0 : i32
    %mul3A_1 = arith.constant 512 : i32
    %mul3A_2 = arith.muli %add3A, %mul3A_1 : i32
    %iota3A = tpu.iota {dimensions = array<i32: 0>} : vector<16xi32>
    %add3A_3 = arith.constant 0 : i32
    %add3A_4 = arith.addi %mul3A_2, %add3A_3 : i32
    "tpu.region"() ({
      %run_scoped3A = tpu.sem_alloc : memref<!tpu.dma_semaphore, #tpu.memory_space<semaphore_mem>>
      %dma_start3A_894 = arith.constant 0 : i32
      %dma_start3A_895 = tpu.memref_slice %arg7[%dma_start3A_894] : memref<512xi32, #tpu.memory_space<vmem>> -> memref<128xi32, #tpu.memory_space<vmem>>
      %dma_start3A_896 = tpu.memref_slice %arg2[%add3A_4] : memref<16384xi32, #tpu.memory_space<hbm>> -> memref<128xi32, #tpu.memory_space<hbm>>
      %dma_start3A_897 = arith.constant 0 : i32
      %dma_start3A_898 = tpu.memref_slice %arg7[%dma_start3A_897] : memref<512xi32, #tpu.memory_space<vmem>> -> memref<128xi32, #tpu.memory_space<vmem>>
      %dma_start3A_899 = tpu.memref_slice %arg2[%add3A_4] : memref<16384xi32, #tpu.memory_space<hbm>> -> memref<128xi32, #tpu.memory_space<hbm>>
      tpu.enqueue_dma source(%dma_start3A_899 : memref<128xi32, #tpu.memory_space<hbm>>) target(%dma_start3A_898 : memref<128xi32, #tpu.memory_space<vmem>>) target_semaphore(%run_scoped3A : memref<!tpu.dma_semaphore, #tpu.memory_space<semaphore_mem>>)
      %dma_wait3A_900 = arith.constant 0 : i32
      %dma_wait3A_901 = tpu.memref_slice %arg7[%dma_wait3A_900] : memref<512xi32, #tpu.memory_space<vmem>> -> memref<128xi32, #tpu.memory_space<vmem>>
      %dma_wait3A_902 = tpu.memref_slice %arg2[%add3A_4] : memref<16384xi32, #tpu.memory_space<hbm>> -> memref<128xi32, #tpu.memory_space<hbm>>
      %dma_wait3A_903 = arith.constant 0 : i32
      %dma_wait3A_904 = tpu.memref_slice %arg7[%dma_wait3A_903] : memref<512xi32, #tpu.memory_space<vmem>> -> memref<128xi32, #tpu.memory_space<vmem>>
      %dma_wait3A_905 = tpu.memref_slice %arg2[%add3A_4] : memref<16384xi32, #tpu.memory_space<hbm>> -> memref<128xi32, #tpu.memory_space<hbm>>
      tpu.wait_dma2 semaphore(%run_scoped3A : memref<!tpu.dma_semaphore, #tpu.memory_space<semaphore_mem>>) src(%dma_wait3A_905 : memref<128xi32, #tpu.memory_space<hbm>>) dst(%dma_wait3A_904 : memref<128xi32, #tpu.memory_space<vmem>>)
      tpu.yield
    }) : () -> ()
    %add3A_5 = arith.constant 0 : i32
    %add3A_6 = arith.addi %mul3A_2, %add3A_5 : i32
    "tpu.region"() ({
      %run_scoped3A = tpu.sem_alloc : memref<!tpu.dma_semaphore, #tpu.memory_space<semaphore_mem>>
      %dma_start3A_894 = arith.constant 0 : i32
      %dma_start3A_895 = tpu.memref_slice %arg8[%dma_start3A_894] : memref<512xi32, #tpu.memory_space<vmem>> -> memref<128xi32, #tpu.memory_space<vmem>>
      %dma_start3A_896 = tpu.memref_slice %arg3[%add3A_6] : memref<16384xi32, #tpu.memory_space<hbm>> -> memref<128xi32, #tpu.memory_space<hbm>>
      %dma_start3A_897 = arith.constant 0 : i32
      %dma_start3A_898 = tpu.memref_slice %arg8[%dma_start3A_897] : memref<512xi32, #tpu.memory_space<vmem>> -> memref<128xi32, #tpu.memory_space<vmem>>
      %dma_start3A_899 = tpu.memref_slice %arg3[%add3A_6] : memref<16384xi32, #tpu.memory_space<hbm>> -> memref<128xi32, #tpu.memory_space<hbm>>
      tpu.enqueue_dma source(%dma_start3A_899 : memref<128xi32, #tpu.memory_space<hbm>>) target(%dma_start3A_898 : memref<128xi32, #tpu.memory_space<vmem>>) target_semaphore(%run_scoped3A : memref<!tpu.dma_semaphore, #tpu.memory_space<semaphore_mem>>)
      %dma_wait3A_900 = arith.constant 0 : i32
      %dma_wait3A_901 = tpu.memref_slice %arg8[%dma_wait3A_900] : memref<512xi32, #tpu.memory_space<vmem>> -> memref<128xi32, #tpu.memory_space<vmem>>
      %dma_wait3A_902 = tpu.memref_slice %arg3[%add3A_6] : memref<16384xi32, #tpu.memory_space<hbm>> -> memref<128xi32, #tpu.memory_space<hbm>>
      %dma_wait3A_903 = arith.constant 0 : i32
      %dma_wait3A_904 = tpu.memref_slice %arg8[%dma_wait3A_903] : memref<512xi32, #tpu.memory_space<vmem>> -> memref<128xi32, #tpu.memory_space<vmem>>
      %dma_wait3A_905 = tpu.memref_slice %arg3[%add3A_6] : memref<16384xi32, #tpu.memory_space<hbm>> -> memref<128xi32, #tpu.memory_space<hbm>>
      tpu.wait_dma2 semaphore(%run_scoped3A : memref<!tpu.dma_semaphore, #tpu.memory_space<semaphore_mem>>) src(%dma_wait3A_905 : memref<128xi32, #tpu.memory_space<hbm>>) dst(%dma_wait3A_904 : memref<128xi32, #tpu.memory_space<vmem>>)
      tpu.yield
    }) : () -> ()
    %add3A_7 = arith.constant 128 : i32
    %add3A_8 = arith.addi %mul3A_2, %add3A_7 : i32
    "tpu.region"() ({
      %run_scoped3A = tpu.sem_alloc : memref<!tpu.dma_semaphore, #tpu.memory_space<semaphore_mem>>
      %dma_start3A_894 = arith.constant 128 : i32
      %dma_start3A_895 = tpu.memref_slice %arg7[%dma_start3A_894] : memref<512xi32, #tpu.memory_space<vmem>> -> memref<128xi32, #tpu.memory_space<vmem>>
      %dma_start3A_896 = tpu.memref_slice %arg2[%add3A_8] : memref<16384xi32, #tpu.memory_space<hbm>> -> memref<128xi32, #tpu.memory_space<hbm>>
      %dma_start3A_897 = arith.constant 128 : i32
      %dma_start3A_898 = tpu.memref_slice %arg7[%dma_start3A_897] : memref<512xi32, #tpu.memory_space<vmem>> -> memref<128xi32, #tpu.memory_space<vmem>>
      %dma_start3A_899 = tpu.memref_slice %arg2[%add3A_8] : memref<16384xi32, #tpu.memory_space<hbm>> -> memref<128xi32, #tpu.memory_space<hbm>>
      tpu.enqueue_dma source(%dma_start3A_899 : memref<128xi32, #tpu.memory_space<hbm>>) target(%dma_start3A_898 : memref<128xi32, #tpu.memory_space<vmem>>) target_semaphore(%run_scoped3A : memref<!tpu.dma_semaphore, #tpu.memory_space<semaphore_mem>>)
      %dma_wait3A_900 = arith.constant 128 : i32
      %dma_wait3A_901 = tpu.memref_slice %arg7[%dma_wait3A_900] : memref<512xi32, #tpu.memory_space<vmem>> -> memref<128xi32, #tpu.memory_space<vmem>>
      %dma_wait3A_902 = tpu.memref_slice %arg2[%add3A_8] : memref<16384xi32, #tpu.memory_space<hbm>> -> memref<128xi32, #tpu.memory_space<hbm>>
      %dma_wait3A_903 = arith.constant 128 : i32
      %dma_wait3A_904 = tpu.memref_slice %arg7[%dma_wait3A_903] : memref<512xi32, #tpu.memory_space<vmem>> -> memref<128xi32, #tpu.memory_space<vmem>>
      %dma_wait3A_905 = tpu.memref_slice %arg2[%add3A_8] : memref<16384xi32, #tpu.memory_space<hbm>> -> memref<128xi32, #tpu.memory_space<hbm>>
      tpu.wait_dma2 semaphore(%run_scoped3A : memref<!tpu.dma_semaphore, #tpu.memory_space<semaphore_mem>>) src(%dma_wait3A_905 : memref<128xi32, #tpu.memory_space<hbm>>) dst(%dma_wait3A_904 : memref<128xi32, #tpu.memory_space<vmem>>)
      tpu.yield
    }) : () -> ()
    %add3A_9 = arith.constant 128 : i32
    %add3A_10 = arith.addi %mul3A_2, %add3A_9 : i32
    "tpu.region"() ({
      %run_scoped3A = tpu.sem_alloc : memref<!tpu.dma_semaphore, #tpu.memory_space<semaphore_mem>>
      %dma_start3A_894 = arith.constant 128 : i32
      %dma_start3A_895 = tpu.memref_slice %arg8[%dma_start3A_894] : memref<512xi32, #tpu.memory_space<vmem>> -> memref<128xi32, #tpu.memory_space<vmem>>
      %dma_start3A_896 = tpu.memref_slice %arg3[%add3A_10] : memref<16384xi32, #tpu.memory_space<hbm>> -> memref<128xi32, #tpu.memory_space<hbm>>
      %dma_start3A_897 = arith.constant 128 : i32
      %dma_start3A_898 = tpu.memref_slice %arg8[%dma_start3A_897] : memref<512xi32, #tpu.memory_space<vmem>> -> memref<128xi32, #tpu.memory_space<vmem>>
      %dma_start3A_899 = tpu.memref_slice %arg3[%add3A_10] : memref<16384xi32, #tpu.memory_space<hbm>> -> memref<128xi32, #tpu.memory_space<hbm>>
      tpu.enqueue_dma source(%dma_start3A_899 : memref<128xi32, #tpu.memory_space<hbm>>) target(%dma_start3A_898 : memref<128xi32, #tpu.memory_space<vmem>>) target_semaphore(%run_scoped3A : memref<!tpu.dma_semaphore, #tpu.memory_space<semaphore_mem>>)
      %dma_wait3A_900 = arith.constant 128 : i32
      %dma_wait3A_901 = tpu.memref_slice %arg8[%dma_wait3A_900] : memref<512xi32, #tpu.memory_space<vmem>> -> memref<128xi32, #tpu.memory_space<vmem>>
      %dma_wait3A_902 = tpu.memref_slice %arg3[%add3A_10] : memref<16384xi32, #tpu.memory_space<hbm>> -> memref<128xi32, #tpu.memory_space<hbm>>
      %dma_wait3A_903 = arith.constant 128 : i32
      %dma_wait3A_904 = tpu.memref_slice %arg8[%dma_wait3A_903] : memref<512xi32, #tpu.memory_space<vmem>> -> memref<128xi32, #tpu.memory_space<vmem>>
      %dma_wait3A_905 = tpu.memref_slice %arg3[%add3A_10] : memref<16384xi32, #tpu.memory_space<hbm>> -> memref<128xi32, #tpu.memory_space<hbm>>
      tpu.wait_dma2 semaphore(%run_scoped3A : memref<!tpu.dma_semaphore, #tpu.memory_space<semaphore_mem>>) src(%dma_wait3A_905 : memref<128xi32, #tpu.memory_space<hbm>>) dst(%dma_wait3A_904 : memref<128xi32, #tpu.memory_space<vmem>>)
      tpu.yield
    }) : () -> ()
    %add3A_11 = arith.constant 256 : i32
    %add3A_12 = arith.addi %mul3A_2, %add3A_11 : i32
    "tpu.region"() ({
      %run_scoped3A = tpu.sem_alloc : memref<!tpu.dma_semaphore, #tpu.memory_space<semaphore_mem>>
      %dma_start3A_894 = arith.constant 256 : i32
      %dma_start3A_895 = tpu.memref_slice %arg7[%dma_start3A_894] : memref<512xi32, #tpu.memory_space<vmem>> -> memref<128xi32, #tpu.memory_space<vmem>>
      %dma_start3A_896 = tpu.memref_slice %arg2[%add3A_12] : memref<16384xi32, #tpu.memory_space<hbm>> -> memref<128xi32, #tpu.memory_space<hbm>>
      %dma_start3A_897 = arith.constant 256 : i32
      %dma_start3A_898 = tpu.memref_slice %arg7[%dma_start3A_897] : memref<512xi32, #tpu.memory_space<vmem>> -> memref<128xi32, #tpu.memory_space<vmem>>
      %dma_start3A_899 = tpu.memref_slice %arg2[%add3A_12] : memref<16384xi32, #tpu.memory_space<hbm>> -> memref<128xi32, #tpu.memory_space<hbm>>
      tpu.enqueue_dma source(%dma_start3A_899 : memref<128xi32, #tpu.memory_space<hbm>>) target(%dma_start3A_898 : memref<128xi32, #tpu.memory_space<vmem>>) target_semaphore(%run_scoped3A : memref<!tpu.dma_semaphore, #tpu.memory_space<semaphore_mem>>)
      %dma_wait3A_900 = arith.constant 256 : i32
      %dma_wait3A_901 = tpu.memref_slice %arg7[%dma_wait3A_900] : memref<512xi32, #tpu.memory_space<vmem>> -> memref<128xi32, #tpu.memory_space<vmem>>
      %dma_wait3A_902 = tpu.memref_slice %arg2[%add3A_12] : memref<16384xi32, #tpu.memory_space<hbm>> -> memref<128xi32, #tpu.memory_space<hbm>>
      %dma_wait3A_903 = arith.constant 256 : i32
      %dma_wait3A_904 = tpu.memref_slice %arg7[%dma_wait3A_903] : memref<512xi32, #tpu.memory_space<vmem>> -> memref<128xi32, #tpu.memory_space<vmem>>
      %dma_wait3A_905 = tpu.memref_slice %arg2[%add3A_12] : memref<16384xi32, #tpu.memory_space<hbm>> -> memref<128xi32, #tpu.memory_space<hbm>>
      tpu.wait_dma2 semaphore(%run_scoped3A : memref<!tpu.dma_semaphore, #tpu.memory_space<semaphore_mem>>) src(%dma_wait3A_905 : memref<128xi32, #tpu.memory_space<hbm>>) dst(%dma_wait3A_904 : memref<128xi32, #tpu.memory_space<vmem>>)
      tpu.yield
    }) : () -> ()
    %add3A_13 = arith.constant 256 : i32
    %add3A_14 = arith.addi %mul3A_2, %add3A_13 : i32
    "tpu.region"() ({
      %run_scoped3A = tpu.sem_alloc : memref<!tpu.dma_semaphore, #tpu.memory_space<semaphore_mem>>
      %dma_start3A_894 = arith.constant 256 : i32
      %dma_start3A_895 = tpu.memref_slice %arg8[%dma_start3A_894] : memref<512xi32, #tpu.memory_space<vmem>> -> memref<128xi32, #tpu.memory_space<vmem>>
      %dma_start3A_896 = tpu.memref_slice %arg3[%add3A_14] : memref<16384xi32, #tpu.memory_space<hbm>> -> memref<128xi32, #tpu.memory_space<hbm>>
      %dma_start3A_897 = arith.constant 256 : i32
      %dma_start3A_898 = tpu.memref_slice %arg8[%dma_start3A_897] : memref<512xi32, #tpu.memory_space<vmem>> -> memref<128xi32, #tpu.memory_space<vmem>>
      %dma_start3A_899 = tpu.memref_slice %arg3[%add3A_14] : memref<16384xi32, #tpu.memory_space<hbm>> -> memref<128xi32, #tpu.memory_space<hbm>>
      tpu.enqueue_dma source(%dma_start3A_899 : memref<128xi32, #tpu.memory_space<hbm>>) target(%dma_start3A_898 : memref<128xi32, #tpu.memory_space<vmem>>) target_semaphore(%run_scoped3A : memref<!tpu.dma_semaphore, #tpu.memory_space<semaphore_mem>>)
      %dma_wait3A_900 = arith.constant 256 : i32
      %dma_wait3A_901 = tpu.memref_slice %arg8[%dma_wait3A_900] : memref<512xi32, #tpu.memory_space<vmem>> -> memref<128xi32, #tpu.memory_space<vmem>>
      %dma_wait3A_902 = tpu.memref_slice %arg3[%add3A_14] : memref<16384xi32, #tpu.memory_space<hbm>> -> memref<128xi32, #tpu.memory_space<hbm>>
      %dma_wait3A_903 = arith.constant 256 : i32
      %dma_wait3A_904 = tpu.memref_slice %arg8[%dma_wait3A_903] : memref<512xi32, #tpu.memory_space<vmem>> -> memref<128xi32, #tpu.memory_space<vmem>>
      %dma_wait3A_905 = tpu.memref_slice %arg3[%add3A_14] : memref<16384xi32, #tpu.memory_space<hbm>> -> memref<128xi32, #tpu.memory_space<hbm>>
      tpu.wait_dma2 semaphore(%run_scoped3A : memref<!tpu.dma_semaphore, #tpu.memory_space<semaphore_mem>>) src(%dma_wait3A_905 : memref<128xi32, #tpu.memory_space<hbm>>) dst(%dma_wait3A_904 : memref<128xi32, #tpu.memory_space<vmem>>)
      tpu.yield
    }) : () -> ()
    %add3A_15 = arith.constant 384 : i32
    %add3A_16 = arith.addi %mul3A_2, %add3A_15 : i32
    "tpu.region"() ({
      %run_scoped3A = tpu.sem_alloc : memref<!tpu.dma_semaphore, #tpu.memory_space<semaphore_mem>>
      %dma_start3A_894 = arith.constant 384 : i32
      %dma_start3A_895 = tpu.memref_slice %arg7[%dma_start3A_894] : memref<512xi32, #tpu.memory_space<vmem>> -> memref<128xi32, #tpu.memory_space<vmem>>
      %dma_start3A_896 = tpu.memref_slice %arg2[%add3A_16] : memref<16384xi32, #tpu.memory_space<hbm>> -> memref<128xi32, #tpu.memory_space<hbm>>
      %dma_start3A_897 = arith.constant 384 : i32
      %dma_start3A_898 = tpu.memref_slice %arg7[%dma_start3A_897] : memref<512xi32, #tpu.memory_space<vmem>> -> memref<128xi32, #tpu.memory_space<vmem>>
      %dma_start3A_899 = tpu.memref_slice %arg2[%add3A_16] : memref<16384xi32, #tpu.memory_space<hbm>> -> memref<128xi32, #tpu.memory_space<hbm>>
      tpu.enqueue_dma source(%dma_start3A_899 : memref<128xi32, #tpu.memory_space<hbm>>) target(%dma_start3A_898 : memref<128xi32, #tpu.memory_space<vmem>>) target_semaphore(%run_scoped3A : memref<!tpu.dma_semaphore, #tpu.memory_space<semaphore_mem>>)
      %dma_wait3A_900 = arith.constant 384 : i32
      %dma_wait3A_901 = tpu.memref_slice %arg7[%dma_wait3A_900] : memref<512xi32, #tpu.memory_space<vmem>> -> memref<128xi32, #tpu.memory_space<vmem>>
      %dma_wait3A_902 = tpu.memref_slice %arg2[%add3A_16] : memref<16384xi32, #tpu.memory_space<hbm>> -> memref<128xi32, #tpu.memory_space<hbm>>
      %dma_wait3A_903 = arith.constant 384 : i32
      %dma_wait3A_904 = tpu.memref_slice %arg7[%dma_wait3A_903] : memref<512xi32, #tpu.memory_space<vmem>> -> memref<128xi32, #tpu.memory_space<vmem>>
      %dma_wait3A_905 = tpu.memref_slice %arg2[%add3A_16] : memref<16384xi32, #tpu.memory_space<hbm>> -> memref<128xi32, #tpu.memory_space<hbm>>
      tpu.wait_dma2 semaphore(%run_scoped3A : memref<!tpu.dma_semaphore, #tpu.memory_space<semaphore_mem>>) src(%dma_wait3A_905 : memref<128xi32, #tpu.memory_space<hbm>>) dst(%dma_wait3A_904 : memref<128xi32, #tpu.memory_space<vmem>>)
      tpu.yield
    }) : () -> ()
    %add3A_17 = arith.constant 384 : i32
    %add3A_18 = arith.addi %mul3A_2, %add3A_17 : i32
    "tpu.region"() ({
      %run_scoped3A = tpu.sem_alloc : memref<!tpu.dma_semaphore, #tpu.memory_space<semaphore_mem>>
      %dma_start3A_894 = arith.constant 384 : i32
      %dma_start3A_895 = tpu.memref_slice %arg8[%dma_start3A_894] : memref<512xi32, #tpu.memory_space<vmem>> -> memref<128xi32, #tpu.memory_space<vmem>>
      %dma_start3A_896 = tpu.memref_slice %arg3[%add3A_18] : memref<16384xi32, #tpu.memory_space<hbm>> -> memref<128xi32, #tpu.memory_space<hbm>>
      %dma_start3A_897 = arith.constant 384 : i32
      %dma_start3A_898 = tpu.memref_slice %arg8[%dma_start3A_897] : memref<512xi32, #tpu.memory_space<vmem>> -> memref<128xi32, #tpu.memory_space<vmem>>
      %dma_start3A_899 = tpu.memref_slice %arg3[%add3A_18] : memref<16384xi32, #tpu.memory_space<hbm>> -> memref<128xi32, #tpu.memory_space<hbm>>
      tpu.enqueue_dma source(%dma_start3A_899 : memref<128xi32, #tpu.memory_space<hbm>>) target(%dma_start3A_898 : memref<128xi32, #tpu.memory_space<vmem>>) target_semaphore(%run_scoped3A : memref<!tpu.dma_semaphore, #tpu.memory_space<semaphore_mem>>)
      %dma_wait3A_900 = arith.constant 384 : i32
      %dma_wait3A_901 = tpu.memref_slice %arg8[%dma_wait3A_900] : memref<512xi32, #tpu.memory_space<vmem>> -> memref<128xi32, #tpu.memory_space<vmem>>
      %dma_wait3A_902 = tpu.memref_slice %arg3[%add3A_18] : memref<16384xi32, #tpu.memory_space<hbm>> -> memref<128xi32, #tpu.memory_space<hbm>>
      %dma_wait3A_903 = arith.constant 384 : i32
      %dma_wait3A_904 = tpu.memref_slice %arg8[%dma_wait3A_903] : memref<512xi32, #tpu.memory_space<vmem>> -> memref<128xi32, #tpu.memory_space<vmem>>
      %dma_wait3A_905 = tpu.memref_slice %arg3[%add3A_18] : memref<16384xi32, #tpu.memory_space<hbm>> -> memref<128xi32, #tpu.memory_space<hbm>>
      tpu.wait_dma2 semaphore(%run_scoped3A : memref<!tpu.dma_semaphore, #tpu.memory_space<semaphore_mem>>) src(%dma_wait3A_905 : memref<128xi32, #tpu.memory_space<hbm>>) dst(%dma_wait3A_904 : memref<128xi32, #tpu.memory_space<vmem>>)
      tpu.yield
    }) : () -> ()
    %jit3A = arith.constant 8 : i32
    %div3A = vector.broadcast %jit3A : i32 to vector<16xi32>
    %div3A_19 = arith.divsi %iota3A, %div3A : vector<16xi32>
    %sign3A = arith.constant 0 : i32
    %sign3A_20 = vector.broadcast %sign3A : i32 to vector<16xi32>
    %sign3A_21 = arith.cmpi sgt, %iota3A, %sign3A_20 : vector<16xi32>
    %sign3A_22 = arith.extui %sign3A_21 : vector<16xi1> to vector<16xi32>
    %sign3A_23 = arith.constant 0 : i32
    %sign3A_24 = vector.broadcast %sign3A_23 : i32 to vector<16xi32>
    %sign3A_25 = arith.cmpi slt, %iota3A, %sign3A_24 : vector<16xi32>
    %sign3A_26 = arith.extui %sign3A_25 : vector<16xi1> to vector<16xi32>
    %sign3A_27 = arith.subi %sign3A_22, %sign3A_26 : vector<16xi32>
    %sign3A_28 = arith.constant 0 : i32
    %sign3A_29 = arith.cmpi sgt, %jit3A, %sign3A_28 : i32
    %sign3A_30 = arith.extui %sign3A_29 : i1 to i32
    %sign3A_31 = arith.constant 0 : i32
    %sign3A_32 = arith.cmpi slt, %jit3A, %sign3A_31 : i32
    %sign3A_33 = arith.extui %sign3A_32 : i1 to i32
    %sign3A_34 = arith.subi %sign3A_30, %sign3A_33 : i32
    %ne3A = vector.broadcast %sign3A_34 : i32 to vector<16xi32>
    %ne3A_35 = arith.cmpi ne, %sign3A_27, %ne3A : vector<16xi32>
    %rem3A = vector.broadcast %jit3A : i32 to vector<16xi32>
    %rem3A_36 = arith.remsi %iota3A, %rem3A : vector<16xi32>
    %ne3A_37 = arith.constant 0 : i32
    %ne3A_38 = vector.broadcast %ne3A_37 : i32 to vector<16xi32>
    %ne3A_39 = arith.cmpi ne, %rem3A_36, %ne3A_38 : vector<16xi32>
    %and3A = arith.andi %ne3A_35, %ne3A_39 : vector<16xi1>
    %sub3A = arith.constant 1 : i32
    %sub3A_40 = vector.broadcast %sub3A : i32 to vector<16xi32>
    %sub3A_41 = arith.subi %div3A_19, %sub3A_40 : vector<16xi32>
    %select_n3A = arith.select %and3A, %sub3A_41, %div3A_19 : vector<16xi1>, vector<16xi32>
    %add3A_42 = arith.constant 2 : i32
    %add3A_43 = vector.broadcast %add3A_42 : i32 to vector<16xi32>
    %add3A_44 = arith.addi %select_n3A, %add3A_43 : vector<16xi32>
    %jit3A_45 = arith.constant 8 : i32
    %eq3A = arith.constant 0 : i32
    %eq3A_46 = arith.cmpi eq, %jit3A_45, %eq3A : i32
    %jit3A_47 = arith.constant 1 : i32
    %select_n3A_48 = arith.select %eq3A_46, %jit3A_47, %jit3A_45 : i32
    %rem3A_49 = vector.broadcast %select_n3A_48 : i32 to vector<16xi32>
    %rem3A_50 = arith.remsi %iota3A, %rem3A_49 : vector<16xi32>
    %ne3A_51 = arith.constant 0 : i32
    %ne3A_52 = vector.broadcast %ne3A_51 : i32 to vector<16xi32>
    %ne3A_53 = arith.cmpi ne, %rem3A_50, %ne3A_52 : vector<16xi32>
    %lt3A = arith.constant 0 : i32
    %lt3A_54 = vector.broadcast %lt3A : i32 to vector<16xi32>
    %lt3A_55 = arith.cmpi slt, %rem3A_50, %lt3A_54 : vector<16xi32>
    %lt3A_56 = arith.constant 0 : i32
    %lt3A_57 = arith.cmpi slt, %select_n3A_48, %lt3A_56 : i32
    %ne3A_58 = vector.broadcast %lt3A_57 : i1 to vector<16xi1>
    %ne3A_59 = vector.broadcast %ne3A_58 : vector<16xi1> to vector<16xi1>
    %ne3A_60 = arith.xori %lt3A_55, %ne3A_59 : vector<16xi1>
    %and3A_61 = arith.andi %ne3A_60, %ne3A_53 : vector<16xi1>
    %add3A_62 = vector.broadcast %select_n3A_48 : i32 to vector<16xi32>
    %add3A_63 = arith.addi %rem3A_50, %add3A_62 : vector<16xi32>
    %select_n3A_64 = arith.select %and3A_61, %add3A_63, %rem3A_50 : vector<16xi1>, vector<16xi32>
    %get3A = arith.constant 0 : index
    %get3A_65 = tpu.vector_load %arg7[%get3A] {strides = array<i32>} : memref<512xi32, #tpu.memory_space<vmem>>, vector<16xi32>,
    %get3A_66 = arith.constant 0 : index
    %get3A_67 = tpu.vector_load %arg8[%get3A_66] {strides = array<i32>} : memref<512xi32, #tpu.memory_space<vmem>>, vector<16xi32>,
    %slice3A = vector.extract_strided_slice %get3A_65 {offsets = [0], sizes = [1], strides = [1]} : vector<16xi32> to vector<1xi32>
    %squeeze3A = vector.extract %slice3A[0] : i32 from vector<1xi32>
    %slice3A_68 = vector.extract_strided_slice %get3A_67 {offsets = [0], sizes = [1], strides = [1]} : vector<16xi32> to vector<1xi32>
    %squeeze3A_69 = vector.extract %slice3A_68[0] : i32 from vector<1xi32>
    %shift_right_arithmetic3A = arith.constant 7 : i32
    %shift_right_arithmetic3A_70 = arith.shrsi %squeeze3A, %shift_right_arithmetic3A : i32
    %mul3A_71 = arith.constant 128 : i32
    %mul3A_72 = arith.muli %shift_right_arithmetic3A_70, %mul3A_71 : i32
    %add3A_73 = arith.constant 0 : i32
    %add3A_74 = arith.addi %mul3A_72, %add3A_73 : i32
    %multiple_of3A = tpu.assume_multiple %add3A_74, 128 : i32
    %shift_right_arithmetic3A_75 = arith.constant 7 : i32
    %shift_right_arithmetic3A_76 = arith.shrsi %squeeze3A_69, %shift_right_arithmetic3A_75 : i32
    %mul3A_77 = arith.constant 128 : i32
    %mul3A_78 = arith.muli %shift_right_arithmetic3A_76, %mul3A_77 : i32
    %add3A_79 = arith.constant 0 : i32
    %add3A_80 = arith.addi %mul3A_78, %add3A_79 : i32
    %multiple_of3A_81 = tpu.assume_multiple %add3A_80, 128 : i32
    %dma_start3A = arith.constant 0 : i32
    %dma_start3A_82 = arith.constant 0 : i32
    %dma_start3A_83 = arith.constant 0 : i32
    %dma_start3A_84 = arith.constant 0 : i32
    %dma_start3A_85 = arith.constant 0 : i32
    %dma_start3A_86 = tpu.memref_slice %arg9[%dma_start3A, %dma_start3A_83, %dma_start3A_84, %dma_start3A_85] : memref<8x4x8x128xf32, #tpu.memory_space<vmem>> -> memref<1x4x8x128xf32, #tpu.memory_space<vmem>>
    %dma_start3A_87 = tpu.memref_squeeze %dma_start3A_86 : memref<1x4x8x128xf32, #tpu.memory_space<vmem>> -> memref<4x8x128xf32, #tpu.memory_space<vmem>>
    %dma_start3A_88 = arith.constant 0 : i32
    %dma_start3A_89 = arith.constant 0 : i32
    %dma_start3A_90 = tpu.memref_slice %arg4[%dma_start3A_88, %dma_start3A_89, %multiple_of3A] : memref<4x8x1000000xf32, #tpu.memory_space<hbm>> -> memref<4x8x128xf32, #tpu.memory_space<hbm>>
    %dma_start3A_91 = tpu.memref_slice %arg13[%dma_start3A_82] : memref<8x!tpu.dma_semaphore, #tpu.memory_space<semaphore_mem>> -> memref<1x!tpu.dma_semaphore, #tpu.memory_space<semaphore_mem>>
    %dma_start3A_92 = tpu.memref_squeeze %dma_start3A_91 : memref<1x!tpu.dma_semaphore, #tpu.memory_space<semaphore_mem>> -> memref<!tpu.dma_semaphore, #tpu.memory_space<semaphore_mem>>
    %dma_start3A_93 = arith.constant 0 : i32
    %dma_start3A_94 = arith.constant 0 : i32
    %dma_start3A_95 = arith.constant 0 : i32
    %dma_start3A_96 = tpu.memref_slice %arg9[%dma_start3A, %dma_start3A_93, %dma_start3A_94, %dma_start3A_95] : memref<8x4x8x128xf32, #tpu.memory_space<vmem>> -> memref<1x4x8x128xf32, #tpu.memory_space<vmem>>
    %dma_start3A_97 = tpu.memref_squeeze %dma_start3A_96 : memref<1x4x8x128xf32, #tpu.memory_space<vmem>> -> memref<4x8x128xf32, #tpu.memory_space<vmem>>
    %dma_start3A_98 = arith.constant 0 : i32
    %dma_start3A_99 = arith.constant 0 : i32
    %dma_start3A_100 = tpu.memref_slice %arg4[%dma_start3A_98, %dma_start3A_99, %multiple_of3A] : memref<4x8x1000000xf32, #tpu.memory_space<hbm>> -> memref<4x8x128xf32, #tpu.memory_space<hbm>>
    tpu.enqueue_dma source(%dma_start3A_100 : memref<4x8x128xf32, #tpu.memory_space<hbm>>) target(%dma_start3A_97 : memref<4x8x128xf32, #tpu.memory_space<vmem>>) target_semaphore(%dma_start3A_92 : memref<!tpu.dma_semaphore, #tpu.memory_space<semaphore_mem>>)
    %dma_start3A_101 = arith.constant 0 : i32
    %dma_start3A_102 = arith.constant 0 : i32
    %dma_start3A_103 = arith.constant 0 : i32
    %dma_start3A_104 = arith.constant 0 : i32
    %dma_start3A_105 = arith.constant 0 : i32
    %dma_start3A_106 = tpu.memref_slice %arg10[%dma_start3A_101, %dma_start3A_103, %dma_start3A_104, %dma_start3A_105] : memref<8x4x8x128xf32, #tpu.memory_space<vmem>> -> memref<1x4x8x128xf32, #tpu.memory_space<vmem>>
    %dma_start3A_107 = tpu.memref_squeeze %dma_start3A_106 : memref<1x4x8x128xf32, #tpu.memory_space<vmem>> -> memref<4x8x128xf32, #tpu.memory_space<vmem>>
    %dma_start3A_108 = arith.constant 0 : i32
    %dma_start3A_109 = arith.constant 0 : i32
    %dma_start3A_110 = tpu.memref_slice %arg5[%dma_start3A_108, %dma_start3A_109, %multiple_of3A_81] : memref<4x8x1000000xf32, #tpu.memory_space<hbm>> -> memref<4x8x128xf32, #tpu.memory_space<hbm>>
    %dma_start3A_111 = tpu.memref_slice %arg14[%dma_start3A_102] : memref<8x!tpu.dma_semaphore, #tpu.memory_space<semaphore_mem>> -> memref<1x!tpu.dma_semaphore, #tpu.memory_space<semaphore_mem>>
    %dma_start3A_112 = tpu.memref_squeeze %dma_start3A_111 : memref<1x!tpu.dma_semaphore, #tpu.memory_space<semaphore_mem>> -> memref<!tpu.dma_semaphore, #tpu.memory_space<semaphore_mem>>
    %dma_start3A_113 = arith.constant 0 : i32
    %dma_start3A_114 = arith.constant 0 : i32
    %dma_start3A_115 = arith.constant 0 : i32
    %dma_start3A_116 = tpu.memref_slice %arg10[%dma_start3A_101, %dma_start3A_113, %dma_start3A_114, %dma_start3A_115] : memref<8x4x8x128xf32, #tpu.memory_space<vmem>> -> memref<1x4x8x128xf32, #tpu.memory_space<vmem>>
    %dma_start3A_117 = tpu.memref_squeeze %dma_start3A_116 : memref<1x4x8x128xf32, #tpu.memory_space<vmem>> -> memref<4x8x128xf32, #tpu.memory_space<vmem>>
    %dma_start3A_118 = arith.constant 0 : i32
    %dma_start3A_119 = arith.constant 0 : i32
    %dma_start3A_120 = tpu.memref_slice %arg5[%dma_start3A_118, %dma_start3A_119, %multiple_of3A_81] : memref<4x8x1000000xf32, #tpu.memory_space<hbm>> -> memref<4x8x128xf32, #tpu.memory_space<hbm>>
    tpu.enqueue_dma source(%dma_start3A_120 : memref<4x8x128xf32, #tpu.memory_space<hbm>>) target(%dma_start3A_117 : memref<4x8x128xf32, #tpu.memory_space<vmem>>) target_semaphore(%dma_start3A_112 : memref<!tpu.dma_semaphore, #tpu.memory_space<semaphore_mem>>)
    %slice3A_121 = vector.extract_strided_slice %get3A_65 {offsets = [1], sizes = [1], strides = [1]} : vector<16xi32> to vector<1xi32>
    %squeeze3A_122 = vector.extract %slice3A_121[0] : i32 from vector<1xi32>
    %slice3A_123 = vector.extract_strided_slice %get3A_67 {offsets = [1], sizes = [1], strides = [1]} : vector<16xi32> to vector<1xi32>
    %squeeze3A_124 = vector.extract %slice3A_123[0] : i32 from vector<1xi32>
    %shift_right_arithmetic3A_125 = arith.constant 7 : i32
    %shift_right_arithmetic3A_126 = arith.shrsi %squeeze3A_122, %shift_right_arithmetic3A_125 : i32
    %mul3A_127 = arith.constant 128 : i32
    %mul3A_128 = arith.muli %shift_right_arithmetic3A_126, %mul3A_127 : i32
    %add3A_129 = arith.constant 0 : i32
    %add3A_130 = arith.addi %mul3A_128, %add3A_129 : i32
    %multiple_of3A_131 = tpu.assume_multiple %add3A_130, 128 : i32
    %shift_right_arithmetic3A_132 = arith.constant 7 : i32
    %shift_right_arithmetic3A_133 = arith.shrsi %squeeze3A_124, %shift_right_arithmetic3A_132 : i32
    %mul3A_134 = arith.constant 128 : i32
    %mul3A_135 = arith.muli %shift_right_arithmetic3A_133, %mul3A_134 : i32
    %add3A_136 = arith.constant 0 : i32
    %add3A_137 = arith.addi %mul3A_135, %add3A_136 : i32
    %multiple_of3A_138 = tpu.assume_multiple %add3A_137, 128 : i32
    %dma_start3A_139 = arith.constant 1 : i32
    %dma_start3A_140 = arith.constant 1 : i32
    %dma_start3A_141 = arith.constant 0 : i32
    %dma_start3A_142 = arith.constant 0 : i32
    %dma_start3A_143 = arith.constant 0 : i32
    %dma_start3A_144 = tpu.memref_slice %arg9[%dma_start3A_139, %dma_start3A_141, %dma_start3A_142, %dma_start3A_143] : memref<8x4x8x128xf32, #tpu.memory_space<vmem>> -> memref<1x4x8x128xf32, #tpu.memory_space<vmem>>
    %dma_start3A_145 = tpu.memref_squeeze %dma_start3A_144 : memref<1x4x8x128xf32, #tpu.memory_space<vmem>> -> memref<4x8x128xf32, #tpu.memory_space<vmem>>
    %dma_start3A_146 = arith.constant 0 : i32
    %dma_start3A_147 = arith.constant 0 : i32
    %dma_start3A_148 = tpu.memref_slice %arg4[%dma_start3A_146, %dma_start3A_147, %multiple_of3A_131] : memref<4x8x1000000xf32, #tpu.memory_space<hbm>> -> memref<4x8x128xf32, #tpu.memory_space<hbm>>
    %dma_start3A_149 = tpu.memref_slice %arg13[%dma_start3A_140] : memref<8x!tpu.dma_semaphore, #tpu.memory_space<semaphore_mem>> -> memref<1x!tpu.dma_semaphore, #tpu.memory_space<semaphore_mem>>
    %dma_start3A_150 = tpu.memref_squeeze %dma_start3A_149 : memref<1x!tpu.dma_semaphore, #tpu.memory_space<semaphore_mem>> -> memref<!tpu.dma_semaphore, #tpu.memory_space<semaphore_mem>>
    %dma_start3A_151 = arith.constant 0 : i32
    %dma_start3A_152 = arith.constant 0 : i32
    %dma_start3A_153 = arith.constant 0 : i32
    %dma_start3A_154 = tpu.memref_slice %arg9[%dma_start3A_139, %dma_start3A_151, %dma_start3A_152, %dma_start3A_153] : memref<8x4x8x128xf32, #tpu.memory_space<vmem>> -> memref<1x4x8x128xf32, #tpu.memory_space<vmem>>
    %dma_start3A_155 = tpu.memref_squeeze %dma_start3A_154 : memref<1x4x8x128xf32, #tpu.memory_space<vmem>> -> memref<4x8x128xf32, #tpu.memory_space<vmem>>
    %dma_start3A_156 = arith.constant 0 : i32
    %dma_start3A_157 = arith.constant 0 : i32
    %dma_start3A_158 = tpu.memref_slice %arg4[%dma_start3A_156, %dma_start3A_157, %multiple_of3A_131] : memref<4x8x1000000xf32, #tpu.memory_space<hbm>> -> memref<4x8x128xf32, #tpu.memory_space<hbm>>
    tpu.enqueue_dma source(%dma_start3A_158 : memref<4x8x128xf32, #tpu.memory_space<hbm>>) target(%dma_start3A_155 : memref<4x8x128xf32, #tpu.memory_space<vmem>>) target_semaphore(%dma_start3A_150 : memref<!tpu.dma_semaphore, #tpu.memory_space<semaphore_mem>>)
    %dma_start3A_159 = arith.constant 1 : i32
    %dma_start3A_160 = arith.constant 1 : i32
    %dma_start3A_161 = arith.constant 0 : i32
    %dma_start3A_162 = arith.constant 0 : i32
    %dma_start3A_163 = arith.constant 0 : i32
    %dma_start3A_164 = tpu.memref_slice %arg10[%dma_start3A_159, %dma_start3A_161, %dma_start3A_162, %dma_start3A_163] : memref<8x4x8x128xf32, #tpu.memory_space<vmem>> -> memref<1x4x8x128xf32, #tpu.memory_space<vmem>>
    %dma_start3A_165 = tpu.memref_squeeze %dma_start3A_164 : memref<1x4x8x128xf32, #tpu.memory_space<vmem>> -> memref<4x8x128xf32, #tpu.memory_space<vmem>>
    %dma_start3A_166 = arith.constant 0 : i32
    %dma_start3A_167 = arith.constant 0 : i32
    %dma_start3A_168 = tpu.memref_slice %arg5[%dma_start3A_166, %dma_start3A_167, %multiple_of3A_138] : memref<4x8x1000000xf32, #tpu.memory_space<hbm>> -> memref<4x8x128xf32, #tpu.memory_space<hbm>>
    %dma_start3A_169 = tpu.memref_slice %arg14[%dma_start3A_160] : memref<8x!tpu.dma_semaphore, #tpu.memory_space<semaphore_mem>> -> memref<1x!tpu.dma_semaphore, #tpu.memory_space<semaphore_mem>>
    %dma_start3A_170 = tpu.memref_squeeze %dma_start3A_169 : memref<1x!tpu.dma_semaphore, #tpu.memory_space<semaphore_mem>> -> memref<!tpu.dma_semaphore, #tpu.memory_space<semaphore_mem>>
    %dma_start3A_171 = arith.constant 0 : i32
    %dma_start3A_172 = arith.constant 0 : i32
    %dma_start3A_173 = arith.constant 0 : i32
    %dma_start3A_174 = tpu.memref_slice %arg10[%dma_start3A_159, %dma_start3A_171, %dma_start3A_172, %dma_start3A_173] : memref<8x4x8x128xf32, #tpu.memory_space<vmem>> -> memref<1x4x8x128xf32, #tpu.memory_space<vmem>>
    %dma_start3A_175 = tpu.memref_squeeze %dma_start3A_174 : memref<1x4x8x128xf32, #tpu.memory_space<vmem>> -> memref<4x8x128xf32, #tpu.memory_space<vmem>>
    %dma_start3A_176 = arith.constant 0 : i32
    %dma_start3A_177 = arith.constant 0 : i32
    %dma_start3A_178 = tpu.memref_slice %arg5[%dma_start3A_176, %dma_start3A_177, %multiple_of3A_138] : memref<4x8x1000000xf32, #tpu.memory_space<hbm>> -> memref<4x8x128xf32, #tpu.memory_space<hbm>>
    tpu.enqueue_dma source(%dma_start3A_178 : memref<4x8x128xf32, #tpu.memory_space<hbm>>) target(%dma_start3A_175 : memref<4x8x128xf32, #tpu.memory_space<vmem>>) target_semaphore(%dma_start3A_170 : memref<!tpu.dma_semaphore, #tpu.memory_space<semaphore_mem>>)
    %slice3A_179 = vector.extract_strided_slice %get3A_65 {offsets = [2], sizes = [1], strides = [1]} : vector<16xi32> to vector<1xi32>
    %squeeze3A_180 = vector.extract %slice3A_179[0] : i32 from vector<1xi32>
    %slice3A_181 = vector.extract_strided_slice %get3A_67 {offsets = [2], sizes = [1], strides = [1]} : vector<16xi32> to vector<1xi32>
    %squeeze3A_182 = vector.extract %slice3A_181[0] : i32 from vector<1xi32>
    %shift_right_arithmetic3A_183 = arith.constant 7 : i32
    %shift_right_arithmetic3A_184 = arith.shrsi %squeeze3A_180, %shift_right_arithmetic3A_183 : i32
    %mul3A_185 = arith.constant 128 : i32
    %mul3A_186 = arith.muli %shift_right_arithmetic3A_184, %mul3A_185 : i32
    %add3A_187 = arith.constant 0 : i32
    %add3A_188 = arith.addi %mul3A_186, %add3A_187 : i32
    %multiple_of3A_189 = tpu.assume_multiple %add3A_188, 128 : i32
    %shift_right_arithmetic3A_190 = arith.constant 7 : i32
    %shift_right_arithmetic3A_191 = arith.shrsi %squeeze3A_182, %shift_right_arithmetic3A_190 : i32
    %mul3A_192 = arith.constant 128 : i32
    %mul3A_193 = arith.muli %shift_right_arithmetic3A_191, %mul3A_192 : i32
    %add3A_194 = arith.constant 0 : i32
    %add3A_195 = arith.addi %mul3A_193, %add3A_194 : i32
    %multiple_of3A_196 = tpu.assume_multiple %add3A_195, 128 : i32
    %dma_start3A_197 = arith.constant 2 : i32
    %dma_start3A_198 = arith.constant 2 : i32
    %dma_start3A_199 = arith.constant 0 : i32
    %dma_start3A_200 = arith.constant 0 : i32
    %dma_start3A_201 = arith.constant 0 : i32
    %dma_start3A_202 = tpu.memref_slice %arg9[%dma_start3A_197, %dma_start3A_199, %dma_start3A_200, %dma_start3A_201] : memref<8x4x8x128xf32, #tpu.memory_space<vmem>> -> memref<1x4x8x128xf32, #tpu.memory_space<vmem>>
    %dma_start3A_203 = tpu.memref_squeeze %dma_start3A_202 : memref<1x4x8x128xf32, #tpu.memory_space<vmem>> -> memref<4x8x128xf32, #tpu.memory_space<vmem>>
    %dma_start3A_204 = arith.constant 0 : i32
    %dma_start3A_205 = arith.constant 0 : i32
    %dma_start3A_206 = tpu.memref_slice %arg4[%dma_start3A_204, %dma_start3A_205, %multiple_of3A_189] : memref<4x8x1000000xf32, #tpu.memory_space<hbm>> -> memref<4x8x128xf32, #tpu.memory_space<hbm>>
    %dma_start3A_207 = tpu.memref_slice %arg13[%dma_start3A_198] : memref<8x!tpu.dma_semaphore, #tpu.memory_space<semaphore_mem>> -> memref<1x!tpu.dma_semaphore, #tpu.memory_space<semaphore_mem>>
    %dma_start3A_208 = tpu.memref_squeeze %dma_start3A_207 : memref<1x!tpu.dma_semaphore, #tpu.memory_space<semaphore_mem>> -> memref<!tpu.dma_semaphore, #tpu.memory_space<semaphore_mem>>
    %dma_start3A_209 = arith.constant 0 : i32
    %dma_start3A_210 = arith.constant 0 : i32
    %dma_start3A_211 = arith.constant 0 : i32
    %dma_start3A_212 = tpu.memref_slice %arg9[%dma_start3A_197, %dma_start3A_209, %dma_start3A_210, %dma_start3A_211] : memref<8x4x8x128xf32, #tpu.memory_space<vmem>> -> memref<1x4x8x128xf32, #tpu.memory_space<vmem>>
    %dma_start3A_213 = tpu.memref_squeeze %dma_start3A_212 : memref<1x4x8x128xf32, #tpu.memory_space<vmem>> -> memref<4x8x128xf32, #tpu.memory_space<vmem>>
    %dma_start3A_214 = arith.constant 0 : i32
    %dma_start3A_215 = arith.constant 0 : i32
    %dma_start3A_216 = tpu.memref_slice %arg4[%dma_start3A_214, %dma_start3A_215, %multiple_of3A_189] : memref<4x8x1000000xf32, #tpu.memory_space<hbm>> -> memref<4x8x128xf32, #tpu.memory_space<hbm>>
    tpu.enqueue_dma source(%dma_start3A_216 : memref<4x8x128xf32, #tpu.memory_space<hbm>>) target(%dma_start3A_213 : memref<4x8x128xf32, #tpu.memory_space<vmem>>) target_semaphore(%dma_start3A_208 : memref<!tpu.dma_semaphore, #tpu.memory_space<semaphore_mem>>)
    %dma_start3A_217 = arith.constant 2 : i32
    %dma_start3A_218 = arith.constant 2 : i32
    %dma_start3A_219 = arith.constant 0 : i32
    %dma_start3A_220 = arith.constant 0 : i32
    %dma_start3A_221 = arith.constant 0 : i32
    %dma_start3A_222 = tpu.memref_slice %arg10[%dma_start3A_217, %dma_start3A_219, %dma_start3A_220, %dma_start3A_221] : memref<8x4x8x128xf32, #tpu.memory_space<vmem>> -> memref<1x4x8x128xf32, #tpu.memory_space<vmem>>
    %dma_start3A_223 = tpu.memref_squeeze %dma_start3A_222 : memref<1x4x8x128xf32, #tpu.memory_space<vmem>> -> memref<4x8x128xf32, #tpu.memory_space<vmem>>
    %dma_start3A_224 = arith.constant 0 : i32
    %dma_start3A_225 = arith.constant 0 : i32
    %dma_start3A_226 = tpu.memref_slice %arg5[%dma_start3A_224, %dma_start3A_225, %multiple_of3A_196] : memref<4x8x1000000xf32, #tpu.memory_space<hbm>> -> memref<4x8x128xf32, #tpu.memory_space<hbm>>
    %dma_start3A_227 = tpu.memref_slice %arg14[%dma_start3A_218] : memref<8x!tpu.dma_semaphore, #tpu.memory_space<semaphore_mem>> -> memref<1x!tpu.dma_semaphore, #tpu.memory_space<semaphore_mem>>
    %dma_start3A_228 = tpu.memref_squeeze %dma_start3A_227 : memref<1x!tpu.dma_semaphore, #tpu.memory_space<semaphore_mem>> -> memref<!tpu.dma_semaphore, #tpu.memory_space<semaphore_mem>>
    %dma_start3A_229 = arith.constant 0 : i32
    %dma_start3A_230 = arith.constant 0 : i32
    %dma_start3A_231 = arith.constant 0 : i32
    %dma_start3A_232 = tpu.memref_slice %arg10[%dma_start3A_217, %dma_start3A_229, %dma_start3A_230, %dma_start3A_231] : memref<8x4x8x128xf32, #tpu.memory_space<vmem>> -> memref<1x4x8x128xf32, #tpu.memory_space<vmem>>
    %dma_start3A_233 = tpu.memref_squeeze %dma_start3A_232 : memref<1x4x8x128xf32, #tpu.memory_space<vmem>> -> memref<4x8x128xf32, #tpu.memory_space<vmem>>
    %dma_start3A_234 = arith.constant 0 : i32
    %dma_start3A_235 = arith.constant 0 : i32
    %dma_start3A_236 = tpu.memref_slice %arg5[%dma_start3A_234, %dma_start3A_235, %multiple_of3A_196] : memref<4x8x1000000xf32, #tpu.memory_space<hbm>> -> memref<4x8x128xf32, #tpu.memory_space<hbm>>
    tpu.enqueue_dma source(%dma_start3A_236 : memref<4x8x128xf32, #tpu.memory_space<hbm>>) target(%dma_start3A_233 : memref<4x8x128xf32, #tpu.memory_space<vmem>>) target_semaphore(%dma_start3A_228 : memref<!tpu.dma_semaphore, #tpu.memory_space<semaphore_mem>>)
    %slice3A_237 = vector.extract_strided_slice %get3A_65 {offsets = [3], sizes = [1], strides = [1]} : vector<16xi32> to vector<1xi32>
    %squeeze3A_238 = vector.extract %slice3A_237[0] : i32 from vector<1xi32>
    %slice3A_239 = vector.extract_strided_slice %get3A_67 {offsets = [3], sizes = [1], strides = [1]} : vector<16xi32> to vector<1xi32>
    %squeeze3A_240 = vector.extract %slice3A_239[0] : i32 from vector<1xi32>
    %shift_right_arithmetic3A_241 = arith.constant 7 : i32
    %shift_right_arithmetic3A_242 = arith.shrsi %squeeze3A_238, %shift_right_arithmetic3A_241 : i32
    %mul3A_243 = arith.constant 128 : i32
    %mul3A_244 = arith.muli %shift_right_arithmetic3A_242, %mul3A_243 : i32
    %add3A_245 = arith.constant 0 : i32
    %add3A_246 = arith.addi %mul3A_244, %add3A_245 : i32
    %multiple_of3A_247 = tpu.assume_multiple %add3A_246, 128 : i32
    %shift_right_arithmetic3A_248 = arith.constant 7 : i32
    %shift_right_arithmetic3A_249 = arith.shrsi %squeeze3A_240, %shift_right_arithmetic3A_248 : i32
    %mul3A_250 = arith.constant 128 : i32
    %mul3A_251 = arith.muli %shift_right_arithmetic3A_249, %mul3A_250 : i32
    %add3A_252 = arith.constant 0 : i32
    %add3A_253 = arith.addi %mul3A_251, %add3A_252 : i32
    %multiple_of3A_254 = tpu.assume_multiple %add3A_253, 128 : i32
    %dma_start3A_255 = arith.constant 3 : i32
    %dma_start3A_256 = arith.constant 3 : i32
    %dma_start3A_257 = arith.constant 0 : i32
    %dma_start3A_258 = arith.constant 0 : i32
    %dma_start3A_259 = arith.constant 0 : i32
    %dma_start3A_260 = tpu.memref_slice %arg9[%dma_start3A_255, %dma_start3A_257, %dma_start3A_258, %dma_start3A_259] : memref<8x4x8x128xf32, #tpu.memory_space<vmem>> -> memref<1x4x8x128xf32, #tpu.memory_space<vmem>>
    %dma_start3A_261 = tpu.memref_squeeze %dma_start3A_260 : memref<1x4x8x128xf32, #tpu.memory_space<vmem>> -> memref<4x8x128xf32, #tpu.memory_space<vmem>>
    %dma_start3A_262 = arith.constant 0 : i32
    %dma_start3A_263 = arith.constant 0 : i32
    %dma_start3A_264 = tpu.memref_slice %arg4[%dma_start3A_262, %dma_start3A_263, %multiple_of3A_247] : memref<4x8x1000000xf32, #tpu.memory_space<hbm>> -> memref<4x8x128xf32, #tpu.memory_space<hbm>>
    %dma_start3A_265 = tpu.memref_slice %arg13[%dma_start3A_256] : memref<8x!tpu.dma_semaphore, #tpu.memory_space<semaphore_mem>> -> memref<1x!tpu.dma_semaphore, #tpu.memory_space<semaphore_mem>>
    %dma_start3A_266 = tpu.memref_squeeze %dma_start3A_265 : memref<1x!tpu.dma_semaphore, #tpu.memory_space<semaphore_mem>> -> memref<!tpu.dma_semaphore, #tpu.memory_space<semaphore_mem>>
    %dma_start3A_267 = arith.constant 0 : i32
    %dma_start3A_268 = arith.constant 0 : i32
    %dma_start3A_269 = arith.constant 0 : i32
    %dma_start3A_270 = tpu.memref_slice %arg9[%dma_start3A_255, %dma_start3A_267, %dma_start3A_268, %dma_start3A_269] : memref<8x4x8x128xf32, #tpu.memory_space<vmem>> -> memref<1x4x8x128xf32, #tpu.memory_space<vmem>>
    %dma_start3A_271 = tpu.memref_squeeze %dma_start3A_270 : memref<1x4x8x128xf32, #tpu.memory_space<vmem>> -> memref<4x8x128xf32, #tpu.memory_space<vmem>>
    %dma_start3A_272 = arith.constant 0 : i32
    %dma_start3A_273 = arith.constant 0 : i32
    %dma_start3A_274 = tpu.memref_slice %arg4[%dma_start3A_272, %dma_start3A_273, %multiple_of3A_247] : memref<4x8x1000000xf32, #tpu.memory_space<hbm>> -> memref<4x8x128xf32, #tpu.memory_space<hbm>>
    tpu.enqueue_dma source(%dma_start3A_274 : memref<4x8x128xf32, #tpu.memory_space<hbm>>) target(%dma_start3A_271 : memref<4x8x128xf32, #tpu.memory_space<vmem>>) target_semaphore(%dma_start3A_266 : memref<!tpu.dma_semaphore, #tpu.memory_space<semaphore_mem>>)
    %dma_start3A_275 = arith.constant 3 : i32
    %dma_start3A_276 = arith.constant 3 : i32
    %dma_start3A_277 = arith.constant 0 : i32
    %dma_start3A_278 = arith.constant 0 : i32
    %dma_start3A_279 = arith.constant 0 : i32
    %dma_start3A_280 = tpu.memref_slice %arg10[%dma_start3A_275, %dma_start3A_277, %dma_start3A_278, %dma_start3A_279] : memref<8x4x8x128xf32, #tpu.memory_space<vmem>> -> memref<1x4x8x128xf32, #tpu.memory_space<vmem>>
    %dma_start3A_281 = tpu.memref_squeeze %dma_start3A_280 : memref<1x4x8x128xf32, #tpu.memory_space<vmem>> -> memref<4x8x128xf32, #tpu.memory_space<vmem>>
    %dma_start3A_282 = arith.constant 0 : i32
    %dma_start3A_283 = arith.constant 0 : i32
    %dma_start3A_284 = tpu.memref_slice %arg5[%dma_start3A_282, %dma_start3A_283, %multiple_of3A_254] : memref<4x8x1000000xf32, #tpu.memory_space<hbm>> -> memref<4x8x128xf32, #tpu.memory_space<hbm>>
    %dma_start3A_285 = tpu.memref_slice %arg14[%dma_start3A_276] : memref<8x!tpu.dma_semaphore, #tpu.memory_space<semaphore_mem>> -> memref<1x!tpu.dma_semaphore, #tpu.memory_space<semaphore_mem>>
    %dma_start3A_286 = tpu.memref_squeeze %dma_start3A_285 : memref<1x!tpu.dma_semaphore, #tpu.memory_space<semaphore_mem>> -> memref<!tpu.dma_semaphore, #tpu.memory_space<semaphore_mem>>
    %dma_start3A_287 = arith.constant 0 : i32
    %dma_start3A_288 = arith.constant 0 : i32
    %dma_start3A_289 = arith.constant 0 : i32
    %dma_start3A_290 = tpu.memref_slice %arg10[%dma_start3A_275, %dma_start3A_287, %dma_start3A_288, %dma_start3A_289] : memref<8x4x8x128xf32, #tpu.memory_space<vmem>> -> memref<1x4x8x128xf32, #tpu.memory_space<vmem>>
    %dma_start3A_291 = tpu.memref_squeeze %dma_start3A_290 : memref<1x4x8x128xf32, #tpu.memory_space<vmem>> -> memref<4x8x128xf32, #tpu.memory_space<vmem>>
    %dma_start3A_292 = arith.constant 0 : i32
    %dma_start3A_293 = arith.constant 0 : i32
    %dma_start3A_294 = tpu.memref_slice %arg5[%dma_start3A_292, %dma_start3A_293, %multiple_of3A_254] : memref<4x8x1000000xf32, #tpu.memory_space<hbm>> -> memref<4x8x128xf32, #tpu.memory_space<hbm>>
    tpu.enqueue_dma source(%dma_start3A_294 : memref<4x8x128xf32, #tpu.memory_space<hbm>>) target(%dma_start3A_291 : memref<4x8x128xf32, #tpu.memory_space<vmem>>) target_semaphore(%dma_start3A_286 : memref<!tpu.dma_semaphore, #tpu.memory_space<semaphore_mem>>)
    %slice3A_295 = vector.extract_strided_slice %get3A_65 {offsets = [4], sizes = [1], strides = [1]} : vector<16xi32> to vector<1xi32>
    %squeeze3A_296 = vector.extract %slice3A_295[0] : i32 from vector<1xi32>
    %slice3A_297 = vector.extract_strided_slice %get3A_67 {offsets = [4], sizes = [1], strides = [1]} : vector<16xi32> to vector<1xi32>
    %squeeze3A_298 = vector.extract %slice3A_297[0] : i32 from vector<1xi32>
    %shift_right_arithmetic3A_299 = arith.constant 7 : i32
    %shift_right_arithmetic3A_300 = arith.shrsi %squeeze3A_296, %shift_right_arithmetic3A_299 : i32
    %mul3A_301 = arith.constant 128 : i32
    %mul3A_302 = arith.muli %shift_right_arithmetic3A_300, %mul3A_301 : i32
    %add3A_303 = arith.constant 0 : i32
    %add3A_304 = arith.addi %mul3A_302, %add3A_303 : i32
    %multiple_of3A_305 = tpu.assume_multiple %add3A_304, 128 : i32
    %shift_right_arithmetic3A_306 = arith.constant 7 : i32
    %shift_right_arithmetic3A_307 = arith.shrsi %squeeze3A_298, %shift_right_arithmetic3A_306 : i32
    %mul3A_308 = arith.constant 128 : i32
    %mul3A_309 = arith.muli %shift_right_arithmetic3A_307, %mul3A_308 : i32
    %add3A_310 = arith.constant 0 : i32
    %add3A_311 = arith.addi %mul3A_309, %add3A_310 : i32
    %multiple_of3A_312 = tpu.assume_multiple %add3A_311, 128 : i32
    %dma_start3A_313 = arith.constant 4 : i32
    %dma_start3A_314 = arith.constant 4 : i32
    %dma_start3A_315 = arith.constant 0 : i32
    %dma_start3A_316 = arith.constant 0 : i32
    %dma_start3A_317 = arith.constant 0 : i32
    %dma_start3A_318 = tpu.memref_slice %arg9[%dma_start3A_313, %dma_start3A_315, %dma_start3A_316, %dma_start3A_317] : memref<8x4x8x128xf32, #tpu.memory_space<vmem>> -> memref<1x4x8x128xf32, #tpu.memory_space<vmem>>
    %dma_start3A_319 = tpu.memref_squeeze %dma_start3A_318 : memref<1x4x8x128xf32, #tpu.memory_space<vmem>> -> memref<4x8x128xf32, #tpu.memory_space<vmem>>
    %dma_start3A_320 = arith.constant 0 : i32
    %dma_start3A_321 = arith.constant 0 : i32
    %dma_start3A_322 = tpu.memref_slice %arg4[%dma_start3A_320, %dma_start3A_321, %multiple_of3A_305] : memref<4x8x1000000xf32, #tpu.memory_space<hbm>> -> memref<4x8x128xf32, #tpu.memory_space<hbm>>
    %dma_start3A_323 = tpu.memref_slice %arg13[%dma_start3A_314] : memref<8x!tpu.dma_semaphore, #tpu.memory_space<semaphore_mem>> -> memref<1x!tpu.dma_semaphore, #tpu.memory_space<semaphore_mem>>
    %dma_start3A_324 = tpu.memref_squeeze %dma_start3A_323 : memref<1x!tpu.dma_semaphore, #tpu.memory_space<semaphore_mem>> -> memref<!tpu.dma_semaphore, #tpu.memory_space<semaphore_mem>>
    %dma_start3A_325 = arith.constant 0 : i32
    %dma_start3A_326 = arith.constant 0 : i32
    %dma_start3A_327 = arith.constant 0 : i32
    %dma_start3A_328 = tpu.memref_slice %arg9[%dma_start3A_313, %dma_start3A_325, %dma_start3A_326, %dma_start3A_327] : memref<8x4x8x128xf32, #tpu.memory_space<vmem>> -> memref<1x4x8x128xf32, #tpu.memory_space<vmem>>
    %dma_start3A_329 = tpu.memref_squeeze %dma_start3A_328 : memref<1x4x8x128xf32, #tpu.memory_space<vmem>> -> memref<4x8x128xf32, #tpu.memory_space<vmem>>
    %dma_start3A_330 = arith.constant 0 : i32
    %dma_start3A_331 = arith.constant 0 : i32
    %dma_start3A_332 = tpu.memref_slice %arg4[%dma_start3A_330, %dma_start3A_331, %multiple_of3A_305] : memref<4x8x1000000xf32, #tpu.memory_space<hbm>> -> memref<4x8x128xf32, #tpu.memory_space<hbm>>
    tpu.enqueue_dma source(%dma_start3A_332 : memref<4x8x128xf32, #tpu.memory_space<hbm>>) target(%dma_start3A_329 : memref<4x8x128xf32, #tpu.memory_space<vmem>>) target_semaphore(%dma_start3A_324 : memref<!tpu.dma_semaphore, #tpu.memory_space<semaphore_mem>>)
    %dma_start3A_333 = arith.constant 4 : i32
    %dma_start3A_334 = arith.constant 4 : i32
    %dma_start3A_335 = arith.constant 0 : i32
    %dma_start3A_336 = arith.constant 0 : i32
    %dma_start3A_337 = arith.constant 0 : i32
    %dma_start3A_338 = tpu.memref_slice %arg10[%dma_start3A_333, %dma_start3A_335, %dma_start3A_336, %dma_start3A_337] : memref<8x4x8x128xf32, #tpu.memory_space<vmem>> -> memref<1x4x8x128xf32, #tpu.memory_space<vmem>>
    %dma_start3A_339 = tpu.memref_squeeze %dma_start3A_338 : memref<1x4x8x128xf32, #tpu.memory_space<vmem>> -> memref<4x8x128xf32, #tpu.memory_space<vmem>>
    %dma_start3A_340 = arith.constant 0 : i32
    %dma_start3A_341 = arith.constant 0 : i32
    %dma_start3A_342 = tpu.memref_slice %arg5[%dma_start3A_340, %dma_start3A_341, %multiple_of3A_312] : memref<4x8x1000000xf32, #tpu.memory_space<hbm>> -> memref<4x8x128xf32, #tpu.memory_space<hbm>>
    %dma_start3A_343 = tpu.memref_slice %arg14[%dma_start3A_334] : memref<8x!tpu.dma_semaphore, #tpu.memory_space<semaphore_mem>> -> memref<1x!tpu.dma_semaphore, #tpu.memory_space<semaphore_mem>>
    %dma_start3A_344 = tpu.memref_squeeze %dma_start3A_343 : memref<1x!tpu.dma_semaphore, #tpu.memory_space<semaphore_mem>> -> memref<!tpu.dma_semaphore, #tpu.memory_space<semaphore_mem>>
    %dma_start3A_345 = arith.constant 0 : i32
    %dma_start3A_346 = arith.constant 0 : i32
    %dma_start3A_347 = arith.constant 0 : i32
    %dma_start3A_348 = tpu.memref_slice %arg10[%dma_start3A_333, %dma_start3A_345, %dma_start3A_346, %dma_start3A_347] : memref<8x4x8x128xf32, #tpu.memory_space<vmem>> -> memref<1x4x8x128xf32, #tpu.memory_space<vmem>>
    %dma_start3A_349 = tpu.memref_squeeze %dma_start3A_348 : memref<1x4x8x128xf32, #tpu.memory_space<vmem>> -> memref<4x8x128xf32, #tpu.memory_space<vmem>>
    %dma_start3A_350 = arith.constant 0 : i32
    %dma_start3A_351 = arith.constant 0 : i32
    %dma_start3A_352 = tpu.memref_slice %arg5[%dma_start3A_350, %dma_start3A_351, %multiple_of3A_312] : memref<4x8x1000000xf32, #tpu.memory_space<hbm>> -> memref<4x8x128xf32, #tpu.memory_space<hbm>>
    tpu.enqueue_dma source(%dma_start3A_352 : memref<4x8x128xf32, #tpu.memory_space<hbm>>) target(%dma_start3A_349 : memref<4x8x128xf32, #tpu.memory_space<vmem>>) target_semaphore(%dma_start3A_344 : memref<!tpu.dma_semaphore, #tpu.memory_space<semaphore_mem>>)
    %slice3A_353 = vector.extract_strided_slice %get3A_65 {offsets = [5], sizes = [1], strides = [1]} : vector<16xi32> to vector<1xi32>
    %squeeze3A_354 = vector.extract %slice3A_353[0] : i32 from vector<1xi32>
    %slice3A_355 = vector.extract_strided_slice %get3A_67 {offsets = [5], sizes = [1], strides = [1]} : vector<16xi32> to vector<1xi32>
    %squeeze3A_356 = vector.extract %slice3A_355[0] : i32 from vector<1xi32>
    %shift_right_arithmetic3A_357 = arith.constant 7 : i32
    %shift_right_arithmetic3A_358 = arith.shrsi %squeeze3A_354, %shift_right_arithmetic3A_357 : i32
    %mul3A_359 = arith.constant 128 : i32
    %mul3A_360 = arith.muli %shift_right_arithmetic3A_358, %mul3A_359 : i32
    %add3A_361 = arith.constant 0 : i32
    %add3A_362 = arith.addi %mul3A_360, %add3A_361 : i32
    %multiple_of3A_363 = tpu.assume_multiple %add3A_362, 128 : i32
    %shift_right_arithmetic3A_364 = arith.constant 7 : i32
    %shift_right_arithmetic3A_365 = arith.shrsi %squeeze3A_356, %shift_right_arithmetic3A_364 : i32
    %mul3A_366 = arith.constant 128 : i32
    %mul3A_367 = arith.muli %shift_right_arithmetic3A_365, %mul3A_366 : i32
    %add3A_368 = arith.constant 0 : i32
    %add3A_369 = arith.addi %mul3A_367, %add3A_368 : i32
    %multiple_of3A_370 = tpu.assume_multiple %add3A_369, 128 : i32
    %dma_start3A_371 = arith.constant 5 : i32
    %dma_start3A_372 = arith.constant 5 : i32
    %dma_start3A_373 = arith.constant 0 : i32
    %dma_start3A_374 = arith.constant 0 : i32
    %dma_start3A_375 = arith.constant 0 : i32
    %dma_start3A_376 = tpu.memref_slice %arg9[%dma_start3A_371, %dma_start3A_373, %dma_start3A_374, %dma_start3A_375] : memref<8x4x8x128xf32, #tpu.memory_space<vmem>> -> memref<1x4x8x128xf32, #tpu.memory_space<vmem>>
    %dma_start3A_377 = tpu.memref_squeeze %dma_start3A_376 : memref<1x4x8x128xf32, #tpu.memory_space<vmem>> -> memref<4x8x128xf32, #tpu.memory_space<vmem>>
    %dma_start3A_378 = arith.constant 0 : i32
    %dma_start3A_379 = arith.constant 0 : i32
    %dma_start3A_380 = tpu.memref_slice %arg4[%dma_start3A_378, %dma_start3A_379, %multiple_of3A_363] : memref<4x8x1000000xf32, #tpu.memory_space<hbm>> -> memref<4x8x128xf32, #tpu.memory_space<hbm>>
    %dma_start3A_381 = tpu.memref_slice %arg13[%dma_start3A_372] : memref<8x!tpu.dma_semaphore, #tpu.memory_space<semaphore_mem>> -> memref<1x!tpu.dma_semaphore, #tpu.memory_space<semaphore_mem>>
    %dma_start3A_382 = tpu.memref_squeeze %dma_start3A_381 : memref<1x!tpu.dma_semaphore, #tpu.memory_space<semaphore_mem>> -> memref<!tpu.dma_semaphore, #tpu.memory_space<semaphore_mem>>
    %dma_start3A_383 = arith.constant 0 : i32
    %dma_start3A_384 = arith.constant 0 : i32
    %dma_start3A_385 = arith.constant 0 : i32
    %dma_start3A_386 = tpu.memref_slice %arg9[%dma_start3A_371, %dma_start3A_383, %dma_start3A_384, %dma_start3A_385] : memref<8x4x8x128xf32, #tpu.memory_space<vmem>> -> memref<1x4x8x128xf32, #tpu.memory_space<vmem>>
    %dma_start3A_387 = tpu.memref_squeeze %dma_start3A_386 : memref<1x4x8x128xf32, #tpu.memory_space<vmem>> -> memref<4x8x128xf32, #tpu.memory_space<vmem>>
    %dma_start3A_388 = arith.constant 0 : i32
    %dma_start3A_389 = arith.constant 0 : i32
    %dma_start3A_390 = tpu.memref_slice %arg4[%dma_start3A_388, %dma_start3A_389, %multiple_of3A_363] : memref<4x8x1000000xf32, #tpu.memory_space<hbm>> -> memref<4x8x128xf32, #tpu.memory_space<hbm>>
    tpu.enqueue_dma source(%dma_start3A_390 : memref<4x8x128xf32, #tpu.memory_space<hbm>>) target(%dma_start3A_387 : memref<4x8x128xf32, #tpu.memory_space<vmem>>) target_semaphore(%dma_start3A_382 : memref<!tpu.dma_semaphore, #tpu.memory_space<semaphore_mem>>)
    %dma_start3A_391 = arith.constant 5 : i32
    %dma_start3A_392 = arith.constant 5 : i32
    %dma_start3A_393 = arith.constant 0 : i32
    %dma_start3A_394 = arith.constant 0 : i32
    %dma_start3A_395 = arith.constant 0 : i32
    %dma_start3A_396 = tpu.memref_slice %arg10[%dma_start3A_391, %dma_start3A_393, %dma_start3A_394, %dma_start3A_395] : memref<8x4x8x128xf32, #tpu.memory_space<vmem>> -> memref<1x4x8x128xf32, #tpu.memory_space<vmem>>
    %dma_start3A_397 = tpu.memref_squeeze %dma_start3A_396 : memref<1x4x8x128xf32, #tpu.memory_space<vmem>> -> memref<4x8x128xf32, #tpu.memory_space<vmem>>
    %dma_start3A_398 = arith.constant 0 : i32
    %dma_start3A_399 = arith.constant 0 : i32
    %dma_start3A_400 = tpu.memref_slice %arg5[%dma_start3A_398, %dma_start3A_399, %multiple_of3A_370] : memref<4x8x1000000xf32, #tpu.memory_space<hbm>> -> memref<4x8x128xf32, #tpu.memory_space<hbm>>
    %dma_start3A_401 = tpu.memref_slice %arg14[%dma_start3A_392] : memref<8x!tpu.dma_semaphore, #tpu.memory_space<semaphore_mem>> -> memref<1x!tpu.dma_semaphore, #tpu.memory_space<semaphore_mem>>
    %dma_start3A_402 = tpu.memref_squeeze %dma_start3A_401 : memref<1x!tpu.dma_semaphore, #tpu.memory_space<semaphore_mem>> -> memref<!tpu.dma_semaphore, #tpu.memory_space<semaphore_mem>>
    %dma_start3A_403 = arith.constant 0 : i32
    %dma_start3A_404 = arith.constant 0 : i32
    %dma_start3A_405 = arith.constant 0 : i32
    %dma_start3A_406 = tpu.memref_slice %arg10[%dma_start3A_391, %dma_start3A_403, %dma_start3A_404, %dma_start3A_405] : memref<8x4x8x128xf32, #tpu.memory_space<vmem>> -> memref<1x4x8x128xf32, #tpu.memory_space<vmem>>
    %dma_start3A_407 = tpu.memref_squeeze %dma_start3A_406 : memref<1x4x8x128xf32, #tpu.memory_space<vmem>> -> memref<4x8x128xf32, #tpu.memory_space<vmem>>
    %dma_start3A_408 = arith.constant 0 : i32
    %dma_start3A_409 = arith.constant 0 : i32
    %dma_start3A_410 = tpu.memref_slice %arg5[%dma_start3A_408, %dma_start3A_409, %multiple_of3A_370] : memref<4x8x1000000xf32, #tpu.memory_space<hbm>> -> memref<4x8x128xf32, #tpu.memory_space<hbm>>
    tpu.enqueue_dma source(%dma_start3A_410 : memref<4x8x128xf32, #tpu.memory_space<hbm>>) target(%dma_start3A_407 : memref<4x8x128xf32, #tpu.memory_space<vmem>>) target_semaphore(%dma_start3A_402 : memref<!tpu.dma_semaphore, #tpu.memory_space<semaphore_mem>>)
    %slice3A_411 = vector.extract_strided_slice %get3A_65 {offsets = [6], sizes = [1], strides = [1]} : vector<16xi32> to vector<1xi32>
    %squeeze3A_412 = vector.extract %slice3A_411[0] : i32 from vector<1xi32>
    %slice3A_413 = vector.extract_strided_slice %get3A_67 {offsets = [6], sizes = [1], strides = [1]} : vector<16xi32> to vector<1xi32>
    %squeeze3A_414 = vector.extract %slice3A_413[0] : i32 from vector<1xi32>
    %shift_right_arithmetic3A_415 = arith.constant 7 : i32
    %shift_right_arithmetic3A_416 = arith.shrsi %squeeze3A_412, %shift_right_arithmetic3A_415 : i32
    %mul3A_417 = arith.constant 128 : i32
    %mul3A_418 = arith.muli %shift_right_arithmetic3A_416, %mul3A_417 : i32
    %add3A_419 = arith.constant 0 : i32
    %add3A_420 = arith.addi %mul3A_418, %add3A_419 : i32
    %multiple_of3A_421 = tpu.assume_multiple %add3A_420, 128 : i32
    %shift_right_arithmetic3A_422 = arith.constant 7 : i32
    %shift_right_arithmetic3A_423 = arith.shrsi %squeeze3A_414, %shift_right_arithmetic3A_422 : i32
    %mul3A_424 = arith.constant 128 : i32
    %mul3A_425 = arith.muli %shift_right_arithmetic3A_423, %mul3A_424 : i32
    %add3A_426 = arith.constant 0 : i32
    %add3A_427 = arith.addi %mul3A_425, %add3A_426 : i32
    %multiple_of3A_428 = tpu.assume_multiple %add3A_427, 128 : i32
    %dma_start3A_429 = arith.constant 6 : i32
    %dma_start3A_430 = arith.constant 6 : i32
    %dma_start3A_431 = arith.constant 0 : i32
    %dma_start3A_432 = arith.constant 0 : i32
    %dma_start3A_433 = arith.constant 0 : i32
    %dma_start3A_434 = tpu.memref_slice %arg9[%dma_start3A_429, %dma_start3A_431, %dma_start3A_432, %dma_start3A_433] : memref<8x4x8x128xf32, #tpu.memory_space<vmem>> -> memref<1x4x8x128xf32, #tpu.memory_space<vmem>>
    %dma_start3A_435 = tpu.memref_squeeze %dma_start3A_434 : memref<1x4x8x128xf32, #tpu.memory_space<vmem>> -> memref<4x8x128xf32, #tpu.memory_space<vmem>>
    %dma_start3A_436 = arith.constant 0 : i32
    %dma_start3A_437 = arith.constant 0 : i32
    %dma_start3A_438 = tpu.memref_slice %arg4[%dma_start3A_436, %dma_start3A_437, %multiple_of3A_421] : memref<4x8x1000000xf32, #tpu.memory_space<hbm>> -> memref<4x8x128xf32, #tpu.memory_space<hbm>>
    %dma_start3A_439 = tpu.memref_slice %arg13[%dma_start3A_430] : memref<8x!tpu.dma_semaphore, #tpu.memory_space<semaphore_mem>> -> memref<1x!tpu.dma_semaphore, #tpu.memory_space<semaphore_mem>>
    %dma_start3A_440 = tpu.memref_squeeze %dma_start3A_439 : memref<1x!tpu.dma_semaphore, #tpu.memory_space<semaphore_mem>> -> memref<!tpu.dma_semaphore, #tpu.memory_space<semaphore_mem>>
    %dma_start3A_441 = arith.constant 0 : i32
    %dma_start3A_442 = arith.constant 0 : i32
    %dma_start3A_443 = arith.constant 0 : i32
    %dma_start3A_444 = tpu.memref_slice %arg9[%dma_start3A_429, %dma_start3A_441, %dma_start3A_442, %dma_start3A_443] : memref<8x4x8x128xf32, #tpu.memory_space<vmem>> -> memref<1x4x8x128xf32, #tpu.memory_space<vmem>>
    %dma_start3A_445 = tpu.memref_squeeze %dma_start3A_444 : memref<1x4x8x128xf32, #tpu.memory_space<vmem>> -> memref<4x8x128xf32, #tpu.memory_space<vmem>>
    %dma_start3A_446 = arith.constant 0 : i32
    %dma_start3A_447 = arith.constant 0 : i32
    %dma_start3A_448 = tpu.memref_slice %arg4[%dma_start3A_446, %dma_start3A_447, %multiple_of3A_421] : memref<4x8x1000000xf32, #tpu.memory_space<hbm>> -> memref<4x8x128xf32, #tpu.memory_space<hbm>>
    tpu.enqueue_dma source(%dma_start3A_448 : memref<4x8x128xf32, #tpu.memory_space<hbm>>) target(%dma_start3A_445 : memref<4x8x128xf32, #tpu.memory_space<vmem>>) target_semaphore(%dma_start3A_440 : memref<!tpu.dma_semaphore, #tpu.memory_space<semaphore_mem>>)
    %dma_start3A_449 = arith.constant 6 : i32
    %dma_start3A_450 = arith.constant 6 : i32
    %dma_start3A_451 = arith.constant 0 : i32
    %dma_start3A_452 = arith.constant 0 : i32
    %dma_start3A_453 = arith.constant 0 : i32
    %dma_start3A_454 = tpu.memref_slice %arg10[%dma_start3A_449, %dma_start3A_451, %dma_start3A_452, %dma_start3A_453] : memref<8x4x8x128xf32, #tpu.memory_space<vmem>> -> memref<1x4x8x128xf32, #tpu.memory_space<vmem>>
    %dma_start3A_455 = tpu.memref_squeeze %dma_start3A_454 : memref<1x4x8x128xf32, #tpu.memory_space<vmem>> -> memref<4x8x128xf32, #tpu.memory_space<vmem>>
    %dma_start3A_456 = arith.constant 0 : i32
    %dma_start3A_457 = arith.constant 0 : i32
    %dma_start3A_458 = tpu.memref_slice %arg5[%dma_start3A_456, %dma_start3A_457, %multiple_of3A_428] : memref<4x8x1000000xf32, #tpu.memory_space<hbm>> -> memref<4x8x128xf32, #tpu.memory_space<hbm>>
    %dma_start3A_459 = tpu.memref_slice %arg14[%dma_start3A_450] : memref<8x!tpu.dma_semaphore, #tpu.memory_space<semaphore_mem>> -> memref<1x!tpu.dma_semaphore, #tpu.memory_space<semaphore_mem>>
    %dma_start3A_460 = tpu.memref_squeeze %dma_start3A_459 : memref<1x!tpu.dma_semaphore, #tpu.memory_space<semaphore_mem>> -> memref<!tpu.dma_semaphore, #tpu.memory_space<semaphore_mem>>
    %dma_start3A_461 = arith.constant 0 : i32
    %dma_start3A_462 = arith.constant 0 : i32
    %dma_start3A_463 = arith.constant 0 : i32
    %dma_start3A_464 = tpu.memref_slice %arg10[%dma_start3A_449, %dma_start3A_461, %dma_start3A_462, %dma_start3A_463] : memref<8x4x8x128xf32, #tpu.memory_space<vmem>> -> memref<1x4x8x128xf32, #tpu.memory_space<vmem>>
    %dma_start3A_465 = tpu.memref_squeeze %dma_start3A_464 : memref<1x4x8x128xf32, #tpu.memory_space<vmem>> -> memref<4x8x128xf32, #tpu.memory_space<vmem>>
    %dma_start3A_466 = arith.constant 0 : i32
    %dma_start3A_467 = arith.constant 0 : i32
    %dma_start3A_468 = tpu.memref_slice %arg5[%dma_start3A_466, %dma_start3A_467, %multiple_of3A_428] : memref<4x8x1000000xf32, #tpu.memory_space<hbm>> -> memref<4x8x128xf32, #tpu.memory_space<hbm>>
    tpu.enqueue_dma source(%dma_start3A_468 : memref<4x8x128xf32, #tpu.memory_space<hbm>>) target(%dma_start3A_465 : memref<4x8x128xf32, #tpu.memory_space<vmem>>) target_semaphore(%dma_start3A_460 : memref<!tpu.dma_semaphore, #tpu.memory_space<semaphore_mem>>)
    %slice3A_469 = vector.extract_strided_slice %get3A_65 {offsets = [7], sizes = [1], strides = [1]} : vector<16xi32> to vector<1xi32>
    %squeeze3A_470 = vector.extract %slice3A_469[0] : i32 from vector<1xi32>
    %slice3A_471 = vector.extract_strided_slice %get3A_67 {offsets = [7], sizes = [1], strides = [1]} : vector<16xi32> to vector<1xi32>
    %squeeze3A_472 = vector.extract %slice3A_471[0] : i32 from vector<1xi32>
    %shift_right_arithmetic3A_473 = arith.constant 7 : i32
    %shift_right_arithmetic3A_474 = arith.shrsi %squeeze3A_470, %shift_right_arithmetic3A_473 : i32
    %mul3A_475 = arith.constant 128 : i32
    %mul3A_476 = arith.muli %shift_right_arithmetic3A_474, %mul3A_475 : i32
    %add3A_477 = arith.constant 0 : i32
    %add3A_478 = arith.addi %mul3A_476, %add3A_477 : i32
    %multiple_of3A_479 = tpu.assume_multiple %add3A_478, 128 : i32
    %shift_right_arithmetic3A_480 = arith.constant 7 : i32
    %shift_right_arithmetic3A_481 = arith.shrsi %squeeze3A_472, %shift_right_arithmetic3A_480 : i32
    %mul3A_482 = arith.constant 128 : i32
    %mul3A_483 = arith.muli %shift_right_arithmetic3A_481, %mul3A_482 : i32
    %add3A_484 = arith.constant 0 : i32
    %add3A_485 = arith.addi %mul3A_483, %add3A_484 : i32
    %multiple_of3A_486 = tpu.assume_multiple %add3A_485, 128 : i32
    %dma_start3A_487 = arith.constant 7 : i32
    %dma_start3A_488 = arith.constant 7 : i32
    %dma_start3A_489 = arith.constant 0 : i32
    %dma_start3A_490 = arith.constant 0 : i32
    %dma_start3A_491 = arith.constant 0 : i32
    %dma_start3A_492 = tpu.memref_slice %arg9[%dma_start3A_487, %dma_start3A_489, %dma_start3A_490, %dma_start3A_491] : memref<8x4x8x128xf32, #tpu.memory_space<vmem>> -> memref<1x4x8x128xf32, #tpu.memory_space<vmem>>
    %dma_start3A_493 = tpu.memref_squeeze %dma_start3A_492 : memref<1x4x8x128xf32, #tpu.memory_space<vmem>> -> memref<4x8x128xf32, #tpu.memory_space<vmem>>
    %dma_start3A_494 = arith.constant 0 : i32
    %dma_start3A_495 = arith.constant 0 : i32
    %dma_start3A_496 = tpu.memref_slice %arg4[%dma_start3A_494, %dma_start3A_495, %multiple_of3A_479] : memref<4x8x1000000xf32, #tpu.memory_space<hbm>> -> memref<4x8x128xf32, #tpu.memory_space<hbm>>
    %dma_start3A_497 = tpu.memref_slice %arg13[%dma_start3A_488] : memref<8x!tpu.dma_semaphore, #tpu.memory_space<semaphore_mem>> -> memref<1x!tpu.dma_semaphore, #tpu.memory_space<semaphore_mem>>
    %dma_start3A_498 = tpu.memref_squeeze %dma_start3A_497 : memref<1x!tpu.dma_semaphore, #tpu.memory_space<semaphore_mem>> -> memref<!tpu.dma_semaphore, #tpu.memory_space<semaphore_mem>>
    %dma_start3A_499 = arith.constant 0 : i32
    %dma_start3A_500 = arith.constant 0 : i32
    %dma_start3A_501 = arith.constant 0 : i32
    %dma_start3A_502 = tpu.memref_slice %arg9[%dma_start3A_487, %dma_start3A_499, %dma_start3A_500, %dma_start3A_501] : memref<8x4x8x128xf32, #tpu.memory_space<vmem>> -> memref<1x4x8x128xf32, #tpu.memory_space<vmem>>
    %dma_start3A_503 = tpu.memref_squeeze %dma_start3A_502 : memref<1x4x8x128xf32, #tpu.memory_space<vmem>> -> memref<4x8x128xf32, #tpu.memory_space<vmem>>
    %dma_start3A_504 = arith.constant 0 : i32
    %dma_start3A_505 = arith.constant 0 : i32
    %dma_start3A_506 = tpu.memref_slice %arg4[%dma_start3A_504, %dma_start3A_505, %multiple_of3A_479] : memref<4x8x1000000xf32, #tpu.memory_space<hbm>> -> memref<4x8x128xf32, #tpu.memory_space<hbm>>
    tpu.enqueue_dma source(%dma_start3A_506 : memref<4x8x128xf32, #tpu.memory_space<hbm>>) target(%dma_start3A_503 : memref<4x8x128xf32, #tpu.memory_space<vmem>>) target_semaphore(%dma_start3A_498 : memref<!tpu.dma_semaphore, #tpu.memory_space<semaphore_mem>>)
    %dma_start3A_507 = arith.constant 7 : i32
    %dma_start3A_508 = arith.constant 7 : i32
    %dma_start3A_509 = arith.constant 0 : i32
    %dma_start3A_510 = arith.constant 0 : i32
    %dma_start3A_511 = arith.constant 0 : i32
    %dma_start3A_512 = tpu.memref_slice %arg10[%dma_start3A_507, %dma_start3A_509, %dma_start3A_510, %dma_start3A_511] : memref<8x4x8x128xf32, #tpu.memory_space<vmem>> -> memref<1x4x8x128xf32, #tpu.memory_space<vmem>>
    %dma_start3A_513 = tpu.memref_squeeze %dma_start3A_512 : memref<1x4x8x128xf32, #tpu.memory_space<vmem>> -> memref<4x8x128xf32, #tpu.memory_space<vmem>>
    %dma_start3A_514 = arith.constant 0 : i32
    %dma_start3A_515 = arith.constant 0 : i32
    %dma_start3A_516 = tpu.memref_slice %arg5[%dma_start3A_514, %dma_start3A_515, %multiple_of3A_486] : memref<4x8x1000000xf32, #tpu.memory_space<hbm>> -> memref<4x8x128xf32, #tpu.memory_space<hbm>>
    %dma_start3A_517 = tpu.memref_slice %arg14[%dma_start3A_508] : memref<8x!tpu.dma_semaphore, #tpu.memory_space<semaphore_mem>> -> memref<1x!tpu.dma_semaphore, #tpu.memory_space<semaphore_mem>>
    %dma_start3A_518 = tpu.memref_squeeze %dma_start3A_517 : memref<1x!tpu.dma_semaphore, #tpu.memory_space<semaphore_mem>> -> memref<!tpu.dma_semaphore, #tpu.memory_space<semaphore_mem>>
    %dma_start3A_519 = arith.constant 0 : i32
    %dma_start3A_520 = arith.constant 0 : i32
    %dma_start3A_521 = arith.constant 0 : i32
    %dma_start3A_522 = tpu.memref_slice %arg10[%dma_start3A_507, %dma_start3A_519, %dma_start3A_520, %dma_start3A_521] : memref<8x4x8x128xf32, #tpu.memory_space<vmem>> -> memref<1x4x8x128xf32, #tpu.memory_space<vmem>>
    %dma_start3A_523 = tpu.memref_squeeze %dma_start3A_522 : memref<1x4x8x128xf32, #tpu.memory_space<vmem>> -> memref<4x8x128xf32, #tpu.memory_space<vmem>>
    %dma_start3A_524 = arith.constant 0 : i32
    %dma_start3A_525 = arith.constant 0 : i32
    %dma_start3A_526 = tpu.memref_slice %arg5[%dma_start3A_524, %dma_start3A_525, %multiple_of3A_486] : memref<4x8x1000000xf32, #tpu.memory_space<hbm>> -> memref<4x8x128xf32, #tpu.memory_space<hbm>>
    tpu.enqueue_dma source(%dma_start3A_526 : memref<4x8x128xf32, #tpu.memory_space<hbm>>) target(%dma_start3A_523 : memref<4x8x128xf32, #tpu.memory_space<vmem>>) target_semaphore(%dma_start3A_518 : memref<!tpu.dma_semaphore, #tpu.memory_space<semaphore_mem>>)
    %scan3A = arith.constant 0 : i32
    %scan3A_527 = arith.constant 0 : i32
    %scan3A_528 = arith.constant 32 : i32
    %scan3A_529 = arith.addi %scan3A_527, %scan3A_528 : i32
    %scan3A_530 = arith.constant 1 : i32
    %scan3A_531 = scf.for %scan3A_894 = %scan3A_527 to %scan3A_529 step %scan3A_530 iter_args(%scan3A_895 = %scan3A) -> (i32)  : i32 {
      %mul3A_896 = arith.constant 16 : i32
      %mul3A_897 = arith.muli %scan3A_894, %mul3A_896 : i32
      %get3A_898 = arith.index_cast %mul3A_897 : i32 to index
      %get3A_899 = tpu.vector_load %arg7[%get3A_898] {strides = array<i32>} : memref<512xi32, #tpu.memory_space<vmem>>, vector<16xi32>,
      %get3A_900 = arith.index_cast %mul3A_897 : i32 to index
      %get3A_901 = tpu.vector_load %arg8[%get3A_900] {strides = array<i32>} : memref<512xi32, #tpu.memory_space<vmem>>, vector<16xi32>,
      %add3A_902 = arith.constant 1 : i32
      %add3A_903 = arith.addi %scan3A_894, %add3A_902 : i32
      %min3A = arith.constant 31 : i32
      %min3A_904 = arith.minsi %add3A_903, %min3A : i32
      %mul3A_905 = arith.constant 16 : i32
      %mul3A_906 = arith.muli %min3A_904, %mul3A_905 : i32
      %get3A_907 = arith.index_cast %mul3A_906 : i32 to index
      %get3A_908 = tpu.vector_load %arg7[%get3A_907] {strides = array<i32>} : memref<512xi32, #tpu.memory_space<vmem>>, vector<16xi32>,
      %get3A_909 = arith.index_cast %mul3A_906 : i32 to index
      %get3A_910 = tpu.vector_load %arg8[%get3A_909] {strides = array<i32>} : memref<512xi32, #tpu.memory_space<vmem>>, vector<16xi32>,
      %dma_wait3A_911 = arith.constant 0 : i32
      %dma_wait3A_912 = arith.constant 0 : i32
      %dma_wait3A_913 = arith.constant 0 : i32
      %dma_wait3A_914 = arith.constant 0 : i32
      %dma_wait3A_915 = arith.constant 0 : i32
      %dma_wait3A_916 = tpu.memref_slice %arg9[%dma_wait3A_911, %dma_wait3A_913, %dma_wait3A_914, %dma_wait3A_915] : memref<8x4x8x128xf32, #tpu.memory_space<vmem>> -> memref<1x4x8x128xf32, #tpu.memory_space<vmem>>
      %dma_wait3A_917 = tpu.memref_squeeze %dma_wait3A_916 : memref<1x4x8x128xf32, #tpu.memory_space<vmem>> -> memref<4x8x128xf32, #tpu.memory_space<vmem>>
      %dma_wait3A_918 = arith.constant 0 : i32
      %dma_wait3A_919 = arith.constant 0 : i32
      %dma_wait3A_920 = arith.constant 0 : i32
      %dma_wait3A_921 = tpu.memref_slice %arg4[%dma_wait3A_918, %dma_wait3A_919, %dma_wait3A_920] : memref<4x8x1000000xf32, #tpu.memory_space<hbm>> -> memref<4x8x128xf32, #tpu.memory_space<hbm>>
      %dma_wait3A_922 = tpu.memref_slice %arg13[%dma_wait3A_912] : memref<8x!tpu.dma_semaphore, #tpu.memory_space<semaphore_mem>> -> memref<1x!tpu.dma_semaphore, #tpu.memory_space<semaphore_mem>>
      %dma_wait3A_923 = tpu.memref_squeeze %dma_wait3A_922 : memref<1x!tpu.dma_semaphore, #tpu.memory_space<semaphore_mem>> -> memref<!tpu.dma_semaphore, #tpu.memory_space<semaphore_mem>>
      %dma_wait3A_924 = arith.constant 0 : i32
      %dma_wait3A_925 = arith.constant 0 : i32
      %dma_wait3A_926 = arith.constant 0 : i32
      %dma_wait3A_927 = tpu.memref_slice %arg9[%dma_wait3A_911, %dma_wait3A_924, %dma_wait3A_925, %dma_wait3A_926] : memref<8x4x8x128xf32, #tpu.memory_space<vmem>> -> memref<1x4x8x128xf32, #tpu.memory_space<vmem>>
      %dma_wait3A_928 = tpu.memref_squeeze %dma_wait3A_927 : memref<1x4x8x128xf32, #tpu.memory_space<vmem>> -> memref<4x8x128xf32, #tpu.memory_space<vmem>>
      %dma_wait3A_929 = arith.constant 0 : i32
      %dma_wait3A_930 = arith.constant 0 : i32
      %dma_wait3A_931 = arith.constant 0 : i32
      %dma_wait3A_932 = tpu.memref_slice %arg4[%dma_wait3A_929, %dma_wait3A_930, %dma_wait3A_931] : memref<4x8x1000000xf32, #tpu.memory_space<hbm>> -> memref<4x8x128xf32, #tpu.memory_space<hbm>>
      tpu.wait_dma2 semaphore(%dma_wait3A_923 : memref<!tpu.dma_semaphore, #tpu.memory_space<semaphore_mem>>) src(%dma_wait3A_932 : memref<4x8x128xf32, #tpu.memory_space<hbm>>) dst(%dma_wait3A_928 : memref<4x8x128xf32, #tpu.memory_space<vmem>>)
      %dma_wait3A_933 = arith.constant 0 : i32
      %dma_wait3A_934 = arith.constant 0 : i32
      %dma_wait3A_935 = arith.constant 0 : i32
      %dma_wait3A_936 = arith.constant 0 : i32
      %dma_wait3A_937 = arith.constant 0 : i32
      %dma_wait3A_938 = tpu.memref_slice %arg10[%dma_wait3A_933, %dma_wait3A_935, %dma_wait3A_936, %dma_wait3A_937] : memref<8x4x8x128xf32, #tpu.memory_space<vmem>> -> memref<1x4x8x128xf32, #tpu.memory_space<vmem>>
      %dma_wait3A_939 = tpu.memref_squeeze %dma_wait3A_938 : memref<1x4x8x128xf32, #tpu.memory_space<vmem>> -> memref<4x8x128xf32, #tpu.memory_space<vmem>>
      %dma_wait3A_940 = arith.constant 0 : i32
      %dma_wait3A_941 = arith.constant 0 : i32
      %dma_wait3A_942 = arith.constant 0 : i32
      %dma_wait3A_943 = tpu.memref_slice %arg5[%dma_wait3A_940, %dma_wait3A_941, %dma_wait3A_942] : memref<4x8x1000000xf32, #tpu.memory_space<hbm>> -> memref<4x8x128xf32, #tpu.memory_space<hbm>>
      %dma_wait3A_944 = tpu.memref_slice %arg14[%dma_wait3A_934] : memref<8x!tpu.dma_semaphore, #tpu.memory_space<semaphore_mem>> -> memref<1x!tpu.dma_semaphore, #tpu.memory_space<semaphore_mem>>
      %dma_wait3A_945 = tpu.memref_squeeze %dma_wait3A_944 : memref<1x!tpu.dma_semaphore, #tpu.memory_space<semaphore_mem>> -> memref<!tpu.dma_semaphore, #tpu.memory_space<semaphore_mem>>
      %dma_wait3A_946 = arith.constant 0 : i32
      %dma_wait3A_947 = arith.constant 0 : i32
      %dma_wait3A_948 = arith.constant 0 : i32
      %dma_wait3A_949 = tpu.memref_slice %arg10[%dma_wait3A_933, %dma_wait3A_946, %dma_wait3A_947, %dma_wait3A_948] : memref<8x4x8x128xf32, #tpu.memory_space<vmem>> -> memref<1x4x8x128xf32, #tpu.memory_space<vmem>>
      %dma_wait3A_950 = tpu.memref_squeeze %dma_wait3A_949 : memref<1x4x8x128xf32, #tpu.memory_space<vmem>> -> memref<4x8x128xf32, #tpu.memory_space<vmem>>
      %dma_wait3A_951 = arith.constant 0 : i32
      %dma_wait3A_952 = arith.constant 0 : i32
      %dma_wait3A_953 = arith.constant 0 : i32
      %dma_wait3A_954 = tpu.memref_slice %arg5[%dma_wait3A_951, %dma_wait3A_952, %dma_wait3A_953] : memref<4x8x1000000xf32, #tpu.memory_space<hbm>> -> memref<4x8x128xf32, #tpu.memory_space<hbm>>
      tpu.wait_dma2 semaphore(%dma_wait3A_945 : memref<!tpu.dma_semaphore, #tpu.memory_space<semaphore_mem>>) src(%dma_wait3A_954 : memref<4x8x128xf32, #tpu.memory_space<hbm>>) dst(%dma_wait3A_950 : memref<4x8x128xf32, #tpu.memory_space<vmem>>)
      %slice3A_955 = vector.extract_strided_slice %get3A_899 {offsets = [0], sizes = [1], strides = [1]} : vector<16xi32> to vector<1xi32>
      %squeeze3A_956 = vector.extract %slice3A_955[0] : i32 from vector<1xi32>
      %and3A_957 = arith.constant 127 : i32
      %and3A_958 = arith.andi %squeeze3A_956, %and3A_957 : i32
      %slice3A_959 = vector.extract_strided_slice %get3A_901 {offsets = [0], sizes = [1], strides = [1]} : vector<16xi32> to vector<1xi32>
      %squeeze3A_960 = vector.extract %slice3A_959[0] : i32 from vector<1xi32>
      %and3A_961 = arith.constant 127 : i32
      %and3A_962 = arith.andi %squeeze3A_960, %and3A_961 : i32
      %broadcast_in_dim3A = arith.constant 0 : i32
      %broadcast_in_dim3A_963 = vector.broadcast %broadcast_in_dim3A : i32 to vector<16xi32>
      %add3A_964 = vector.broadcast %and3A_958 : i32 to vector<16xi32>
      %add3A_965 = arith.addi %broadcast_in_dim3A_963, %add3A_964 : vector<16xi32>
      %broadcast_in_dim3A_966 = arith.constant 0 : i32
      %broadcast_in_dim3A_967 = vector.broadcast %broadcast_in_dim3A_966 : i32 to vector<16xi32>
      %add3A_968 = vector.broadcast %and3A_962 : i32 to vector<16xi32>
      %add3A_969 = arith.addi %broadcast_in_dim3A_967, %add3A_968 : vector<16xi32>
      %gather3A = arith.constant 0 : i32
      %gather3A_970 = arith.constant 0 : i32
      %gather3A_971 = arith.constant 0 : i32
      %gather3A_972 = arith.constant 0 : i32
      %gather3A_973 = tpu.memref_slice %arg9[%gather3A, %gather3A_970, %gather3A_971, %gather3A_972] : memref<8x4x8x128xf32, #tpu.memory_space<vmem>> -> memref<1x4x8x128xf32, #tpu.memory_space<vmem>>
      %gather3A_974 = tpu.memref_squeeze %gather3A_973 : memref<1x4x8x128xf32, #tpu.memory_space<vmem>> -> memref<4x8x128xf32, #tpu.memory_space<vmem>>
      %gather3A_975 = tpu.vector_load_idx %gather3A_974[%select_n3A, %select_n3A_64, %add3A_965] : memref<4x8x128xf32, #tpu.memory_space<vmem>>[vector<16xi32>, vector<16xi32>, vector<16xi32>], vector<16xf32>,
      %gather3A_976 = arith.constant 0 : i32
      %gather3A_977 = arith.constant 0 : i32
      %gather3A_978 = arith.constant 0 : i32
      %gather3A_979 = arith.constant 0 : i32
      %gather3A_980 = tpu.memref_slice %arg9[%gather3A_976, %gather3A_977, %gather3A_978, %gather3A_979] : memref<8x4x8x128xf32, #tpu.memory_space<vmem>> -> memref<1x4x8x128xf32, #tpu.memory_space<vmem>>
      %gather3A_981 = tpu.memref_squeeze %gather3A_980 : memref<1x4x8x128xf32, #tpu.memory_space<vmem>> -> memref<4x8x128xf32, #tpu.memory_space<vmem>>
      %gather3A_982 = tpu.vector_load_idx %gather3A_981[%add3A_44, %select_n3A_64, %add3A_965] : memref<4x8x128xf32, #tpu.memory_space<vmem>>[vector<16xi32>, vector<16xi32>, vector<16xi32>], vector<16xf32>,
      %gather3A_983 = arith.constant 0 : i32
      %gather3A_984 = arith.constant 0 : i32
      %gather3A_985 = arith.constant 0 : i32
      %gather3A_986 = arith.constant 0 : i32
      %gather3A_987 = tpu.memref_slice %arg10[%gather3A_983, %gather3A_984, %gather3A_985, %gather3A_986] : memref<8x4x8x128xf32, #tpu.memory_space<vmem>> -> memref<1x4x8x128xf32, #tpu.memory_space<vmem>>
      %gather3A_988 = tpu.memref_squeeze %gather3A_987 : memref<1x4x8x128xf32, #tpu.memory_space<vmem>> -> memref<4x8x128xf32, #tpu.memory_space<vmem>>
      %gather3A_989 = tpu.vector_load_idx %gather3A_988[%select_n3A, %select_n3A_64, %add3A_969] : memref<4x8x128xf32, #tpu.memory_space<vmem>>[vector<16xi32>, vector<16xi32>, vector<16xi32>], vector<16xf32>,
      %gather3A_990 = arith.constant 0 : i32
      %gather3A_991 = arith.constant 0 : i32
      %gather3A_992 = arith.constant 0 : i32
      %gather3A_993 = arith.constant 0 : i32
      %gather3A_994 = tpu.memref_slice %arg10[%gather3A_990, %gather3A_991, %gather3A_992, %gather3A_993] : memref<8x4x8x128xf32, #tpu.memory_space<vmem>> -> memref<1x4x8x128xf32, #tpu.memory_space<vmem>>
      %gather3A_995 = tpu.memref_squeeze %gather3A_994 : memref<1x4x8x128xf32, #tpu.memory_space<vmem>> -> memref<4x8x128xf32, #tpu.memory_space<vmem>>
      %gather3A_996 = tpu.vector_load_idx %gather3A_995[%add3A_44, %select_n3A_64, %add3A_969] : memref<4x8x128xf32, #tpu.memory_space<vmem>>[vector<16xi32>, vector<16xi32>, vector<16xi32>], vector<16xf32>,
      %mul3A_997 = arith.constant 16 : i32
      %mul3A_998 = arith.muli %scan3A_894, %mul3A_997 : i32
      %add3A_999 = arith.constant 0 : i32
      %add3A_1000 = arith.addi %mul3A_998, %add3A_999 : i32
      %mul3A_1001 = arith.constant 16 : i32
      %mul3A_1002 = arith.muli %add3A_1000, %mul3A_1001 : i32
      %mul3A_1003 = arith.mulf %gather3A_975, %gather3A_989 : vector<16xf32>
      %mul3A_1004 = arith.mulf %gather3A_982, %gather3A_996 : vector<16xf32>
      %add3A_1005 = arith.addf %mul3A_1003, %mul3A_1004 : vector<16xf32>
      %swap3A = arith.index_cast %mul3A_1002 : i32 to index
      %swap3A_1006 = tpu.vector_load %arg11[%swap3A] {strides = array<i32>} : memref<8192xf32, #tpu.memory_space<vmem>>, vector<16xf32>,
      tpu.vector_store %arg11[%swap3A], %add3A_1005 {strides = array<i32>} : memref<8192xf32, #tpu.memory_space<vmem>>, vector<16xf32>,
      %get3A_1007 = arith.index_cast %mul3A_1002 : i32 to index
      %get3A_1008 = tpu.vector_load %arg11[%get3A_1007] {strides = array<i32>} : memref<8192xf32, #tpu.memory_space<vmem>>, vector<16xf32>,
      %slice3A_1009 = vector.extract_strided_slice %get3A_1008 {offsets = [0], sizes = [1], strides = [1]} : vector<16xf32> to vector<1xf32>
      %squeeze3A_1010 = vector.extract %slice3A_1009[0] : f32 from vector<1xf32>
      %eq3A_1011 = arith.cmpf oeq, %squeeze3A_1010, %squeeze3A_1010 : f32
      %select_n3A_1012 = arith.constant 1 : i32
      %select_n3A_1013 = arith.constant 0 : i32
      %select_n3A_1014 = arith.select %eq3A_1011, %select_n3A_1013, %select_n3A_1012 : i32
      %slice3A_1015 = vector.extract_strided_slice %get3A_899 {offsets = [8], sizes = [1], strides = [1]} : vector<16xi32> to vector<1xi32>
      %squeeze3A_1016 = vector.extract %slice3A_1015[0] : i32 from vector<1xi32>
      %slice3A_1017 = vector.extract_strided_slice %get3A_901 {offsets = [8], sizes = [1], strides = [1]} : vector<16xi32> to vector<1xi32>
      %squeeze3A_1018 = vector.extract %slice3A_1017[0] : i32 from vector<1xi32>
      %shift_right_arithmetic3A_1019 = arith.constant 7 : i32
      %shift_right_arithmetic3A_1020 = arith.shrsi %squeeze3A_1016, %shift_right_arithmetic3A_1019 : i32
      %mul3A_1021 = arith.constant 128 : i32
      %mul3A_1022 = arith.muli %shift_right_arithmetic3A_1020, %mul3A_1021 : i32
      %add3A_1023 = arith.addi %mul3A_1022, %select_n3A_1014 : i32
      %multiple_of3A_1024 = tpu.assume_multiple %add3A_1023, 128 : i32
      %shift_right_arithmetic3A_1025 = arith.constant 7 : i32
      %shift_right_arithmetic3A_1026 = arith.shrsi %squeeze3A_1018, %shift_right_arithmetic3A_1025 : i32
      %mul3A_1027 = arith.constant 128 : i32
      %mul3A_1028 = arith.muli %shift_right_arithmetic3A_1026, %mul3A_1027 : i32
      %add3A_1029 = arith.addi %mul3A_1028, %select_n3A_1014 : i32
      %multiple_of3A_1030 = tpu.assume_multiple %add3A_1029, 128 : i32
      %dma_start3A_1031 = arith.constant 0 : i32
      %dma_start3A_1032 = arith.constant 0 : i32
      %dma_start3A_1033 = arith.constant 0 : i32
      %dma_start3A_1034 = arith.constant 0 : i32
      %dma_start3A_1035 = arith.constant 0 : i32
      %dma_start3A_1036 = tpu.memref_slice %arg9[%dma_start3A_1031, %dma_start3A_1033, %dma_start3A_1034, %dma_start3A_1035] : memref<8x4x8x128xf32, #tpu.memory_space<vmem>> -> memref<1x4x8x128xf32, #tpu.memory_space<vmem>>
      %dma_start3A_1037 = tpu.memref_squeeze %dma_start3A_1036 : memref<1x4x8x128xf32, #tpu.memory_space<vmem>> -> memref<4x8x128xf32, #tpu.memory_space<vmem>>
      %dma_start3A_1038 = arith.constant 0 : i32
      %dma_start3A_1039 = arith.constant 0 : i32
      %dma_start3A_1040 = tpu.memref_slice %arg4[%dma_start3A_1038, %dma_start3A_1039, %multiple_of3A_1024] : memref<4x8x1000000xf32, #tpu.memory_space<hbm>> -> memref<4x8x128xf32, #tpu.memory_space<hbm>>
      %dma_start3A_1041 = tpu.memref_slice %arg13[%dma_start3A_1032] : memref<8x!tpu.dma_semaphore, #tpu.memory_space<semaphore_mem>> -> memref<1x!tpu.dma_semaphore, #tpu.memory_space<semaphore_mem>>
      %dma_start3A_1042 = tpu.memref_squeeze %dma_start3A_1041 : memref<1x!tpu.dma_semaphore, #tpu.memory_space<semaphore_mem>> -> memref<!tpu.dma_semaphore, #tpu.memory_space<semaphore_mem>>
      %dma_start3A_1043 = arith.constant 0 : i32
      %dma_start3A_1044 = arith.constant 0 : i32
      %dma_start3A_1045 = arith.constant 0 : i32
      %dma_start3A_1046 = tpu.memref_slice %arg9[%dma_start3A_1031, %dma_start3A_1043, %dma_start3A_1044, %dma_start3A_1045] : memref<8x4x8x128xf32, #tpu.memory_space<vmem>> -> memref<1x4x8x128xf32, #tpu.memory_space<vmem>>
      %dma_start3A_1047 = tpu.memref_squeeze %dma_start3A_1046 : memref<1x4x8x128xf32, #tpu.memory_space<vmem>> -> memref<4x8x128xf32, #tpu.memory_space<vmem>>
      %dma_start3A_1048 = arith.constant 0 : i32
      %dma_start3A_1049 = arith.constant 0 : i32
      %dma_start3A_1050 = tpu.memref_slice %arg4[%dma_start3A_1048, %dma_start3A_1049, %multiple_of3A_1024] : memref<4x8x1000000xf32, #tpu.memory_space<hbm>> -> memref<4x8x128xf32, #tpu.memory_space<hbm>>
      tpu.enqueue_dma source(%dma_start3A_1050 : memref<4x8x128xf32, #tpu.memory_space<hbm>>) target(%dma_start3A_1047 : memref<4x8x128xf32, #tpu.memory_space<vmem>>) target_semaphore(%dma_start3A_1042 : memref<!tpu.dma_semaphore, #tpu.memory_space<semaphore_mem>>)
      %dma_start3A_1051 = arith.constant 0 : i32
      %dma_start3A_1052 = arith.constant 0 : i32
      %dma_start3A_1053 = arith.constant 0 : i32
      %dma_start3A_1054 = arith.constant 0 : i32
      %dma_start3A_1055 = arith.constant 0 : i32
      %dma_start3A_1056 = tpu.memref_slice %arg10[%dma_start3A_1051, %dma_start3A_1053, %dma_start3A_1054, %dma_start3A_1055] : memref<8x4x8x128xf32, #tpu.memory_space<vmem>> -> memref<1x4x8x128xf32, #tpu.memory_space<vmem>>
      %dma_start3A_1057 = tpu.memref_squeeze %dma_start3A_1056 : memref<1x4x8x128xf32, #tpu.memory_space<vmem>> -> memref<4x8x128xf32, #tpu.memory_space<vmem>>
      %dma_start3A_1058 = arith.constant 0 : i32
      %dma_start3A_1059 = arith.constant 0 : i32
      %dma_start3A_1060 = tpu.memref_slice %arg5[%dma_start3A_1058, %dma_start3A_1059, %multiple_of3A_1030] : memref<4x8x1000000xf32, #tpu.memory_space<hbm>> -> memref<4x8x128xf32, #tpu.memory_space<hbm>>
      %dma_start3A_1061 = tpu.memref_slice %arg14[%dma_start3A_1052] : memref<8x!tpu.dma_semaphore, #tpu.memory_space<semaphore_mem>> -> memref<1x!tpu.dma_semaphore, #tpu.memory_space<semaphore_mem>>
      %dma_start3A_1062 = tpu.memref_squeeze %dma_start3A_1061 : memref<1x!tpu.dma_semaphore, #tpu.memory_space<semaphore_mem>> -> memref<!tpu.dma_semaphore, #tpu.memory_space<semaphore_mem>>
      %dma_start3A_1063 = arith.constant 0 : i32
      %dma_start3A_1064 = arith.constant 0 : i32
      %dma_start3A_1065 = arith.constant 0 : i32
      %dma_start3A_1066 = tpu.memref_slice %arg10[%dma_start3A_1051, %dma_start3A_1063, %dma_start3A_1064, %dma_start3A_1065] : memref<8x4x8x128xf32, #tpu.memory_space<vmem>> -> memref<1x4x8x128xf32, #tpu.memory_space<vmem>>
      %dma_start3A_1067 = tpu.memref_squeeze %dma_start3A_1066 : memref<1x4x8x128xf32, #tpu.memory_space<vmem>> -> memref<4x8x128xf32, #tpu.memory_space<vmem>>
      %dma_start3A_1068 = arith.constant 0 : i32
      %dma_start3A_1069 = arith.constant 0 : i32
      %dma_start3A_1070 = tpu.memref_slice %arg5[%dma_start3A_1068, %dma_start3A_1069, %multiple_of3A_1030] : memref<4x8x1000000xf32, #tpu.memory_space<hbm>> -> memref<4x8x128xf32, #tpu.memory_space<hbm>>
      tpu.enqueue_dma source(%dma_start3A_1070 : memref<4x8x128xf32, #tpu.memory_space<hbm>>) target(%dma_start3A_1067 : memref<4x8x128xf32, #tpu.memory_space<vmem>>) target_semaphore(%dma_start3A_1062 : memref<!tpu.dma_semaphore, #tpu.memory_space<semaphore_mem>>)
      %dma_wait3A_1071 = arith.constant 1 : i32
      %dma_wait3A_1072 = arith.constant 1 : i32
      %dma_wait3A_1073 = arith.constant 0 : i32
      %dma_wait3A_1074 = arith.constant 0 : i32
      %dma_wait3A_1075 = arith.constant 0 : i32
      %dma_wait3A_1076 = tpu.memref_slice %arg9[%dma_wait3A_1071, %dma_wait3A_1073, %dma_wait3A_1074, %dma_wait3A_1075] : memref<8x4x8x128xf32, #tpu.memory_space<vmem>> -> memref<1x4x8x128xf32, #tpu.memory_space<vmem>>
      %dma_wait3A_1077 = tpu.memref_squeeze %dma_wait3A_1076 : memref<1x4x8x128xf32, #tpu.memory_space<vmem>> -> memref<4x8x128xf32, #tpu.memory_space<vmem>>
      %dma_wait3A_1078 = arith.constant 0 : i32
      %dma_wait3A_1079 = arith.constant 0 : i32
      %dma_wait3A_1080 = arith.constant 0 : i32
      %dma_wait3A_1081 = tpu.memref_slice %arg4[%dma_wait3A_1078, %dma_wait3A_1079, %dma_wait3A_1080] : memref<4x8x1000000xf32, #tpu.memory_space<hbm>> -> memref<4x8x128xf32, #tpu.memory_space<hbm>>
      %dma_wait3A_1082 = tpu.memref_slice %arg13[%dma_wait3A_1072] : memref<8x!tpu.dma_semaphore, #tpu.memory_space<semaphore_mem>> -> memref<1x!tpu.dma_semaphore, #tpu.memory_space<semaphore_mem>>
      %dma_wait3A_1083 = tpu.memref_squeeze %dma_wait3A_1082 : memref<1x!tpu.dma_semaphore, #tpu.memory_space<semaphore_mem>> -> memref<!tpu.dma_semaphore, #tpu.memory_space<semaphore_mem>>
      %dma_wait3A_1084 = arith.constant 0 : i32
      %dma_wait3A_1085 = arith.constant 0 : i32
      %dma_wait3A_1086 = arith.constant 0 : i32
      %dma_wait3A_1087 = tpu.memref_slice %arg9[%dma_wait3A_1071, %dma_wait3A_1084, %dma_wait3A_1085, %dma_wait3A_1086] : memref<8x4x8x128xf32, #tpu.memory_space<vmem>> -> memref<1x4x8x128xf32, #tpu.memory_space<vmem>>
      %dma_wait3A_1088 = tpu.memref_squeeze %dma_wait3A_1087 : memref<1x4x8x128xf32, #tpu.memory_space<vmem>> -> memref<4x8x128xf32, #tpu.memory_space<vmem>>
      %dma_wait3A_1089 = arith.constant 0 : i32
      %dma_wait3A_1090 = arith.constant 0 : i32
      %dma_wait3A_1091 = arith.constant 0 : i32
      %dma_wait3A_1092 = tpu.memref_slice %arg4[%dma_wait3A_1089, %dma_wait3A_1090, %dma_wait3A_1091] : memref<4x8x1000000xf32, #tpu.memory_space<hbm>> -> memref<4x8x128xf32, #tpu.memory_space<hbm>>
      tpu.wait_dma2 semaphore(%dma_wait3A_1083 : memref<!tpu.dma_semaphore, #tpu.memory_space<semaphore_mem>>) src(%dma_wait3A_1092 : memref<4x8x128xf32, #tpu.memory_space<hbm>>) dst(%dma_wait3A_1088 : memref<4x8x128xf32, #tpu.memory_space<vmem>>)
      %dma_wait3A_1093 = arith.constant 1 : i32
      %dma_wait3A_1094 = arith.constant 1 : i32
      %dma_wait3A_1095 = arith.constant 0 : i32
      %dma_wait3A_1096 = arith.constant 0 : i32
      %dma_wait3A_1097 = arith.constant 0 : i32
      %dma_wait3A_1098 = tpu.memref_slice %arg10[%dma_wait3A_1093, %dma_wait3A_1095, %dma_wait3A_1096, %dma_wait3A_1097] : memref<8x4x8x128xf32, #tpu.memory_space<vmem>> -> memref<1x4x8x128xf32, #tpu.memory_space<vmem>>
      %dma_wait3A_1099 = tpu.memref_squeeze %dma_wait3A_1098 : memref<1x4x8x128xf32, #tpu.memory_space<vmem>> -> memref<4x8x128xf32, #tpu.memory_space<vmem>>
      %dma_wait3A_1100 = arith.constant 0 : i32
      %dma_wait3A_1101 = arith.constant 0 : i32
      %dma_wait3A_1102 = arith.constant 0 : i32
      %dma_wait3A_1103 = tpu.memref_slice %arg5[%dma_wait3A_1100, %dma_wait3A_1101, %dma_wait3A_1102] : memref<4x8x1000000xf32, #tpu.memory_space<hbm>> -> memref<4x8x128xf32, #tpu.memory_space<hbm>>
      %dma_wait3A_1104 = tpu.memref_slice %arg14[%dma_wait3A_1094] : memref<8x!tpu.dma_semaphore, #tpu.memory_space<semaphore_mem>> -> memref<1x!tpu.dma_semaphore, #tpu.memory_space<semaphore_mem>>
      %dma_wait3A_1105 = tpu.memref_squeeze %dma_wait3A_1104 : memref<1x!tpu.dma_semaphore, #tpu.memory_space<semaphore_mem>> -> memref<!tpu.dma_semaphore, #tpu.memory_space<semaphore_mem>>
      %dma_wait3A_1106 = arith.constant 0 : i32
      %dma_wait3A_1107 = arith.constant 0 : i32
      %dma_wait3A_1108 = arith.constant 0 : i32
      %dma_wait3A_1109 = tpu.memref_slice %arg10[%dma_wait3A_1093, %dma_wait3A_1106, %dma_wait3A_1107, %dma_wait3A_1108] : memref<8x4x8x128xf32, #tpu.memory_space<vmem>> -> memref<1x4x8x128xf32, #tpu.memory_space<vmem>>
      %dma_wait3A_1110 = tpu.memref_squeeze %dma_wait3A_1109 : memref<1x4x8x128xf32, #tpu.memory_space<vmem>> -> memref<4x8x128xf32, #tpu.memory_space<vmem>>
      %dma_wait3A_1111 = arith.constant 0 : i32
      %dma_wait3A_1112 = arith.constant 0 : i32
      %dma_wait3A_1113 = arith.constant 0 : i32
      %dma_wait3A_1114 = tpu.memref_slice %arg5[%dma_wait3A_1111, %dma_wait3A_1112, %dma_wait3A_1113] : memref<4x8x1000000xf32, #tpu.memory_space<hbm>> -> memref<4x8x128xf32, #tpu.memory_space<hbm>>
      tpu.wait_dma2 semaphore(%dma_wait3A_1105 : memref<!tpu.dma_semaphore, #tpu.memory_space<semaphore_mem>>) src(%dma_wait3A_1114 : memref<4x8x128xf32, #tpu.memory_space<hbm>>) dst(%dma_wait3A_1110 : memref<4x8x128xf32, #tpu.memory_space<vmem>>)
      %slice3A_1115 = vector.extract_strided_slice %get3A_899 {offsets = [1], sizes = [1], strides = [1]} : vector<16xi32> to vector<1xi32>
      %squeeze3A_1116 = vector.extract %slice3A_1115[0] : i32 from vector<1xi32>
      %and3A_1117 = arith.constant 127 : i32
      %and3A_1118 = arith.andi %squeeze3A_1116, %and3A_1117 : i32
      %slice3A_1119 = vector.extract_strided_slice %get3A_901 {offsets = [1], sizes = [1], strides = [1]} : vector<16xi32> to vector<1xi32>
      %squeeze3A_1120 = vector.extract %slice3A_1119[0] : i32 from vector<1xi32>
      %and3A_1121 = arith.constant 127 : i32
      %and3A_1122 = arith.andi %squeeze3A_1120, %and3A_1121 : i32
      %broadcast_in_dim3A_1123 = arith.constant 0 : i32
      %broadcast_in_dim3A_1124 = vector.broadcast %broadcast_in_dim3A_1123 : i32 to vector<16xi32>
      %add3A_1125 = vector.broadcast %and3A_1118 : i32 to vector<16xi32>
      %add3A_1126 = arith.addi %broadcast_in_dim3A_1124, %add3A_1125 : vector<16xi32>
      %broadcast_in_dim3A_1127 = arith.constant 0 : i32
      %broadcast_in_dim3A_1128 = vector.broadcast %broadcast_in_dim3A_1127 : i32 to vector<16xi32>
      %add3A_1129 = vector.broadcast %and3A_1122 : i32 to vector<16xi32>
      %add3A_1130 = arith.addi %broadcast_in_dim3A_1128, %add3A_1129 : vector<16xi32>
      %gather3A_1131 = arith.constant 1 : i32
      %gather3A_1132 = arith.constant 0 : i32
      %gather3A_1133 = arith.constant 0 : i32
      %gather3A_1134 = arith.constant 0 : i32
      %gather3A_1135 = tpu.memref_slice %arg9[%gather3A_1131, %gather3A_1132, %gather3A_1133, %gather3A_1134] : memref<8x4x8x128xf32, #tpu.memory_space<vmem>> -> memref<1x4x8x128xf32, #tpu.memory_space<vmem>>
      %gather3A_1136 = tpu.memref_squeeze %gather3A_1135 : memref<1x4x8x128xf32, #tpu.memory_space<vmem>> -> memref<4x8x128xf32, #tpu.memory_space<vmem>>
      %gather3A_1137 = tpu.vector_load_idx %gather3A_1136[%select_n3A, %select_n3A_64, %add3A_1126] : memref<4x8x128xf32, #tpu.memory_space<vmem>>[vector<16xi32>, vector<16xi32>, vector<16xi32>], vector<16xf32>,
      %gather3A_1138 = arith.constant 1 : i32
      %gather3A_1139 = arith.constant 0 : i32
      %gather3A_1140 = arith.constant 0 : i32
      %gather3A_1141 = arith.constant 0 : i32
      %gather3A_1142 = tpu.memref_slice %arg9[%gather3A_1138, %gather3A_1139, %gather3A_1140, %gather3A_1141] : memref<8x4x8x128xf32, #tpu.memory_space<vmem>> -> memref<1x4x8x128xf32, #tpu.memory_space<vmem>>
      %gather3A_1143 = tpu.memref_squeeze %gather3A_1142 : memref<1x4x8x128xf32, #tpu.memory_space<vmem>> -> memref<4x8x128xf32, #tpu.memory_space<vmem>>
      %gather3A_1144 = tpu.vector_load_idx %gather3A_1143[%add3A_44, %select_n3A_64, %add3A_1126] : memref<4x8x128xf32, #tpu.memory_space<vmem>>[vector<16xi32>, vector<16xi32>, vector<16xi32>], vector<16xf32>,
      %gather3A_1145 = arith.constant 1 : i32
      %gather3A_1146 = arith.constant 0 : i32
      %gather3A_1147 = arith.constant 0 : i32
      %gather3A_1148 = arith.constant 0 : i32
      %gather3A_1149 = tpu.memref_slice %arg10[%gather3A_1145, %gather3A_1146, %gather3A_1147, %gather3A_1148] : memref<8x4x8x128xf32, #tpu.memory_space<vmem>> -> memref<1x4x8x128xf32, #tpu.memory_space<vmem>>
      %gather3A_1150 = tpu.memref_squeeze %gather3A_1149 : memref<1x4x8x128xf32, #tpu.memory_space<vmem>> -> memref<4x8x128xf32, #tpu.memory_space<vmem>>
      %gather3A_1151 = tpu.vector_load_idx %gather3A_1150[%select_n3A, %select_n3A_64, %add3A_1130] : memref<4x8x128xf32, #tpu.memory_space<vmem>>[vector<16xi32>, vector<16xi32>, vector<16xi32>], vector<16xf32>,
      %gather3A_1152 = arith.constant 1 : i32
      %gather3A_1153 = arith.constant 0 : i32
      %gather3A_1154 = arith.constant 0 : i32
      %gather3A_1155 = arith.constant 0 : i32
      %gather3A_1156 = tpu.memref_slice %arg10[%gather3A_1152, %gather3A_1153, %gather3A_1154, %gather3A_1155] : memref<8x4x8x128xf32, #tpu.memory_space<vmem>> -> memref<1x4x8x128xf32, #tpu.memory_space<vmem>>
      %gather3A_1157 = tpu.memref_squeeze %gather3A_1156 : memref<1x4x8x128xf32, #tpu.memory_space<vmem>> -> memref<4x8x128xf32, #tpu.memory_space<vmem>>
      %gather3A_1158 = tpu.vector_load_idx %gather3A_1157[%add3A_44, %select_n3A_64, %add3A_1130] : memref<4x8x128xf32, #tpu.memory_space<vmem>>[vector<16xi32>, vector<16xi32>, vector<16xi32>], vector<16xf32>,
      %mul3A_1159 = arith.constant 16 : i32
      %mul3A_1160 = arith.muli %scan3A_894, %mul3A_1159 : i32
      %add3A_1161 = arith.constant 1 : i32
      %add3A_1162 = arith.addi %mul3A_1160, %add3A_1161 : i32
      %mul3A_1163 = arith.constant 16 : i32
      %mul3A_1164 = arith.muli %add3A_1162, %mul3A_1163 : i32
      %mul3A_1165 = arith.mulf %gather3A_1137, %gather3A_1151 : vector<16xf32>
      %mul3A_1166 = arith.mulf %gather3A_1144, %gather3A_1158 : vector<16xf32>
      %add3A_1167 = arith.addf %mul3A_1165, %mul3A_1166 : vector<16xf32>
      %swap3A_1168 = arith.index_cast %mul3A_1164 : i32 to index
      %swap3A_1169 = tpu.vector_load %arg11[%swap3A_1168] {strides = array<i32>} : memref<8192xf32, #tpu.memory_space<vmem>>, vector<16xf32>,
      tpu.vector_store %arg11[%swap3A_1168], %add3A_1167 {strides = array<i32>} : memref<8192xf32, #tpu.memory_space<vmem>>, vector<16xf32>,
      %get3A_1170 = arith.index_cast %mul3A_1164 : i32 to index
      %get3A_1171 = tpu.vector_load %arg11[%get3A_1170] {strides = array<i32>} : memref<8192xf32, #tpu.memory_space<vmem>>, vector<16xf32>,
      %slice3A_1172 = vector.extract_strided_slice %get3A_1171 {offsets = [0], sizes = [1], strides = [1]} : vector<16xf32> to vector<1xf32>
      %squeeze3A_1173 = vector.extract %slice3A_1172[0] : f32 from vector<1xf32>
      %eq3A_1174 = arith.cmpf oeq, %squeeze3A_1173, %squeeze3A_1173 : f32
      %select_n3A_1175 = arith.constant 1 : i32
      %select_n3A_1176 = arith.constant 0 : i32
      %select_n3A_1177 = arith.select %eq3A_1174, %select_n3A_1176, %select_n3A_1175 : i32
      %slice3A_1178 = vector.extract_strided_slice %get3A_899 {offsets = [9], sizes = [1], strides = [1]} : vector<16xi32> to vector<1xi32>
      %squeeze3A_1179 = vector.extract %slice3A_1178[0] : i32 from vector<1xi32>
      %slice3A_1180 = vector.extract_strided_slice %get3A_901 {offsets = [9], sizes = [1], strides = [1]} : vector<16xi32> to vector<1xi32>
      %squeeze3A_1181 = vector.extract %slice3A_1180[0] : i32 from vector<1xi32>
      %shift_right_arithmetic3A_1182 = arith.constant 7 : i32
      %shift_right_arithmetic3A_1183 = arith.shrsi %squeeze3A_1179, %shift_right_arithmetic3A_1182 : i32
      %mul3A_1184 = arith.constant 128 : i32
      %mul3A_1185 = arith.muli %shift_right_arithmetic3A_1183, %mul3A_1184 : i32
      %add3A_1186 = arith.addi %mul3A_1185, %select_n3A_1177 : i32
      %multiple_of3A_1187 = tpu.assume_multiple %add3A_1186, 128 : i32
      %shift_right_arithmetic3A_1188 = arith.constant 7 : i32
      %shift_right_arithmetic3A_1189 = arith.shrsi %squeeze3A_1181, %shift_right_arithmetic3A_1188 : i32
      %mul3A_1190 = arith.constant 128 : i32
      %mul3A_1191 = arith.muli %shift_right_arithmetic3A_1189, %mul3A_1190 : i32
      %add3A_1192 = arith.addi %mul3A_1191, %select_n3A_1177 : i32
      %multiple_of3A_1193 = tpu.assume_multiple %add3A_1192, 128 : i32
      %dma_start3A_1194 = arith.constant 1 : i32
      %dma_start3A_1195 = arith.constant 1 : i32
      %dma_start3A_1196 = arith.constant 0 : i32
      %dma_start3A_1197 = arith.constant 0 : i32
      %dma_start3A_1198 = arith.constant 0 : i32
      %dma_start3A_1199 = tpu.memref_slice %arg9[%dma_start3A_1194, %dma_start3A_1196, %dma_start3A_1197, %dma_start3A_1198] : memref<8x4x8x128xf32, #tpu.memory_space<vmem>> -> memref<1x4x8x128xf32, #tpu.memory_space<vmem>>
      %dma_start3A_1200 = tpu.memref_squeeze %dma_start3A_1199 : memref<1x4x8x128xf32, #tpu.memory_space<vmem>> -> memref<4x8x128xf32, #tpu.memory_space<vmem>>
      %dma_start3A_1201 = arith.constant 0 : i32
      %dma_start3A_1202 = arith.constant 0 : i32
      %dma_start3A_1203 = tpu.memref_slice %arg4[%dma_start3A_1201, %dma_start3A_1202, %multiple_of3A_1187] : memref<4x8x1000000xf32, #tpu.memory_space<hbm>> -> memref<4x8x128xf32, #tpu.memory_space<hbm>>
      %dma_start3A_1204 = tpu.memref_slice %arg13[%dma_start3A_1195] : memref<8x!tpu.dma_semaphore, #tpu.memory_space<semaphore_mem>> -> memref<1x!tpu.dma_semaphore, #tpu.memory_space<semaphore_mem>>
      %dma_start3A_1205 = tpu.memref_squeeze %dma_start3A_1204 : memref<1x!tpu.dma_semaphore, #tpu.memory_space<semaphore_mem>> -> memref<!tpu.dma_semaphore, #tpu.memory_space<semaphore_mem>>
      %dma_start3A_1206 = arith.constant 0 : i32
      %dma_start3A_1207 = arith.constant 0 : i32
      %dma_start3A_1208 = arith.constant 0 : i32
      %dma_start3A_1209 = tpu.memref_slice %arg9[%dma_start3A_1194, %dma_start3A_1206, %dma_start3A_1207, %dma_start3A_1208] : memref<8x4x8x128xf32, #tpu.memory_space<vmem>> -> memref<1x4x8x128xf32, #tpu.memory_space<vmem>>
      %dma_start3A_1210 = tpu.memref_squeeze %dma_start3A_1209 : memref<1x4x8x128xf32, #tpu.memory_space<vmem>> -> memref<4x8x128xf32, #tpu.memory_space<vmem>>
      %dma_start3A_1211 = arith.constant 0 : i32
      %dma_start3A_1212 = arith.constant 0 : i32
      %dma_start3A_1213 = tpu.memref_slice %arg4[%dma_start3A_1211, %dma_start3A_1212, %multiple_of3A_1187] : memref<4x8x1000000xf32, #tpu.memory_space<hbm>> -> memref<4x8x128xf32, #tpu.memory_space<hbm>>
      tpu.enqueue_dma source(%dma_start3A_1213 : memref<4x8x128xf32, #tpu.memory_space<hbm>>) target(%dma_start3A_1210 : memref<4x8x128xf32, #tpu.memory_space<vmem>>) target_semaphore(%dma_start3A_1205 : memref<!tpu.dma_semaphore, #tpu.memory_space<semaphore_mem>>)
      %dma_start3A_1214 = arith.constant 1 : i32
      %dma_start3A_1215 = arith.constant 1 : i32
      %dma_start3A_1216 = arith.constant 0 : i32
      %dma_start3A_1217 = arith.constant 0 : i32
      %dma_start3A_1218 = arith.constant 0 : i32
      %dma_start3A_1219 = tpu.memref_slice %arg10[%dma_start3A_1214, %dma_start3A_1216, %dma_start3A_1217, %dma_start3A_1218] : memref<8x4x8x128xf32, #tpu.memory_space<vmem>> -> memref<1x4x8x128xf32, #tpu.memory_space<vmem>>
      %dma_start3A_1220 = tpu.memref_squeeze %dma_start3A_1219 : memref<1x4x8x128xf32, #tpu.memory_space<vmem>> -> memref<4x8x128xf32, #tpu.memory_space<vmem>>
      %dma_start3A_1221 = arith.constant 0 : i32
      %dma_start3A_1222 = arith.constant 0 : i32
      %dma_start3A_1223 = tpu.memref_slice %arg5[%dma_start3A_1221, %dma_start3A_1222, %multiple_of3A_1193] : memref<4x8x1000000xf32, #tpu.memory_space<hbm>> -> memref<4x8x128xf32, #tpu.memory_space<hbm>>
      %dma_start3A_1224 = tpu.memref_slice %arg14[%dma_start3A_1215] : memref<8x!tpu.dma_semaphore, #tpu.memory_space<semaphore_mem>> -> memref<1x!tpu.dma_semaphore, #tpu.memory_space<semaphore_mem>>
      %dma_start3A_1225 = tpu.memref_squeeze %dma_start3A_1224 : memref<1x!tpu.dma_semaphore, #tpu.memory_space<semaphore_mem>> -> memref<!tpu.dma_semaphore, #tpu.memory_space<semaphore_mem>>
      %dma_start3A_1226 = arith.constant 0 : i32
      %dma_start3A_1227 = arith.constant 0 : i32
      %dma_start3A_1228 = arith.constant 0 : i32
      %dma_start3A_1229 = tpu.memref_slice %arg10[%dma_start3A_1214, %dma_start3A_1226, %dma_start3A_1227, %dma_start3A_1228] : memref<8x4x8x128xf32, #tpu.memory_space<vmem>> -> memref<1x4x8x128xf32, #tpu.memory_space<vmem>>
      %dma_start3A_1230 = tpu.memref_squeeze %dma_start3A_1229 : memref<1x4x8x128xf32, #tpu.memory_space<vmem>> -> memref<4x8x128xf32, #tpu.memory_space<vmem>>
      %dma_start3A_1231 = arith.constant 0 : i32
      %dma_start3A_1232 = arith.constant 0 : i32
      %dma_start3A_1233 = tpu.memref_slice %arg5[%dma_start3A_1231, %dma_start3A_1232, %multiple_of3A_1193] : memref<4x8x1000000xf32, #tpu.memory_space<hbm>> -> memref<4x8x128xf32, #tpu.memory_space<hbm>>
      tpu.enqueue_dma source(%dma_start3A_1233 : memref<4x8x128xf32, #tpu.memory_space<hbm>>) target(%dma_start3A_1230 : memref<4x8x128xf32, #tpu.memory_space<vmem>>) target_semaphore(%dma_start3A_1225 : memref<!tpu.dma_semaphore, #tpu.memory_space<semaphore_mem>>)
      %dma_wait3A_1234 = arith.constant 2 : i32
      %dma_wait3A_1235 = arith.constant 2 : i32
      %dma_wait3A_1236 = arith.constant 0 : i32
      %dma_wait3A_1237 = arith.constant 0 : i32
      %dma_wait3A_1238 = arith.constant 0 : i32
      %dma_wait3A_1239 = tpu.memref_slice %arg9[%dma_wait3A_1234, %dma_wait3A_1236, %dma_wait3A_1237, %dma_wait3A_1238] : memref<8x4x8x128xf32, #tpu.memory_space<vmem>> -> memref<1x4x8x128xf32, #tpu.memory_space<vmem>>
      %dma_wait3A_1240 = tpu.memref_squeeze %dma_wait3A_1239 : memref<1x4x8x128xf32, #tpu.memory_space<vmem>> -> memref<4x8x128xf32, #tpu.memory_space<vmem>>
      %dma_wait3A_1241 = arith.constant 0 : i32
      %dma_wait3A_1242 = arith.constant 0 : i32
      %dma_wait3A_1243 = arith.constant 0 : i32
      %dma_wait3A_1244 = tpu.memref_slice %arg4[%dma_wait3A_1241, %dma_wait3A_1242, %dma_wait3A_1243] : memref<4x8x1000000xf32, #tpu.memory_space<hbm>> -> memref<4x8x128xf32, #tpu.memory_space<hbm>>
      %dma_wait3A_1245 = tpu.memref_slice %arg13[%dma_wait3A_1235] : memref<8x!tpu.dma_semaphore, #tpu.memory_space<semaphore_mem>> -> memref<1x!tpu.dma_semaphore, #tpu.memory_space<semaphore_mem>>
      %dma_wait3A_1246 = tpu.memref_squeeze %dma_wait3A_1245 : memref<1x!tpu.dma_semaphore, #tpu.memory_space<semaphore_mem>> -> memref<!tpu.dma_semaphore, #tpu.memory_space<semaphore_mem>>
      %dma_wait3A_1247 = arith.constant 0 : i32
      %dma_wait3A_1248 = arith.constant 0 : i32
      %dma_wait3A_1249 = arith.constant 0 : i32
      %dma_wait3A_1250 = tpu.memref_slice %arg9[%dma_wait3A_1234, %dma_wait3A_1247, %dma_wait3A_1248, %dma_wait3A_1249] : memref<8x4x8x128xf32, #tpu.memory_space<vmem>> -> memref<1x4x8x128xf32, #tpu.memory_space<vmem>>
      %dma_wait3A_1251 = tpu.memref_squeeze %dma_wait3A_1250 : memref<1x4x8x128xf32, #tpu.memory_space<vmem>> -> memref<4x8x128xf32, #tpu.memory_space<vmem>>
      %dma_wait3A_1252 = arith.constant 0 : i32
      %dma_wait3A_1253 = arith.constant 0 : i32
      %dma_wait3A_1254 = arith.constant 0 : i32
      %dma_wait3A_1255 = tpu.memref_slice %arg4[%dma_wait3A_1252, %dma_wait3A_1253, %dma_wait3A_1254] : memref<4x8x1000000xf32, #tpu.memory_space<hbm>> -> memref<4x8x128xf32, #tpu.memory_space<hbm>>
      tpu.wait_dma2 semaphore(%dma_wait3A_1246 : memref<!tpu.dma_semaphore, #tpu.memory_space<semaphore_mem>>) src(%dma_wait3A_1255 : memref<4x8x128xf32, #tpu.memory_space<hbm>>) dst(%dma_wait3A_1251 : memref<4x8x128xf32, #tpu.memory_space<vmem>>)
      %dma_wait3A_1256 = arith.constant 2 : i32
      %dma_wait3A_1257 = arith.constant 2 : i32
      %dma_wait3A_1258 = arith.constant 0 : i32
      %dma_wait3A_1259 = arith.constant 0 : i32
      %dma_wait3A_1260 = arith.constant 0 : i32
      %dma_wait3A_1261 = tpu.memref_slice %arg10[%dma_wait3A_1256, %dma_wait3A_1258, %dma_wait3A_1259, %dma_wait3A_1260] : memref<8x4x8x128xf32, #tpu.memory_space<vmem>> -> memref<1x4x8x128xf32, #tpu.memory_space<vmem>>
      %dma_wait3A_1262 = tpu.memref_squeeze %dma_wait3A_1261 : memref<1x4x8x128xf32, #tpu.memory_space<vmem>> -> memref<4x8x128xf32, #tpu.memory_space<vmem>>
      %dma_wait3A_1263 = arith.constant 0 : i32
      %dma_wait3A_1264 = arith.constant 0 : i32
      %dma_wait3A_1265 = arith.constant 0 : i32
      %dma_wait3A_1266 = tpu.memref_slice %arg5[%dma_wait3A_1263, %dma_wait3A_1264, %dma_wait3A_1265] : memref<4x8x1000000xf32, #tpu.memory_space<hbm>> -> memref<4x8x128xf32, #tpu.memory_space<hbm>>
      %dma_wait3A_1267 = tpu.memref_slice %arg14[%dma_wait3A_1257] : memref<8x!tpu.dma_semaphore, #tpu.memory_space<semaphore_mem>> -> memref<1x!tpu.dma_semaphore, #tpu.memory_space<semaphore_mem>>
      %dma_wait3A_1268 = tpu.memref_squeeze %dma_wait3A_1267 : memref<1x!tpu.dma_semaphore, #tpu.memory_space<semaphore_mem>> -> memref<!tpu.dma_semaphore, #tpu.memory_space<semaphore_mem>>
      %dma_wait3A_1269 = arith.constant 0 : i32
      %dma_wait3A_1270 = arith.constant 0 : i32
      %dma_wait3A_1271 = arith.constant 0 : i32
      %dma_wait3A_1272 = tpu.memref_slice %arg10[%dma_wait3A_1256, %dma_wait3A_1269, %dma_wait3A_1270, %dma_wait3A_1271] : memref<8x4x8x128xf32, #tpu.memory_space<vmem>> -> memref<1x4x8x128xf32, #tpu.memory_space<vmem>>
      %dma_wait3A_1273 = tpu.memref_squeeze %dma_wait3A_1272 : memref<1x4x8x128xf32, #tpu.memory_space<vmem>> -> memref<4x8x128xf32, #tpu.memory_space<vmem>>
      %dma_wait3A_1274 = arith.constant 0 : i32
      %dma_wait3A_1275 = arith.constant 0 : i32
      %dma_wait3A_1276 = arith.constant 0 : i32
      %dma_wait3A_1277 = tpu.memref_slice %arg5[%dma_wait3A_1274, %dma_wait3A_1275, %dma_wait3A_1276] : memref<4x8x1000000xf32, #tpu.memory_space<hbm>> -> memref<4x8x128xf32, #tpu.memory_space<hbm>>
      tpu.wait_dma2 semaphore(%dma_wait3A_1268 : memref<!tpu.dma_semaphore, #tpu.memory_space<semaphore_mem>>) src(%dma_wait3A_1277 : memref<4x8x128xf32, #tpu.memory_space<hbm>>) dst(%dma_wait3A_1273 : memref<4x8x128xf32, #tpu.memory_space<vmem>>)
      %slice3A_1278 = vector.extract_strided_slice %get3A_899 {offsets = [2], sizes = [1], strides = [1]} : vector<16xi32> to vector<1xi32>
      %squeeze3A_1279 = vector.extract %slice3A_1278[0] : i32 from vector<1xi32>
      %and3A_1280 = arith.constant 127 : i32
      %and3A_1281 = arith.andi %squeeze3A_1279, %and3A_1280 : i32
      %slice3A_1282 = vector.extract_strided_slice %get3A_901 {offsets = [2], sizes = [1], strides = [1]} : vector<16xi32> to vector<1xi32>
      %squeeze3A_1283 = vector.extract %slice3A_1282[0] : i32 from vector<1xi32>
      %and3A_1284 = arith.constant 127 : i32
      %and3A_1285 = arith.andi %squeeze3A_1283, %and3A_1284 : i32
      %broadcast_in_dim3A_1286 = arith.constant 0 : i32
      %broadcast_in_dim3A_1287 = vector.broadcast %broadcast_in_dim3A_1286 : i32 to vector<16xi32>
      %add3A_1288 = vector.broadcast %and3A_1281 : i32 to vector<16xi32>
      %add3A_1289 = arith.addi %broadcast_in_dim3A_1287, %add3A_1288 : vector<16xi32>
      %broadcast_in_dim3A_1290 = arith.constant 0 : i32
      %broadcast_in_dim3A_1291 = vector.broadcast %broadcast_in_dim3A_1290 : i32 to vector<16xi32>
      %add3A_1292 = vector.broadcast %and3A_1285 : i32 to vector<16xi32>
      %add3A_1293 = arith.addi %broadcast_in_dim3A_1291, %add3A_1292 : vector<16xi32>
      %gather3A_1294 = arith.constant 2 : i32
      %gather3A_1295 = arith.constant 0 : i32
      %gather3A_1296 = arith.constant 0 : i32
      %gather3A_1297 = arith.constant 0 : i32
      %gather3A_1298 = tpu.memref_slice %arg9[%gather3A_1294, %gather3A_1295, %gather3A_1296, %gather3A_1297] : memref<8x4x8x128xf32, #tpu.memory_space<vmem>> -> memref<1x4x8x128xf32, #tpu.memory_space<vmem>>
      %gather3A_1299 = tpu.memref_squeeze %gather3A_1298 : memref<1x4x8x128xf32, #tpu.memory_space<vmem>> -> memref<4x8x128xf32, #tpu.memory_space<vmem>>
      %gather3A_1300 = tpu.vector_load_idx %gather3A_1299[%select_n3A, %select_n3A_64, %add3A_1289] : memref<4x8x128xf32, #tpu.memory_space<vmem>>[vector<16xi32>, vector<16xi32>, vector<16xi32>], vector<16xf32>,
      %gather3A_1301 = arith.constant 2 : i32
      %gather3A_1302 = arith.constant 0 : i32
      %gather3A_1303 = arith.constant 0 : i32
      %gather3A_1304 = arith.constant 0 : i32
      %gather3A_1305 = tpu.memref_slice %arg9[%gather3A_1301, %gather3A_1302, %gather3A_1303, %gather3A_1304] : memref<8x4x8x128xf32, #tpu.memory_space<vmem>> -> memref<1x4x8x128xf32, #tpu.memory_space<vmem>>
      %gather3A_1306 = tpu.memref_squeeze %gather3A_1305 : memref<1x4x8x128xf32, #tpu.memory_space<vmem>> -> memref<4x8x128xf32, #tpu.memory_space<vmem>>
      %gather3A_1307 = tpu.vector_load_idx %gather3A_1306[%add3A_44, %select_n3A_64, %add3A_1289] : memref<4x8x128xf32, #tpu.memory_space<vmem>>[vector<16xi32>, vector<16xi32>, vector<16xi32>], vector<16xf32>,
      %gather3A_1308 = arith.constant 2 : i32
      %gather3A_1309 = arith.constant 0 : i32
      %gather3A_1310 = arith.constant 0 : i32
      %gather3A_1311 = arith.constant 0 : i32
      %gather3A_1312 = tpu.memref_slice %arg10[%gather3A_1308, %gather3A_1309, %gather3A_1310, %gather3A_1311] : memref<8x4x8x128xf32, #tpu.memory_space<vmem>> -> memref<1x4x8x128xf32, #tpu.memory_space<vmem>>
      %gather3A_1313 = tpu.memref_squeeze %gather3A_1312 : memref<1x4x8x128xf32, #tpu.memory_space<vmem>> -> memref<4x8x128xf32, #tpu.memory_space<vmem>>
      %gather3A_1314 = tpu.vector_load_idx %gather3A_1313[%select_n3A, %select_n3A_64, %add3A_1293] : memref<4x8x128xf32, #tpu.memory_space<vmem>>[vector<16xi32>, vector<16xi32>, vector<16xi32>], vector<16xf32>,
      %gather3A_1315 = arith.constant 2 : i32
      %gather3A_1316 = arith.constant 0 : i32
      %gather3A_1317 = arith.constant 0 : i32
      %gather3A_1318 = arith.constant 0 : i32
      %gather3A_1319 = tpu.memref_slice %arg10[%gather3A_1315, %gather3A_1316, %gather3A_1317, %gather3A_1318] : memref<8x4x8x128xf32, #tpu.memory_space<vmem>> -> memref<1x4x8x128xf32, #tpu.memory_space<vmem>>
      %gather3A_1320 = tpu.memref_squeeze %gather3A_1319 : memref<1x4x8x128xf32, #tpu.memory_space<vmem>> -> memref<4x8x128xf32, #tpu.memory_space<vmem>>
      %gather3A_1321 = tpu.vector_load_idx %gather3A_1320[%add3A_44, %select_n3A_64, %add3A_1293] : memref<4x8x128xf32, #tpu.memory_space<vmem>>[vector<16xi32>, vector<16xi32>, vector<16xi32>], vector<16xf32>,
      %mul3A_1322 = arith.constant 16 : i32
      %mul3A_1323 = arith.muli %scan3A_894, %mul3A_1322 : i32
      %add3A_1324 = arith.constant 2 : i32
      %add3A_1325 = arith.addi %mul3A_1323, %add3A_1324 : i32
      %mul3A_1326 = arith.constant 16 : i32
      %mul3A_1327 = arith.muli %add3A_1325, %mul3A_1326 : i32
      %mul3A_1328 = arith.mulf %gather3A_1300, %gather3A_1314 : vector<16xf32>
      %mul3A_1329 = arith.mulf %gather3A_1307, %gather3A_1321 : vector<16xf32>
      %add3A_1330 = arith.addf %mul3A_1328, %mul3A_1329 : vector<16xf32>
      %swap3A_1331 = arith.index_cast %mul3A_1327 : i32 to index
      %swap3A_1332 = tpu.vector_load %arg11[%swap3A_1331] {strides = array<i32>} : memref<8192xf32, #tpu.memory_space<vmem>>, vector<16xf32>,
      tpu.vector_store %arg11[%swap3A_1331], %add3A_1330 {strides = array<i32>} : memref<8192xf32, #tpu.memory_space<vmem>>, vector<16xf32>,
      %get3A_1333 = arith.index_cast %mul3A_1327 : i32 to index
      %get3A_1334 = tpu.vector_load %arg11[%get3A_1333] {strides = array<i32>} : memref<8192xf32, #tpu.memory_space<vmem>>, vector<16xf32>,
      %slice3A_1335 = vector.extract_strided_slice %get3A_1334 {offsets = [0], sizes = [1], strides = [1]} : vector<16xf32> to vector<1xf32>
      %squeeze3A_1336 = vector.extract %slice3A_1335[0] : f32 from vector<1xf32>
      %eq3A_1337 = arith.cmpf oeq, %squeeze3A_1336, %squeeze3A_1336 : f32
      %select_n3A_1338 = arith.constant 1 : i32
      %select_n3A_1339 = arith.constant 0 : i32
      %select_n3A_1340 = arith.select %eq3A_1337, %select_n3A_1339, %select_n3A_1338 : i32
      %slice3A_1341 = vector.extract_strided_slice %get3A_899 {offsets = [10], sizes = [1], strides = [1]} : vector<16xi32> to vector<1xi32>
      %squeeze3A_1342 = vector.extract %slice3A_1341[0] : i32 from vector<1xi32>
      %slice3A_1343 = vector.extract_strided_slice %get3A_901 {offsets = [10], sizes = [1], strides = [1]} : vector<16xi32> to vector<1xi32>
      %squeeze3A_1344 = vector.extract %slice3A_1343[0] : i32 from vector<1xi32>
      %shift_right_arithmetic3A_1345 = arith.constant 7 : i32
      %shift_right_arithmetic3A_1346 = arith.shrsi %squeeze3A_1342, %shift_right_arithmetic3A_1345 : i32
      %mul3A_1347 = arith.constant 128 : i32
      %mul3A_1348 = arith.muli %shift_right_arithmetic3A_1346, %mul3A_1347 : i32
      %add3A_1349 = arith.addi %mul3A_1348, %select_n3A_1340 : i32
      %multiple_of3A_1350 = tpu.assume_multiple %add3A_1349, 128 : i32
      %shift_right_arithmetic3A_1351 = arith.constant 7 : i32
      %shift_right_arithmetic3A_1352 = arith.shrsi %squeeze3A_1344, %shift_right_arithmetic3A_1351 : i32
      %mul3A_1353 = arith.constant 128 : i32
      %mul3A_1354 = arith.muli %shift_right_arithmetic3A_1352, %mul3A_1353 : i32
      %add3A_1355 = arith.addi %mul3A_1354, %select_n3A_1340 : i32
      %multiple_of3A_1356 = tpu.assume_multiple %add3A_1355, 128 : i32
      %dma_start3A_1357 = arith.constant 2 : i32
      %dma_start3A_1358 = arith.constant 2 : i32
      %dma_start3A_1359 = arith.constant 0 : i32
      %dma_start3A_1360 = arith.constant 0 : i32
      %dma_start3A_1361 = arith.constant 0 : i32
      %dma_start3A_1362 = tpu.memref_slice %arg9[%dma_start3A_1357, %dma_start3A_1359, %dma_start3A_1360, %dma_start3A_1361] : memref<8x4x8x128xf32, #tpu.memory_space<vmem>> -> memref<1x4x8x128xf32, #tpu.memory_space<vmem>>
      %dma_start3A_1363 = tpu.memref_squeeze %dma_start3A_1362 : memref<1x4x8x128xf32, #tpu.memory_space<vmem>> -> memref<4x8x128xf32, #tpu.memory_space<vmem>>
      %dma_start3A_1364 = arith.constant 0 : i32
      %dma_start3A_1365 = arith.constant 0 : i32
      %dma_start3A_1366 = tpu.memref_slice %arg4[%dma_start3A_1364, %dma_start3A_1365, %multiple_of3A_1350] : memref<4x8x1000000xf32, #tpu.memory_space<hbm>> -> memref<4x8x128xf32, #tpu.memory_space<hbm>>
      %dma_start3A_1367 = tpu.memref_slice %arg13[%dma_start3A_1358] : memref<8x!tpu.dma_semaphore, #tpu.memory_space<semaphore_mem>> -> memref<1x!tpu.dma_semaphore, #tpu.memory_space<semaphore_mem>>
      %dma_start3A_1368 = tpu.memref_squeeze %dma_start3A_1367 : memref<1x!tpu.dma_semaphore, #tpu.memory_space<semaphore_mem>> -> memref<!tpu.dma_semaphore, #tpu.memory_space<semaphore_mem>>
      %dma_start3A_1369 = arith.constant 0 : i32
      %dma_start3A_1370 = arith.constant 0 : i32
      %dma_start3A_1371 = arith.constant 0 : i32
      %dma_start3A_1372 = tpu.memref_slice %arg9[%dma_start3A_1357, %dma_start3A_1369, %dma_start3A_1370, %dma_start3A_1371] : memref<8x4x8x128xf32, #tpu.memory_space<vmem>> -> memref<1x4x8x128xf32, #tpu.memory_space<vmem>>
      %dma_start3A_1373 = tpu.memref_squeeze %dma_start3A_1372 : memref<1x4x8x128xf32, #tpu.memory_space<vmem>> -> memref<4x8x128xf32, #tpu.memory_space<vmem>>
      %dma_start3A_1374 = arith.constant 0 : i32
      %dma_start3A_1375 = arith.constant 0 : i32
      %dma_start3A_1376 = tpu.memref_slice %arg4[%dma_start3A_1374, %dma_start3A_1375, %multiple_of3A_1350] : memref<4x8x1000000xf32, #tpu.memory_space<hbm>> -> memref<4x8x128xf32, #tpu.memory_space<hbm>>
      tpu.enqueue_dma source(%dma_start3A_1376 : memref<4x8x128xf32, #tpu.memory_space<hbm>>) target(%dma_start3A_1373 : memref<4x8x128xf32, #tpu.memory_space<vmem>>) target_semaphore(%dma_start3A_1368 : memref<!tpu.dma_semaphore, #tpu.memory_space<semaphore_mem>>)
      %dma_start3A_1377 = arith.constant 2 : i32
      %dma_start3A_1378 = arith.constant 2 : i32
      %dma_start3A_1379 = arith.constant 0 : i32
      %dma_start3A_1380 = arith.constant 0 : i32
      %dma_start3A_1381 = arith.constant 0 : i32
      %dma_start3A_1382 = tpu.memref_slice %arg10[%dma_start3A_1377, %dma_start3A_1379, %dma_start3A_1380, %dma_start3A_1381] : memref<8x4x8x128xf32, #tpu.memory_space<vmem>> -> memref<1x4x8x128xf32, #tpu.memory_space<vmem>>
      %dma_start3A_1383 = tpu.memref_squeeze %dma_start3A_1382 : memref<1x4x8x128xf32, #tpu.memory_space<vmem>> -> memref<4x8x128xf32, #tpu.memory_space<vmem>>
      %dma_start3A_1384 = arith.constant 0 : i32
      %dma_start3A_1385 = arith.constant 0 : i32
      %dma_start3A_1386 = tpu.memref_slice %arg5[%dma_start3A_1384, %dma_start3A_1385, %multiple_of3A_1356] : memref<4x8x1000000xf32, #tpu.memory_space<hbm>> -> memref<4x8x128xf32, #tpu.memory_space<hbm>>
      %dma_start3A_1387 = tpu.memref_slice %arg14[%dma_start3A_1378] : memref<8x!tpu.dma_semaphore, #tpu.memory_space<semaphore_mem>> -> memref<1x!tpu.dma_semaphore, #tpu.memory_space<semaphore_mem>>
      %dma_start3A_1388 = tpu.memref_squeeze %dma_start3A_1387 : memref<1x!tpu.dma_semaphore, #tpu.memory_space<semaphore_mem>> -> memref<!tpu.dma_semaphore, #tpu.memory_space<semaphore_mem>>
      %dma_start3A_1389 = arith.constant 0 : i32
      %dma_start3A_1390 = arith.constant 0 : i32
      %dma_start3A_1391 = arith.constant 0 : i32
      %dma_start3A_1392 = tpu.memref_slice %arg10[%dma_start3A_1377, %dma_start3A_1389, %dma_start3A_1390, %dma_start3A_1391] : memref<8x4x8x128xf32, #tpu.memory_space<vmem>> -> memref<1x4x8x128xf32, #tpu.memory_space<vmem>>
      %dma_start3A_1393 = tpu.memref_squeeze %dma_start3A_1392 : memref<1x4x8x128xf32, #tpu.memory_space<vmem>> -> memref<4x8x128xf32, #tpu.memory_space<vmem>>
      %dma_start3A_1394 = arith.constant 0 : i32
      %dma_start3A_1395 = arith.constant 0 : i32
      %dma_start3A_1396 = tpu.memref_slice %arg5[%dma_start3A_1394, %dma_start3A_1395, %multiple_of3A_1356] : memref<4x8x1000000xf32, #tpu.memory_space<hbm>> -> memref<4x8x128xf32, #tpu.memory_space<hbm>>
      tpu.enqueue_dma source(%dma_start3A_1396 : memref<4x8x128xf32, #tpu.memory_space<hbm>>) target(%dma_start3A_1393 : memref<4x8x128xf32, #tpu.memory_space<vmem>>) target_semaphore(%dma_start3A_1388 : memref<!tpu.dma_semaphore, #tpu.memory_space<semaphore_mem>>)
      %dma_wait3A_1397 = arith.constant 3 : i32
      %dma_wait3A_1398 = arith.constant 3 : i32
      %dma_wait3A_1399 = arith.constant 0 : i32
      %dma_wait3A_1400 = arith.constant 0 : i32
      %dma_wait3A_1401 = arith.constant 0 : i32
      %dma_wait3A_1402 = tpu.memref_slice %arg9[%dma_wait3A_1397, %dma_wait3A_1399, %dma_wait3A_1400, %dma_wait3A_1401] : memref<8x4x8x128xf32, #tpu.memory_space<vmem>> -> memref<1x4x8x128xf32, #tpu.memory_space<vmem>>
      %dma_wait3A_1403 = tpu.memref_squeeze %dma_wait3A_1402 : memref<1x4x8x128xf32, #tpu.memory_space<vmem>> -> memref<4x8x128xf32, #tpu.memory_space<vmem>>
      %dma_wait3A_1404 = arith.constant 0 : i32
      %dma_wait3A_1405 = arith.constant 0 : i32
      %dma_wait3A_1406 = arith.constant 0 : i32
      %dma_wait3A_1407 = tpu.memref_slice %arg4[%dma_wait3A_1404, %dma_wait3A_1405, %dma_wait3A_1406] : memref<4x8x1000000xf32, #tpu.memory_space<hbm>> -> memref<4x8x128xf32, #tpu.memory_space<hbm>>
      %dma_wait3A_1408 = tpu.memref_slice %arg13[%dma_wait3A_1398] : memref<8x!tpu.dma_semaphore, #tpu.memory_space<semaphore_mem>> -> memref<1x!tpu.dma_semaphore, #tpu.memory_space<semaphore_mem>>
      %dma_wait3A_1409 = tpu.memref_squeeze %dma_wait3A_1408 : memref<1x!tpu.dma_semaphore, #tpu.memory_space<semaphore_mem>> -> memref<!tpu.dma_semaphore, #tpu.memory_space<semaphore_mem>>
      %dma_wait3A_1410 = arith.constant 0 : i32
      %dma_wait3A_1411 = arith.constant 0 : i32
      %dma_wait3A_1412 = arith.constant 0 : i32
      %dma_wait3A_1413 = tpu.memref_slice %arg9[%dma_wait3A_1397, %dma_wait3A_1410, %dma_wait3A_1411, %dma_wait3A_1412] : memref<8x4x8x128xf32, #tpu.memory_space<vmem>> -> memref<1x4x8x128xf32, #tpu.memory_space<vmem>>
      %dma_wait3A_1414 = tpu.memref_squeeze %dma_wait3A_1413 : memref<1x4x8x128xf32, #tpu.memory_space<vmem>> -> memref<4x8x128xf32, #tpu.memory_space<vmem>>
      %dma_wait3A_1415 = arith.constant 0 : i32
      %dma_wait3A_1416 = arith.constant 0 : i32
      %dma_wait3A_1417 = arith.constant 0 : i32
      %dma_wait3A_1418 = tpu.memref_slice %arg4[%dma_wait3A_1415, %dma_wait3A_1416, %dma_wait3A_1417] : memref<4x8x1000000xf32, #tpu.memory_space<hbm>> -> memref<4x8x128xf32, #tpu.memory_space<hbm>>
      tpu.wait_dma2 semaphore(%dma_wait3A_1409 : memref<!tpu.dma_semaphore, #tpu.memory_space<semaphore_mem>>) src(%dma_wait3A_1418 : memref<4x8x128xf32, #tpu.memory_space<hbm>>) dst(%dma_wait3A_1414 : memref<4x8x128xf32, #tpu.memory_space<vmem>>)
      %dma_wait3A_1419 = arith.constant 3 : i32
      %dma_wait3A_1420 = arith.constant 3 : i32
      %dma_wait3A_1421 = arith.constant 0 : i32
      %dma_wait3A_1422 = arith.constant 0 : i32
      %dma_wait3A_1423 = arith.constant 0 : i32
      %dma_wait3A_1424 = tpu.memref_slice %arg10[%dma_wait3A_1419, %dma_wait3A_1421, %dma_wait3A_1422, %dma_wait3A_1423] : memref<8x4x8x128xf32, #tpu.memory_space<vmem>> -> memref<1x4x8x128xf32, #tpu.memory_space<vmem>>
      %dma_wait3A_1425 = tpu.memref_squeeze %dma_wait3A_1424 : memref<1x4x8x128xf32, #tpu.memory_space<vmem>> -> memref<4x8x128xf32, #tpu.memory_space<vmem>>
      %dma_wait3A_1426 = arith.constant 0 : i32
      %dma_wait3A_1427 = arith.constant 0 : i32
      %dma_wait3A_1428 = arith.constant 0 : i32
      %dma_wait3A_1429 = tpu.memref_slice %arg5[%dma_wait3A_1426, %dma_wait3A_1427, %dma_wait3A_1428] : memref<4x8x1000000xf32, #tpu.memory_space<hbm>> -> memref<4x8x128xf32, #tpu.memory_space<hbm>>
      %dma_wait3A_1430 = tpu.memref_slice %arg14[%dma_wait3A_1420] : memref<8x!tpu.dma_semaphore, #tpu.memory_space<semaphore_mem>> -> memref<1x!tpu.dma_semaphore, #tpu.memory_space<semaphore_mem>>
      %dma_wait3A_1431 = tpu.memref_squeeze %dma_wait3A_1430 : memref<1x!tpu.dma_semaphore, #tpu.memory_space<semaphore_mem>> -> memref<!tpu.dma_semaphore, #tpu.memory_space<semaphore_mem>>
      %dma_wait3A_1432 = arith.constant 0 : i32
      %dma_wait3A_1433 = arith.constant 0 : i32
      %dma_wait3A_1434 = arith.constant 0 : i32
      %dma_wait3A_1435 = tpu.memref_slice %arg10[%dma_wait3A_1419, %dma_wait3A_1432, %dma_wait3A_1433, %dma_wait3A_1434] : memref<8x4x8x128xf32, #tpu.memory_space<vmem>> -> memref<1x4x8x128xf32, #tpu.memory_space<vmem>>
      %dma_wait3A_1436 = tpu.memref_squeeze %dma_wait3A_1435 : memref<1x4x8x128xf32, #tpu.memory_space<vmem>> -> memref<4x8x128xf32, #tpu.memory_space<vmem>>
      %dma_wait3A_1437 = arith.constant 0 : i32
      %dma_wait3A_1438 = arith.constant 0 : i32
      %dma_wait3A_1439 = arith.constant 0 : i32
      %dma_wait3A_1440 = tpu.memref_slice %arg5[%dma_wait3A_1437, %dma_wait3A_1438, %dma_wait3A_1439] : memref<4x8x1000000xf32, #tpu.memory_space<hbm>> -> memref<4x8x128xf32, #tpu.memory_space<hbm>>
      tpu.wait_dma2 semaphore(%dma_wait3A_1431 : memref<!tpu.dma_semaphore, #tpu.memory_space<semaphore_mem>>) src(%dma_wait3A_1440 : memref<4x8x128xf32, #tpu.memory_space<hbm>>) dst(%dma_wait3A_1436 : memref<4x8x128xf32, #tpu.memory_space<vmem>>)
      %slice3A_1441 = vector.extract_strided_slice %get3A_899 {offsets = [3], sizes = [1], strides = [1]} : vector<16xi32> to vector<1xi32>
      %squeeze3A_1442 = vector.extract %slice3A_1441[0] : i32 from vector<1xi32>
      %and3A_1443 = arith.constant 127 : i32
      %and3A_1444 = arith.andi %squeeze3A_1442, %and3A_1443 : i32
      %slice3A_1445 = vector.extract_strided_slice %get3A_901 {offsets = [3], sizes = [1], strides = [1]} : vector<16xi32> to vector<1xi32>
      %squeeze3A_1446 = vector.extract %slice3A_1445[0] : i32 from vector<1xi32>
      %and3A_1447 = arith.constant 127 : i32
      %and3A_1448 = arith.andi %squeeze3A_1446, %and3A_1447 : i32
      %broadcast_in_dim3A_1449 = arith.constant 0 : i32
      %broadcast_in_dim3A_1450 = vector.broadcast %broadcast_in_dim3A_1449 : i32 to vector<16xi32>
      %add3A_1451 = vector.broadcast %and3A_1444 : i32 to vector<16xi32>
      %add3A_1452 = arith.addi %broadcast_in_dim3A_1450, %add3A_1451 : vector<16xi32>
      %broadcast_in_dim3A_1453 = arith.constant 0 : i32
      %broadcast_in_dim3A_1454 = vector.broadcast %broadcast_in_dim3A_1453 : i32 to vector<16xi32>
      %add3A_1455 = vector.broadcast %and3A_1448 : i32 to vector<16xi32>
      %add3A_1456 = arith.addi %broadcast_in_dim3A_1454, %add3A_1455 : vector<16xi32>
      %gather3A_1457 = arith.constant 3 : i32
      %gather3A_1458 = arith.constant 0 : i32
      %gather3A_1459 = arith.constant 0 : i32
      %gather3A_1460 = arith.constant 0 : i32
      %gather3A_1461 = tpu.memref_slice %arg9[%gather3A_1457, %gather3A_1458, %gather3A_1459, %gather3A_1460] : memref<8x4x8x128xf32, #tpu.memory_space<vmem>> -> memref<1x4x8x128xf32, #tpu.memory_space<vmem>>
      %gather3A_1462 = tpu.memref_squeeze %gather3A_1461 : memref<1x4x8x128xf32, #tpu.memory_space<vmem>> -> memref<4x8x128xf32, #tpu.memory_space<vmem>>
      %gather3A_1463 = tpu.vector_load_idx %gather3A_1462[%select_n3A, %select_n3A_64, %add3A_1452] : memref<4x8x128xf32, #tpu.memory_space<vmem>>[vector<16xi32>, vector<16xi32>, vector<16xi32>], vector<16xf32>,
      %gather3A_1464 = arith.constant 3 : i32
      %gather3A_1465 = arith.constant 0 : i32
      %gather3A_1466 = arith.constant 0 : i32
      %gather3A_1467 = arith.constant 0 : i32
      %gather3A_1468 = tpu.memref_slice %arg9[%gather3A_1464, %gather3A_1465, %gather3A_1466, %gather3A_1467] : memref<8x4x8x128xf32, #tpu.memory_space<vmem>> -> memref<1x4x8x128xf32, #tpu.memory_space<vmem>>
      %gather3A_1469 = tpu.memref_squeeze %gather3A_1468 : memref<1x4x8x128xf32, #tpu.memory_space<vmem>> -> memref<4x8x128xf32, #tpu.memory_space<vmem>>
      %gather3A_1470 = tpu.vector_load_idx %gather3A_1469[%add3A_44, %select_n3A_64, %add3A_1452] : memref<4x8x128xf32, #tpu.memory_space<vmem>>[vector<16xi32>, vector<16xi32>, vector<16xi32>], vector<16xf32>,
      %gather3A_1471 = arith.constant 3 : i32
      %gather3A_1472 = arith.constant 0 : i32
      %gather3A_1473 = arith.constant 0 : i32
      %gather3A_1474 = arith.constant 0 : i32
      %gather3A_1475 = tpu.memref_slice %arg10[%gather3A_1471, %gather3A_1472, %gather3A_1473, %gather3A_1474] : memref<8x4x8x128xf32, #tpu.memory_space<vmem>> -> memref<1x4x8x128xf32, #tpu.memory_space<vmem>>
      %gather3A_1476 = tpu.memref_squeeze %gather3A_1475 : memref<1x4x8x128xf32, #tpu.memory_space<vmem>> -> memref<4x8x128xf32, #tpu.memory_space<vmem>>
      %gather3A_1477 = tpu.vector_load_idx %gather3A_1476[%select_n3A, %select_n3A_64, %add3A_1456] : memref<4x8x128xf32, #tpu.memory_space<vmem>>[vector<16xi32>, vector<16xi32>, vector<16xi32>], vector<16xf32>,
      %gather3A_1478 = arith.constant 3 : i32
      %gather3A_1479 = arith.constant 0 : i32
      %gather3A_1480 = arith.constant 0 : i32
      %gather3A_1481 = arith.constant 0 : i32
      %gather3A_1482 = tpu.memref_slice %arg10[%gather3A_1478, %gather3A_1479, %gather3A_1480, %gather3A_1481] : memref<8x4x8x128xf32, #tpu.memory_space<vmem>> -> memref<1x4x8x128xf32, #tpu.memory_space<vmem>>
      %gather3A_1483 = tpu.memref_squeeze %gather3A_1482 : memref<1x4x8x128xf32, #tpu.memory_space<vmem>> -> memref<4x8x128xf32, #tpu.memory_space<vmem>>
      %gather3A_1484 = tpu.vector_load_idx %gather3A_1483[%add3A_44, %select_n3A_64, %add3A_1456] : memref<4x8x128xf32, #tpu.memory_space<vmem>>[vector<16xi32>, vector<16xi32>, vector<16xi32>], vector<16xf32>,
      %mul3A_1485 = arith.constant 16 : i32
      %mul3A_1486 = arith.muli %scan3A_894, %mul3A_1485 : i32
      %add3A_1487 = arith.constant 3 : i32
      %add3A_1488 = arith.addi %mul3A_1486, %add3A_1487 : i32
      %mul3A_1489 = arith.constant 16 : i32
      %mul3A_1490 = arith.muli %add3A_1488, %mul3A_1489 : i32
      %mul3A_1491 = arith.mulf %gather3A_1463, %gather3A_1477 : vector<16xf32>
      %mul3A_1492 = arith.mulf %gather3A_1470, %gather3A_1484 : vector<16xf32>
      %add3A_1493 = arith.addf %mul3A_1491, %mul3A_1492 : vector<16xf32>
      %swap3A_1494 = arith.index_cast %mul3A_1490 : i32 to index
      %swap3A_1495 = tpu.vector_load %arg11[%swap3A_1494] {strides = array<i32>} : memref<8192xf32, #tpu.memory_space<vmem>>, vector<16xf32>,
      tpu.vector_store %arg11[%swap3A_1494], %add3A_1493 {strides = array<i32>} : memref<8192xf32, #tpu.memory_space<vmem>>, vector<16xf32>,
      %get3A_1496 = arith.index_cast %mul3A_1490 : i32 to index
      %get3A_1497 = tpu.vector_load %arg11[%get3A_1496] {strides = array<i32>} : memref<8192xf32, #tpu.memory_space<vmem>>, vector<16xf32>,
      %slice3A_1498 = vector.extract_strided_slice %get3A_1497 {offsets = [0], sizes = [1], strides = [1]} : vector<16xf32> to vector<1xf32>
      %squeeze3A_1499 = vector.extract %slice3A_1498[0] : f32 from vector<1xf32>
      %eq3A_1500 = arith.cmpf oeq, %squeeze3A_1499, %squeeze3A_1499 : f32
      %select_n3A_1501 = arith.constant 1 : i32
      %select_n3A_1502 = arith.constant 0 : i32
      %select_n3A_1503 = arith.select %eq3A_1500, %select_n3A_1502, %select_n3A_1501 : i32
      %slice3A_1504 = vector.extract_strided_slice %get3A_899 {offsets = [11], sizes = [1], strides = [1]} : vector<16xi32> to vector<1xi32>
      %squeeze3A_1505 = vector.extract %slice3A_1504[0] : i32 from vector<1xi32>
      %slice3A_1506 = vector.extract_strided_slice %get3A_901 {offsets = [11], sizes = [1], strides = [1]} : vector<16xi32> to vector<1xi32>
      %squeeze3A_1507 = vector.extract %slice3A_1506[0] : i32 from vector<1xi32>
      %shift_right_arithmetic3A_1508 = arith.constant 7 : i32
      %shift_right_arithmetic3A_1509 = arith.shrsi %squeeze3A_1505, %shift_right_arithmetic3A_1508 : i32
      %mul3A_1510 = arith.constant 128 : i32
      %mul3A_1511 = arith.muli %shift_right_arithmetic3A_1509, %mul3A_1510 : i32
      %add3A_1512 = arith.addi %mul3A_1511, %select_n3A_1503 : i32
      %multiple_of3A_1513 = tpu.assume_multiple %add3A_1512, 128 : i32
      %shift_right_arithmetic3A_1514 = arith.constant 7 : i32
      %shift_right_arithmetic3A_1515 = arith.shrsi %squeeze3A_1507, %shift_right_arithmetic3A_1514 : i32
      %mul3A_1516 = arith.constant 128 : i32
      %mul3A_1517 = arith.muli %shift_right_arithmetic3A_1515, %mul3A_1516 : i32
      %add3A_1518 = arith.addi %mul3A_1517, %select_n3A_1503 : i32
      %multiple_of3A_1519 = tpu.assume_multiple %add3A_1518, 128 : i32
      %dma_start3A_1520 = arith.constant 3 : i32
      %dma_start3A_1521 = arith.constant 3 : i32
      %dma_start3A_1522 = arith.constant 0 : i32
      %dma_start3A_1523 = arith.constant 0 : i32
      %dma_start3A_1524 = arith.constant 0 : i32
      %dma_start3A_1525 = tpu.memref_slice %arg9[%dma_start3A_1520, %dma_start3A_1522, %dma_start3A_1523, %dma_start3A_1524] : memref<8x4x8x128xf32, #tpu.memory_space<vmem>> -> memref<1x4x8x128xf32, #tpu.memory_space<vmem>>
      %dma_start3A_1526 = tpu.memref_squeeze %dma_start3A_1525 : memref<1x4x8x128xf32, #tpu.memory_space<vmem>> -> memref<4x8x128xf32, #tpu.memory_space<vmem>>
      %dma_start3A_1527 = arith.constant 0 : i32
      %dma_start3A_1528 = arith.constant 0 : i32
      %dma_start3A_1529 = tpu.memref_slice %arg4[%dma_start3A_1527, %dma_start3A_1528, %multiple_of3A_1513] : memref<4x8x1000000xf32, #tpu.memory_space<hbm>> -> memref<4x8x128xf32, #tpu.memory_space<hbm>>
      %dma_start3A_1530 = tpu.memref_slice %arg13[%dma_start3A_1521] : memref<8x!tpu.dma_semaphore, #tpu.memory_space<semaphore_mem>> -> memref<1x!tpu.dma_semaphore, #tpu.memory_space<semaphore_mem>>
      %dma_start3A_1531 = tpu.memref_squeeze %dma_start3A_1530 : memref<1x!tpu.dma_semaphore, #tpu.memory_space<semaphore_mem>> -> memref<!tpu.dma_semaphore, #tpu.memory_space<semaphore_mem>>
      %dma_start3A_1532 = arith.constant 0 : i32
      %dma_start3A_1533 = arith.constant 0 : i32
      %dma_start3A_1534 = arith.constant 0 : i32
      %dma_start3A_1535 = tpu.memref_slice %arg9[%dma_start3A_1520, %dma_start3A_1532, %dma_start3A_1533, %dma_start3A_1534] : memref<8x4x8x128xf32, #tpu.memory_space<vmem>> -> memref<1x4x8x128xf32, #tpu.memory_space<vmem>>
      %dma_start3A_1536 = tpu.memref_squeeze %dma_start3A_1535 : memref<1x4x8x128xf32, #tpu.memory_space<vmem>> -> memref<4x8x128xf32, #tpu.memory_space<vmem>>
      %dma_start3A_1537 = arith.constant 0 : i32
      %dma_start3A_1538 = arith.constant 0 : i32
      %dma_start3A_1539 = tpu.memref_slice %arg4[%dma_start3A_1537, %dma_start3A_1538, %multiple_of3A_1513] : memref<4x8x1000000xf32, #tpu.memory_space<hbm>> -> memref<4x8x128xf32, #tpu.memory_space<hbm>>
      tpu.enqueue_dma source(%dma_start3A_1539 : memref<4x8x128xf32, #tpu.memory_space<hbm>>) target(%dma_start3A_1536 : memref<4x8x128xf32, #tpu.memory_space<vmem>>) target_semaphore(%dma_start3A_1531 : memref<!tpu.dma_semaphore, #tpu.memory_space<semaphore_mem>>)
      %dma_start3A_1540 = arith.constant 3 : i32
      %dma_start3A_1541 = arith.constant 3 : i32
      %dma_start3A_1542 = arith.constant 0 : i32
      %dma_start3A_1543 = arith.constant 0 : i32
      %dma_start3A_1544 = arith.constant 0 : i32
      %dma_start3A_1545 = tpu.memref_slice %arg10[%dma_start3A_1540, %dma_start3A_1542, %dma_start3A_1543, %dma_start3A_1544] : memref<8x4x8x128xf32, #tpu.memory_space<vmem>> -> memref<1x4x8x128xf32, #tpu.memory_space<vmem>>
      %dma_start3A_1546 = tpu.memref_squeeze %dma_start3A_1545 : memref<1x4x8x128xf32, #tpu.memory_space<vmem>> -> memref<4x8x128xf32, #tpu.memory_space<vmem>>
      %dma_start3A_1547 = arith.constant 0 : i32
      %dma_start3A_1548 = arith.constant 0 : i32
      %dma_start3A_1549 = tpu.memref_slice %arg5[%dma_start3A_1547, %dma_start3A_1548, %multiple_of3A_1519] : memref<4x8x1000000xf32, #tpu.memory_space<hbm>> -> memref<4x8x128xf32, #tpu.memory_space<hbm>>
      %dma_start3A_1550 = tpu.memref_slice %arg14[%dma_start3A_1541] : memref<8x!tpu.dma_semaphore, #tpu.memory_space<semaphore_mem>> -> memref<1x!tpu.dma_semaphore, #tpu.memory_space<semaphore_mem>>
      %dma_start3A_1551 = tpu.memref_squeeze %dma_start3A_1550 : memref<1x!tpu.dma_semaphore, #tpu.memory_space<semaphore_mem>> -> memref<!tpu.dma_semaphore, #tpu.memory_space<semaphore_mem>>
      %dma_start3A_1552 = arith.constant 0 : i32
      %dma_start3A_1553 = arith.constant 0 : i32
      %dma_start3A_1554 = arith.constant 0 : i32
      %dma_start3A_1555 = tpu.memref_slice %arg10[%dma_start3A_1540, %dma_start3A_1552, %dma_start3A_1553, %dma_start3A_1554] : memref<8x4x8x128xf32, #tpu.memory_space<vmem>> -> memref<1x4x8x128xf32, #tpu.memory_space<vmem>>
      %dma_start3A_1556 = tpu.memref_squeeze %dma_start3A_1555 : memref<1x4x8x128xf32, #tpu.memory_space<vmem>> -> memref<4x8x128xf32, #tpu.memory_space<vmem>>
      %dma_start3A_1557 = arith.constant 0 : i32
      %dma_start3A_1558 = arith.constant 0 : i32
      %dma_start3A_1559 = tpu.memref_slice %arg5[%dma_start3A_1557, %dma_start3A_1558, %multiple_of3A_1519] : memref<4x8x1000000xf32, #tpu.memory_space<hbm>> -> memref<4x8x128xf32, #tpu.memory_space<hbm>>
      tpu.enqueue_dma source(%dma_start3A_1559 : memref<4x8x128xf32, #tpu.memory_space<hbm>>) target(%dma_start3A_1556 : memref<4x8x128xf32, #tpu.memory_space<vmem>>) target_semaphore(%dma_start3A_1551 : memref<!tpu.dma_semaphore, #tpu.memory_space<semaphore_mem>>)
      %dma_wait3A_1560 = arith.constant 4 : i32
      %dma_wait3A_1561 = arith.constant 4 : i32
      %dma_wait3A_1562 = arith.constant 0 : i32
      %dma_wait3A_1563 = arith.constant 0 : i32
      %dma_wait3A_1564 = arith.constant 0 : i32
      %dma_wait3A_1565 = tpu.memref_slice %arg9[%dma_wait3A_1560, %dma_wait3A_1562, %dma_wait3A_1563, %dma_wait3A_1564] : memref<8x4x8x128xf32, #tpu.memory_space<vmem>> -> memref<1x4x8x128xf32, #tpu.memory_space<vmem>>
      %dma_wait3A_1566 = tpu.memref_squeeze %dma_wait3A_1565 : memref<1x4x8x128xf32, #tpu.memory_space<vmem>> -> memref<4x8x128xf32, #tpu.memory_space<vmem>>
      %dma_wait3A_1567 = arith.constant 0 : i32
      %dma_wait3A_1568 = arith.constant 0 : i32
      %dma_wait3A_1569 = arith.constant 0 : i32
      %dma_wait3A_1570 = tpu.memref_slice %arg4[%dma_wait3A_1567, %dma_wait3A_1568, %dma_wait3A_1569] : memref<4x8x1000000xf32, #tpu.memory_space<hbm>> -> memref<4x8x128xf32, #tpu.memory_space<hbm>>
      %dma_wait3A_1571 = tpu.memref_slice %arg13[%dma_wait3A_1561] : memref<8x!tpu.dma_semaphore, #tpu.memory_space<semaphore_mem>> -> memref<1x!tpu.dma_semaphore, #tpu.memory_space<semaphore_mem>>
      %dma_wait3A_1572 = tpu.memref_squeeze %dma_wait3A_1571 : memref<1x!tpu.dma_semaphore, #tpu.memory_space<semaphore_mem>> -> memref<!tpu.dma_semaphore, #tpu.memory_space<semaphore_mem>>
      %dma_wait3A_1573 = arith.constant 0 : i32
      %dma_wait3A_1574 = arith.constant 0 : i32
      %dma_wait3A_1575 = arith.constant 0 : i32
      %dma_wait3A_1576 = tpu.memref_slice %arg9[%dma_wait3A_1560, %dma_wait3A_1573, %dma_wait3A_1574, %dma_wait3A_1575] : memref<8x4x8x128xf32, #tpu.memory_space<vmem>> -> memref<1x4x8x128xf32, #tpu.memory_space<vmem>>
      %dma_wait3A_1577 = tpu.memref_squeeze %dma_wait3A_1576 : memref<1x4x8x128xf32, #tpu.memory_space<vmem>> -> memref<4x8x128xf32, #tpu.memory_space<vmem>>
      %dma_wait3A_1578 = arith.constant 0 : i32
      %dma_wait3A_1579 = arith.constant 0 : i32
      %dma_wait3A_1580 = arith.constant 0 : i32
      %dma_wait3A_1581 = tpu.memref_slice %arg4[%dma_wait3A_1578, %dma_wait3A_1579, %dma_wait3A_1580] : memref<4x8x1000000xf32, #tpu.memory_space<hbm>> -> memref<4x8x128xf32, #tpu.memory_space<hbm>>
      tpu.wait_dma2 semaphore(%dma_wait3A_1572 : memref<!tpu.dma_semaphore, #tpu.memory_space<semaphore_mem>>) src(%dma_wait3A_1581 : memref<4x8x128xf32, #tpu.memory_space<hbm>>) dst(%dma_wait3A_1577 : memref<4x8x128xf32, #tpu.memory_space<vmem>>)
      %dma_wait3A_1582 = arith.constant 4 : i32
      %dma_wait3A_1583 = arith.constant 4 : i32
      %dma_wait3A_1584 = arith.constant 0 : i32
      %dma_wait3A_1585 = arith.constant 0 : i32
      %dma_wait3A_1586 = arith.constant 0 : i32
      %dma_wait3A_1587 = tpu.memref_slice %arg10[%dma_wait3A_1582, %dma_wait3A_1584, %dma_wait3A_1585, %dma_wait3A_1586] : memref<8x4x8x128xf32, #tpu.memory_space<vmem>> -> memref<1x4x8x128xf32, #tpu.memory_space<vmem>>
      %dma_wait3A_1588 = tpu.memref_squeeze %dma_wait3A_1587 : memref<1x4x8x128xf32, #tpu.memory_space<vmem>> -> memref<4x8x128xf32, #tpu.memory_space<vmem>>
      %dma_wait3A_1589 = arith.constant 0 : i32
      %dma_wait3A_1590 = arith.constant 0 : i32
      %dma_wait3A_1591 = arith.constant 0 : i32
      %dma_wait3A_1592 = tpu.memref_slice %arg5[%dma_wait3A_1589, %dma_wait3A_1590, %dma_wait3A_1591] : memref<4x8x1000000xf32, #tpu.memory_space<hbm>> -> memref<4x8x128xf32, #tpu.memory_space<hbm>>
      %dma_wait3A_1593 = tpu.memref_slice %arg14[%dma_wait3A_1583] : memref<8x!tpu.dma_semaphore, #tpu.memory_space<semaphore_mem>> -> memref<1x!tpu.dma_semaphore, #tpu.memory_space<semaphore_mem>>
      %dma_wait3A_1594 = tpu.memref_squeeze %dma_wait3A_1593 : memref<1x!tpu.dma_semaphore, #tpu.memory_space<semaphore_mem>> -> memref<!tpu.dma_semaphore, #tpu.memory_space<semaphore_mem>>
      %dma_wait3A_1595 = arith.constant 0 : i32
      %dma_wait3A_1596 = arith.constant 0 : i32
      %dma_wait3A_1597 = arith.constant 0 : i32
      %dma_wait3A_1598 = tpu.memref_slice %arg10[%dma_wait3A_1582, %dma_wait3A_1595, %dma_wait3A_1596, %dma_wait3A_1597] : memref<8x4x8x128xf32, #tpu.memory_space<vmem>> -> memref<1x4x8x128xf32, #tpu.memory_space<vmem>>
      %dma_wait3A_1599 = tpu.memref_squeeze %dma_wait3A_1598 : memref<1x4x8x128xf32, #tpu.memory_space<vmem>> -> memref<4x8x128xf32, #tpu.memory_space<vmem>>
      %dma_wait3A_1600 = arith.constant 0 : i32
      %dma_wait3A_1601 = arith.constant 0 : i32
      %dma_wait3A_1602 = arith.constant 0 : i32
      %dma_wait3A_1603 = tpu.memref_slice %arg5[%dma_wait3A_1600, %dma_wait3A_1601, %dma_wait3A_1602] : memref<4x8x1000000xf32, #tpu.memory_space<hbm>> -> memref<4x8x128xf32, #tpu.memory_space<hbm>>
      tpu.wait_dma2 semaphore(%dma_wait3A_1594 : memref<!tpu.dma_semaphore, #tpu.memory_space<semaphore_mem>>) src(%dma_wait3A_1603 : memref<4x8x128xf32, #tpu.memory_space<hbm>>) dst(%dma_wait3A_1599 : memref<4x8x128xf32, #tpu.memory_space<vmem>>)
      %slice3A_1604 = vector.extract_strided_slice %get3A_899 {offsets = [4], sizes = [1], strides = [1]} : vector<16xi32> to vector<1xi32>
      %squeeze3A_1605 = vector.extract %slice3A_1604[0] : i32 from vector<1xi32>
      %and3A_1606 = arith.constant 127 : i32
      %and3A_1607 = arith.andi %squeeze3A_1605, %and3A_1606 : i32
      %slice3A_1608 = vector.extract_strided_slice %get3A_901 {offsets = [4], sizes = [1], strides = [1]} : vector<16xi32> to vector<1xi32>
      %squeeze3A_1609 = vector.extract %slice3A_1608[0] : i32 from vector<1xi32>
      %and3A_1610 = arith.constant 127 : i32
      %and3A_1611 = arith.andi %squeeze3A_1609, %and3A_1610 : i32
      %broadcast_in_dim3A_1612 = arith.constant 0 : i32
      %broadcast_in_dim3A_1613 = vector.broadcast %broadcast_in_dim3A_1612 : i32 to vector<16xi32>
      %add3A_1614 = vector.broadcast %and3A_1607 : i32 to vector<16xi32>
      %add3A_1615 = arith.addi %broadcast_in_dim3A_1613, %add3A_1614 : vector<16xi32>
      %broadcast_in_dim3A_1616 = arith.constant 0 : i32
      %broadcast_in_dim3A_1617 = vector.broadcast %broadcast_in_dim3A_1616 : i32 to vector<16xi32>
      %add3A_1618 = vector.broadcast %and3A_1611 : i32 to vector<16xi32>
      %add3A_1619 = arith.addi %broadcast_in_dim3A_1617, %add3A_1618 : vector<16xi32>
      %gather3A_1620 = arith.constant 4 : i32
      %gather3A_1621 = arith.constant 0 : i32
      %gather3A_1622 = arith.constant 0 : i32
      %gather3A_1623 = arith.constant 0 : i32
      %gather3A_1624 = tpu.memref_slice %arg9[%gather3A_1620, %gather3A_1621, %gather3A_1622, %gather3A_1623] : memref<8x4x8x128xf32, #tpu.memory_space<vmem>> -> memref<1x4x8x128xf32, #tpu.memory_space<vmem>>
      %gather3A_1625 = tpu.memref_squeeze %gather3A_1624 : memref<1x4x8x128xf32, #tpu.memory_space<vmem>> -> memref<4x8x128xf32, #tpu.memory_space<vmem>>
      %gather3A_1626 = tpu.vector_load_idx %gather3A_1625[%select_n3A, %select_n3A_64, %add3A_1615] : memref<4x8x128xf32, #tpu.memory_space<vmem>>[vector<16xi32>, vector<16xi32>, vector<16xi32>], vector<16xf32>,
      %gather3A_1627 = arith.constant 4 : i32
      %gather3A_1628 = arith.constant 0 : i32
      %gather3A_1629 = arith.constant 0 : i32
      %gather3A_1630 = arith.constant 0 : i32
      %gather3A_1631 = tpu.memref_slice %arg9[%gather3A_1627, %gather3A_1628, %gather3A_1629, %gather3A_1630] : memref<8x4x8x128xf32, #tpu.memory_space<vmem>> -> memref<1x4x8x128xf32, #tpu.memory_space<vmem>>
      %gather3A_1632 = tpu.memref_squeeze %gather3A_1631 : memref<1x4x8x128xf32, #tpu.memory_space<vmem>> -> memref<4x8x128xf32, #tpu.memory_space<vmem>>
      %gather3A_1633 = tpu.vector_load_idx %gather3A_1632[%add3A_44, %select_n3A_64, %add3A_1615] : memref<4x8x128xf32, #tpu.memory_space<vmem>>[vector<16xi32>, vector<16xi32>, vector<16xi32>], vector<16xf32>,
      %gather3A_1634 = arith.constant 4 : i32
      %gather3A_1635 = arith.constant 0 : i32
      %gather3A_1636 = arith.constant 0 : i32
      %gather3A_1637 = arith.constant 0 : i32
      %gather3A_1638 = tpu.memref_slice %arg10[%gather3A_1634, %gather3A_1635, %gather3A_1636, %gather3A_1637] : memref<8x4x8x128xf32, #tpu.memory_space<vmem>> -> memref<1x4x8x128xf32, #tpu.memory_space<vmem>>
      %gather3A_1639 = tpu.memref_squeeze %gather3A_1638 : memref<1x4x8x128xf32, #tpu.memory_space<vmem>> -> memref<4x8x128xf32, #tpu.memory_space<vmem>>
      %gather3A_1640 = tpu.vector_load_idx %gather3A_1639[%select_n3A, %select_n3A_64, %add3A_1619] : memref<4x8x128xf32, #tpu.memory_space<vmem>>[vector<16xi32>, vector<16xi32>, vector<16xi32>], vector<16xf32>,
      %gather3A_1641 = arith.constant 4 : i32
      %gather3A_1642 = arith.constant 0 : i32
      %gather3A_1643 = arith.constant 0 : i32
      %gather3A_1644 = arith.constant 0 : i32
      %gather3A_1645 = tpu.memref_slice %arg10[%gather3A_1641, %gather3A_1642, %gather3A_1643, %gather3A_1644] : memref<8x4x8x128xf32, #tpu.memory_space<vmem>> -> memref<1x4x8x128xf32, #tpu.memory_space<vmem>>
      %gather3A_1646 = tpu.memref_squeeze %gather3A_1645 : memref<1x4x8x128xf32, #tpu.memory_space<vmem>> -> memref<4x8x128xf32, #tpu.memory_space<vmem>>
      %gather3A_1647 = tpu.vector_load_idx %gather3A_1646[%add3A_44, %select_n3A_64, %add3A_1619] : memref<4x8x128xf32, #tpu.memory_space<vmem>>[vector<16xi32>, vector<16xi32>, vector<16xi32>], vector<16xf32>,
      %mul3A_1648 = arith.constant 16 : i32
      %mul3A_1649 = arith.muli %scan3A_894, %mul3A_1648 : i32
      %add3A_1650 = arith.constant 4 : i32
      %add3A_1651 = arith.addi %mul3A_1649, %add3A_1650 : i32
      %mul3A_1652 = arith.constant 16 : i32
      %mul3A_1653 = arith.muli %add3A_1651, %mul3A_1652 : i32
      %mul3A_1654 = arith.mulf %gather3A_1626, %gather3A_1640 : vector<16xf32>
      %mul3A_1655 = arith.mulf %gather3A_1633, %gather3A_1647 : vector<16xf32>
      %add3A_1656 = arith.addf %mul3A_1654, %mul3A_1655 : vector<16xf32>
      %swap3A_1657 = arith.index_cast %mul3A_1653 : i32 to index
      %swap3A_1658 = tpu.vector_load %arg11[%swap3A_1657] {strides = array<i32>} : memref<8192xf32, #tpu.memory_space<vmem>>, vector<16xf32>,
      tpu.vector_store %arg11[%swap3A_1657], %add3A_1656 {strides = array<i32>} : memref<8192xf32, #tpu.memory_space<vmem>>, vector<16xf32>,
      %get3A_1659 = arith.index_cast %mul3A_1653 : i32 to index
      %get3A_1660 = tpu.vector_load %arg11[%get3A_1659] {strides = array<i32>} : memref<8192xf32, #tpu.memory_space<vmem>>, vector<16xf32>,
      %slice3A_1661 = vector.extract_strided_slice %get3A_1660 {offsets = [0], sizes = [1], strides = [1]} : vector<16xf32> to vector<1xf32>
      %squeeze3A_1662 = vector.extract %slice3A_1661[0] : f32 from vector<1xf32>
      %eq3A_1663 = arith.cmpf oeq, %squeeze3A_1662, %squeeze3A_1662 : f32
      %select_n3A_1664 = arith.constant 1 : i32
      %select_n3A_1665 = arith.constant 0 : i32
      %select_n3A_1666 = arith.select %eq3A_1663, %select_n3A_1665, %select_n3A_1664 : i32
      %slice3A_1667 = vector.extract_strided_slice %get3A_899 {offsets = [12], sizes = [1], strides = [1]} : vector<16xi32> to vector<1xi32>
      %squeeze3A_1668 = vector.extract %slice3A_1667[0] : i32 from vector<1xi32>
      %slice3A_1669 = vector.extract_strided_slice %get3A_901 {offsets = [12], sizes = [1], strides = [1]} : vector<16xi32> to vector<1xi32>
      %squeeze3A_1670 = vector.extract %slice3A_1669[0] : i32 from vector<1xi32>
      %shift_right_arithmetic3A_1671 = arith.constant 7 : i32
      %shift_right_arithmetic3A_1672 = arith.shrsi %squeeze3A_1668, %shift_right_arithmetic3A_1671 : i32
      %mul3A_1673 = arith.constant 128 : i32
      %mul3A_1674 = arith.muli %shift_right_arithmetic3A_1672, %mul3A_1673 : i32
      %add3A_1675 = arith.addi %mul3A_1674, %select_n3A_1666 : i32
      %multiple_of3A_1676 = tpu.assume_multiple %add3A_1675, 128 : i32
      %shift_right_arithmetic3A_1677 = arith.constant 7 : i32
      %shift_right_arithmetic3A_1678 = arith.shrsi %squeeze3A_1670, %shift_right_arithmetic3A_1677 : i32
      %mul3A_1679 = arith.constant 128 : i32
      %mul3A_1680 = arith.muli %shift_right_arithmetic3A_1678, %mul3A_1679 : i32
      %add3A_1681 = arith.addi %mul3A_1680, %select_n3A_1666 : i32
      %multiple_of3A_1682 = tpu.assume_multiple %add3A_1681, 128 : i32
      %dma_start3A_1683 = arith.constant 4 : i32
      %dma_start3A_1684 = arith.constant 4 : i32
      %dma_start3A_1685 = arith.constant 0 : i32
      %dma_start3A_1686 = arith.constant 0 : i32
      %dma_start3A_1687 = arith.constant 0 : i32
      %dma_start3A_1688 = tpu.memref_slice %arg9[%dma_start3A_1683, %dma_start3A_1685, %dma_start3A_1686, %dma_start3A_1687] : memref<8x4x8x128xf32, #tpu.memory_space<vmem>> -> memref<1x4x8x128xf32, #tpu.memory_space<vmem>>
      %dma_start3A_1689 = tpu.memref_squeeze %dma_start3A_1688 : memref<1x4x8x128xf32, #tpu.memory_space<vmem>> -> memref<4x8x128xf32, #tpu.memory_space<vmem>>
      %dma_start3A_1690 = arith.constant 0 : i32
      %dma_start3A_1691 = arith.constant 0 : i32
      %dma_start3A_1692 = tpu.memref_slice %arg4[%dma_start3A_1690, %dma_start3A_1691, %multiple_of3A_1676] : memref<4x8x1000000xf32, #tpu.memory_space<hbm>> -> memref<4x8x128xf32, #tpu.memory_space<hbm>>
      %dma_start3A_1693 = tpu.memref_slice %arg13[%dma_start3A_1684] : memref<8x!tpu.dma_semaphore, #tpu.memory_space<semaphore_mem>> -> memref<1x!tpu.dma_semaphore, #tpu.memory_space<semaphore_mem>>
      %dma_start3A_1694 = tpu.memref_squeeze %dma_start3A_1693 : memref<1x!tpu.dma_semaphore, #tpu.memory_space<semaphore_mem>> -> memref<!tpu.dma_semaphore, #tpu.memory_space<semaphore_mem>>
      %dma_start3A_1695 = arith.constant 0 : i32
      %dma_start3A_1696 = arith.constant 0 : i32
      %dma_start3A_1697 = arith.constant 0 : i32
      %dma_start3A_1698 = tpu.memref_slice %arg9[%dma_start3A_1683, %dma_start3A_1695, %dma_start3A_1696, %dma_start3A_1697] : memref<8x4x8x128xf32, #tpu.memory_space<vmem>> -> memref<1x4x8x128xf32, #tpu.memory_space<vmem>>
      %dma_start3A_1699 = tpu.memref_squeeze %dma_start3A_1698 : memref<1x4x8x128xf32, #tpu.memory_space<vmem>> -> memref<4x8x128xf32, #tpu.memory_space<vmem>>
      %dma_start3A_1700 = arith.constant 0 : i32
      %dma_start3A_1701 = arith.constant 0 : i32
      %dma_start3A_1702 = tpu.memref_slice %arg4[%dma_start3A_1700, %dma_start3A_1701, %multiple_of3A_1676] : memref<4x8x1000000xf32, #tpu.memory_space<hbm>> -> memref<4x8x128xf32, #tpu.memory_space<hbm>>
      tpu.enqueue_dma source(%dma_start3A_1702 : memref<4x8x128xf32, #tpu.memory_space<hbm>>) target(%dma_start3A_1699 : memref<4x8x128xf32, #tpu.memory_space<vmem>>) target_semaphore(%dma_start3A_1694 : memref<!tpu.dma_semaphore, #tpu.memory_space<semaphore_mem>>)
      %dma_start3A_1703 = arith.constant 4 : i32
      %dma_start3A_1704 = arith.constant 4 : i32
      %dma_start3A_1705 = arith.constant 0 : i32
      %dma_start3A_1706 = arith.constant 0 : i32
      %dma_start3A_1707 = arith.constant 0 : i32
      %dma_start3A_1708 = tpu.memref_slice %arg10[%dma_start3A_1703, %dma_start3A_1705, %dma_start3A_1706, %dma_start3A_1707] : memref<8x4x8x128xf32, #tpu.memory_space<vmem>> -> memref<1x4x8x128xf32, #tpu.memory_space<vmem>>
      %dma_start3A_1709 = tpu.memref_squeeze %dma_start3A_1708 : memref<1x4x8x128xf32, #tpu.memory_space<vmem>> -> memref<4x8x128xf32, #tpu.memory_space<vmem>>
      %dma_start3A_1710 = arith.constant 0 : i32
      %dma_start3A_1711 = arith.constant 0 : i32
      %dma_start3A_1712 = tpu.memref_slice %arg5[%dma_start3A_1710, %dma_start3A_1711, %multiple_of3A_1682] : memref<4x8x1000000xf32, #tpu.memory_space<hbm>> -> memref<4x8x128xf32, #tpu.memory_space<hbm>>
      %dma_start3A_1713 = tpu.memref_slice %arg14[%dma_start3A_1704] : memref<8x!tpu.dma_semaphore, #tpu.memory_space<semaphore_mem>> -> memref<1x!tpu.dma_semaphore, #tpu.memory_space<semaphore_mem>>
      %dma_start3A_1714 = tpu.memref_squeeze %dma_start3A_1713 : memref<1x!tpu.dma_semaphore, #tpu.memory_space<semaphore_mem>> -> memref<!tpu.dma_semaphore, #tpu.memory_space<semaphore_mem>>
      %dma_start3A_1715 = arith.constant 0 : i32
      %dma_start3A_1716 = arith.constant 0 : i32
      %dma_start3A_1717 = arith.constant 0 : i32
      %dma_start3A_1718 = tpu.memref_slice %arg10[%dma_start3A_1703, %dma_start3A_1715, %dma_start3A_1716, %dma_start3A_1717] : memref<8x4x8x128xf32, #tpu.memory_space<vmem>> -> memref<1x4x8x128xf32, #tpu.memory_space<vmem>>
      %dma_start3A_1719 = tpu.memref_squeeze %dma_start3A_1718 : memref<1x4x8x128xf32, #tpu.memory_space<vmem>> -> memref<4x8x128xf32, #tpu.memory_space<vmem>>
      %dma_start3A_1720 = arith.constant 0 : i32
      %dma_start3A_1721 = arith.constant 0 : i32
      %dma_start3A_1722 = tpu.memref_slice %arg5[%dma_start3A_1720, %dma_start3A_1721, %multiple_of3A_1682] : memref<4x8x1000000xf32, #tpu.memory_space<hbm>> -> memref<4x8x128xf32, #tpu.memory_space<hbm>>
      tpu.enqueue_dma source(%dma_start3A_1722 : memref<4x8x128xf32, #tpu.memory_space<hbm>>) target(%dma_start3A_1719 : memref<4x8x128xf32, #tpu.memory_space<vmem>>) target_semaphore(%dma_start3A_1714 : memref<!tpu.dma_semaphore, #tpu.memory_space<semaphore_mem>>)
      %dma_wait3A_1723 = arith.constant 5 : i32
      %dma_wait3A_1724 = arith.constant 5 : i32
      %dma_wait3A_1725 = arith.constant 0 : i32
      %dma_wait3A_1726 = arith.constant 0 : i32
      %dma_wait3A_1727 = arith.constant 0 : i32
      %dma_wait3A_1728 = tpu.memref_slice %arg9[%dma_wait3A_1723, %dma_wait3A_1725, %dma_wait3A_1726, %dma_wait3A_1727] : memref<8x4x8x128xf32, #tpu.memory_space<vmem>> -> memref<1x4x8x128xf32, #tpu.memory_space<vmem>>
      %dma_wait3A_1729 = tpu.memref_squeeze %dma_wait3A_1728 : memref<1x4x8x128xf32, #tpu.memory_space<vmem>> -> memref<4x8x128xf32, #tpu.memory_space<vmem>>
      %dma_wait3A_1730 = arith.constant 0 : i32
      %dma_wait3A_1731 = arith.constant 0 : i32
      %dma_wait3A_1732 = arith.constant 0 : i32
      %dma_wait3A_1733 = tpu.memref_slice %arg4[%dma_wait3A_1730, %dma_wait3A_1731, %dma_wait3A_1732] : memref<4x8x1000000xf32, #tpu.memory_space<hbm>> -> memref<4x8x128xf32, #tpu.memory_space<hbm>>
      %dma_wait3A_1734 = tpu.memref_slice %arg13[%dma_wait3A_1724] : memref<8x!tpu.dma_semaphore, #tpu.memory_space<semaphore_mem>> -> memref<1x!tpu.dma_semaphore, #tpu.memory_space<semaphore_mem>>
      %dma_wait3A_1735 = tpu.memref_squeeze %dma_wait3A_1734 : memref<1x!tpu.dma_semaphore, #tpu.memory_space<semaphore_mem>> -> memref<!tpu.dma_semaphore, #tpu.memory_space<semaphore_mem>>
      %dma_wait3A_1736 = arith.constant 0 : i32
      %dma_wait3A_1737 = arith.constant 0 : i32
      %dma_wait3A_1738 = arith.constant 0 : i32
      %dma_wait3A_1739 = tpu.memref_slice %arg9[%dma_wait3A_1723, %dma_wait3A_1736, %dma_wait3A_1737, %dma_wait3A_1738] : memref<8x4x8x128xf32, #tpu.memory_space<vmem>> -> memref<1x4x8x128xf32, #tpu.memory_space<vmem>>
      %dma_wait3A_1740 = tpu.memref_squeeze %dma_wait3A_1739 : memref<1x4x8x128xf32, #tpu.memory_space<vmem>> -> memref<4x8x128xf32, #tpu.memory_space<vmem>>
      %dma_wait3A_1741 = arith.constant 0 : i32
      %dma_wait3A_1742 = arith.constant 0 : i32
      %dma_wait3A_1743 = arith.constant 0 : i32
      %dma_wait3A_1744 = tpu.memref_slice %arg4[%dma_wait3A_1741, %dma_wait3A_1742, %dma_wait3A_1743] : memref<4x8x1000000xf32, #tpu.memory_space<hbm>> -> memref<4x8x128xf32, #tpu.memory_space<hbm>>
      tpu.wait_dma2 semaphore(%dma_wait3A_1735 : memref<!tpu.dma_semaphore, #tpu.memory_space<semaphore_mem>>) src(%dma_wait3A_1744 : memref<4x8x128xf32, #tpu.memory_space<hbm>>) dst(%dma_wait3A_1740 : memref<4x8x128xf32, #tpu.memory_space<vmem>>)
      %dma_wait3A_1745 = arith.constant 5 : i32
      %dma_wait3A_1746 = arith.constant 5 : i32
      %dma_wait3A_1747 = arith.constant 0 : i32
      %dma_wait3A_1748 = arith.constant 0 : i32
      %dma_wait3A_1749 = arith.constant 0 : i32
      %dma_wait3A_1750 = tpu.memref_slice %arg10[%dma_wait3A_1745, %dma_wait3A_1747, %dma_wait3A_1748, %dma_wait3A_1749] : memref<8x4x8x128xf32, #tpu.memory_space<vmem>> -> memref<1x4x8x128xf32, #tpu.memory_space<vmem>>
      %dma_wait3A_1751 = tpu.memref_squeeze %dma_wait3A_1750 : memref<1x4x8x128xf32, #tpu.memory_space<vmem>> -> memref<4x8x128xf32, #tpu.memory_space<vmem>>
      %dma_wait3A_1752 = arith.constant 0 : i32
      %dma_wait3A_1753 = arith.constant 0 : i32
      %dma_wait3A_1754 = arith.constant 0 : i32
      %dma_wait3A_1755 = tpu.memref_slice %arg5[%dma_wait3A_1752, %dma_wait3A_1753, %dma_wait3A_1754] : memref<4x8x1000000xf32, #tpu.memory_space<hbm>> -> memref<4x8x128xf32, #tpu.memory_space<hbm>>
      %dma_wait3A_1756 = tpu.memref_slice %arg14[%dma_wait3A_1746] : memref<8x!tpu.dma_semaphore, #tpu.memory_space<semaphore_mem>> -> memref<1x!tpu.dma_semaphore, #tpu.memory_space<semaphore_mem>>
      %dma_wait3A_1757 = tpu.memref_squeeze %dma_wait3A_1756 : memref<1x!tpu.dma_semaphore, #tpu.memory_space<semaphore_mem>> -> memref<!tpu.dma_semaphore, #tpu.memory_space<semaphore_mem>>
      %dma_wait3A_1758 = arith.constant 0 : i32
      %dma_wait3A_1759 = arith.constant 0 : i32
      %dma_wait3A_1760 = arith.constant 0 : i32
      %dma_wait3A_1761 = tpu.memref_slice %arg10[%dma_wait3A_1745, %dma_wait3A_1758, %dma_wait3A_1759, %dma_wait3A_1760] : memref<8x4x8x128xf32, #tpu.memory_space<vmem>> -> memref<1x4x8x128xf32, #tpu.memory_space<vmem>>
      %dma_wait3A_1762 = tpu.memref_squeeze %dma_wait3A_1761 : memref<1x4x8x128xf32, #tpu.memory_space<vmem>> -> memref<4x8x128xf32, #tpu.memory_space<vmem>>
      %dma_wait3A_1763 = arith.constant 0 : i32
      %dma_wait3A_1764 = arith.constant 0 : i32
      %dma_wait3A_1765 = arith.constant 0 : i32
      %dma_wait3A_1766 = tpu.memref_slice %arg5[%dma_wait3A_1763, %dma_wait3A_1764, %dma_wait3A_1765] : memref<4x8x1000000xf32, #tpu.memory_space<hbm>> -> memref<4x8x128xf32, #tpu.memory_space<hbm>>
      tpu.wait_dma2 semaphore(%dma_wait3A_1757 : memref<!tpu.dma_semaphore, #tpu.memory_space<semaphore_mem>>) src(%dma_wait3A_1766 : memref<4x8x128xf32, #tpu.memory_space<hbm>>) dst(%dma_wait3A_1762 : memref<4x8x128xf32, #tpu.memory_space<vmem>>)
      %slice3A_1767 = vector.extract_strided_slice %get3A_899 {offsets = [5], sizes = [1], strides = [1]} : vector<16xi32> to vector<1xi32>
      %squeeze3A_1768 = vector.extract %slice3A_1767[0] : i32 from vector<1xi32>
      %and3A_1769 = arith.constant 127 : i32
      %and3A_1770 = arith.andi %squeeze3A_1768, %and3A_1769 : i32
      %slice3A_1771 = vector.extract_strided_slice %get3A_901 {offsets = [5], sizes = [1], strides = [1]} : vector<16xi32> to vector<1xi32>
      %squeeze3A_1772 = vector.extract %slice3A_1771[0] : i32 from vector<1xi32>
      %and3A_1773 = arith.constant 127 : i32
      %and3A_1774 = arith.andi %squeeze3A_1772, %and3A_1773 : i32
      %broadcast_in_dim3A_1775 = arith.constant 0 : i32
      %broadcast_in_dim3A_1776 = vector.broadcast %broadcast_in_dim3A_1775 : i32 to vector<16xi32>
      %add3A_1777 = vector.broadcast %and3A_1770 : i32 to vector<16xi32>
      %add3A_1778 = arith.addi %broadcast_in_dim3A_1776, %add3A_1777 : vector<16xi32>
      %broadcast_in_dim3A_1779 = arith.constant 0 : i32
      %broadcast_in_dim3A_1780 = vector.broadcast %broadcast_in_dim3A_1779 : i32 to vector<16xi32>
      %add3A_1781 = vector.broadcast %and3A_1774 : i32 to vector<16xi32>
      %add3A_1782 = arith.addi %broadcast_in_dim3A_1780, %add3A_1781 : vector<16xi32>
      %gather3A_1783 = arith.constant 5 : i32
      %gather3A_1784 = arith.constant 0 : i32
      %gather3A_1785 = arith.constant 0 : i32
      %gather3A_1786 = arith.constant 0 : i32
      %gather3A_1787 = tpu.memref_slice %arg9[%gather3A_1783, %gather3A_1784, %gather3A_1785, %gather3A_1786] : memref<8x4x8x128xf32, #tpu.memory_space<vmem>> -> memref<1x4x8x128xf32, #tpu.memory_space<vmem>>
      %gather3A_1788 = tpu.memref_squeeze %gather3A_1787 : memref<1x4x8x128xf32, #tpu.memory_space<vmem>> -> memref<4x8x128xf32, #tpu.memory_space<vmem>>
      %gather3A_1789 = tpu.vector_load_idx %gather3A_1788[%select_n3A, %select_n3A_64, %add3A_1778] : memref<4x8x128xf32, #tpu.memory_space<vmem>>[vector<16xi32>, vector<16xi32>, vector<16xi32>], vector<16xf32>,
      %gather3A_1790 = arith.constant 5 : i32
      %gather3A_1791 = arith.constant 0 : i32
      %gather3A_1792 = arith.constant 0 : i32
      %gather3A_1793 = arith.constant 0 : i32
      %gather3A_1794 = tpu.memref_slice %arg9[%gather3A_1790, %gather3A_1791, %gather3A_1792, %gather3A_1793] : memref<8x4x8x128xf32, #tpu.memory_space<vmem>> -> memref<1x4x8x128xf32, #tpu.memory_space<vmem>>
      %gather3A_1795 = tpu.memref_squeeze %gather3A_1794 : memref<1x4x8x128xf32, #tpu.memory_space<vmem>> -> memref<4x8x128xf32, #tpu.memory_space<vmem>>
      %gather3A_1796 = tpu.vector_load_idx %gather3A_1795[%add3A_44, %select_n3A_64, %add3A_1778] : memref<4x8x128xf32, #tpu.memory_space<vmem>>[vector<16xi32>, vector<16xi32>, vector<16xi32>], vector<16xf32>,
      %gather3A_1797 = arith.constant 5 : i32
      %gather3A_1798 = arith.constant 0 : i32
      %gather3A_1799 = arith.constant 0 : i32
      %gather3A_1800 = arith.constant 0 : i32
      %gather3A_1801 = tpu.memref_slice %arg10[%gather3A_1797, %gather3A_1798, %gather3A_1799, %gather3A_1800] : memref<8x4x8x128xf32, #tpu.memory_space<vmem>> -> memref<1x4x8x128xf32, #tpu.memory_space<vmem>>
      %gather3A_1802 = tpu.memref_squeeze %gather3A_1801 : memref<1x4x8x128xf32, #tpu.memory_space<vmem>> -> memref<4x8x128xf32, #tpu.memory_space<vmem>>
      %gather3A_1803 = tpu.vector_load_idx %gather3A_1802[%select_n3A, %select_n3A_64, %add3A_1782] : memref<4x8x128xf32, #tpu.memory_space<vmem>>[vector<16xi32>, vector<16xi32>, vector<16xi32>], vector<16xf32>,
      %gather3A_1804 = arith.constant 5 : i32
      %gather3A_1805 = arith.constant 0 : i32
      %gather3A_1806 = arith.constant 0 : i32
      %gather3A_1807 = arith.constant 0 : i32
      %gather3A_1808 = tpu.memref_slice %arg10[%gather3A_1804, %gather3A_1805, %gather3A_1806, %gather3A_1807] : memref<8x4x8x128xf32, #tpu.memory_space<vmem>> -> memref<1x4x8x128xf32, #tpu.memory_space<vmem>>
      %gather3A_1809 = tpu.memref_squeeze %gather3A_1808 : memref<1x4x8x128xf32, #tpu.memory_space<vmem>> -> memref<4x8x128xf32, #tpu.memory_space<vmem>>
      %gather3A_1810 = tpu.vector_load_idx %gather3A_1809[%add3A_44, %select_n3A_64, %add3A_1782] : memref<4x8x128xf32, #tpu.memory_space<vmem>>[vector<16xi32>, vector<16xi32>, vector<16xi32>], vector<16xf32>,
      %mul3A_1811 = arith.constant 16 : i32
      %mul3A_1812 = arith.muli %scan3A_894, %mul3A_1811 : i32
      %add3A_1813 = arith.constant 5 : i32
      %add3A_1814 = arith.addi %mul3A_1812, %add3A_1813 : i32
      %mul3A_1815 = arith.constant 16 : i32
      %mul3A_1816 = arith.muli %add3A_1814, %mul3A_1815 : i32
      %mul3A_1817 = arith.mulf %gather3A_1789, %gather3A_1803 : vector<16xf32>
      %mul3A_1818 = arith.mulf %gather3A_1796, %gather3A_1810 : vector<16xf32>
      %add3A_1819 = arith.addf %mul3A_1817, %mul3A_1818 : vector<16xf32>
      %swap3A_1820 = arith.index_cast %mul3A_1816 : i32 to index
      %swap3A_1821 = tpu.vector_load %arg11[%swap3A_1820] {strides = array<i32>} : memref<8192xf32, #tpu.memory_space<vmem>>, vector<16xf32>,
      tpu.vector_store %arg11[%swap3A_1820], %add3A_1819 {strides = array<i32>} : memref<8192xf32, #tpu.memory_space<vmem>>, vector<16xf32>,
      %get3A_1822 = arith.index_cast %mul3A_1816 : i32 to index
      %get3A_1823 = tpu.vector_load %arg11[%get3A_1822] {strides = array<i32>} : memref<8192xf32, #tpu.memory_space<vmem>>, vector<16xf32>,
      %slice3A_1824 = vector.extract_strided_slice %get3A_1823 {offsets = [0], sizes = [1], strides = [1]} : vector<16xf32> to vector<1xf32>
      %squeeze3A_1825 = vector.extract %slice3A_1824[0] : f32 from vector<1xf32>
      %eq3A_1826 = arith.cmpf oeq, %squeeze3A_1825, %squeeze3A_1825 : f32
      %select_n3A_1827 = arith.constant 1 : i32
      %select_n3A_1828 = arith.constant 0 : i32
      %select_n3A_1829 = arith.select %eq3A_1826, %select_n3A_1828, %select_n3A_1827 : i32
      %slice3A_1830 = vector.extract_strided_slice %get3A_899 {offsets = [13], sizes = [1], strides = [1]} : vector<16xi32> to vector<1xi32>
      %squeeze3A_1831 = vector.extract %slice3A_1830[0] : i32 from vector<1xi32>
      %slice3A_1832 = vector.extract_strided_slice %get3A_901 {offsets = [13], sizes = [1], strides = [1]} : vector<16xi32> to vector<1xi32>
      %squeeze3A_1833 = vector.extract %slice3A_1832[0] : i32 from vector<1xi32>
      %shift_right_arithmetic3A_1834 = arith.constant 7 : i32
      %shift_right_arithmetic3A_1835 = arith.shrsi %squeeze3A_1831, %shift_right_arithmetic3A_1834 : i32
      %mul3A_1836 = arith.constant 128 : i32
      %mul3A_1837 = arith.muli %shift_right_arithmetic3A_1835, %mul3A_1836 : i32
      %add3A_1838 = arith.addi %mul3A_1837, %select_n3A_1829 : i32
      %multiple_of3A_1839 = tpu.assume_multiple %add3A_1838, 128 : i32
      %shift_right_arithmetic3A_1840 = arith.constant 7 : i32
      %shift_right_arithmetic3A_1841 = arith.shrsi %squeeze3A_1833, %shift_right_arithmetic3A_1840 : i32
      %mul3A_1842 = arith.constant 128 : i32
      %mul3A_1843 = arith.muli %shift_right_arithmetic3A_1841, %mul3A_1842 : i32
      %add3A_1844 = arith.addi %mul3A_1843, %select_n3A_1829 : i32
      %multiple_of3A_1845 = tpu.assume_multiple %add3A_1844, 128 : i32
      %dma_start3A_1846 = arith.constant 5 : i32
      %dma_start3A_1847 = arith.constant 5 : i32
      %dma_start3A_1848 = arith.constant 0 : i32
      %dma_start3A_1849 = arith.constant 0 : i32
      %dma_start3A_1850 = arith.constant 0 : i32
      %dma_start3A_1851 = tpu.memref_slice %arg9[%dma_start3A_1846, %dma_start3A_1848, %dma_start3A_1849, %dma_start3A_1850] : memref<8x4x8x128xf32, #tpu.memory_space<vmem>> -> memref<1x4x8x128xf32, #tpu.memory_space<vmem>>
      %dma_start3A_1852 = tpu.memref_squeeze %dma_start3A_1851 : memref<1x4x8x128xf32, #tpu.memory_space<vmem>> -> memref<4x8x128xf32, #tpu.memory_space<vmem>>
      %dma_start3A_1853 = arith.constant 0 : i32
      %dma_start3A_1854 = arith.constant 0 : i32
      %dma_start3A_1855 = tpu.memref_slice %arg4[%dma_start3A_1853, %dma_start3A_1854, %multiple_of3A_1839] : memref<4x8x1000000xf32, #tpu.memory_space<hbm>> -> memref<4x8x128xf32, #tpu.memory_space<hbm>>
      %dma_start3A_1856 = tpu.memref_slice %arg13[%dma_start3A_1847] : memref<8x!tpu.dma_semaphore, #tpu.memory_space<semaphore_mem>> -> memref<1x!tpu.dma_semaphore, #tpu.memory_space<semaphore_mem>>
      %dma_start3A_1857 = tpu.memref_squeeze %dma_start3A_1856 : memref<1x!tpu.dma_semaphore, #tpu.memory_space<semaphore_mem>> -> memref<!tpu.dma_semaphore, #tpu.memory_space<semaphore_mem>>
      %dma_start3A_1858 = arith.constant 0 : i32
      %dma_start3A_1859 = arith.constant 0 : i32
      %dma_start3A_1860 = arith.constant 0 : i32
      %dma_start3A_1861 = tpu.memref_slice %arg9[%dma_start3A_1846, %dma_start3A_1858, %dma_start3A_1859, %dma_start3A_1860] : memref<8x4x8x128xf32, #tpu.memory_space<vmem>> -> memref<1x4x8x128xf32, #tpu.memory_space<vmem>>
      %dma_start3A_1862 = tpu.memref_squeeze %dma_start3A_1861 : memref<1x4x8x128xf32, #tpu.memory_space<vmem>> -> memref<4x8x128xf32, #tpu.memory_space<vmem>>
      %dma_start3A_1863 = arith.constant 0 : i32
      %dma_start3A_1864 = arith.constant 0 : i32
      %dma_start3A_1865 = tpu.memref_slice %arg4[%dma_start3A_1863, %dma_start3A_1864, %multiple_of3A_1839] : memref<4x8x1000000xf32, #tpu.memory_space<hbm>> -> memref<4x8x128xf32, #tpu.memory_space<hbm>>
      tpu.enqueue_dma source(%dma_start3A_1865 : memref<4x8x128xf32, #tpu.memory_space<hbm>>) target(%dma_start3A_1862 : memref<4x8x128xf32, #tpu.memory_space<vmem>>) target_semaphore(%dma_start3A_1857 : memref<!tpu.dma_semaphore, #tpu.memory_space<semaphore_mem>>)
      %dma_start3A_1866 = arith.constant 5 : i32
      %dma_start3A_1867 = arith.constant 5 : i32
      %dma_start3A_1868 = arith.constant 0 : i32
      %dma_start3A_1869 = arith.constant 0 : i32
      %dma_start3A_1870 = arith.constant 0 : i32
      %dma_start3A_1871 = tpu.memref_slice %arg10[%dma_start3A_1866, %dma_start3A_1868, %dma_start3A_1869, %dma_start3A_1870] : memref<8x4x8x128xf32, #tpu.memory_space<vmem>> -> memref<1x4x8x128xf32, #tpu.memory_space<vmem>>
      %dma_start3A_1872 = tpu.memref_squeeze %dma_start3A_1871 : memref<1x4x8x128xf32, #tpu.memory_space<vmem>> -> memref<4x8x128xf32, #tpu.memory_space<vmem>>
      %dma_start3A_1873 = arith.constant 0 : i32
      %dma_start3A_1874 = arith.constant 0 : i32
      %dma_start3A_1875 = tpu.memref_slice %arg5[%dma_start3A_1873, %dma_start3A_1874, %multiple_of3A_1845] : memref<4x8x1000000xf32, #tpu.memory_space<hbm>> -> memref<4x8x128xf32, #tpu.memory_space<hbm>>
      %dma_start3A_1876 = tpu.memref_slice %arg14[%dma_start3A_1867] : memref<8x!tpu.dma_semaphore, #tpu.memory_space<semaphore_mem>> -> memref<1x!tpu.dma_semaphore, #tpu.memory_space<semaphore_mem>>
      %dma_start3A_1877 = tpu.memref_squeeze %dma_start3A_1876 : memref<1x!tpu.dma_semaphore, #tpu.memory_space<semaphore_mem>> -> memref<!tpu.dma_semaphore, #tpu.memory_space<semaphore_mem>>
      %dma_start3A_1878 = arith.constant 0 : i32
      %dma_start3A_1879 = arith.constant 0 : i32
      %dma_start3A_1880 = arith.constant 0 : i32
      %dma_start3A_1881 = tpu.memref_slice %arg10[%dma_start3A_1866, %dma_start3A_1878, %dma_start3A_1879, %dma_start3A_1880] : memref<8x4x8x128xf32, #tpu.memory_space<vmem>> -> memref<1x4x8x128xf32, #tpu.memory_space<vmem>>
      %dma_start3A_1882 = tpu.memref_squeeze %dma_start3A_1881 : memref<1x4x8x128xf32, #tpu.memory_space<vmem>> -> memref<4x8x128xf32, #tpu.memory_space<vmem>>
      %dma_start3A_1883 = arith.constant 0 : i32
      %dma_start3A_1884 = arith.constant 0 : i32
      %dma_start3A_1885 = tpu.memref_slice %arg5[%dma_start3A_1883, %dma_start3A_1884, %multiple_of3A_1845] : memref<4x8x1000000xf32, #tpu.memory_space<hbm>> -> memref<4x8x128xf32, #tpu.memory_space<hbm>>
      tpu.enqueue_dma source(%dma_start3A_1885 : memref<4x8x128xf32, #tpu.memory_space<hbm>>) target(%dma_start3A_1882 : memref<4x8x128xf32, #tpu.memory_space<vmem>>) target_semaphore(%dma_start3A_1877 : memref<!tpu.dma_semaphore, #tpu.memory_space<semaphore_mem>>)
      %dma_wait3A_1886 = arith.constant 6 : i32
      %dma_wait3A_1887 = arith.constant 6 : i32
      %dma_wait3A_1888 = arith.constant 0 : i32
      %dma_wait3A_1889 = arith.constant 0 : i32
      %dma_wait3A_1890 = arith.constant 0 : i32
      %dma_wait3A_1891 = tpu.memref_slice %arg9[%dma_wait3A_1886, %dma_wait3A_1888, %dma_wait3A_1889, %dma_wait3A_1890] : memref<8x4x8x128xf32, #tpu.memory_space<vmem>> -> memref<1x4x8x128xf32, #tpu.memory_space<vmem>>
      %dma_wait3A_1892 = tpu.memref_squeeze %dma_wait3A_1891 : memref<1x4x8x128xf32, #tpu.memory_space<vmem>> -> memref<4x8x128xf32, #tpu.memory_space<vmem>>
      %dma_wait3A_1893 = arith.constant 0 : i32
      %dma_wait3A_1894 = arith.constant 0 : i32
      %dma_wait3A_1895 = arith.constant 0 : i32
      %dma_wait3A_1896 = tpu.memref_slice %arg4[%dma_wait3A_1893, %dma_wait3A_1894, %dma_wait3A_1895] : memref<4x8x1000000xf32, #tpu.memory_space<hbm>> -> memref<4x8x128xf32, #tpu.memory_space<hbm>>
      %dma_wait3A_1897 = tpu.memref_slice %arg13[%dma_wait3A_1887] : memref<8x!tpu.dma_semaphore, #tpu.memory_space<semaphore_mem>> -> memref<1x!tpu.dma_semaphore, #tpu.memory_space<semaphore_mem>>
      %dma_wait3A_1898 = tpu.memref_squeeze %dma_wait3A_1897 : memref<1x!tpu.dma_semaphore, #tpu.memory_space<semaphore_mem>> -> memref<!tpu.dma_semaphore, #tpu.memory_space<semaphore_mem>>
      %dma_wait3A_1899 = arith.constant 0 : i32
      %dma_wait3A_1900 = arith.constant 0 : i32
      %dma_wait3A_1901 = arith.constant 0 : i32
      %dma_wait3A_1902 = tpu.memref_slice %arg9[%dma_wait3A_1886, %dma_wait3A_1899, %dma_wait3A_1900, %dma_wait3A_1901] : memref<8x4x8x128xf32, #tpu.memory_space<vmem>> -> memref<1x4x8x128xf32, #tpu.memory_space<vmem>>
      %dma_wait3A_1903 = tpu.memref_squeeze %dma_wait3A_1902 : memref<1x4x8x128xf32, #tpu.memory_space<vmem>> -> memref<4x8x128xf32, #tpu.memory_space<vmem>>
      %dma_wait3A_1904 = arith.constant 0 : i32
      %dma_wait3A_1905 = arith.constant 0 : i32
      %dma_wait3A_1906 = arith.constant 0 : i32
      %dma_wait3A_1907 = tpu.memref_slice %arg4[%dma_wait3A_1904, %dma_wait3A_1905, %dma_wait3A_1906] : memref<4x8x1000000xf32, #tpu.memory_space<hbm>> -> memref<4x8x128xf32, #tpu.memory_space<hbm>>
      tpu.wait_dma2 semaphore(%dma_wait3A_1898 : memref<!tpu.dma_semaphore, #tpu.memory_space<semaphore_mem>>) src(%dma_wait3A_1907 : memref<4x8x128xf32, #tpu.memory_space<hbm>>) dst(%dma_wait3A_1903 : memref<4x8x128xf32, #tpu.memory_space<vmem>>)
      %dma_wait3A_1908 = arith.constant 6 : i32
      %dma_wait3A_1909 = arith.constant 6 : i32
      %dma_wait3A_1910 = arith.constant 0 : i32
      %dma_wait3A_1911 = arith.constant 0 : i32
      %dma_wait3A_1912 = arith.constant 0 : i32
      %dma_wait3A_1913 = tpu.memref_slice %arg10[%dma_wait3A_1908, %dma_wait3A_1910, %dma_wait3A_1911, %dma_wait3A_1912] : memref<8x4x8x128xf32, #tpu.memory_space<vmem>> -> memref<1x4x8x128xf32, #tpu.memory_space<vmem>>
      %dma_wait3A_1914 = tpu.memref_squeeze %dma_wait3A_1913 : memref<1x4x8x128xf32, #tpu.memory_space<vmem>> -> memref<4x8x128xf32, #tpu.memory_space<vmem>>
      %dma_wait3A_1915 = arith.constant 0 : i32
      %dma_wait3A_1916 = arith.constant 0 : i32
      %dma_wait3A_1917 = arith.constant 0 : i32
      %dma_wait3A_1918 = tpu.memref_slice %arg5[%dma_wait3A_1915, %dma_wait3A_1916, %dma_wait3A_1917] : memref<4x8x1000000xf32, #tpu.memory_space<hbm>> -> memref<4x8x128xf32, #tpu.memory_space<hbm>>
      %dma_wait3A_1919 = tpu.memref_slice %arg14[%dma_wait3A_1909] : memref<8x!tpu.dma_semaphore, #tpu.memory_space<semaphore_mem>> -> memref<1x!tpu.dma_semaphore, #tpu.memory_space<semaphore_mem>>
      %dma_wait3A_1920 = tpu.memref_squeeze %dma_wait3A_1919 : memref<1x!tpu.dma_semaphore, #tpu.memory_space<semaphore_mem>> -> memref<!tpu.dma_semaphore, #tpu.memory_space<semaphore_mem>>
      %dma_wait3A_1921 = arith.constant 0 : i32
      %dma_wait3A_1922 = arith.constant 0 : i32
      %dma_wait3A_1923 = arith.constant 0 : i32
      %dma_wait3A_1924 = tpu.memref_slice %arg10[%dma_wait3A_1908, %dma_wait3A_1921, %dma_wait3A_1922, %dma_wait3A_1923] : memref<8x4x8x128xf32, #tpu.memory_space<vmem>> -> memref<1x4x8x128xf32, #tpu.memory_space<vmem>>
      %dma_wait3A_1925 = tpu.memref_squeeze %dma_wait3A_1924 : memref<1x4x8x128xf32, #tpu.memory_space<vmem>> -> memref<4x8x128xf32, #tpu.memory_space<vmem>>
      %dma_wait3A_1926 = arith.constant 0 : i32
      %dma_wait3A_1927 = arith.constant 0 : i32
      %dma_wait3A_1928 = arith.constant 0 : i32
      %dma_wait3A_1929 = tpu.memref_slice %arg5[%dma_wait3A_1926, %dma_wait3A_1927, %dma_wait3A_1928] : memref<4x8x1000000xf32, #tpu.memory_space<hbm>> -> memref<4x8x128xf32, #tpu.memory_space<hbm>>
      tpu.wait_dma2 semaphore(%dma_wait3A_1920 : memref<!tpu.dma_semaphore, #tpu.memory_space<semaphore_mem>>) src(%dma_wait3A_1929 : memref<4x8x128xf32, #tpu.memory_space<hbm>>) dst(%dma_wait3A_1925 : memref<4x8x128xf32, #tpu.memory_space<vmem>>)
      %slice3A_1930 = vector.extract_strided_slice %get3A_899 {offsets = [6], sizes = [1], strides = [1]} : vector<16xi32> to vector<1xi32>
      %squeeze3A_1931 = vector.extract %slice3A_1930[0] : i32 from vector<1xi32>
      %and3A_1932 = arith.constant 127 : i32
      %and3A_1933 = arith.andi %squeeze3A_1931, %and3A_1932 : i32
      %slice3A_1934 = vector.extract_strided_slice %get3A_901 {offsets = [6], sizes = [1], strides = [1]} : vector<16xi32> to vector<1xi32>
      %squeeze3A_1935 = vector.extract %slice3A_1934[0] : i32 from vector<1xi32>
      %and3A_1936 = arith.constant 127 : i32
      %and3A_1937 = arith.andi %squeeze3A_1935, %and3A_1936 : i32
      %broadcast_in_dim3A_1938 = arith.constant 0 : i32
      %broadcast_in_dim3A_1939 = vector.broadcast %broadcast_in_dim3A_1938 : i32 to vector<16xi32>
      %add3A_1940 = vector.broadcast %and3A_1933 : i32 to vector<16xi32>
      %add3A_1941 = arith.addi %broadcast_in_dim3A_1939, %add3A_1940 : vector<16xi32>
      %broadcast_in_dim3A_1942 = arith.constant 0 : i32
      %broadcast_in_dim3A_1943 = vector.broadcast %broadcast_in_dim3A_1942 : i32 to vector<16xi32>
      %add3A_1944 = vector.broadcast %and3A_1937 : i32 to vector<16xi32>
      %add3A_1945 = arith.addi %broadcast_in_dim3A_1943, %add3A_1944 : vector<16xi32>
      %gather3A_1946 = arith.constant 6 : i32
      %gather3A_1947 = arith.constant 0 : i32
      %gather3A_1948 = arith.constant 0 : i32
      %gather3A_1949 = arith.constant 0 : i32
      %gather3A_1950 = tpu.memref_slice %arg9[%gather3A_1946, %gather3A_1947, %gather3A_1948, %gather3A_1949] : memref<8x4x8x128xf32, #tpu.memory_space<vmem>> -> memref<1x4x8x128xf32, #tpu.memory_space<vmem>>
      %gather3A_1951 = tpu.memref_squeeze %gather3A_1950 : memref<1x4x8x128xf32, #tpu.memory_space<vmem>> -> memref<4x8x128xf32, #tpu.memory_space<vmem>>
      %gather3A_1952 = tpu.vector_load_idx %gather3A_1951[%select_n3A, %select_n3A_64, %add3A_1941] : memref<4x8x128xf32, #tpu.memory_space<vmem>>[vector<16xi32>, vector<16xi32>, vector<16xi32>], vector<16xf32>,
      %gather3A_1953 = arith.constant 6 : i32
      %gather3A_1954 = arith.constant 0 : i32
      %gather3A_1955 = arith.constant 0 : i32
      %gather3A_1956 = arith.constant 0 : i32
      %gather3A_1957 = tpu.memref_slice %arg9[%gather3A_1953, %gather3A_1954, %gather3A_1955, %gather3A_1956] : memref<8x4x8x128xf32, #tpu.memory_space<vmem>> -> memref<1x4x8x128xf32, #tpu.memory_space<vmem>>
      %gather3A_1958 = tpu.memref_squeeze %gather3A_1957 : memref<1x4x8x128xf32, #tpu.memory_space<vmem>> -> memref<4x8x128xf32, #tpu.memory_space<vmem>>
      %gather3A_1959 = tpu.vector_load_idx %gather3A_1958[%add3A_44, %select_n3A_64, %add3A_1941] : memref<4x8x128xf32, #tpu.memory_space<vmem>>[vector<16xi32>, vector<16xi32>, vector<16xi32>], vector<16xf32>,
      %gather3A_1960 = arith.constant 6 : i32
      %gather3A_1961 = arith.constant 0 : i32
      %gather3A_1962 = arith.constant 0 : i32
      %gather3A_1963 = arith.constant 0 : i32
      %gather3A_1964 = tpu.memref_slice %arg10[%gather3A_1960, %gather3A_1961, %gather3A_1962, %gather3A_1963] : memref<8x4x8x128xf32, #tpu.memory_space<vmem>> -> memref<1x4x8x128xf32, #tpu.memory_space<vmem>>
      %gather3A_1965 = tpu.memref_squeeze %gather3A_1964 : memref<1x4x8x128xf32, #tpu.memory_space<vmem>> -> memref<4x8x128xf32, #tpu.memory_space<vmem>>
      %gather3A_1966 = tpu.vector_load_idx %gather3A_1965[%select_n3A, %select_n3A_64, %add3A_1945] : memref<4x8x128xf32, #tpu.memory_space<vmem>>[vector<16xi32>, vector<16xi32>, vector<16xi32>], vector<16xf32>,
      %gather3A_1967 = arith.constant 6 : i32
      %gather3A_1968 = arith.constant 0 : i32
      %gather3A_1969 = arith.constant 0 : i32
      %gather3A_1970 = arith.constant 0 : i32
      %gather3A_1971 = tpu.memref_slice %arg10[%gather3A_1967, %gather3A_1968, %gather3A_1969, %gather3A_1970] : memref<8x4x8x128xf32, #tpu.memory_space<vmem>> -> memref<1x4x8x128xf32, #tpu.memory_space<vmem>>
      %gather3A_1972 = tpu.memref_squeeze %gather3A_1971 : memref<1x4x8x128xf32, #tpu.memory_space<vmem>> -> memref<4x8x128xf32, #tpu.memory_space<vmem>>
      %gather3A_1973 = tpu.vector_load_idx %gather3A_1972[%add3A_44, %select_n3A_64, %add3A_1945] : memref<4x8x128xf32, #tpu.memory_space<vmem>>[vector<16xi32>, vector<16xi32>, vector<16xi32>], vector<16xf32>,
      %mul3A_1974 = arith.constant 16 : i32
      %mul3A_1975 = arith.muli %scan3A_894, %mul3A_1974 : i32
      %add3A_1976 = arith.constant 6 : i32
      %add3A_1977 = arith.addi %mul3A_1975, %add3A_1976 : i32
      %mul3A_1978 = arith.constant 16 : i32
      %mul3A_1979 = arith.muli %add3A_1977, %mul3A_1978 : i32
      %mul3A_1980 = arith.mulf %gather3A_1952, %gather3A_1966 : vector<16xf32>
      %mul3A_1981 = arith.mulf %gather3A_1959, %gather3A_1973 : vector<16xf32>
      %add3A_1982 = arith.addf %mul3A_1980, %mul3A_1981 : vector<16xf32>
      %swap3A_1983 = arith.index_cast %mul3A_1979 : i32 to index
      %swap3A_1984 = tpu.vector_load %arg11[%swap3A_1983] {strides = array<i32>} : memref<8192xf32, #tpu.memory_space<vmem>>, vector<16xf32>,
      tpu.vector_store %arg11[%swap3A_1983], %add3A_1982 {strides = array<i32>} : memref<8192xf32, #tpu.memory_space<vmem>>, vector<16xf32>,
      %get3A_1985 = arith.index_cast %mul3A_1979 : i32 to index
      %get3A_1986 = tpu.vector_load %arg11[%get3A_1985] {strides = array<i32>} : memref<8192xf32, #tpu.memory_space<vmem>>, vector<16xf32>,
      %slice3A_1987 = vector.extract_strided_slice %get3A_1986 {offsets = [0], sizes = [1], strides = [1]} : vector<16xf32> to vector<1xf32>
      %squeeze3A_1988 = vector.extract %slice3A_1987[0] : f32 from vector<1xf32>
      %eq3A_1989 = arith.cmpf oeq, %squeeze3A_1988, %squeeze3A_1988 : f32
      %select_n3A_1990 = arith.constant 1 : i32
      %select_n3A_1991 = arith.constant 0 : i32
      %select_n3A_1992 = arith.select %eq3A_1989, %select_n3A_1991, %select_n3A_1990 : i32
      %slice3A_1993 = vector.extract_strided_slice %get3A_899 {offsets = [14], sizes = [1], strides = [1]} : vector<16xi32> to vector<1xi32>
      %squeeze3A_1994 = vector.extract %slice3A_1993[0] : i32 from vector<1xi32>
      %slice3A_1995 = vector.extract_strided_slice %get3A_901 {offsets = [14], sizes = [1], strides = [1]} : vector<16xi32> to vector<1xi32>
      %squeeze3A_1996 = vector.extract %slice3A_1995[0] : i32 from vector<1xi32>
      %shift_right_arithmetic3A_1997 = arith.constant 7 : i32
      %shift_right_arithmetic3A_1998 = arith.shrsi %squeeze3A_1994, %shift_right_arithmetic3A_1997 : i32
      %mul3A_1999 = arith.constant 128 : i32
      %mul3A_2000 = arith.muli %shift_right_arithmetic3A_1998, %mul3A_1999 : i32
      %add3A_2001 = arith.addi %mul3A_2000, %select_n3A_1992 : i32
      %multiple_of3A_2002 = tpu.assume_multiple %add3A_2001, 128 : i32
      %shift_right_arithmetic3A_2003 = arith.constant 7 : i32
      %shift_right_arithmetic3A_2004 = arith.shrsi %squeeze3A_1996, %shift_right_arithmetic3A_2003 : i32
      %mul3A_2005 = arith.constant 128 : i32
      %mul3A_2006 = arith.muli %shift_right_arithmetic3A_2004, %mul3A_2005 : i32
      %add3A_2007 = arith.addi %mul3A_2006, %select_n3A_1992 : i32
      %multiple_of3A_2008 = tpu.assume_multiple %add3A_2007, 128 : i32
      %dma_start3A_2009 = arith.constant 6 : i32
      %dma_start3A_2010 = arith.constant 6 : i32
      %dma_start3A_2011 = arith.constant 0 : i32
      %dma_start3A_2012 = arith.constant 0 : i32
      %dma_start3A_2013 = arith.constant 0 : i32
      %dma_start3A_2014 = tpu.memref_slice %arg9[%dma_start3A_2009, %dma_start3A_2011, %dma_start3A_2012, %dma_start3A_2013] : memref<8x4x8x128xf32, #tpu.memory_space<vmem>> -> memref<1x4x8x128xf32, #tpu.memory_space<vmem>>
      %dma_start3A_2015 = tpu.memref_squeeze %dma_start3A_2014 : memref<1x4x8x128xf32, #tpu.memory_space<vmem>> -> memref<4x8x128xf32, #tpu.memory_space<vmem>>
      %dma_start3A_2016 = arith.constant 0 : i32
      %dma_start3A_2017 = arith.constant 0 : i32
      %dma_start3A_2018 = tpu.memref_slice %arg4[%dma_start3A_2016, %dma_start3A_2017, %multiple_of3A_2002] : memref<4x8x1000000xf32, #tpu.memory_space<hbm>> -> memref<4x8x128xf32, #tpu.memory_space<hbm>>
      %dma_start3A_2019 = tpu.memref_slice %arg13[%dma_start3A_2010] : memref<8x!tpu.dma_semaphore, #tpu.memory_space<semaphore_mem>> -> memref<1x!tpu.dma_semaphore, #tpu.memory_space<semaphore_mem>>
      %dma_start3A_2020 = tpu.memref_squeeze %dma_start3A_2019 : memref<1x!tpu.dma_semaphore, #tpu.memory_space<semaphore_mem>> -> memref<!tpu.dma_semaphore, #tpu.memory_space<semaphore_mem>>
      %dma_start3A_2021 = arith.constant 0 : i32
      %dma_start3A_2022 = arith.constant 0 : i32
      %dma_start3A_2023 = arith.constant 0 : i32
      %dma_start3A_2024 = tpu.memref_slice %arg9[%dma_start3A_2009, %dma_start3A_2021, %dma_start3A_2022, %dma_start3A_2023] : memref<8x4x8x128xf32, #tpu.memory_space<vmem>> -> memref<1x4x8x128xf32, #tpu.memory_space<vmem>>
      %dma_start3A_2025 = tpu.memref_squeeze %dma_start3A_2024 : memref<1x4x8x128xf32, #tpu.memory_space<vmem>> -> memref<4x8x128xf32, #tpu.memory_space<vmem>>
      %dma_start3A_2026 = arith.constant 0 : i32
      %dma_start3A_2027 = arith.constant 0 : i32
      %dma_start3A_2028 = tpu.memref_slice %arg4[%dma_start3A_2026, %dma_start3A_2027, %multiple_of3A_2002] : memref<4x8x1000000xf32, #tpu.memory_space<hbm>> -> memref<4x8x128xf32, #tpu.memory_space<hbm>>
      tpu.enqueue_dma source(%dma_start3A_2028 : memref<4x8x128xf32, #tpu.memory_space<hbm>>) target(%dma_start3A_2025 : memref<4x8x128xf32, #tpu.memory_space<vmem>>) target_semaphore(%dma_start3A_2020 : memref<!tpu.dma_semaphore, #tpu.memory_space<semaphore_mem>>)
      %dma_start3A_2029 = arith.constant 6 : i32
      %dma_start3A_2030 = arith.constant 6 : i32
      %dma_start3A_2031 = arith.constant 0 : i32
      %dma_start3A_2032 = arith.constant 0 : i32
      %dma_start3A_2033 = arith.constant 0 : i32
      %dma_start3A_2034 = tpu.memref_slice %arg10[%dma_start3A_2029, %dma_start3A_2031, %dma_start3A_2032, %dma_start3A_2033] : memref<8x4x8x128xf32, #tpu.memory_space<vmem>> -> memref<1x4x8x128xf32, #tpu.memory_space<vmem>>
      %dma_start3A_2035 = tpu.memref_squeeze %dma_start3A_2034 : memref<1x4x8x128xf32, #tpu.memory_space<vmem>> -> memref<4x8x128xf32, #tpu.memory_space<vmem>>
      %dma_start3A_2036 = arith.constant 0 : i32
      %dma_start3A_2037 = arith.constant 0 : i32
      %dma_start3A_2038 = tpu.memref_slice %arg5[%dma_start3A_2036, %dma_start3A_2037, %multiple_of3A_2008] : memref<4x8x1000000xf32, #tpu.memory_space<hbm>> -> memref<4x8x128xf32, #tpu.memory_space<hbm>>
      %dma_start3A_2039 = tpu.memref_slice %arg14[%dma_start3A_2030] : memref<8x!tpu.dma_semaphore, #tpu.memory_space<semaphore_mem>> -> memref<1x!tpu.dma_semaphore, #tpu.memory_space<semaphore_mem>>
      %dma_start3A_2040 = tpu.memref_squeeze %dma_start3A_2039 : memref<1x!tpu.dma_semaphore, #tpu.memory_space<semaphore_mem>> -> memref<!tpu.dma_semaphore, #tpu.memory_space<semaphore_mem>>
      %dma_start3A_2041 = arith.constant 0 : i32
      %dma_start3A_2042 = arith.constant 0 : i32
      %dma_start3A_2043 = arith.constant 0 : i32
      %dma_start3A_2044 = tpu.memref_slice %arg10[%dma_start3A_2029, %dma_start3A_2041, %dma_start3A_2042, %dma_start3A_2043] : memref<8x4x8x128xf32, #tpu.memory_space<vmem>> -> memref<1x4x8x128xf32, #tpu.memory_space<vmem>>
      %dma_start3A_2045 = tpu.memref_squeeze %dma_start3A_2044 : memref<1x4x8x128xf32, #tpu.memory_space<vmem>> -> memref<4x8x128xf32, #tpu.memory_space<vmem>>
      %dma_start3A_2046 = arith.constant 0 : i32
      %dma_start3A_2047 = arith.constant 0 : i32
      %dma_start3A_2048 = tpu.memref_slice %arg5[%dma_start3A_2046, %dma_start3A_2047, %multiple_of3A_2008] : memref<4x8x1000000xf32, #tpu.memory_space<hbm>> -> memref<4x8x128xf32, #tpu.memory_space<hbm>>
      tpu.enqueue_dma source(%dma_start3A_2048 : memref<4x8x128xf32, #tpu.memory_space<hbm>>) target(%dma_start3A_2045 : memref<4x8x128xf32, #tpu.memory_space<vmem>>) target_semaphore(%dma_start3A_2040 : memref<!tpu.dma_semaphore, #tpu.memory_space<semaphore_mem>>)
      %dma_wait3A_2049 = arith.constant 7 : i32
      %dma_wait3A_2050 = arith.constant 7 : i32
      %dma_wait3A_2051 = arith.constant 0 : i32
      %dma_wait3A_2052 = arith.constant 0 : i32
      %dma_wait3A_2053 = arith.constant 0 : i32
      %dma_wait3A_2054 = tpu.memref_slice %arg9[%dma_wait3A_2049, %dma_wait3A_2051, %dma_wait3A_2052, %dma_wait3A_2053] : memref<8x4x8x128xf32, #tpu.memory_space<vmem>> -> memref<1x4x8x128xf32, #tpu.memory_space<vmem>>
      %dma_wait3A_2055 = tpu.memref_squeeze %dma_wait3A_2054 : memref<1x4x8x128xf32, #tpu.memory_space<vmem>> -> memref<4x8x128xf32, #tpu.memory_space<vmem>>
      %dma_wait3A_2056 = arith.constant 0 : i32
      %dma_wait3A_2057 = arith.constant 0 : i32
      %dma_wait3A_2058 = arith.constant 0 : i32
      %dma_wait3A_2059 = tpu.memref_slice %arg4[%dma_wait3A_2056, %dma_wait3A_2057, %dma_wait3A_2058] : memref<4x8x1000000xf32, #tpu.memory_space<hbm>> -> memref<4x8x128xf32, #tpu.memory_space<hbm>>
      %dma_wait3A_2060 = tpu.memref_slice %arg13[%dma_wait3A_2050] : memref<8x!tpu.dma_semaphore, #tpu.memory_space<semaphore_mem>> -> memref<1x!tpu.dma_semaphore, #tpu.memory_space<semaphore_mem>>
      %dma_wait3A_2061 = tpu.memref_squeeze %dma_wait3A_2060 : memref<1x!tpu.dma_semaphore, #tpu.memory_space<semaphore_mem>> -> memref<!tpu.dma_semaphore, #tpu.memory_space<semaphore_mem>>
      %dma_wait3A_2062 = arith.constant 0 : i32
      %dma_wait3A_2063 = arith.constant 0 : i32
      %dma_wait3A_2064 = arith.constant 0 : i32
      %dma_wait3A_2065 = tpu.memref_slice %arg9[%dma_wait3A_2049, %dma_wait3A_2062, %dma_wait3A_2063, %dma_wait3A_2064] : memref<8x4x8x128xf32, #tpu.memory_space<vmem>> -> memref<1x4x8x128xf32, #tpu.memory_space<vmem>>
      %dma_wait3A_2066 = tpu.memref_squeeze %dma_wait3A_2065 : memref<1x4x8x128xf32, #tpu.memory_space<vmem>> -> memref<4x8x128xf32, #tpu.memory_space<vmem>>
      %dma_wait3A_2067 = arith.constant 0 : i32
      %dma_wait3A_2068 = arith.constant 0 : i32
      %dma_wait3A_2069 = arith.constant 0 : i32
      %dma_wait3A_2070 = tpu.memref_slice %arg4[%dma_wait3A_2067, %dma_wait3A_2068, %dma_wait3A_2069] : memref<4x8x1000000xf32, #tpu.memory_space<hbm>> -> memref<4x8x128xf32, #tpu.memory_space<hbm>>
      tpu.wait_dma2 semaphore(%dma_wait3A_2061 : memref<!tpu.dma_semaphore, #tpu.memory_space<semaphore_mem>>) src(%dma_wait3A_2070 : memref<4x8x128xf32, #tpu.memory_space<hbm>>) dst(%dma_wait3A_2066 : memref<4x8x128xf32, #tpu.memory_space<vmem>>)
      %dma_wait3A_2071 = arith.constant 7 : i32
      %dma_wait3A_2072 = arith.constant 7 : i32
      %dma_wait3A_2073 = arith.constant 0 : i32
      %dma_wait3A_2074 = arith.constant 0 : i32
      %dma_wait3A_2075 = arith.constant 0 : i32
      %dma_wait3A_2076 = tpu.memref_slice %arg10[%dma_wait3A_2071, %dma_wait3A_2073, %dma_wait3A_2074, %dma_wait3A_2075] : memref<8x4x8x128xf32, #tpu.memory_space<vmem>> -> memref<1x4x8x128xf32, #tpu.memory_space<vmem>>
      %dma_wait3A_2077 = tpu.memref_squeeze %dma_wait3A_2076 : memref<1x4x8x128xf32, #tpu.memory_space<vmem>> -> memref<4x8x128xf32, #tpu.memory_space<vmem>>
      %dma_wait3A_2078 = arith.constant 0 : i32
      %dma_wait3A_2079 = arith.constant 0 : i32
      %dma_wait3A_2080 = arith.constant 0 : i32
      %dma_wait3A_2081 = tpu.memref_slice %arg5[%dma_wait3A_2078, %dma_wait3A_2079, %dma_wait3A_2080] : memref<4x8x1000000xf32, #tpu.memory_space<hbm>> -> memref<4x8x128xf32, #tpu.memory_space<hbm>>
      %dma_wait3A_2082 = tpu.memref_slice %arg14[%dma_wait3A_2072] : memref<8x!tpu.dma_semaphore, #tpu.memory_space<semaphore_mem>> -> memref<1x!tpu.dma_semaphore, #tpu.memory_space<semaphore_mem>>
      %dma_wait3A_2083 = tpu.memref_squeeze %dma_wait3A_2082 : memref<1x!tpu.dma_semaphore, #tpu.memory_space<semaphore_mem>> -> memref<!tpu.dma_semaphore, #tpu.memory_space<semaphore_mem>>
      %dma_wait3A_2084 = arith.constant 0 : i32
      %dma_wait3A_2085 = arith.constant 0 : i32
      %dma_wait3A_2086 = arith.constant 0 : i32
      %dma_wait3A_2087 = tpu.memref_slice %arg10[%dma_wait3A_2071, %dma_wait3A_2084, %dma_wait3A_2085, %dma_wait3A_2086] : memref<8x4x8x128xf32, #tpu.memory_space<vmem>> -> memref<1x4x8x128xf32, #tpu.memory_space<vmem>>
      %dma_wait3A_2088 = tpu.memref_squeeze %dma_wait3A_2087 : memref<1x4x8x128xf32, #tpu.memory_space<vmem>> -> memref<4x8x128xf32, #tpu.memory_space<vmem>>
      %dma_wait3A_2089 = arith.constant 0 : i32
      %dma_wait3A_2090 = arith.constant 0 : i32
      %dma_wait3A_2091 = arith.constant 0 : i32
      %dma_wait3A_2092 = tpu.memref_slice %arg5[%dma_wait3A_2089, %dma_wait3A_2090, %dma_wait3A_2091] : memref<4x8x1000000xf32, #tpu.memory_space<hbm>> -> memref<4x8x128xf32, #tpu.memory_space<hbm>>
      tpu.wait_dma2 semaphore(%dma_wait3A_2083 : memref<!tpu.dma_semaphore, #tpu.memory_space<semaphore_mem>>) src(%dma_wait3A_2092 : memref<4x8x128xf32, #tpu.memory_space<hbm>>) dst(%dma_wait3A_2088 : memref<4x8x128xf32, #tpu.memory_space<vmem>>)
      %slice3A_2093 = vector.extract_strided_slice %get3A_899 {offsets = [7], sizes = [1], strides = [1]} : vector<16xi32> to vector<1xi32>
      %squeeze3A_2094 = vector.extract %slice3A_2093[0] : i32 from vector<1xi32>
      %and3A_2095 = arith.constant 127 : i32
      %and3A_2096 = arith.andi %squeeze3A_2094, %and3A_2095 : i32
      %slice3A_2097 = vector.extract_strided_slice %get3A_901 {offsets = [7], sizes = [1], strides = [1]} : vector<16xi32> to vector<1xi32>
      %squeeze3A_2098 = vector.extract %slice3A_2097[0] : i32 from vector<1xi32>
      %and3A_2099 = arith.constant 127 : i32
      %and3A_2100 = arith.andi %squeeze3A_2098, %and3A_2099 : i32
      %broadcast_in_dim3A_2101 = arith.constant 0 : i32
      %broadcast_in_dim3A_2102 = vector.broadcast %broadcast_in_dim3A_2101 : i32 to vector<16xi32>
      %add3A_2103 = vector.broadcast %and3A_2096 : i32 to vector<16xi32>
      %add3A_2104 = arith.addi %broadcast_in_dim3A_2102, %add3A_2103 : vector<16xi32>
      %broadcast_in_dim3A_2105 = arith.constant 0 : i32
      %broadcast_in_dim3A_2106 = vector.broadcast %broadcast_in_dim3A_2105 : i32 to vector<16xi32>
      %add3A_2107 = vector.broadcast %and3A_2100 : i32 to vector<16xi32>
      %add3A_2108 = arith.addi %broadcast_in_dim3A_2106, %add3A_2107 : vector<16xi32>
      %gather3A_2109 = arith.constant 7 : i32
      %gather3A_2110 = arith.constant 0 : i32
      %gather3A_2111 = arith.constant 0 : i32
      %gather3A_2112 = arith.constant 0 : i32
      %gather3A_2113 = tpu.memref_slice %arg9[%gather3A_2109, %gather3A_2110, %gather3A_2111, %gather3A_2112] : memref<8x4x8x128xf32, #tpu.memory_space<vmem>> -> memref<1x4x8x128xf32, #tpu.memory_space<vmem>>
      %gather3A_2114 = tpu.memref_squeeze %gather3A_2113 : memref<1x4x8x128xf32, #tpu.memory_space<vmem>> -> memref<4x8x128xf32, #tpu.memory_space<vmem>>
      %gather3A_2115 = tpu.vector_load_idx %gather3A_2114[%select_n3A, %select_n3A_64, %add3A_2104] : memref<4x8x128xf32, #tpu.memory_space<vmem>>[vector<16xi32>, vector<16xi32>, vector<16xi32>], vector<16xf32>,
      %gather3A_2116 = arith.constant 7 : i32
      %gather3A_2117 = arith.constant 0 : i32
      %gather3A_2118 = arith.constant 0 : i32
      %gather3A_2119 = arith.constant 0 : i32
      %gather3A_2120 = tpu.memref_slice %arg9[%gather3A_2116, %gather3A_2117, %gather3A_2118, %gather3A_2119] : memref<8x4x8x128xf32, #tpu.memory_space<vmem>> -> memref<1x4x8x128xf32, #tpu.memory_space<vmem>>
      %gather3A_2121 = tpu.memref_squeeze %gather3A_2120 : memref<1x4x8x128xf32, #tpu.memory_space<vmem>> -> memref<4x8x128xf32, #tpu.memory_space<vmem>>
      %gather3A_2122 = tpu.vector_load_idx %gather3A_2121[%add3A_44, %select_n3A_64, %add3A_2104] : memref<4x8x128xf32, #tpu.memory_space<vmem>>[vector<16xi32>, vector<16xi32>, vector<16xi32>], vector<16xf32>,
      %gather3A_2123 = arith.constant 7 : i32
      %gather3A_2124 = arith.constant 0 : i32
      %gather3A_2125 = arith.constant 0 : i32
      %gather3A_2126 = arith.constant 0 : i32
      %gather3A_2127 = tpu.memref_slice %arg10[%gather3A_2123, %gather3A_2124, %gather3A_2125, %gather3A_2126] : memref<8x4x8x128xf32, #tpu.memory_space<vmem>> -> memref<1x4x8x128xf32, #tpu.memory_space<vmem>>
      %gather3A_2128 = tpu.memref_squeeze %gather3A_2127 : memref<1x4x8x128xf32, #tpu.memory_space<vmem>> -> memref<4x8x128xf32, #tpu.memory_space<vmem>>
      %gather3A_2129 = tpu.vector_load_idx %gather3A_2128[%select_n3A, %select_n3A_64, %add3A_2108] : memref<4x8x128xf32, #tpu.memory_space<vmem>>[vector<16xi32>, vector<16xi32>, vector<16xi32>], vector<16xf32>,
      %gather3A_2130 = arith.constant 7 : i32
      %gather3A_2131 = arith.constant 0 : i32
      %gather3A_2132 = arith.constant 0 : i32
      %gather3A_2133 = arith.constant 0 : i32
      %gather3A_2134 = tpu.memref_slice %arg10[%gather3A_2130, %gather3A_2131, %gather3A_2132, %gather3A_2133] : memref<8x4x8x128xf32, #tpu.memory_space<vmem>> -> memref<1x4x8x128xf32, #tpu.memory_space<vmem>>
      %gather3A_2135 = tpu.memref_squeeze %gather3A_2134 : memref<1x4x8x128xf32, #tpu.memory_space<vmem>> -> memref<4x8x128xf32, #tpu.memory_space<vmem>>
      %gather3A_2136 = tpu.vector_load_idx %gather3A_2135[%add3A_44, %select_n3A_64, %add3A_2108] : memref<4x8x128xf32, #tpu.memory_space<vmem>>[vector<16xi32>, vector<16xi32>, vector<16xi32>], vector<16xf32>,
      %mul3A_2137 = arith.constant 16 : i32
      %mul3A_2138 = arith.muli %scan3A_894, %mul3A_2137 : i32
      %add3A_2139 = arith.constant 7 : i32
      %add3A_2140 = arith.addi %mul3A_2138, %add3A_2139 : i32
      %mul3A_2141 = arith.constant 16 : i32
      %mul3A_2142 = arith.muli %add3A_2140, %mul3A_2141 : i32
      %mul3A_2143 = arith.mulf %gather3A_2115, %gather3A_2129 : vector<16xf32>
      %mul3A_2144 = arith.mulf %gather3A_2122, %gather3A_2136 : vector<16xf32>
      %add3A_2145 = arith.addf %mul3A_2143, %mul3A_2144 : vector<16xf32>
      %swap3A_2146 = arith.index_cast %mul3A_2142 : i32 to index
      %swap3A_2147 = tpu.vector_load %arg11[%swap3A_2146] {strides = array<i32>} : memref<8192xf32, #tpu.memory_space<vmem>>, vector<16xf32>,
      tpu.vector_store %arg11[%swap3A_2146], %add3A_2145 {strides = array<i32>} : memref<8192xf32, #tpu.memory_space<vmem>>, vector<16xf32>,
      %get3A_2148 = arith.index_cast %mul3A_2142 : i32 to index
      %get3A_2149 = tpu.vector_load %arg11[%get3A_2148] {strides = array<i32>} : memref<8192xf32, #tpu.memory_space<vmem>>, vector<16xf32>,
      %slice3A_2150 = vector.extract_strided_slice %get3A_2149 {offsets = [0], sizes = [1], strides = [1]} : vector<16xf32> to vector<1xf32>
      %squeeze3A_2151 = vector.extract %slice3A_2150[0] : f32 from vector<1xf32>
      %eq3A_2152 = arith.cmpf oeq, %squeeze3A_2151, %squeeze3A_2151 : f32
      %select_n3A_2153 = arith.constant 1 : i32
      %select_n3A_2154 = arith.constant 0 : i32
      %select_n3A_2155 = arith.select %eq3A_2152, %select_n3A_2154, %select_n3A_2153 : i32
      %slice3A_2156 = vector.extract_strided_slice %get3A_899 {offsets = [15], sizes = [1], strides = [1]} : vector<16xi32> to vector<1xi32>
      %squeeze3A_2157 = vector.extract %slice3A_2156[0] : i32 from vector<1xi32>
      %slice3A_2158 = vector.extract_strided_slice %get3A_901 {offsets = [15], sizes = [1], strides = [1]} : vector<16xi32> to vector<1xi32>
      %squeeze3A_2159 = vector.extract %slice3A_2158[0] : i32 from vector<1xi32>
      %shift_right_arithmetic3A_2160 = arith.constant 7 : i32
      %shift_right_arithmetic3A_2161 = arith.shrsi %squeeze3A_2157, %shift_right_arithmetic3A_2160 : i32
      %mul3A_2162 = arith.constant 128 : i32
      %mul3A_2163 = arith.muli %shift_right_arithmetic3A_2161, %mul3A_2162 : i32
      %add3A_2164 = arith.addi %mul3A_2163, %select_n3A_2155 : i32
      %multiple_of3A_2165 = tpu.assume_multiple %add3A_2164, 128 : i32
      %shift_right_arithmetic3A_2166 = arith.constant 7 : i32
      %shift_right_arithmetic3A_2167 = arith.shrsi %squeeze3A_2159, %shift_right_arithmetic3A_2166 : i32
      %mul3A_2168 = arith.constant 128 : i32
      %mul3A_2169 = arith.muli %shift_right_arithmetic3A_2167, %mul3A_2168 : i32
      %add3A_2170 = arith.addi %mul3A_2169, %select_n3A_2155 : i32
      %multiple_of3A_2171 = tpu.assume_multiple %add3A_2170, 128 : i32
      %dma_start3A_2172 = arith.constant 7 : i32
      %dma_start3A_2173 = arith.constant 7 : i32
      %dma_start3A_2174 = arith.constant 0 : i32
      %dma_start3A_2175 = arith.constant 0 : i32
      %dma_start3A_2176 = arith.constant 0 : i32
      %dma_start3A_2177 = tpu.memref_slice %arg9[%dma_start3A_2172, %dma_start3A_2174, %dma_start3A_2175, %dma_start3A_2176] : memref<8x4x8x128xf32, #tpu.memory_space<vmem>> -> memref<1x4x8x128xf32, #tpu.memory_space<vmem>>
      %dma_start3A_2178 = tpu.memref_squeeze %dma_start3A_2177 : memref<1x4x8x128xf32, #tpu.memory_space<vmem>> -> memref<4x8x128xf32, #tpu.memory_space<vmem>>
      %dma_start3A_2179 = arith.constant 0 : i32
      %dma_start3A_2180 = arith.constant 0 : i32
      %dma_start3A_2181 = tpu.memref_slice %arg4[%dma_start3A_2179, %dma_start3A_2180, %multiple_of3A_2165] : memref<4x8x1000000xf32, #tpu.memory_space<hbm>> -> memref<4x8x128xf32, #tpu.memory_space<hbm>>
      %dma_start3A_2182 = tpu.memref_slice %arg13[%dma_start3A_2173] : memref<8x!tpu.dma_semaphore, #tpu.memory_space<semaphore_mem>> -> memref<1x!tpu.dma_semaphore, #tpu.memory_space<semaphore_mem>>
      %dma_start3A_2183 = tpu.memref_squeeze %dma_start3A_2182 : memref<1x!tpu.dma_semaphore, #tpu.memory_space<semaphore_mem>> -> memref<!tpu.dma_semaphore, #tpu.memory_space<semaphore_mem>>
      %dma_start3A_2184 = arith.constant 0 : i32
      %dma_start3A_2185 = arith.constant 0 : i32
      %dma_start3A_2186 = arith.constant 0 : i32
      %dma_start3A_2187 = tpu.memref_slice %arg9[%dma_start3A_2172, %dma_start3A_2184, %dma_start3A_2185, %dma_start3A_2186] : memref<8x4x8x128xf32, #tpu.memory_space<vmem>> -> memref<1x4x8x128xf32, #tpu.memory_space<vmem>>
      %dma_start3A_2188 = tpu.memref_squeeze %dma_start3A_2187 : memref<1x4x8x128xf32, #tpu.memory_space<vmem>> -> memref<4x8x128xf32, #tpu.memory_space<vmem>>
      %dma_start3A_2189 = arith.constant 0 : i32
      %dma_start3A_2190 = arith.constant 0 : i32
      %dma_start3A_2191 = tpu.memref_slice %arg4[%dma_start3A_2189, %dma_start3A_2190, %multiple_of3A_2165] : memref<4x8x1000000xf32, #tpu.memory_space<hbm>> -> memref<4x8x128xf32, #tpu.memory_space<hbm>>
      tpu.enqueue_dma source(%dma_start3A_2191 : memref<4x8x128xf32, #tpu.memory_space<hbm>>) target(%dma_start3A_2188 : memref<4x8x128xf32, #tpu.memory_space<vmem>>) target_semaphore(%dma_start3A_2183 : memref<!tpu.dma_semaphore, #tpu.memory_space<semaphore_mem>>)
      %dma_start3A_2192 = arith.constant 7 : i32
      %dma_start3A_2193 = arith.constant 7 : i32
      %dma_start3A_2194 = arith.constant 0 : i32
      %dma_start3A_2195 = arith.constant 0 : i32
      %dma_start3A_2196 = arith.constant 0 : i32
      %dma_start3A_2197 = tpu.memref_slice %arg10[%dma_start3A_2192, %dma_start3A_2194, %dma_start3A_2195, %dma_start3A_2196] : memref<8x4x8x128xf32, #tpu.memory_space<vmem>> -> memref<1x4x8x128xf32, #tpu.memory_space<vmem>>
      %dma_start3A_2198 = tpu.memref_squeeze %dma_start3A_2197 : memref<1x4x8x128xf32, #tpu.memory_space<vmem>> -> memref<4x8x128xf32, #tpu.memory_space<vmem>>
      %dma_start3A_2199 = arith.constant 0 : i32
      %dma_start3A_2200 = arith.constant 0 : i32
      %dma_start3A_2201 = tpu.memref_slice %arg5[%dma_start3A_2199, %dma_start3A_2200, %multiple_of3A_2171] : memref<4x8x1000000xf32, #tpu.memory_space<hbm>> -> memref<4x8x128xf32, #tpu.memory_space<hbm>>
      %dma_start3A_2202 = tpu.memref_slice %arg14[%dma_start3A_2193] : memref<8x!tpu.dma_semaphore, #tpu.memory_space<semaphore_mem>> -> memref<1x!tpu.dma_semaphore, #tpu.memory_space<semaphore_mem>>
      %dma_start3A_2203 = tpu.memref_squeeze %dma_start3A_2202 : memref<1x!tpu.dma_semaphore, #tpu.memory_space<semaphore_mem>> -> memref<!tpu.dma_semaphore, #tpu.memory_space<semaphore_mem>>
      %dma_start3A_2204 = arith.constant 0 : i32
      %dma_start3A_2205 = arith.constant 0 : i32
      %dma_start3A_2206 = arith.constant 0 : i32
      %dma_start3A_2207 = tpu.memref_slice %arg10[%dma_start3A_2192, %dma_start3A_2204, %dma_start3A_2205, %dma_start3A_2206] : memref<8x4x8x128xf32, #tpu.memory_space<vmem>> -> memref<1x4x8x128xf32, #tpu.memory_space<vmem>>
      %dma_start3A_2208 = tpu.memref_squeeze %dma_start3A_2207 : memref<1x4x8x128xf32, #tpu.memory_space<vmem>> -> memref<4x8x128xf32, #tpu.memory_space<vmem>>
      %dma_start3A_2209 = arith.constant 0 : i32
      %dma_start3A_2210 = arith.constant 0 : i32
      %dma_start3A_2211 = tpu.memref_slice %arg5[%dma_start3A_2209, %dma_start3A_2210, %multiple_of3A_2171] : memref<4x8x1000000xf32, #tpu.memory_space<hbm>> -> memref<4x8x128xf32, #tpu.memory_space<hbm>>
      tpu.enqueue_dma source(%dma_start3A_2211 : memref<4x8x128xf32, #tpu.memory_space<hbm>>) target(%dma_start3A_2208 : memref<4x8x128xf32, #tpu.memory_space<vmem>>) target_semaphore(%dma_start3A_2203 : memref<!tpu.dma_semaphore, #tpu.memory_space<semaphore_mem>>)
      %dma_wait3A_2212 = arith.constant 0 : i32
      %dma_wait3A_2213 = arith.constant 0 : i32
      %dma_wait3A_2214 = arith.constant 0 : i32
      %dma_wait3A_2215 = arith.constant 0 : i32
      %dma_wait3A_2216 = arith.constant 0 : i32
      %dma_wait3A_2217 = tpu.memref_slice %arg9[%dma_wait3A_2212, %dma_wait3A_2214, %dma_wait3A_2215, %dma_wait3A_2216] : memref<8x4x8x128xf32, #tpu.memory_space<vmem>> -> memref<1x4x8x128xf32, #tpu.memory_space<vmem>>
      %dma_wait3A_2218 = tpu.memref_squeeze %dma_wait3A_2217 : memref<1x4x8x128xf32, #tpu.memory_space<vmem>> -> memref<4x8x128xf32, #tpu.memory_space<vmem>>
      %dma_wait3A_2219 = arith.constant 0 : i32
      %dma_wait3A_2220 = arith.constant 0 : i32
      %dma_wait3A_2221 = arith.constant 0 : i32
      %dma_wait3A_2222 = tpu.memref_slice %arg4[%dma_wait3A_2219, %dma_wait3A_2220, %dma_wait3A_2221] : memref<4x8x1000000xf32, #tpu.memory_space<hbm>> -> memref<4x8x128xf32, #tpu.memory_space<hbm>>
      %dma_wait3A_2223 = tpu.memref_slice %arg13[%dma_wait3A_2213] : memref<8x!tpu.dma_semaphore, #tpu.memory_space<semaphore_mem>> -> memref<1x!tpu.dma_semaphore, #tpu.memory_space<semaphore_mem>>
      %dma_wait3A_2224 = tpu.memref_squeeze %dma_wait3A_2223 : memref<1x!tpu.dma_semaphore, #tpu.memory_space<semaphore_mem>> -> memref<!tpu.dma_semaphore, #tpu.memory_space<semaphore_mem>>
      %dma_wait3A_2225 = arith.constant 0 : i32
      %dma_wait3A_2226 = arith.constant 0 : i32
      %dma_wait3A_2227 = arith.constant 0 : i32
      %dma_wait3A_2228 = tpu.memref_slice %arg9[%dma_wait3A_2212, %dma_wait3A_2225, %dma_wait3A_2226, %dma_wait3A_2227] : memref<8x4x8x128xf32, #tpu.memory_space<vmem>> -> memref<1x4x8x128xf32, #tpu.memory_space<vmem>>
      %dma_wait3A_2229 = tpu.memref_squeeze %dma_wait3A_2228 : memref<1x4x8x128xf32, #tpu.memory_space<vmem>> -> memref<4x8x128xf32, #tpu.memory_space<vmem>>
      %dma_wait3A_2230 = arith.constant 0 : i32
      %dma_wait3A_2231 = arith.constant 0 : i32
      %dma_wait3A_2232 = arith.constant 0 : i32
      %dma_wait3A_2233 = tpu.memref_slice %arg4[%dma_wait3A_2230, %dma_wait3A_2231, %dma_wait3A_2232] : memref<4x8x1000000xf32, #tpu.memory_space<hbm>> -> memref<4x8x128xf32, #tpu.memory_space<hbm>>
      tpu.wait_dma2 semaphore(%dma_wait3A_2224 : memref<!tpu.dma_semaphore, #tpu.memory_space<semaphore_mem>>) src(%dma_wait3A_2233 : memref<4x8x128xf32, #tpu.memory_space<hbm>>) dst(%dma_wait3A_2229 : memref<4x8x128xf32, #tpu.memory_space<vmem>>)
      %dma_wait3A_2234 = arith.constant 0 : i32
      %dma_wait3A_2235 = arith.constant 0 : i32
      %dma_wait3A_2236 = arith.constant 0 : i32
      %dma_wait3A_2237 = arith.constant 0 : i32
      %dma_wait3A_2238 = arith.constant 0 : i32
      %dma_wait3A_2239 = tpu.memref_slice %arg10[%dma_wait3A_2234, %dma_wait3A_2236, %dma_wait3A_2237, %dma_wait3A_2238] : memref<8x4x8x128xf32, #tpu.memory_space<vmem>> -> memref<1x4x8x128xf32, #tpu.memory_space<vmem>>
      %dma_wait3A_2240 = tpu.memref_squeeze %dma_wait3A_2239 : memref<1x4x8x128xf32, #tpu.memory_space<vmem>> -> memref<4x8x128xf32, #tpu.memory_space<vmem>>
      %dma_wait3A_2241 = arith.constant 0 : i32
      %dma_wait3A_2242 = arith.constant 0 : i32
      %dma_wait3A_2243 = arith.constant 0 : i32
      %dma_wait3A_2244 = tpu.memref_slice %arg5[%dma_wait3A_2241, %dma_wait3A_2242, %dma_wait3A_2243] : memref<4x8x1000000xf32, #tpu.memory_space<hbm>> -> memref<4x8x128xf32, #tpu.memory_space<hbm>>
      %dma_wait3A_2245 = tpu.memref_slice %arg14[%dma_wait3A_2235] : memref<8x!tpu.dma_semaphore, #tpu.memory_space<semaphore_mem>> -> memref<1x!tpu.dma_semaphore, #tpu.memory_space<semaphore_mem>>
      %dma_wait3A_2246 = tpu.memref_squeeze %dma_wait3A_2245 : memref<1x!tpu.dma_semaphore, #tpu.memory_space<semaphore_mem>> -> memref<!tpu.dma_semaphore, #tpu.memory_space<semaphore_mem>>
      %dma_wait3A_2247 = arith.constant 0 : i32
      %dma_wait3A_2248 = arith.constant 0 : i32
      %dma_wait3A_2249 = arith.constant 0 : i32
      %dma_wait3A_2250 = tpu.memref_slice %arg10[%dma_wait3A_2234, %dma_wait3A_2247, %dma_wait3A_2248, %dma_wait3A_2249] : memref<8x4x8x128xf32, #tpu.memory_space<vmem>> -> memref<1x4x8x128xf32, #tpu.memory_space<vmem>>
      %dma_wait3A_2251 = tpu.memref_squeeze %dma_wait3A_2250 : memref<1x4x8x128xf32, #tpu.memory_space<vmem>> -> memref<4x8x128xf32, #tpu.memory_space<vmem>>
      %dma_wait3A_2252 = arith.constant 0 : i32
      %dma_wait3A_2253 = arith.constant 0 : i32
      %dma_wait3A_2254 = arith.constant 0 : i32
      %dma_wait3A_2255 = tpu.memref_slice %arg5[%dma_wait3A_2252, %dma_wait3A_2253, %dma_wait3A_2254] : memref<4x8x1000000xf32, #tpu.memory_space<hbm>> -> memref<4x8x128xf32, #tpu.memory_space<hbm>>
      tpu.wait_dma2 semaphore(%dma_wait3A_2246 : memref<!tpu.dma_semaphore, #tpu.memory_space<semaphore_mem>>) src(%dma_wait3A_2255 : memref<4x8x128xf32, #tpu.memory_space<hbm>>) dst(%dma_wait3A_2251 : memref<4x8x128xf32, #tpu.memory_space<vmem>>)
      %slice3A_2256 = vector.extract_strided_slice %get3A_899 {offsets = [8], sizes = [1], strides = [1]} : vector<16xi32> to vector<1xi32>
      %squeeze3A_2257 = vector.extract %slice3A_2256[0] : i32 from vector<1xi32>
      %and3A_2258 = arith.constant 127 : i32
      %and3A_2259 = arith.andi %squeeze3A_2257, %and3A_2258 : i32
      %slice3A_2260 = vector.extract_strided_slice %get3A_901 {offsets = [8], sizes = [1], strides = [1]} : vector<16xi32> to vector<1xi32>
      %squeeze3A_2261 = vector.extract %slice3A_2260[0] : i32 from vector<1xi32>
      %and3A_2262 = arith.constant 127 : i32
      %and3A_2263 = arith.andi %squeeze3A_2261, %and3A_2262 : i32
      %broadcast_in_dim3A_2264 = arith.constant 0 : i32
      %broadcast_in_dim3A_2265 = vector.broadcast %broadcast_in_dim3A_2264 : i32 to vector<16xi32>
      %add3A_2266 = vector.broadcast %and3A_2259 : i32 to vector<16xi32>
      %add3A_2267 = arith.addi %broadcast_in_dim3A_2265, %add3A_2266 : vector<16xi32>
      %broadcast_in_dim3A_2268 = arith.constant 0 : i32
      %broadcast_in_dim3A_2269 = vector.broadcast %broadcast_in_dim3A_2268 : i32 to vector<16xi32>
      %add3A_2270 = vector.broadcast %and3A_2263 : i32 to vector<16xi32>
      %add3A_2271 = arith.addi %broadcast_in_dim3A_2269, %add3A_2270 : vector<16xi32>
      %gather3A_2272 = arith.constant 0 : i32
      %gather3A_2273 = arith.constant 0 : i32
      %gather3A_2274 = arith.constant 0 : i32
      %gather3A_2275 = arith.constant 0 : i32
      %gather3A_2276 = tpu.memref_slice %arg9[%gather3A_2272, %gather3A_2273, %gather3A_2274, %gather3A_2275] : memref<8x4x8x128xf32, #tpu.memory_space<vmem>> -> memref<1x4x8x128xf32, #tpu.memory_space<vmem>>
      %gather3A_2277 = tpu.memref_squeeze %gather3A_2276 : memref<1x4x8x128xf32, #tpu.memory_space<vmem>> -> memref<4x8x128xf32, #tpu.memory_space<vmem>>
      %gather3A_2278 = tpu.vector_load_idx %gather3A_2277[%select_n3A, %select_n3A_64, %add3A_2267] : memref<4x8x128xf32, #tpu.memory_space<vmem>>[vector<16xi32>, vector<16xi32>, vector<16xi32>], vector<16xf32>,
      %gather3A_2279 = arith.constant 0 : i32
      %gather3A_2280 = arith.constant 0 : i32
      %gather3A_2281 = arith.constant 0 : i32
      %gather3A_2282 = arith.constant 0 : i32
      %gather3A_2283 = tpu.memref_slice %arg9[%gather3A_2279, %gather3A_2280, %gather3A_2281, %gather3A_2282] : memref<8x4x8x128xf32, #tpu.memory_space<vmem>> -> memref<1x4x8x128xf32, #tpu.memory_space<vmem>>
      %gather3A_2284 = tpu.memref_squeeze %gather3A_2283 : memref<1x4x8x128xf32, #tpu.memory_space<vmem>> -> memref<4x8x128xf32, #tpu.memory_space<vmem>>
      %gather3A_2285 = tpu.vector_load_idx %gather3A_2284[%add3A_44, %select_n3A_64, %add3A_2267] : memref<4x8x128xf32, #tpu.memory_space<vmem>>[vector<16xi32>, vector<16xi32>, vector<16xi32>], vector<16xf32>,
      %gather3A_2286 = arith.constant 0 : i32
      %gather3A_2287 = arith.constant 0 : i32
      %gather3A_2288 = arith.constant 0 : i32
      %gather3A_2289 = arith.constant 0 : i32
      %gather3A_2290 = tpu.memref_slice %arg10[%gather3A_2286, %gather3A_2287, %gather3A_2288, %gather3A_2289] : memref<8x4x8x128xf32, #tpu.memory_space<vmem>> -> memref<1x4x8x128xf32, #tpu.memory_space<vmem>>
      %gather3A_2291 = tpu.memref_squeeze %gather3A_2290 : memref<1x4x8x128xf32, #tpu.memory_space<vmem>> -> memref<4x8x128xf32, #tpu.memory_space<vmem>>
      %gather3A_2292 = tpu.vector_load_idx %gather3A_2291[%select_n3A, %select_n3A_64, %add3A_2271] : memref<4x8x128xf32, #tpu.memory_space<vmem>>[vector<16xi32>, vector<16xi32>, vector<16xi32>], vector<16xf32>,
      %gather3A_2293 = arith.constant 0 : i32
      %gather3A_2294 = arith.constant 0 : i32
      %gather3A_2295 = arith.constant 0 : i32
      %gather3A_2296 = arith.constant 0 : i32
      %gather3A_2297 = tpu.memref_slice %arg10[%gather3A_2293, %gather3A_2294, %gather3A_2295, %gather3A_2296] : memref<8x4x8x128xf32, #tpu.memory_space<vmem>> -> memref<1x4x8x128xf32, #tpu.memory_space<vmem>>
      %gather3A_2298 = tpu.memref_squeeze %gather3A_2297 : memref<1x4x8x128xf32, #tpu.memory_space<vmem>> -> memref<4x8x128xf32, #tpu.memory_space<vmem>>
      %gather3A_2299 = tpu.vector_load_idx %gather3A_2298[%add3A_44, %select_n3A_64, %add3A_2271] : memref<4x8x128xf32, #tpu.memory_space<vmem>>[vector<16xi32>, vector<16xi32>, vector<16xi32>], vector<16xf32>,
      %mul3A_2300 = arith.constant 16 : i32
      %mul3A_2301 = arith.muli %scan3A_894, %mul3A_2300 : i32
      %add3A_2302 = arith.constant 8 : i32
      %add3A_2303 = arith.addi %mul3A_2301, %add3A_2302 : i32
      %mul3A_2304 = arith.constant 16 : i32
      %mul3A_2305 = arith.muli %add3A_2303, %mul3A_2304 : i32
      %mul3A_2306 = arith.mulf %gather3A_2278, %gather3A_2292 : vector<16xf32>
      %mul3A_2307 = arith.mulf %gather3A_2285, %gather3A_2299 : vector<16xf32>
      %add3A_2308 = arith.addf %mul3A_2306, %mul3A_2307 : vector<16xf32>
      %swap3A_2309 = arith.index_cast %mul3A_2305 : i32 to index
      %swap3A_2310 = tpu.vector_load %arg11[%swap3A_2309] {strides = array<i32>} : memref<8192xf32, #tpu.memory_space<vmem>>, vector<16xf32>,
      tpu.vector_store %arg11[%swap3A_2309], %add3A_2308 {strides = array<i32>} : memref<8192xf32, #tpu.memory_space<vmem>>, vector<16xf32>,
      %get3A_2311 = arith.index_cast %mul3A_2305 : i32 to index
      %get3A_2312 = tpu.vector_load %arg11[%get3A_2311] {strides = array<i32>} : memref<8192xf32, #tpu.memory_space<vmem>>, vector<16xf32>,
      %slice3A_2313 = vector.extract_strided_slice %get3A_2312 {offsets = [0], sizes = [1], strides = [1]} : vector<16xf32> to vector<1xf32>
      %squeeze3A_2314 = vector.extract %slice3A_2313[0] : f32 from vector<1xf32>
      %eq3A_2315 = arith.cmpf oeq, %squeeze3A_2314, %squeeze3A_2314 : f32
      %select_n3A_2316 = arith.constant 1 : i32
      %select_n3A_2317 = arith.constant 0 : i32
      %select_n3A_2318 = arith.select %eq3A_2315, %select_n3A_2317, %select_n3A_2316 : i32
      %slice3A_2319 = vector.extract_strided_slice %get3A_908 {offsets = [0], sizes = [1], strides = [1]} : vector<16xi32> to vector<1xi32>
      %squeeze3A_2320 = vector.extract %slice3A_2319[0] : i32 from vector<1xi32>
      %slice3A_2321 = vector.extract_strided_slice %get3A_910 {offsets = [0], sizes = [1], strides = [1]} : vector<16xi32> to vector<1xi32>
      %squeeze3A_2322 = vector.extract %slice3A_2321[0] : i32 from vector<1xi32>
      %shift_right_arithmetic3A_2323 = arith.constant 7 : i32
      %shift_right_arithmetic3A_2324 = arith.shrsi %squeeze3A_2320, %shift_right_arithmetic3A_2323 : i32
      %mul3A_2325 = arith.constant 128 : i32
      %mul3A_2326 = arith.muli %shift_right_arithmetic3A_2324, %mul3A_2325 : i32
      %add3A_2327 = arith.addi %mul3A_2326, %select_n3A_2318 : i32
      %multiple_of3A_2328 = tpu.assume_multiple %add3A_2327, 128 : i32
      %shift_right_arithmetic3A_2329 = arith.constant 7 : i32
      %shift_right_arithmetic3A_2330 = arith.shrsi %squeeze3A_2322, %shift_right_arithmetic3A_2329 : i32
      %mul3A_2331 = arith.constant 128 : i32
      %mul3A_2332 = arith.muli %shift_right_arithmetic3A_2330, %mul3A_2331 : i32
      %add3A_2333 = arith.addi %mul3A_2332, %select_n3A_2318 : i32
      %multiple_of3A_2334 = tpu.assume_multiple %add3A_2333, 128 : i32
      %dma_start3A_2335 = arith.constant 0 : i32
      %dma_start3A_2336 = arith.constant 0 : i32
      %dma_start3A_2337 = arith.constant 0 : i32
      %dma_start3A_2338 = arith.constant 0 : i32
      %dma_start3A_2339 = arith.constant 0 : i32
      %dma_start3A_2340 = tpu.memref_slice %arg9[%dma_start3A_2335, %dma_start3A_2337, %dma_start3A_2338, %dma_start3A_2339] : memref<8x4x8x128xf32, #tpu.memory_space<vmem>> -> memref<1x4x8x128xf32, #tpu.memory_space<vmem>>
      %dma_start3A_2341 = tpu.memref_squeeze %dma_start3A_2340 : memref<1x4x8x128xf32, #tpu.memory_space<vmem>> -> memref<4x8x128xf32, #tpu.memory_space<vmem>>
      %dma_start3A_2342 = arith.constant 0 : i32
      %dma_start3A_2343 = arith.constant 0 : i32
      %dma_start3A_2344 = tpu.memref_slice %arg4[%dma_start3A_2342, %dma_start3A_2343, %multiple_of3A_2328] : memref<4x8x1000000xf32, #tpu.memory_space<hbm>> -> memref<4x8x128xf32, #tpu.memory_space<hbm>>
      %dma_start3A_2345 = tpu.memref_slice %arg13[%dma_start3A_2336] : memref<8x!tpu.dma_semaphore, #tpu.memory_space<semaphore_mem>> -> memref<1x!tpu.dma_semaphore, #tpu.memory_space<semaphore_mem>>
      %dma_start3A_2346 = tpu.memref_squeeze %dma_start3A_2345 : memref<1x!tpu.dma_semaphore, #tpu.memory_space<semaphore_mem>> -> memref<!tpu.dma_semaphore, #tpu.memory_space<semaphore_mem>>
      %dma_start3A_2347 = arith.constant 0 : i32
      %dma_start3A_2348 = arith.constant 0 : i32
      %dma_start3A_2349 = arith.constant 0 : i32
      %dma_start3A_2350 = tpu.memref_slice %arg9[%dma_start3A_2335, %dma_start3A_2347, %dma_start3A_2348, %dma_start3A_2349] : memref<8x4x8x128xf32, #tpu.memory_space<vmem>> -> memref<1x4x8x128xf32, #tpu.memory_space<vmem>>
      %dma_start3A_2351 = tpu.memref_squeeze %dma_start3A_2350 : memref<1x4x8x128xf32, #tpu.memory_space<vmem>> -> memref<4x8x128xf32, #tpu.memory_space<vmem>>
      %dma_start3A_2352 = arith.constant 0 : i32
      %dma_start3A_2353 = arith.constant 0 : i32
      %dma_start3A_2354 = tpu.memref_slice %arg4[%dma_start3A_2352, %dma_start3A_2353, %multiple_of3A_2328] : memref<4x8x1000000xf32, #tpu.memory_space<hbm>> -> memref<4x8x128xf32, #tpu.memory_space<hbm>>
      tpu.enqueue_dma source(%dma_start3A_2354 : memref<4x8x128xf32, #tpu.memory_space<hbm>>) target(%dma_start3A_2351 : memref<4x8x128xf32, #tpu.memory_space<vmem>>) target_semaphore(%dma_start3A_2346 : memref<!tpu.dma_semaphore, #tpu.memory_space<semaphore_mem>>)
      %dma_start3A_2355 = arith.constant 0 : i32
      %dma_start3A_2356 = arith.constant 0 : i32
      %dma_start3A_2357 = arith.constant 0 : i32
      %dma_start3A_2358 = arith.constant 0 : i32
      %dma_start3A_2359 = arith.constant 0 : i32
      %dma_start3A_2360 = tpu.memref_slice %arg10[%dma_start3A_2355, %dma_start3A_2357, %dma_start3A_2358, %dma_start3A_2359] : memref<8x4x8x128xf32, #tpu.memory_space<vmem>> -> memref<1x4x8x128xf32, #tpu.memory_space<vmem>>
      %dma_start3A_2361 = tpu.memref_squeeze %dma_start3A_2360 : memref<1x4x8x128xf32, #tpu.memory_space<vmem>> -> memref<4x8x128xf32, #tpu.memory_space<vmem>>
      %dma_start3A_2362 = arith.constant 0 : i32
      %dma_start3A_2363 = arith.constant 0 : i32
      %dma_start3A_2364 = tpu.memref_slice %arg5[%dma_start3A_2362, %dma_start3A_2363, %multiple_of3A_2334] : memref<4x8x1000000xf32, #tpu.memory_space<hbm>> -> memref<4x8x128xf32, #tpu.memory_space<hbm>>
      %dma_start3A_2365 = tpu.memref_slice %arg14[%dma_start3A_2356] : memref<8x!tpu.dma_semaphore, #tpu.memory_space<semaphore_mem>> -> memref<1x!tpu.dma_semaphore, #tpu.memory_space<semaphore_mem>>
      %dma_start3A_2366 = tpu.memref_squeeze %dma_start3A_2365 : memref<1x!tpu.dma_semaphore, #tpu.memory_space<semaphore_mem>> -> memref<!tpu.dma_semaphore, #tpu.memory_space<semaphore_mem>>
      %dma_start3A_2367 = arith.constant 0 : i32
      %dma_start3A_2368 = arith.constant 0 : i32
      %dma_start3A_2369 = arith.constant 0 : i32
      %dma_start3A_2370 = tpu.memref_slice %arg10[%dma_start3A_2355, %dma_start3A_2367, %dma_start3A_2368, %dma_start3A_2369] : memref<8x4x8x128xf32, #tpu.memory_space<vmem>> -> memref<1x4x8x128xf32, #tpu.memory_space<vmem>>
      %dma_start3A_2371 = tpu.memref_squeeze %dma_start3A_2370 : memref<1x4x8x128xf32, #tpu.memory_space<vmem>> -> memref<4x8x128xf32, #tpu.memory_space<vmem>>
      %dma_start3A_2372 = arith.constant 0 : i32
      %dma_start3A_2373 = arith.constant 0 : i32
      %dma_start3A_2374 = tpu.memref_slice %arg5[%dma_start3A_2372, %dma_start3A_2373, %multiple_of3A_2334] : memref<4x8x1000000xf32, #tpu.memory_space<hbm>> -> memref<4x8x128xf32, #tpu.memory_space<hbm>>
      tpu.enqueue_dma source(%dma_start3A_2374 : memref<4x8x128xf32, #tpu.memory_space<hbm>>) target(%dma_start3A_2371 : memref<4x8x128xf32, #tpu.memory_space<vmem>>) target_semaphore(%dma_start3A_2366 : memref<!tpu.dma_semaphore, #tpu.memory_space<semaphore_mem>>)
      %dma_wait3A_2375 = arith.constant 1 : i32
      %dma_wait3A_2376 = arith.constant 1 : i32
      %dma_wait3A_2377 = arith.constant 0 : i32
      %dma_wait3A_2378 = arith.constant 0 : i32
      %dma_wait3A_2379 = arith.constant 0 : i32
      %dma_wait3A_2380 = tpu.memref_slice %arg9[%dma_wait3A_2375, %dma_wait3A_2377, %dma_wait3A_2378, %dma_wait3A_2379] : memref<8x4x8x128xf32, #tpu.memory_space<vmem>> -> memref<1x4x8x128xf32, #tpu.memory_space<vmem>>
      %dma_wait3A_2381 = tpu.memref_squeeze %dma_wait3A_2380 : memref<1x4x8x128xf32, #tpu.memory_space<vmem>> -> memref<4x8x128xf32, #tpu.memory_space<vmem>>
      %dma_wait3A_2382 = arith.constant 0 : i32
      %dma_wait3A_2383 = arith.constant 0 : i32
      %dma_wait3A_2384 = arith.constant 0 : i32
      %dma_wait3A_2385 = tpu.memref_slice %arg4[%dma_wait3A_2382, %dma_wait3A_2383, %dma_wait3A_2384] : memref<4x8x1000000xf32, #tpu.memory_space<hbm>> -> memref<4x8x128xf32, #tpu.memory_space<hbm>>
      %dma_wait3A_2386 = tpu.memref_slice %arg13[%dma_wait3A_2376] : memref<8x!tpu.dma_semaphore, #tpu.memory_space<semaphore_mem>> -> memref<1x!tpu.dma_semaphore, #tpu.memory_space<semaphore_mem>>
      %dma_wait3A_2387 = tpu.memref_squeeze %dma_wait3A_2386 : memref<1x!tpu.dma_semaphore, #tpu.memory_space<semaphore_mem>> -> memref<!tpu.dma_semaphore, #tpu.memory_space<semaphore_mem>>
      %dma_wait3A_2388 = arith.constant 0 : i32
      %dma_wait3A_2389 = arith.constant 0 : i32
      %dma_wait3A_2390 = arith.constant 0 : i32
      %dma_wait3A_2391 = tpu.memref_slice %arg9[%dma_wait3A_2375, %dma_wait3A_2388, %dma_wait3A_2389, %dma_wait3A_2390] : memref<8x4x8x128xf32, #tpu.memory_space<vmem>> -> memref<1x4x8x128xf32, #tpu.memory_space<vmem>>
      %dma_wait3A_2392 = tpu.memref_squeeze %dma_wait3A_2391 : memref<1x4x8x128xf32, #tpu.memory_space<vmem>> -> memref<4x8x128xf32, #tpu.memory_space<vmem>>
      %dma_wait3A_2393 = arith.constant 0 : i32
      %dma_wait3A_2394 = arith.constant 0 : i32
      %dma_wait3A_2395 = arith.constant 0 : i32
      %dma_wait3A_2396 = tpu.memref_slice %arg4[%dma_wait3A_2393, %dma_wait3A_2394, %dma_wait3A_2395] : memref<4x8x1000000xf32, #tpu.memory_space<hbm>> -> memref<4x8x128xf32, #tpu.memory_space<hbm>>
      tpu.wait_dma2 semaphore(%dma_wait3A_2387 : memref<!tpu.dma_semaphore, #tpu.memory_space<semaphore_mem>>) src(%dma_wait3A_2396 : memref<4x8x128xf32, #tpu.memory_space<hbm>>) dst(%dma_wait3A_2392 : memref<4x8x128xf32, #tpu.memory_space<vmem>>)
      %dma_wait3A_2397 = arith.constant 1 : i32
      %dma_wait3A_2398 = arith.constant 1 : i32
      %dma_wait3A_2399 = arith.constant 0 : i32
      %dma_wait3A_2400 = arith.constant 0 : i32
      %dma_wait3A_2401 = arith.constant 0 : i32
      %dma_wait3A_2402 = tpu.memref_slice %arg10[%dma_wait3A_2397, %dma_wait3A_2399, %dma_wait3A_2400, %dma_wait3A_2401] : memref<8x4x8x128xf32, #tpu.memory_space<vmem>> -> memref<1x4x8x128xf32, #tpu.memory_space<vmem>>
      %dma_wait3A_2403 = tpu.memref_squeeze %dma_wait3A_2402 : memref<1x4x8x128xf32, #tpu.memory_space<vmem>> -> memref<4x8x128xf32, #tpu.memory_space<vmem>>
      %dma_wait3A_2404 = arith.constant 0 : i32
      %dma_wait3A_2405 = arith.constant 0 : i32
      %dma_wait3A_2406 = arith.constant 0 : i32
      %dma_wait3A_2407 = tpu.memref_slice %arg5[%dma_wait3A_2404, %dma_wait3A_2405, %dma_wait3A_2406] : memref<4x8x1000000xf32, #tpu.memory_space<hbm>> -> memref<4x8x128xf32, #tpu.memory_space<hbm>>
      %dma_wait3A_2408 = tpu.memref_slice %arg14[%dma_wait3A_2398] : memref<8x!tpu.dma_semaphore, #tpu.memory_space<semaphore_mem>> -> memref<1x!tpu.dma_semaphore, #tpu.memory_space<semaphore_mem>>
      %dma_wait3A_2409 = tpu.memref_squeeze %dma_wait3A_2408 : memref<1x!tpu.dma_semaphore, #tpu.memory_space<semaphore_mem>> -> memref<!tpu.dma_semaphore, #tpu.memory_space<semaphore_mem>>
      %dma_wait3A_2410 = arith.constant 0 : i32
      %dma_wait3A_2411 = arith.constant 0 : i32
      %dma_wait3A_2412 = arith.constant 0 : i32
      %dma_wait3A_2413 = tpu.memref_slice %arg10[%dma_wait3A_2397, %dma_wait3A_2410, %dma_wait3A_2411, %dma_wait3A_2412] : memref<8x4x8x128xf32, #tpu.memory_space<vmem>> -> memref<1x4x8x128xf32, #tpu.memory_space<vmem>>
      %dma_wait3A_2414 = tpu.memref_squeeze %dma_wait3A_2413 : memref<1x4x8x128xf32, #tpu.memory_space<vmem>> -> memref<4x8x128xf32, #tpu.memory_space<vmem>>
      %dma_wait3A_2415 = arith.constant 0 : i32
      %dma_wait3A_2416 = arith.constant 0 : i32
      %dma_wait3A_2417 = arith.constant 0 : i32
      %dma_wait3A_2418 = tpu.memref_slice %arg5[%dma_wait3A_2415, %dma_wait3A_2416, %dma_wait3A_2417] : memref<4x8x1000000xf32, #tpu.memory_space<hbm>> -> memref<4x8x128xf32, #tpu.memory_space<hbm>>
      tpu.wait_dma2 semaphore(%dma_wait3A_2409 : memref<!tpu.dma_semaphore, #tpu.memory_space<semaphore_mem>>) src(%dma_wait3A_2418 : memref<4x8x128xf32, #tpu.memory_space<hbm>>) dst(%dma_wait3A_2414 : memref<4x8x128xf32, #tpu.memory_space<vmem>>)
      %slice3A_2419 = vector.extract_strided_slice %get3A_899 {offsets = [9], sizes = [1], strides = [1]} : vector<16xi32> to vector<1xi32>
      %squeeze3A_2420 = vector.extract %slice3A_2419[0] : i32 from vector<1xi32>
      %and3A_2421 = arith.constant 127 : i32
      %and3A_2422 = arith.andi %squeeze3A_2420, %and3A_2421 : i32
      %slice3A_2423 = vector.extract_strided_slice %get3A_901 {offsets = [9], sizes = [1], strides = [1]} : vector<16xi32> to vector<1xi32>
      %squeeze3A_2424 = vector.extract %slice3A_2423[0] : i32 from vector<1xi32>
      %and3A_2425 = arith.constant 127 : i32
      %and3A_2426 = arith.andi %squeeze3A_2424, %and3A_2425 : i32
      %broadcast_in_dim3A_2427 = arith.constant 0 : i32
      %broadcast_in_dim3A_2428 = vector.broadcast %broadcast_in_dim3A_2427 : i32 to vector<16xi32>
      %add3A_2429 = vector.broadcast %and3A_2422 : i32 to vector<16xi32>
      %add3A_2430 = arith.addi %broadcast_in_dim3A_2428, %add3A_2429 : vector<16xi32>
      %broadcast_in_dim3A_2431 = arith.constant 0 : i32
      %broadcast_in_dim3A_2432 = vector.broadcast %broadcast_in_dim3A_2431 : i32 to vector<16xi32>
      %add3A_2433 = vector.broadcast %and3A_2426 : i32 to vector<16xi32>
      %add3A_2434 = arith.addi %broadcast_in_dim3A_2432, %add3A_2433 : vector<16xi32>
      %gather3A_2435 = arith.constant 1 : i32
      %gather3A_2436 = arith.constant 0 : i32
      %gather3A_2437 = arith.constant 0 : i32
      %gather3A_2438 = arith.constant 0 : i32
      %gather3A_2439 = tpu.memref_slice %arg9[%gather3A_2435, %gather3A_2436, %gather3A_2437, %gather3A_2438] : memref<8x4x8x128xf32, #tpu.memory_space<vmem>> -> memref<1x4x8x128xf32, #tpu.memory_space<vmem>>
      %gather3A_2440 = tpu.memref_squeeze %gather3A_2439 : memref<1x4x8x128xf32, #tpu.memory_space<vmem>> -> memref<4x8x128xf32, #tpu.memory_space<vmem>>
      %gather3A_2441 = tpu.vector_load_idx %gather3A_2440[%select_n3A, %select_n3A_64, %add3A_2430] : memref<4x8x128xf32, #tpu.memory_space<vmem>>[vector<16xi32>, vector<16xi32>, vector<16xi32>], vector<16xf32>,
      %gather3A_2442 = arith.constant 1 : i32
      %gather3A_2443 = arith.constant 0 : i32
      %gather3A_2444 = arith.constant 0 : i32
      %gather3A_2445 = arith.constant 0 : i32
      %gather3A_2446 = tpu.memref_slice %arg9[%gather3A_2442, %gather3A_2443, %gather3A_2444, %gather3A_2445] : memref<8x4x8x128xf32, #tpu.memory_space<vmem>> -> memref<1x4x8x128xf32, #tpu.memory_space<vmem>>
      %gather3A_2447 = tpu.memref_squeeze %gather3A_2446 : memref<1x4x8x128xf32, #tpu.memory_space<vmem>> -> memref<4x8x128xf32, #tpu.memory_space<vmem>>
      %gather3A_2448 = tpu.vector_load_idx %gather3A_2447[%add3A_44, %select_n3A_64, %add3A_2430] : memref<4x8x128xf32, #tpu.memory_space<vmem>>[vector<16xi32>, vector<16xi32>, vector<16xi32>], vector<16xf32>,
      %gather3A_2449 = arith.constant 1 : i32
      %gather3A_2450 = arith.constant 0 : i32
      %gather3A_2451 = arith.constant 0 : i32
      %gather3A_2452 = arith.constant 0 : i32
      %gather3A_2453 = tpu.memref_slice %arg10[%gather3A_2449, %gather3A_2450, %gather3A_2451, %gather3A_2452] : memref<8x4x8x128xf32, #tpu.memory_space<vmem>> -> memref<1x4x8x128xf32, #tpu.memory_space<vmem>>
      %gather3A_2454 = tpu.memref_squeeze %gather3A_2453 : memref<1x4x8x128xf32, #tpu.memory_space<vmem>> -> memref<4x8x128xf32, #tpu.memory_space<vmem>>
      %gather3A_2455 = tpu.vector_load_idx %gather3A_2454[%select_n3A, %select_n3A_64, %add3A_2434] : memref<4x8x128xf32, #tpu.memory_space<vmem>>[vector<16xi32>, vector<16xi32>, vector<16xi32>], vector<16xf32>,
      %gather3A_2456 = arith.constant 1 : i32
      %gather3A_2457 = arith.constant 0 : i32
      %gather3A_2458 = arith.constant 0 : i32
      %gather3A_2459 = arith.constant 0 : i32
      %gather3A_2460 = tpu.memref_slice %arg10[%gather3A_2456, %gather3A_2457, %gather3A_2458, %gather3A_2459] : memref<8x4x8x128xf32, #tpu.memory_space<vmem>> -> memref<1x4x8x128xf32, #tpu.memory_space<vmem>>
      %gather3A_2461 = tpu.memref_squeeze %gather3A_2460 : memref<1x4x8x128xf32, #tpu.memory_space<vmem>> -> memref<4x8x128xf32, #tpu.memory_space<vmem>>
      %gather3A_2462 = tpu.vector_load_idx %gather3A_2461[%add3A_44, %select_n3A_64, %add3A_2434] : memref<4x8x128xf32, #tpu.memory_space<vmem>>[vector<16xi32>, vector<16xi32>, vector<16xi32>], vector<16xf32>,
      %mul3A_2463 = arith.constant 16 : i32
      %mul3A_2464 = arith.muli %scan3A_894, %mul3A_2463 : i32
      %add3A_2465 = arith.constant 9 : i32
      %add3A_2466 = arith.addi %mul3A_2464, %add3A_2465 : i32
      %mul3A_2467 = arith.constant 16 : i32
      %mul3A_2468 = arith.muli %add3A_2466, %mul3A_2467 : i32
      %mul3A_2469 = arith.mulf %gather3A_2441, %gather3A_2455 : vector<16xf32>
      %mul3A_2470 = arith.mulf %gather3A_2448, %gather3A_2462 : vector<16xf32>
      %add3A_2471 = arith.addf %mul3A_2469, %mul3A_2470 : vector<16xf32>
      %swap3A_2472 = arith.index_cast %mul3A_2468 : i32 to index
      %swap3A_2473 = tpu.vector_load %arg11[%swap3A_2472] {strides = array<i32>} : memref<8192xf32, #tpu.memory_space<vmem>>, vector<16xf32>,
      tpu.vector_store %arg11[%swap3A_2472], %add3A_2471 {strides = array<i32>} : memref<8192xf32, #tpu.memory_space<vmem>>, vector<16xf32>,
      %get3A_2474 = arith.index_cast %mul3A_2468 : i32 to index
      %get3A_2475 = tpu.vector_load %arg11[%get3A_2474] {strides = array<i32>} : memref<8192xf32, #tpu.memory_space<vmem>>, vector<16xf32>,
      %slice3A_2476 = vector.extract_strided_slice %get3A_2475 {offsets = [0], sizes = [1], strides = [1]} : vector<16xf32> to vector<1xf32>
      %squeeze3A_2477 = vector.extract %slice3A_2476[0] : f32 from vector<1xf32>
      %eq3A_2478 = arith.cmpf oeq, %squeeze3A_2477, %squeeze3A_2477 : f32
      %select_n3A_2479 = arith.constant 1 : i32
      %select_n3A_2480 = arith.constant 0 : i32
      %select_n3A_2481 = arith.select %eq3A_2478, %select_n3A_2480, %select_n3A_2479 : i32
      %slice3A_2482 = vector.extract_strided_slice %get3A_908 {offsets = [1], sizes = [1], strides = [1]} : vector<16xi32> to vector<1xi32>
      %squeeze3A_2483 = vector.extract %slice3A_2482[0] : i32 from vector<1xi32>
      %slice3A_2484 = vector.extract_strided_slice %get3A_910 {offsets = [1], sizes = [1], strides = [1]} : vector<16xi32> to vector<1xi32>
      %squeeze3A_2485 = vector.extract %slice3A_2484[0] : i32 from vector<1xi32>
      %shift_right_arithmetic3A_2486 = arith.constant 7 : i32
      %shift_right_arithmetic3A_2487 = arith.shrsi %squeeze3A_2483, %shift_right_arithmetic3A_2486 : i32
      %mul3A_2488 = arith.constant 128 : i32
      %mul3A_2489 = arith.muli %shift_right_arithmetic3A_2487, %mul3A_2488 : i32
      %add3A_2490 = arith.addi %mul3A_2489, %select_n3A_2481 : i32
      %multiple_of3A_2491 = tpu.assume_multiple %add3A_2490, 128 : i32
      %shift_right_arithmetic3A_2492 = arith.constant 7 : i32
      %shift_right_arithmetic3A_2493 = arith.shrsi %squeeze3A_2485, %shift_right_arithmetic3A_2492 : i32
      %mul3A_2494 = arith.constant 128 : i32
      %mul3A_2495 = arith.muli %shift_right_arithmetic3A_2493, %mul3A_2494 : i32
      %add3A_2496 = arith.addi %mul3A_2495, %select_n3A_2481 : i32
      %multiple_of3A_2497 = tpu.assume_multiple %add3A_2496, 128 : i32
      %dma_start3A_2498 = arith.constant 1 : i32
      %dma_start3A_2499 = arith.constant 1 : i32
      %dma_start3A_2500 = arith.constant 0 : i32
      %dma_start3A_2501 = arith.constant 0 : i32
      %dma_start3A_2502 = arith.constant 0 : i32
      %dma_start3A_2503 = tpu.memref_slice %arg9[%dma_start3A_2498, %dma_start3A_2500, %dma_start3A_2501, %dma_start3A_2502] : memref<8x4x8x128xf32, #tpu.memory_space<vmem>> -> memref<1x4x8x128xf32, #tpu.memory_space<vmem>>
      %dma_start3A_2504 = tpu.memref_squeeze %dma_start3A_2503 : memref<1x4x8x128xf32, #tpu.memory_space<vmem>> -> memref<4x8x128xf32, #tpu.memory_space<vmem>>
      %dma_start3A_2505 = arith.constant 0 : i32
      %dma_start3A_2506 = arith.constant 0 : i32
      %dma_start3A_2507 = tpu.memref_slice %arg4[%dma_start3A_2505, %dma_start3A_2506, %multiple_of3A_2491] : memref<4x8x1000000xf32, #tpu.memory_space<hbm>> -> memref<4x8x128xf32, #tpu.memory_space<hbm>>
      %dma_start3A_2508 = tpu.memref_slice %arg13[%dma_start3A_2499] : memref<8x!tpu.dma_semaphore, #tpu.memory_space<semaphore_mem>> -> memref<1x!tpu.dma_semaphore, #tpu.memory_space<semaphore_mem>>
      %dma_start3A_2509 = tpu.memref_squeeze %dma_start3A_2508 : memref<1x!tpu.dma_semaphore, #tpu.memory_space<semaphore_mem>> -> memref<!tpu.dma_semaphore, #tpu.memory_space<semaphore_mem>>
      %dma_start3A_2510 = arith.constant 0 : i32
      %dma_start3A_2511 = arith.constant 0 : i32
      %dma_start3A_2512 = arith.constant 0 : i32
      %dma_start3A_2513 = tpu.memref_slice %arg9[%dma_start3A_2498, %dma_start3A_2510, %dma_start3A_2511, %dma_start3A_2512] : memref<8x4x8x128xf32, #tpu.memory_space<vmem>> -> memref<1x4x8x128xf32, #tpu.memory_space<vmem>>
      %dma_start3A_2514 = tpu.memref_squeeze %dma_start3A_2513 : memref<1x4x8x128xf32, #tpu.memory_space<vmem>> -> memref<4x8x128xf32, #tpu.memory_space<vmem>>
      %dma_start3A_2515 = arith.constant 0 : i32
      %dma_start3A_2516 = arith.constant 0 : i32
      %dma_start3A_2517 = tpu.memref_slice %arg4[%dma_start3A_2515, %dma_start3A_2516, %multiple_of3A_2491] : memref<4x8x1000000xf32, #tpu.memory_space<hbm>> -> memref<4x8x128xf32, #tpu.memory_space<hbm>>
      tpu.enqueue_dma source(%dma_start3A_2517 : memref<4x8x128xf32, #tpu.memory_space<hbm>>) target(%dma_start3A_2514 : memref<4x8x128xf32, #tpu.memory_space<vmem>>) target_semaphore(%dma_start3A_2509 : memref<!tpu.dma_semaphore, #tpu.memory_space<semaphore_mem>>)
      %dma_start3A_2518 = arith.constant 1 : i32
      %dma_start3A_2519 = arith.constant 1 : i32
      %dma_start3A_2520 = arith.constant 0 : i32
      %dma_start3A_2521 = arith.constant 0 : i32
      %dma_start3A_2522 = arith.constant 0 : i32
      %dma_start3A_2523 = tpu.memref_slice %arg10[%dma_start3A_2518, %dma_start3A_2520, %dma_start3A_2521, %dma_start3A_2522] : memref<8x4x8x128xf32, #tpu.memory_space<vmem>> -> memref<1x4x8x128xf32, #tpu.memory_space<vmem>>
      %dma_start3A_2524 = tpu.memref_squeeze %dma_start3A_2523 : memref<1x4x8x128xf32, #tpu.memory_space<vmem>> -> memref<4x8x128xf32, #tpu.memory_space<vmem>>
      %dma_start3A_2525 = arith.constant 0 : i32
      %dma_start3A_2526 = arith.constant 0 : i32
      %dma_start3A_2527 = tpu.memref_slice %arg5[%dma_start3A_2525, %dma_start3A_2526, %multiple_of3A_2497] : memref<4x8x1000000xf32, #tpu.memory_space<hbm>> -> memref<4x8x128xf32, #tpu.memory_space<hbm>>
      %dma_start3A_2528 = tpu.memref_slice %arg14[%dma_start3A_2519] : memref<8x!tpu.dma_semaphore, #tpu.memory_space<semaphore_mem>> -> memref<1x!tpu.dma_semaphore, #tpu.memory_space<semaphore_mem>>
      %dma_start3A_2529 = tpu.memref_squeeze %dma_start3A_2528 : memref<1x!tpu.dma_semaphore, #tpu.memory_space<semaphore_mem>> -> memref<!tpu.dma_semaphore, #tpu.memory_space<semaphore_mem>>
      %dma_start3A_2530 = arith.constant 0 : i32
      %dma_start3A_2531 = arith.constant 0 : i32
      %dma_start3A_2532 = arith.constant 0 : i32
      %dma_start3A_2533 = tpu.memref_slice %arg10[%dma_start3A_2518, %dma_start3A_2530, %dma_start3A_2531, %dma_start3A_2532] : memref<8x4x8x128xf32, #tpu.memory_space<vmem>> -> memref<1x4x8x128xf32, #tpu.memory_space<vmem>>
      %dma_start3A_2534 = tpu.memref_squeeze %dma_start3A_2533 : memref<1x4x8x128xf32, #tpu.memory_space<vmem>> -> memref<4x8x128xf32, #tpu.memory_space<vmem>>
      %dma_start3A_2535 = arith.constant 0 : i32
      %dma_start3A_2536 = arith.constant 0 : i32
      %dma_start3A_2537 = tpu.memref_slice %arg5[%dma_start3A_2535, %dma_start3A_2536, %multiple_of3A_2497] : memref<4x8x1000000xf32, #tpu.memory_space<hbm>> -> memref<4x8x128xf32, #tpu.memory_space<hbm>>
      tpu.enqueue_dma source(%dma_start3A_2537 : memref<4x8x128xf32, #tpu.memory_space<hbm>>) target(%dma_start3A_2534 : memref<4x8x128xf32, #tpu.memory_space<vmem>>) target_semaphore(%dma_start3A_2529 : memref<!tpu.dma_semaphore, #tpu.memory_space<semaphore_mem>>)
      %dma_wait3A_2538 = arith.constant 2 : i32
      %dma_wait3A_2539 = arith.constant 2 : i32
      %dma_wait3A_2540 = arith.constant 0 : i32
      %dma_wait3A_2541 = arith.constant 0 : i32
      %dma_wait3A_2542 = arith.constant 0 : i32
      %dma_wait3A_2543 = tpu.memref_slice %arg9[%dma_wait3A_2538, %dma_wait3A_2540, %dma_wait3A_2541, %dma_wait3A_2542] : memref<8x4x8x128xf32, #tpu.memory_space<vmem>> -> memref<1x4x8x128xf32, #tpu.memory_space<vmem>>
      %dma_wait3A_2544 = tpu.memref_squeeze %dma_wait3A_2543 : memref<1x4x8x128xf32, #tpu.memory_space<vmem>> -> memref<4x8x128xf32, #tpu.memory_space<vmem>>
      %dma_wait3A_2545 = arith.constant 0 : i32
      %dma_wait3A_2546 = arith.constant 0 : i32
      %dma_wait3A_2547 = arith.constant 0 : i32
      %dma_wait3A_2548 = tpu.memref_slice %arg4[%dma_wait3A_2545, %dma_wait3A_2546, %dma_wait3A_2547] : memref<4x8x1000000xf32, #tpu.memory_space<hbm>> -> memref<4x8x128xf32, #tpu.memory_space<hbm>>
      %dma_wait3A_2549 = tpu.memref_slice %arg13[%dma_wait3A_2539] : memref<8x!tpu.dma_semaphore, #tpu.memory_space<semaphore_mem>> -> memref<1x!tpu.dma_semaphore, #tpu.memory_space<semaphore_mem>>
      %dma_wait3A_2550 = tpu.memref_squeeze %dma_wait3A_2549 : memref<1x!tpu.dma_semaphore, #tpu.memory_space<semaphore_mem>> -> memref<!tpu.dma_semaphore, #tpu.memory_space<semaphore_mem>>
      %dma_wait3A_2551 = arith.constant 0 : i32
      %dma_wait3A_2552 = arith.constant 0 : i32
      %dma_wait3A_2553 = arith.constant 0 : i32
      %dma_wait3A_2554 = tpu.memref_slice %arg9[%dma_wait3A_2538, %dma_wait3A_2551, %dma_wait3A_2552, %dma_wait3A_2553] : memref<8x4x8x128xf32, #tpu.memory_space<vmem>> -> memref<1x4x8x128xf32, #tpu.memory_space<vmem>>
      %dma_wait3A_2555 = tpu.memref_squeeze %dma_wait3A_2554 : memref<1x4x8x128xf32, #tpu.memory_space<vmem>> -> memref<4x8x128xf32, #tpu.memory_space<vmem>>
      %dma_wait3A_2556 = arith.constant 0 : i32
      %dma_wait3A_2557 = arith.constant 0 : i32
      %dma_wait3A_2558 = arith.constant 0 : i32
      %dma_wait3A_2559 = tpu.memref_slice %arg4[%dma_wait3A_2556, %dma_wait3A_2557, %dma_wait3A_2558] : memref<4x8x1000000xf32, #tpu.memory_space<hbm>> -> memref<4x8x128xf32, #tpu.memory_space<hbm>>
      tpu.wait_dma2 semaphore(%dma_wait3A_2550 : memref<!tpu.dma_semaphore, #tpu.memory_space<semaphore_mem>>) src(%dma_wait3A_2559 : memref<4x8x128xf32, #tpu.memory_space<hbm>>) dst(%dma_wait3A_2555 : memref<4x8x128xf32, #tpu.memory_space<vmem>>)
      %dma_wait3A_2560 = arith.constant 2 : i32
      %dma_wait3A_2561 = arith.constant 2 : i32
      %dma_wait3A_2562 = arith.constant 0 : i32
      %dma_wait3A_2563 = arith.constant 0 : i32
      %dma_wait3A_2564 = arith.constant 0 : i32
      %dma_wait3A_2565 = tpu.memref_slice %arg10[%dma_wait3A_2560, %dma_wait3A_2562, %dma_wait3A_2563, %dma_wait3A_2564] : memref<8x4x8x128xf32, #tpu.memory_space<vmem>> -> memref<1x4x8x128xf32, #tpu.memory_space<vmem>>
      %dma_wait3A_2566 = tpu.memref_squeeze %dma_wait3A_2565 : memref<1x4x8x128xf32, #tpu.memory_space<vmem>> -> memref<4x8x128xf32, #tpu.memory_space<vmem>>
      %dma_wait3A_2567 = arith.constant 0 : i32
      %dma_wait3A_2568 = arith.constant 0 : i32
      %dma_wait3A_2569 = arith.constant 0 : i32
      %dma_wait3A_2570 = tpu.memref_slice %arg5[%dma_wait3A_2567, %dma_wait3A_2568, %dma_wait3A_2569] : memref<4x8x1000000xf32, #tpu.memory_space<hbm>> -> memref<4x8x128xf32, #tpu.memory_space<hbm>>
      %dma_wait3A_2571 = tpu.memref_slice %arg14[%dma_wait3A_2561] : memref<8x!tpu.dma_semaphore, #tpu.memory_space<semaphore_mem>> -> memref<1x!tpu.dma_semaphore, #tpu.memory_space<semaphore_mem>>
      %dma_wait3A_2572 = tpu.memref_squeeze %dma_wait3A_2571 : memref<1x!tpu.dma_semaphore, #tpu.memory_space<semaphore_mem>> -> memref<!tpu.dma_semaphore, #tpu.memory_space<semaphore_mem>>
      %dma_wait3A_2573 = arith.constant 0 : i32
      %dma_wait3A_2574 = arith.constant 0 : i32
      %dma_wait3A_2575 = arith.constant 0 : i32
      %dma_wait3A_2576 = tpu.memref_slice %arg10[%dma_wait3A_2560, %dma_wait3A_2573, %dma_wait3A_2574, %dma_wait3A_2575] : memref<8x4x8x128xf32, #tpu.memory_space<vmem>> -> memref<1x4x8x128xf32, #tpu.memory_space<vmem>>
      %dma_wait3A_2577 = tpu.memref_squeeze %dma_wait3A_2576 : memref<1x4x8x128xf32, #tpu.memory_space<vmem>> -> memref<4x8x128xf32, #tpu.memory_space<vmem>>
      %dma_wait3A_2578 = arith.constant 0 : i32
      %dma_wait3A_2579 = arith.constant 0 : i32
      %dma_wait3A_2580 = arith.constant 0 : i32
      %dma_wait3A_2581 = tpu.memref_slice %arg5[%dma_wait3A_2578, %dma_wait3A_2579, %dma_wait3A_2580] : memref<4x8x1000000xf32, #tpu.memory_space<hbm>> -> memref<4x8x128xf32, #tpu.memory_space<hbm>>
      tpu.wait_dma2 semaphore(%dma_wait3A_2572 : memref<!tpu.dma_semaphore, #tpu.memory_space<semaphore_mem>>) src(%dma_wait3A_2581 : memref<4x8x128xf32, #tpu.memory_space<hbm>>) dst(%dma_wait3A_2577 : memref<4x8x128xf32, #tpu.memory_space<vmem>>)
      %slice3A_2582 = vector.extract_strided_slice %get3A_899 {offsets = [10], sizes = [1], strides = [1]} : vector<16xi32> to vector<1xi32>
      %squeeze3A_2583 = vector.extract %slice3A_2582[0] : i32 from vector<1xi32>
      %and3A_2584 = arith.constant 127 : i32
      %and3A_2585 = arith.andi %squeeze3A_2583, %and3A_2584 : i32
      %slice3A_2586 = vector.extract_strided_slice %get3A_901 {offsets = [10], sizes = [1], strides = [1]} : vector<16xi32> to vector<1xi32>
      %squeeze3A_2587 = vector.extract %slice3A_2586[0] : i32 from vector<1xi32>
      %and3A_2588 = arith.constant 127 : i32
      %and3A_2589 = arith.andi %squeeze3A_2587, %and3A_2588 : i32
      %broadcast_in_dim3A_2590 = arith.constant 0 : i32
      %broadcast_in_dim3A_2591 = vector.broadcast %broadcast_in_dim3A_2590 : i32 to vector<16xi32>
      %add3A_2592 = vector.broadcast %and3A_2585 : i32 to vector<16xi32>
      %add3A_2593 = arith.addi %broadcast_in_dim3A_2591, %add3A_2592 : vector<16xi32>
      %broadcast_in_dim3A_2594 = arith.constant 0 : i32
      %broadcast_in_dim3A_2595 = vector.broadcast %broadcast_in_dim3A_2594 : i32 to vector<16xi32>
      %add3A_2596 = vector.broadcast %and3A_2589 : i32 to vector<16xi32>
      %add3A_2597 = arith.addi %broadcast_in_dim3A_2595, %add3A_2596 : vector<16xi32>
      %gather3A_2598 = arith.constant 2 : i32
      %gather3A_2599 = arith.constant 0 : i32
      %gather3A_2600 = arith.constant 0 : i32
      %gather3A_2601 = arith.constant 0 : i32
      %gather3A_2602 = tpu.memref_slice %arg9[%gather3A_2598, %gather3A_2599, %gather3A_2600, %gather3A_2601] : memref<8x4x8x128xf32, #tpu.memory_space<vmem>> -> memref<1x4x8x128xf32, #tpu.memory_space<vmem>>
      %gather3A_2603 = tpu.memref_squeeze %gather3A_2602 : memref<1x4x8x128xf32, #tpu.memory_space<vmem>> -> memref<4x8x128xf32, #tpu.memory_space<vmem>>
      %gather3A_2604 = tpu.vector_load_idx %gather3A_2603[%select_n3A, %select_n3A_64, %add3A_2593] : memref<4x8x128xf32, #tpu.memory_space<vmem>>[vector<16xi32>, vector<16xi32>, vector<16xi32>], vector<16xf32>,
      %gather3A_2605 = arith.constant 2 : i32
      %gather3A_2606 = arith.constant 0 : i32
      %gather3A_2607 = arith.constant 0 : i32
      %gather3A_2608 = arith.constant 0 : i32
      %gather3A_2609 = tpu.memref_slice %arg9[%gather3A_2605, %gather3A_2606, %gather3A_2607, %gather3A_2608] : memref<8x4x8x128xf32, #tpu.memory_space<vmem>> -> memref<1x4x8x128xf32, #tpu.memory_space<vmem>>
      %gather3A_2610 = tpu.memref_squeeze %gather3A_2609 : memref<1x4x8x128xf32, #tpu.memory_space<vmem>> -> memref<4x8x128xf32, #tpu.memory_space<vmem>>
      %gather3A_2611 = tpu.vector_load_idx %gather3A_2610[%add3A_44, %select_n3A_64, %add3A_2593] : memref<4x8x128xf32, #tpu.memory_space<vmem>>[vector<16xi32>, vector<16xi32>, vector<16xi32>], vector<16xf32>,
      %gather3A_2612 = arith.constant 2 : i32
      %gather3A_2613 = arith.constant 0 : i32
      %gather3A_2614 = arith.constant 0 : i32
      %gather3A_2615 = arith.constant 0 : i32
      %gather3A_2616 = tpu.memref_slice %arg10[%gather3A_2612, %gather3A_2613, %gather3A_2614, %gather3A_2615] : memref<8x4x8x128xf32, #tpu.memory_space<vmem>> -> memref<1x4x8x128xf32, #tpu.memory_space<vmem>>
      %gather3A_2617 = tpu.memref_squeeze %gather3A_2616 : memref<1x4x8x128xf32, #tpu.memory_space<vmem>> -> memref<4x8x128xf32, #tpu.memory_space<vmem>>
      %gather3A_2618 = tpu.vector_load_idx %gather3A_2617[%select_n3A, %select_n3A_64, %add3A_2597] : memref<4x8x128xf32, #tpu.memory_space<vmem>>[vector<16xi32>, vector<16xi32>, vector<16xi32>], vector<16xf32>,
      %gather3A_2619 = arith.constant 2 : i32
      %gather3A_2620 = arith.constant 0 : i32
      %gather3A_2621 = arith.constant 0 : i32
      %gather3A_2622 = arith.constant 0 : i32
      %gather3A_2623 = tpu.memref_slice %arg10[%gather3A_2619, %gather3A_2620, %gather3A_2621, %gather3A_2622] : memref<8x4x8x128xf32, #tpu.memory_space<vmem>> -> memref<1x4x8x128xf32, #tpu.memory_space<vmem>>
      %gather3A_2624 = tpu.memref_squeeze %gather3A_2623 : memref<1x4x8x128xf32, #tpu.memory_space<vmem>> -> memref<4x8x128xf32, #tpu.memory_space<vmem>>
      %gather3A_2625 = tpu.vector_load_idx %gather3A_2624[%add3A_44, %select_n3A_64, %add3A_2597] : memref<4x8x128xf32, #tpu.memory_space<vmem>>[vector<16xi32>, vector<16xi32>, vector<16xi32>], vector<16xf32>,
      %mul3A_2626 = arith.constant 16 : i32
      %mul3A_2627 = arith.muli %scan3A_894, %mul3A_2626 : i32
      %add3A_2628 = arith.constant 10 : i32
      %add3A_2629 = arith.addi %mul3A_2627, %add3A_2628 : i32
      %mul3A_2630 = arith.constant 16 : i32
      %mul3A_2631 = arith.muli %add3A_2629, %mul3A_2630 : i32
      %mul3A_2632 = arith.mulf %gather3A_2604, %gather3A_2618 : vector<16xf32>
      %mul3A_2633 = arith.mulf %gather3A_2611, %gather3A_2625 : vector<16xf32>
      %add3A_2634 = arith.addf %mul3A_2632, %mul3A_2633 : vector<16xf32>
      %swap3A_2635 = arith.index_cast %mul3A_2631 : i32 to index
      %swap3A_2636 = tpu.vector_load %arg11[%swap3A_2635] {strides = array<i32>} : memref<8192xf32, #tpu.memory_space<vmem>>, vector<16xf32>,
      tpu.vector_store %arg11[%swap3A_2635], %add3A_2634 {strides = array<i32>} : memref<8192xf32, #tpu.memory_space<vmem>>, vector<16xf32>,
      %get3A_2637 = arith.index_cast %mul3A_2631 : i32 to index
      %get3A_2638 = tpu.vector_load %arg11[%get3A_2637] {strides = array<i32>} : memref<8192xf32, #tpu.memory_space<vmem>>, vector<16xf32>,
      %slice3A_2639 = vector.extract_strided_slice %get3A_2638 {offsets = [0], sizes = [1], strides = [1]} : vector<16xf32> to vector<1xf32>
      %squeeze3A_2640 = vector.extract %slice3A_2639[0] : f32 from vector<1xf32>
      %eq3A_2641 = arith.cmpf oeq, %squeeze3A_2640, %squeeze3A_2640 : f32
      %select_n3A_2642 = arith.constant 1 : i32
      %select_n3A_2643 = arith.constant 0 : i32
      %select_n3A_2644 = arith.select %eq3A_2641, %select_n3A_2643, %select_n3A_2642 : i32
      %slice3A_2645 = vector.extract_strided_slice %get3A_908 {offsets = [2], sizes = [1], strides = [1]} : vector<16xi32> to vector<1xi32>
      %squeeze3A_2646 = vector.extract %slice3A_2645[0] : i32 from vector<1xi32>
      %slice3A_2647 = vector.extract_strided_slice %get3A_910 {offsets = [2], sizes = [1], strides = [1]} : vector<16xi32> to vector<1xi32>
      %squeeze3A_2648 = vector.extract %slice3A_2647[0] : i32 from vector<1xi32>
      %shift_right_arithmetic3A_2649 = arith.constant 7 : i32
      %shift_right_arithmetic3A_2650 = arith.shrsi %squeeze3A_2646, %shift_right_arithmetic3A_2649 : i32
      %mul3A_2651 = arith.constant 128 : i32
      %mul3A_2652 = arith.muli %shift_right_arithmetic3A_2650, %mul3A_2651 : i32
      %add3A_2653 = arith.addi %mul3A_2652, %select_n3A_2644 : i32
      %multiple_of3A_2654 = tpu.assume_multiple %add3A_2653, 128 : i32
      %shift_right_arithmetic3A_2655 = arith.constant 7 : i32
      %shift_right_arithmetic3A_2656 = arith.shrsi %squeeze3A_2648, %shift_right_arithmetic3A_2655 : i32
      %mul3A_2657 = arith.constant 128 : i32
      %mul3A_2658 = arith.muli %shift_right_arithmetic3A_2656, %mul3A_2657 : i32
      %add3A_2659 = arith.addi %mul3A_2658, %select_n3A_2644 : i32
      %multiple_of3A_2660 = tpu.assume_multiple %add3A_2659, 128 : i32
      %dma_start3A_2661 = arith.constant 2 : i32
      %dma_start3A_2662 = arith.constant 2 : i32
      %dma_start3A_2663 = arith.constant 0 : i32
      %dma_start3A_2664 = arith.constant 0 : i32
      %dma_start3A_2665 = arith.constant 0 : i32
      %dma_start3A_2666 = tpu.memref_slice %arg9[%dma_start3A_2661, %dma_start3A_2663, %dma_start3A_2664, %dma_start3A_2665] : memref<8x4x8x128xf32, #tpu.memory_space<vmem>> -> memref<1x4x8x128xf32, #tpu.memory_space<vmem>>
      %dma_start3A_2667 = tpu.memref_squeeze %dma_start3A_2666 : memref<1x4x8x128xf32, #tpu.memory_space<vmem>> -> memref<4x8x128xf32, #tpu.memory_space<vmem>>
      %dma_start3A_2668 = arith.constant 0 : i32
      %dma_start3A_2669 = arith.constant 0 : i32
      %dma_start3A_2670 = tpu.memref_slice %arg4[%dma_start3A_2668, %dma_start3A_2669, %multiple_of3A_2654] : memref<4x8x1000000xf32, #tpu.memory_space<hbm>> -> memref<4x8x128xf32, #tpu.memory_space<hbm>>
      %dma_start3A_2671 = tpu.memref_slice %arg13[%dma_start3A_2662] : memref<8x!tpu.dma_semaphore, #tpu.memory_space<semaphore_mem>> -> memref<1x!tpu.dma_semaphore, #tpu.memory_space<semaphore_mem>>
      %dma_start3A_2672 = tpu.memref_squeeze %dma_start3A_2671 : memref<1x!tpu.dma_semaphore, #tpu.memory_space<semaphore_mem>> -> memref<!tpu.dma_semaphore, #tpu.memory_space<semaphore_mem>>
      %dma_start3A_2673 = arith.constant 0 : i32
      %dma_start3A_2674 = arith.constant 0 : i32
      %dma_start3A_2675 = arith.constant 0 : i32
      %dma_start3A_2676 = tpu.memref_slice %arg9[%dma_start3A_2661, %dma_start3A_2673, %dma_start3A_2674, %dma_start3A_2675] : memref<8x4x8x128xf32, #tpu.memory_space<vmem>> -> memref<1x4x8x128xf32, #tpu.memory_space<vmem>>
      %dma_start3A_2677 = tpu.memref_squeeze %dma_start3A_2676 : memref<1x4x8x128xf32, #tpu.memory_space<vmem>> -> memref<4x8x128xf32, #tpu.memory_space<vmem>>
      %dma_start3A_2678 = arith.constant 0 : i32
      %dma_start3A_2679 = arith.constant 0 : i32
      %dma_start3A_2680 = tpu.memref_slice %arg4[%dma_start3A_2678, %dma_start3A_2679, %multiple_of3A_2654] : memref<4x8x1000000xf32, #tpu.memory_space<hbm>> -> memref<4x8x128xf32, #tpu.memory_space<hbm>>
      tpu.enqueue_dma source(%dma_start3A_2680 : memref<4x8x128xf32, #tpu.memory_space<hbm>>) target(%dma_start3A_2677 : memref<4x8x128xf32, #tpu.memory_space<vmem>>) target_semaphore(%dma_start3A_2672 : memref<!tpu.dma_semaphore, #tpu.memory_space<semaphore_mem>>)
      %dma_start3A_2681 = arith.constant 2 : i32
      %dma_start3A_2682 = arith.constant 2 : i32
      %dma_start3A_2683 = arith.constant 0 : i32
      %dma_start3A_2684 = arith.constant 0 : i32
      %dma_start3A_2685 = arith.constant 0 : i32
      %dma_start3A_2686 = tpu.memref_slice %arg10[%dma_start3A_2681, %dma_start3A_2683, %dma_start3A_2684, %dma_start3A_2685] : memref<8x4x8x128xf32, #tpu.memory_space<vmem>> -> memref<1x4x8x128xf32, #tpu.memory_space<vmem>>
      %dma_start3A_2687 = tpu.memref_squeeze %dma_start3A_2686 : memref<1x4x8x128xf32, #tpu.memory_space<vmem>> -> memref<4x8x128xf32, #tpu.memory_space<vmem>>
      %dma_start3A_2688 = arith.constant 0 : i32
      %dma_start3A_2689 = arith.constant 0 : i32
      %dma_start3A_2690 = tpu.memref_slice %arg5[%dma_start3A_2688, %dma_start3A_2689, %multiple_of3A_2660] : memref<4x8x1000000xf32, #tpu.memory_space<hbm>> -> memref<4x8x128xf32, #tpu.memory_space<hbm>>
      %dma_start3A_2691 = tpu.memref_slice %arg14[%dma_start3A_2682] : memref<8x!tpu.dma_semaphore, #tpu.memory_space<semaphore_mem>> -> memref<1x!tpu.dma_semaphore, #tpu.memory_space<semaphore_mem>>
      %dma_start3A_2692 = tpu.memref_squeeze %dma_start3A_2691 : memref<1x!tpu.dma_semaphore, #tpu.memory_space<semaphore_mem>> -> memref<!tpu.dma_semaphore, #tpu.memory_space<semaphore_mem>>
      %dma_start3A_2693 = arith.constant 0 : i32
      %dma_start3A_2694 = arith.constant 0 : i32
      %dma_start3A_2695 = arith.constant 0 : i32
      %dma_start3A_2696 = tpu.memref_slice %arg10[%dma_start3A_2681, %dma_start3A_2693, %dma_start3A_2694, %dma_start3A_2695] : memref<8x4x8x128xf32, #tpu.memory_space<vmem>> -> memref<1x4x8x128xf32, #tpu.memory_space<vmem>>
      %dma_start3A_2697 = tpu.memref_squeeze %dma_start3A_2696 : memref<1x4x8x128xf32, #tpu.memory_space<vmem>> -> memref<4x8x128xf32, #tpu.memory_space<vmem>>
      %dma_start3A_2698 = arith.constant 0 : i32
      %dma_start3A_2699 = arith.constant 0 : i32
      %dma_start3A_2700 = tpu.memref_slice %arg5[%dma_start3A_2698, %dma_start3A_2699, %multiple_of3A_2660] : memref<4x8x1000000xf32, #tpu.memory_space<hbm>> -> memref<4x8x128xf32, #tpu.memory_space<hbm>>
      tpu.enqueue_dma source(%dma_start3A_2700 : memref<4x8x128xf32, #tpu.memory_space<hbm>>) target(%dma_start3A_2697 : memref<4x8x128xf32, #tpu.memory_space<vmem>>) target_semaphore(%dma_start3A_2692 : memref<!tpu.dma_semaphore, #tpu.memory_space<semaphore_mem>>)
      %dma_wait3A_2701 = arith.constant 3 : i32
      %dma_wait3A_2702 = arith.constant 3 : i32
      %dma_wait3A_2703 = arith.constant 0 : i32
      %dma_wait3A_2704 = arith.constant 0 : i32
      %dma_wait3A_2705 = arith.constant 0 : i32
      %dma_wait3A_2706 = tpu.memref_slice %arg9[%dma_wait3A_2701, %dma_wait3A_2703, %dma_wait3A_2704, %dma_wait3A_2705] : memref<8x4x8x128xf32, #tpu.memory_space<vmem>> -> memref<1x4x8x128xf32, #tpu.memory_space<vmem>>
      %dma_wait3A_2707 = tpu.memref_squeeze %dma_wait3A_2706 : memref<1x4x8x128xf32, #tpu.memory_space<vmem>> -> memref<4x8x128xf32, #tpu.memory_space<vmem>>
      %dma_wait3A_2708 = arith.constant 0 : i32
      %dma_wait3A_2709 = arith.constant 0 : i32
      %dma_wait3A_2710 = arith.constant 0 : i32
      %dma_wait3A_2711 = tpu.memref_slice %arg4[%dma_wait3A_2708, %dma_wait3A_2709, %dma_wait3A_2710] : memref<4x8x1000000xf32, #tpu.memory_space<hbm>> -> memref<4x8x128xf32, #tpu.memory_space<hbm>>
      %dma_wait3A_2712 = tpu.memref_slice %arg13[%dma_wait3A_2702] : memref<8x!tpu.dma_semaphore, #tpu.memory_space<semaphore_mem>> -> memref<1x!tpu.dma_semaphore, #tpu.memory_space<semaphore_mem>>
      %dma_wait3A_2713 = tpu.memref_squeeze %dma_wait3A_2712 : memref<1x!tpu.dma_semaphore, #tpu.memory_space<semaphore_mem>> -> memref<!tpu.dma_semaphore, #tpu.memory_space<semaphore_mem>>
      %dma_wait3A_2714 = arith.constant 0 : i32
      %dma_wait3A_2715 = arith.constant 0 : i32
      %dma_wait3A_2716 = arith.constant 0 : i32
      %dma_wait3A_2717 = tpu.memref_slice %arg9[%dma_wait3A_2701, %dma_wait3A_2714, %dma_wait3A_2715, %dma_wait3A_2716] : memref<8x4x8x128xf32, #tpu.memory_space<vmem>> -> memref<1x4x8x128xf32, #tpu.memory_space<vmem>>
      %dma_wait3A_2718 = tpu.memref_squeeze %dma_wait3A_2717 : memref<1x4x8x128xf32, #tpu.memory_space<vmem>> -> memref<4x8x128xf32, #tpu.memory_space<vmem>>
      %dma_wait3A_2719 = arith.constant 0 : i32
      %dma_wait3A_2720 = arith.constant 0 : i32
      %dma_wait3A_2721 = arith.constant 0 : i32
      %dma_wait3A_2722 = tpu.memref_slice %arg4[%dma_wait3A_2719, %dma_wait3A_2720, %dma_wait3A_2721] : memref<4x8x1000000xf32, #tpu.memory_space<hbm>> -> memref<4x8x128xf32, #tpu.memory_space<hbm>>
      tpu.wait_dma2 semaphore(%dma_wait3A_2713 : memref<!tpu.dma_semaphore, #tpu.memory_space<semaphore_mem>>) src(%dma_wait3A_2722 : memref<4x8x128xf32, #tpu.memory_space<hbm>>) dst(%dma_wait3A_2718 : memref<4x8x128xf32, #tpu.memory_space<vmem>>)
      %dma_wait3A_2723 = arith.constant 3 : i32
      %dma_wait3A_2724 = arith.constant 3 : i32
      %dma_wait3A_2725 = arith.constant 0 : i32
      %dma_wait3A_2726 = arith.constant 0 : i32
      %dma_wait3A_2727 = arith.constant 0 : i32
      %dma_wait3A_2728 = tpu.memref_slice %arg10[%dma_wait3A_2723, %dma_wait3A_2725, %dma_wait3A_2726, %dma_wait3A_2727] : memref<8x4x8x128xf32, #tpu.memory_space<vmem>> -> memref<1x4x8x128xf32, #tpu.memory_space<vmem>>
      %dma_wait3A_2729 = tpu.memref_squeeze %dma_wait3A_2728 : memref<1x4x8x128xf32, #tpu.memory_space<vmem>> -> memref<4x8x128xf32, #tpu.memory_space<vmem>>
      %dma_wait3A_2730 = arith.constant 0 : i32
      %dma_wait3A_2731 = arith.constant 0 : i32
      %dma_wait3A_2732 = arith.constant 0 : i32
      %dma_wait3A_2733 = tpu.memref_slice %arg5[%dma_wait3A_2730, %dma_wait3A_2731, %dma_wait3A_2732] : memref<4x8x1000000xf32, #tpu.memory_space<hbm>> -> memref<4x8x128xf32, #tpu.memory_space<hbm>>
      %dma_wait3A_2734 = tpu.memref_slice %arg14[%dma_wait3A_2724] : memref<8x!tpu.dma_semaphore, #tpu.memory_space<semaphore_mem>> -> memref<1x!tpu.dma_semaphore, #tpu.memory_space<semaphore_mem>>
      %dma_wait3A_2735 = tpu.memref_squeeze %dma_wait3A_2734 : memref<1x!tpu.dma_semaphore, #tpu.memory_space<semaphore_mem>> -> memref<!tpu.dma_semaphore, #tpu.memory_space<semaphore_mem>>
      %dma_wait3A_2736 = arith.constant 0 : i32
      %dma_wait3A_2737 = arith.constant 0 : i32
      %dma_wait3A_2738 = arith.constant 0 : i32
      %dma_wait3A_2739 = tpu.memref_slice %arg10[%dma_wait3A_2723, %dma_wait3A_2736, %dma_wait3A_2737, %dma_wait3A_2738] : memref<8x4x8x128xf32, #tpu.memory_space<vmem>> -> memref<1x4x8x128xf32, #tpu.memory_space<vmem>>
      %dma_wait3A_2740 = tpu.memref_squeeze %dma_wait3A_2739 : memref<1x4x8x128xf32, #tpu.memory_space<vmem>> -> memref<4x8x128xf32, #tpu.memory_space<vmem>>
      %dma_wait3A_2741 = arith.constant 0 : i32
      %dma_wait3A_2742 = arith.constant 0 : i32
      %dma_wait3A_2743 = arith.constant 0 : i32
      %dma_wait3A_2744 = tpu.memref_slice %arg5[%dma_wait3A_2741, %dma_wait3A_2742, %dma_wait3A_2743] : memref<4x8x1000000xf32, #tpu.memory_space<hbm>> -> memref<4x8x128xf32, #tpu.memory_space<hbm>>
      tpu.wait_dma2 semaphore(%dma_wait3A_2735 : memref<!tpu.dma_semaphore, #tpu.memory_space<semaphore_mem>>) src(%dma_wait3A_2744 : memref<4x8x128xf32, #tpu.memory_space<hbm>>) dst(%dma_wait3A_2740 : memref<4x8x128xf32, #tpu.memory_space<vmem>>)
      %slice3A_2745 = vector.extract_strided_slice %get3A_899 {offsets = [11], sizes = [1], strides = [1]} : vector<16xi32> to vector<1xi32>
      %squeeze3A_2746 = vector.extract %slice3A_2745[0] : i32 from vector<1xi32>
      %and3A_2747 = arith.constant 127 : i32
      %and3A_2748 = arith.andi %squeeze3A_2746, %and3A_2747 : i32
      %slice3A_2749 = vector.extract_strided_slice %get3A_901 {offsets = [11], sizes = [1], strides = [1]} : vector<16xi32> to vector<1xi32>
      %squeeze3A_2750 = vector.extract %slice3A_2749[0] : i32 from vector<1xi32>
      %and3A_2751 = arith.constant 127 : i32
      %and3A_2752 = arith.andi %squeeze3A_2750, %and3A_2751 : i32
      %broadcast_in_dim3A_2753 = arith.constant 0 : i32
      %broadcast_in_dim3A_2754 = vector.broadcast %broadcast_in_dim3A_2753 : i32 to vector<16xi32>
      %add3A_2755 = vector.broadcast %and3A_2748 : i32 to vector<16xi32>
      %add3A_2756 = arith.addi %broadcast_in_dim3A_2754, %add3A_2755 : vector<16xi32>
      %broadcast_in_dim3A_2757 = arith.constant 0 : i32
      %broadcast_in_dim3A_2758 = vector.broadcast %broadcast_in_dim3A_2757 : i32 to vector<16xi32>
      %add3A_2759 = vector.broadcast %and3A_2752 : i32 to vector<16xi32>
      %add3A_2760 = arith.addi %broadcast_in_dim3A_2758, %add3A_2759 : vector<16xi32>
      %gather3A_2761 = arith.constant 3 : i32
      %gather3A_2762 = arith.constant 0 : i32
      %gather3A_2763 = arith.constant 0 : i32
      %gather3A_2764 = arith.constant 0 : i32
      %gather3A_2765 = tpu.memref_slice %arg9[%gather3A_2761, %gather3A_2762, %gather3A_2763, %gather3A_2764] : memref<8x4x8x128xf32, #tpu.memory_space<vmem>> -> memref<1x4x8x128xf32, #tpu.memory_space<vmem>>
      %gather3A_2766 = tpu.memref_squeeze %gather3A_2765 : memref<1x4x8x128xf32, #tpu.memory_space<vmem>> -> memref<4x8x128xf32, #tpu.memory_space<vmem>>
      %gather3A_2767 = tpu.vector_load_idx %gather3A_2766[%select_n3A, %select_n3A_64, %add3A_2756] : memref<4x8x128xf32, #tpu.memory_space<vmem>>[vector<16xi32>, vector<16xi32>, vector<16xi32>], vector<16xf32>,
      %gather3A_2768 = arith.constant 3 : i32
      %gather3A_2769 = arith.constant 0 : i32
      %gather3A_2770 = arith.constant 0 : i32
      %gather3A_2771 = arith.constant 0 : i32
      %gather3A_2772 = tpu.memref_slice %arg9[%gather3A_2768, %gather3A_2769, %gather3A_2770, %gather3A_2771] : memref<8x4x8x128xf32, #tpu.memory_space<vmem>> -> memref<1x4x8x128xf32, #tpu.memory_space<vmem>>
      %gather3A_2773 = tpu.memref_squeeze %gather3A_2772 : memref<1x4x8x128xf32, #tpu.memory_space<vmem>> -> memref<4x8x128xf32, #tpu.memory_space<vmem>>
      %gather3A_2774 = tpu.vector_load_idx %gather3A_2773[%add3A_44, %select_n3A_64, %add3A_2756] : memref<4x8x128xf32, #tpu.memory_space<vmem>>[vector<16xi32>, vector<16xi32>, vector<16xi32>], vector<16xf32>,
      %gather3A_2775 = arith.constant 3 : i32
      %gather3A_2776 = arith.constant 0 : i32
      %gather3A_2777 = arith.constant 0 : i32
      %gather3A_2778 = arith.constant 0 : i32
      %gather3A_2779 = tpu.memref_slice %arg10[%gather3A_2775, %gather3A_2776, %gather3A_2777, %gather3A_2778] : memref<8x4x8x128xf32, #tpu.memory_space<vmem>> -> memref<1x4x8x128xf32, #tpu.memory_space<vmem>>
      %gather3A_2780 = tpu.memref_squeeze %gather3A_2779 : memref<1x4x8x128xf32, #tpu.memory_space<vmem>> -> memref<4x8x128xf32, #tpu.memory_space<vmem>>
      %gather3A_2781 = tpu.vector_load_idx %gather3A_2780[%select_n3A, %select_n3A_64, %add3A_2760] : memref<4x8x128xf32, #tpu.memory_space<vmem>>[vector<16xi32>, vector<16xi32>, vector<16xi32>], vector<16xf32>,
      %gather3A_2782 = arith.constant 3 : i32
      %gather3A_2783 = arith.constant 0 : i32
      %gather3A_2784 = arith.constant 0 : i32
      %gather3A_2785 = arith.constant 0 : i32
      %gather3A_2786 = tpu.memref_slice %arg10[%gather3A_2782, %gather3A_2783, %gather3A_2784, %gather3A_2785] : memref<8x4x8x128xf32, #tpu.memory_space<vmem>> -> memref<1x4x8x128xf32, #tpu.memory_space<vmem>>
      %gather3A_2787 = tpu.memref_squeeze %gather3A_2786 : memref<1x4x8x128xf32, #tpu.memory_space<vmem>> -> memref<4x8x128xf32, #tpu.memory_space<vmem>>
      %gather3A_2788 = tpu.vector_load_idx %gather3A_2787[%add3A_44, %select_n3A_64, %add3A_2760] : memref<4x8x128xf32, #tpu.memory_space<vmem>>[vector<16xi32>, vector<16xi32>, vector<16xi32>], vector<16xf32>,
      %mul3A_2789 = arith.constant 16 : i32
      %mul3A_2790 = arith.muli %scan3A_894, %mul3A_2789 : i32
      %add3A_2791 = arith.constant 11 : i32
      %add3A_2792 = arith.addi %mul3A_2790, %add3A_2791 : i32
      %mul3A_2793 = arith.constant 16 : i32
      %mul3A_2794 = arith.muli %add3A_2792, %mul3A_2793 : i32
      %mul3A_2795 = arith.mulf %gather3A_2767, %gather3A_2781 : vector<16xf32>
      %mul3A_2796 = arith.mulf %gather3A_2774, %gather3A_2788 : vector<16xf32>
      %add3A_2797 = arith.addf %mul3A_2795, %mul3A_2796 : vector<16xf32>
      %swap3A_2798 = arith.index_cast %mul3A_2794 : i32 to index
      %swap3A_2799 = tpu.vector_load %arg11[%swap3A_2798] {strides = array<i32>} : memref<8192xf32, #tpu.memory_space<vmem>>, vector<16xf32>,
      tpu.vector_store %arg11[%swap3A_2798], %add3A_2797 {strides = array<i32>} : memref<8192xf32, #tpu.memory_space<vmem>>, vector<16xf32>,
      %get3A_2800 = arith.index_cast %mul3A_2794 : i32 to index
      %get3A_2801 = tpu.vector_load %arg11[%get3A_2800] {strides = array<i32>} : memref<8192xf32, #tpu.memory_space<vmem>>, vector<16xf32>,
      %slice3A_2802 = vector.extract_strided_slice %get3A_2801 {offsets = [0], sizes = [1], strides = [1]} : vector<16xf32> to vector<1xf32>
      %squeeze3A_2803 = vector.extract %slice3A_2802[0] : f32 from vector<1xf32>
      %eq3A_2804 = arith.cmpf oeq, %squeeze3A_2803, %squeeze3A_2803 : f32
      %select_n3A_2805 = arith.constant 1 : i32
      %select_n3A_2806 = arith.constant 0 : i32
      %select_n3A_2807 = arith.select %eq3A_2804, %select_n3A_2806, %select_n3A_2805 : i32
      %slice3A_2808 = vector.extract_strided_slice %get3A_908 {offsets = [3], sizes = [1], strides = [1]} : vector<16xi32> to vector<1xi32>
      %squeeze3A_2809 = vector.extract %slice3A_2808[0] : i32 from vector<1xi32>
      %slice3A_2810 = vector.extract_strided_slice %get3A_910 {offsets = [3], sizes = [1], strides = [1]} : vector<16xi32> to vector<1xi32>
      %squeeze3A_2811 = vector.extract %slice3A_2810[0] : i32 from vector<1xi32>
      %shift_right_arithmetic3A_2812 = arith.constant 7 : i32
      %shift_right_arithmetic3A_2813 = arith.shrsi %squeeze3A_2809, %shift_right_arithmetic3A_2812 : i32
      %mul3A_2814 = arith.constant 128 : i32
      %mul3A_2815 = arith.muli %shift_right_arithmetic3A_2813, %mul3A_2814 : i32
      %add3A_2816 = arith.addi %mul3A_2815, %select_n3A_2807 : i32
      %multiple_of3A_2817 = tpu.assume_multiple %add3A_2816, 128 : i32
      %shift_right_arithmetic3A_2818 = arith.constant 7 : i32
      %shift_right_arithmetic3A_2819 = arith.shrsi %squeeze3A_2811, %shift_right_arithmetic3A_2818 : i32
      %mul3A_2820 = arith.constant 128 : i32
      %mul3A_2821 = arith.muli %shift_right_arithmetic3A_2819, %mul3A_2820 : i32
      %add3A_2822 = arith.addi %mul3A_2821, %select_n3A_2807 : i32
      %multiple_of3A_2823 = tpu.assume_multiple %add3A_2822, 128 : i32
      %dma_start3A_2824 = arith.constant 3 : i32
      %dma_start3A_2825 = arith.constant 3 : i32
      %dma_start3A_2826 = arith.constant 0 : i32
      %dma_start3A_2827 = arith.constant 0 : i32
      %dma_start3A_2828 = arith.constant 0 : i32
      %dma_start3A_2829 = tpu.memref_slice %arg9[%dma_start3A_2824, %dma_start3A_2826, %dma_start3A_2827, %dma_start3A_2828] : memref<8x4x8x128xf32, #tpu.memory_space<vmem>> -> memref<1x4x8x128xf32, #tpu.memory_space<vmem>>
      %dma_start3A_2830 = tpu.memref_squeeze %dma_start3A_2829 : memref<1x4x8x128xf32, #tpu.memory_space<vmem>> -> memref<4x8x128xf32, #tpu.memory_space<vmem>>
      %dma_start3A_2831 = arith.constant 0 : i32
      %dma_start3A_2832 = arith.constant 0 : i32
      %dma_start3A_2833 = tpu.memref_slice %arg4[%dma_start3A_2831, %dma_start3A_2832, %multiple_of3A_2817] : memref<4x8x1000000xf32, #tpu.memory_space<hbm>> -> memref<4x8x128xf32, #tpu.memory_space<hbm>>
      %dma_start3A_2834 = tpu.memref_slice %arg13[%dma_start3A_2825] : memref<8x!tpu.dma_semaphore, #tpu.memory_space<semaphore_mem>> -> memref<1x!tpu.dma_semaphore, #tpu.memory_space<semaphore_mem>>
      %dma_start3A_2835 = tpu.memref_squeeze %dma_start3A_2834 : memref<1x!tpu.dma_semaphore, #tpu.memory_space<semaphore_mem>> -> memref<!tpu.dma_semaphore, #tpu.memory_space<semaphore_mem>>
      %dma_start3A_2836 = arith.constant 0 : i32
      %dma_start3A_2837 = arith.constant 0 : i32
      %dma_start3A_2838 = arith.constant 0 : i32
      %dma_start3A_2839 = tpu.memref_slice %arg9[%dma_start3A_2824, %dma_start3A_2836, %dma_start3A_2837, %dma_start3A_2838] : memref<8x4x8x128xf32, #tpu.memory_space<vmem>> -> memref<1x4x8x128xf32, #tpu.memory_space<vmem>>
      %dma_start3A_2840 = tpu.memref_squeeze %dma_start3A_2839 : memref<1x4x8x128xf32, #tpu.memory_space<vmem>> -> memref<4x8x128xf32, #tpu.memory_space<vmem>>
      %dma_start3A_2841 = arith.constant 0 : i32
      %dma_start3A_2842 = arith.constant 0 : i32
      %dma_start3A_2843 = tpu.memref_slice %arg4[%dma_start3A_2841, %dma_start3A_2842, %multiple_of3A_2817] : memref<4x8x1000000xf32, #tpu.memory_space<hbm>> -> memref<4x8x128xf32, #tpu.memory_space<hbm>>
      tpu.enqueue_dma source(%dma_start3A_2843 : memref<4x8x128xf32, #tpu.memory_space<hbm>>) target(%dma_start3A_2840 : memref<4x8x128xf32, #tpu.memory_space<vmem>>) target_semaphore(%dma_start3A_2835 : memref<!tpu.dma_semaphore, #tpu.memory_space<semaphore_mem>>)
      %dma_start3A_2844 = arith.constant 3 : i32
      %dma_start3A_2845 = arith.constant 3 : i32
      %dma_start3A_2846 = arith.constant 0 : i32
      %dma_start3A_2847 = arith.constant 0 : i32
      %dma_start3A_2848 = arith.constant 0 : i32
      %dma_start3A_2849 = tpu.memref_slice %arg10[%dma_start3A_2844, %dma_start3A_2846, %dma_start3A_2847, %dma_start3A_2848] : memref<8x4x8x128xf32, #tpu.memory_space<vmem>> -> memref<1x4x8x128xf32, #tpu.memory_space<vmem>>
      %dma_start3A_2850 = tpu.memref_squeeze %dma_start3A_2849 : memref<1x4x8x128xf32, #tpu.memory_space<vmem>> -> memref<4x8x128xf32, #tpu.memory_space<vmem>>
      %dma_start3A_2851 = arith.constant 0 : i32
      %dma_start3A_2852 = arith.constant 0 : i32
      %dma_start3A_2853 = tpu.memref_slice %arg5[%dma_start3A_2851, %dma_start3A_2852, %multiple_of3A_2823] : memref<4x8x1000000xf32, #tpu.memory_space<hbm>> -> memref<4x8x128xf32, #tpu.memory_space<hbm>>
      %dma_start3A_2854 = tpu.memref_slice %arg14[%dma_start3A_2845] : memref<8x!tpu.dma_semaphore, #tpu.memory_space<semaphore_mem>> -> memref<1x!tpu.dma_semaphore, #tpu.memory_space<semaphore_mem>>
      %dma_start3A_2855 = tpu.memref_squeeze %dma_start3A_2854 : memref<1x!tpu.dma_semaphore, #tpu.memory_space<semaphore_mem>> -> memref<!tpu.dma_semaphore, #tpu.memory_space<semaphore_mem>>
      %dma_start3A_2856 = arith.constant 0 : i32
      %dma_start3A_2857 = arith.constant 0 : i32
      %dma_start3A_2858 = arith.constant 0 : i32
      %dma_start3A_2859 = tpu.memref_slice %arg10[%dma_start3A_2844, %dma_start3A_2856, %dma_start3A_2857, %dma_start3A_2858] : memref<8x4x8x128xf32, #tpu.memory_space<vmem>> -> memref<1x4x8x128xf32, #tpu.memory_space<vmem>>
      %dma_start3A_2860 = tpu.memref_squeeze %dma_start3A_2859 : memref<1x4x8x128xf32, #tpu.memory_space<vmem>> -> memref<4x8x128xf32, #tpu.memory_space<vmem>>
      %dma_start3A_2861 = arith.constant 0 : i32
      %dma_start3A_2862 = arith.constant 0 : i32
      %dma_start3A_2863 = tpu.memref_slice %arg5[%dma_start3A_2861, %dma_start3A_2862, %multiple_of3A_2823] : memref<4x8x1000000xf32, #tpu.memory_space<hbm>> -> memref<4x8x128xf32, #tpu.memory_space<hbm>>
      tpu.enqueue_dma source(%dma_start3A_2863 : memref<4x8x128xf32, #tpu.memory_space<hbm>>) target(%dma_start3A_2860 : memref<4x8x128xf32, #tpu.memory_space<vmem>>) target_semaphore(%dma_start3A_2855 : memref<!tpu.dma_semaphore, #tpu.memory_space<semaphore_mem>>)
      %dma_wait3A_2864 = arith.constant 4 : i32
      %dma_wait3A_2865 = arith.constant 4 : i32
      %dma_wait3A_2866 = arith.constant 0 : i32
      %dma_wait3A_2867 = arith.constant 0 : i32
      %dma_wait3A_2868 = arith.constant 0 : i32
      %dma_wait3A_2869 = tpu.memref_slice %arg9[%dma_wait3A_2864, %dma_wait3A_2866, %dma_wait3A_2867, %dma_wait3A_2868] : memref<8x4x8x128xf32, #tpu.memory_space<vmem>> -> memref<1x4x8x128xf32, #tpu.memory_space<vmem>>
      %dma_wait3A_2870 = tpu.memref_squeeze %dma_wait3A_2869 : memref<1x4x8x128xf32, #tpu.memory_space<vmem>> -> memref<4x8x128xf32, #tpu.memory_space<vmem>>
      %dma_wait3A_2871 = arith.constant 0 : i32
      %dma_wait3A_2872 = arith.constant 0 : i32
      %dma_wait3A_2873 = arith.constant 0 : i32
      %dma_wait3A_2874 = tpu.memref_slice %arg4[%dma_wait3A_2871, %dma_wait3A_2872, %dma_wait3A_2873] : memref<4x8x1000000xf32, #tpu.memory_space<hbm>> -> memref<4x8x128xf32, #tpu.memory_space<hbm>>
      %dma_wait3A_2875 = tpu.memref_slice %arg13[%dma_wait3A_2865] : memref<8x!tpu.dma_semaphore, #tpu.memory_space<semaphore_mem>> -> memref<1x!tpu.dma_semaphore, #tpu.memory_space<semaphore_mem>>
      %dma_wait3A_2876 = tpu.memref_squeeze %dma_wait3A_2875 : memref<1x!tpu.dma_semaphore, #tpu.memory_space<semaphore_mem>> -> memref<!tpu.dma_semaphore, #tpu.memory_space<semaphore_mem>>
      %dma_wait3A_2877 = arith.constant 0 : i32
      %dma_wait3A_2878 = arith.constant 0 : i32
      %dma_wait3A_2879 = arith.constant 0 : i32
      %dma_wait3A_2880 = tpu.memref_slice %arg9[%dma_wait3A_2864, %dma_wait3A_2877, %dma_wait3A_2878, %dma_wait3A_2879] : memref<8x4x8x128xf32, #tpu.memory_space<vmem>> -> memref<1x4x8x128xf32, #tpu.memory_space<vmem>>
      %dma_wait3A_2881 = tpu.memref_squeeze %dma_wait3A_2880 : memref<1x4x8x128xf32, #tpu.memory_space<vmem>> -> memref<4x8x128xf32, #tpu.memory_space<vmem>>
      %dma_wait3A_2882 = arith.constant 0 : i32
      %dma_wait3A_2883 = arith.constant 0 : i32
      %dma_wait3A_2884 = arith.constant 0 : i32
      %dma_wait3A_2885 = tpu.memref_slice %arg4[%dma_wait3A_2882, %dma_wait3A_2883, %dma_wait3A_2884] : memref<4x8x1000000xf32, #tpu.memory_space<hbm>> -> memref<4x8x128xf32, #tpu.memory_space<hbm>>
      tpu.wait_dma2 semaphore(%dma_wait3A_2876 : memref<!tpu.dma_semaphore, #tpu.memory_space<semaphore_mem>>) src(%dma_wait3A_2885 : memref<4x8x128xf32, #tpu.memory_space<hbm>>) dst(%dma_wait3A_2881 : memref<4x8x128xf32, #tpu.memory_space<vmem>>)
      %dma_wait3A_2886 = arith.constant 4 : i32
      %dma_wait3A_2887 = arith.constant 4 : i32
      %dma_wait3A_2888 = arith.constant 0 : i32
      %dma_wait3A_2889 = arith.constant 0 : i32
      %dma_wait3A_2890 = arith.constant 0 : i32
      %dma_wait3A_2891 = tpu.memref_slice %arg10[%dma_wait3A_2886, %dma_wait3A_2888, %dma_wait3A_2889, %dma_wait3A_2890] : memref<8x4x8x128xf32, #tpu.memory_space<vmem>> -> memref<1x4x8x128xf32, #tpu.memory_space<vmem>>
      %dma_wait3A_2892 = tpu.memref_squeeze %dma_wait3A_2891 : memref<1x4x8x128xf32, #tpu.memory_space<vmem>> -> memref<4x8x128xf32, #tpu.memory_space<vmem>>
      %dma_wait3A_2893 = arith.constant 0 : i32
      %dma_wait3A_2894 = arith.constant 0 : i32
      %dma_wait3A_2895 = arith.constant 0 : i32
      %dma_wait3A_2896 = tpu.memref_slice %arg5[%dma_wait3A_2893, %dma_wait3A_2894, %dma_wait3A_2895] : memref<4x8x1000000xf32, #tpu.memory_space<hbm>> -> memref<4x8x128xf32, #tpu.memory_space<hbm>>
      %dma_wait3A_2897 = tpu.memref_slice %arg14[%dma_wait3A_2887] : memref<8x!tpu.dma_semaphore, #tpu.memory_space<semaphore_mem>> -> memref<1x!tpu.dma_semaphore, #tpu.memory_space<semaphore_mem>>
      %dma_wait3A_2898 = tpu.memref_squeeze %dma_wait3A_2897 : memref<1x!tpu.dma_semaphore, #tpu.memory_space<semaphore_mem>> -> memref<!tpu.dma_semaphore, #tpu.memory_space<semaphore_mem>>
      %dma_wait3A_2899 = arith.constant 0 : i32
      %dma_wait3A_2900 = arith.constant 0 : i32
      %dma_wait3A_2901 = arith.constant 0 : i32
      %dma_wait3A_2902 = tpu.memref_slice %arg10[%dma_wait3A_2886, %dma_wait3A_2899, %dma_wait3A_2900, %dma_wait3A_2901] : memref<8x4x8x128xf32, #tpu.memory_space<vmem>> -> memref<1x4x8x128xf32, #tpu.memory_space<vmem>>
      %dma_wait3A_2903 = tpu.memref_squeeze %dma_wait3A_2902 : memref<1x4x8x128xf32, #tpu.memory_space<vmem>> -> memref<4x8x128xf32, #tpu.memory_space<vmem>>
      %dma_wait3A_2904 = arith.constant 0 : i32
      %dma_wait3A_2905 = arith.constant 0 : i32
      %dma_wait3A_2906 = arith.constant 0 : i32
      %dma_wait3A_2907 = tpu.memref_slice %arg5[%dma_wait3A_2904, %dma_wait3A_2905, %dma_wait3A_2906] : memref<4x8x1000000xf32, #tpu.memory_space<hbm>> -> memref<4x8x128xf32, #tpu.memory_space<hbm>>
      tpu.wait_dma2 semaphore(%dma_wait3A_2898 : memref<!tpu.dma_semaphore, #tpu.memory_space<semaphore_mem>>) src(%dma_wait3A_2907 : memref<4x8x128xf32, #tpu.memory_space<hbm>>) dst(%dma_wait3A_2903 : memref<4x8x128xf32, #tpu.memory_space<vmem>>)
      %slice3A_2908 = vector.extract_strided_slice %get3A_899 {offsets = [12], sizes = [1], strides = [1]} : vector<16xi32> to vector<1xi32>
      %squeeze3A_2909 = vector.extract %slice3A_2908[0] : i32 from vector<1xi32>
      %and3A_2910 = arith.constant 127 : i32
      %and3A_2911 = arith.andi %squeeze3A_2909, %and3A_2910 : i32
      %slice3A_2912 = vector.extract_strided_slice %get3A_901 {offsets = [12], sizes = [1], strides = [1]} : vector<16xi32> to vector<1xi32>
      %squeeze3A_2913 = vector.extract %slice3A_2912[0] : i32 from vector<1xi32>
      %and3A_2914 = arith.constant 127 : i32
      %and3A_2915 = arith.andi %squeeze3A_2913, %and3A_2914 : i32
      %broadcast_in_dim3A_2916 = arith.constant 0 : i32
      %broadcast_in_dim3A_2917 = vector.broadcast %broadcast_in_dim3A_2916 : i32 to vector<16xi32>
      %add3A_2918 = vector.broadcast %and3A_2911 : i32 to vector<16xi32>
      %add3A_2919 = arith.addi %broadcast_in_dim3A_2917, %add3A_2918 : vector<16xi32>
      %broadcast_in_dim3A_2920 = arith.constant 0 : i32
      %broadcast_in_dim3A_2921 = vector.broadcast %broadcast_in_dim3A_2920 : i32 to vector<16xi32>
      %add3A_2922 = vector.broadcast %and3A_2915 : i32 to vector<16xi32>
      %add3A_2923 = arith.addi %broadcast_in_dim3A_2921, %add3A_2922 : vector<16xi32>
      %gather3A_2924 = arith.constant 4 : i32
      %gather3A_2925 = arith.constant 0 : i32
      %gather3A_2926 = arith.constant 0 : i32
      %gather3A_2927 = arith.constant 0 : i32
      %gather3A_2928 = tpu.memref_slice %arg9[%gather3A_2924, %gather3A_2925, %gather3A_2926, %gather3A_2927] : memref<8x4x8x128xf32, #tpu.memory_space<vmem>> -> memref<1x4x8x128xf32, #tpu.memory_space<vmem>>
      %gather3A_2929 = tpu.memref_squeeze %gather3A_2928 : memref<1x4x8x128xf32, #tpu.memory_space<vmem>> -> memref<4x8x128xf32, #tpu.memory_space<vmem>>
      %gather3A_2930 = tpu.vector_load_idx %gather3A_2929[%select_n3A, %select_n3A_64, %add3A_2919] : memref<4x8x128xf32, #tpu.memory_space<vmem>>[vector<16xi32>, vector<16xi32>, vector<16xi32>], vector<16xf32>,
      %gather3A_2931 = arith.constant 4 : i32
      %gather3A_2932 = arith.constant 0 : i32
      %gather3A_2933 = arith.constant 0 : i32
      %gather3A_2934 = arith.constant 0 : i32
      %gather3A_2935 = tpu.memref_slice %arg9[%gather3A_2931, %gather3A_2932, %gather3A_2933, %gather3A_2934] : memref<8x4x8x128xf32, #tpu.memory_space<vmem>> -> memref<1x4x8x128xf32, #tpu.memory_space<vmem>>
      %gather3A_2936 = tpu.memref_squeeze %gather3A_2935 : memref<1x4x8x128xf32, #tpu.memory_space<vmem>> -> memref<4x8x128xf32, #tpu.memory_space<vmem>>
      %gather3A_2937 = tpu.vector_load_idx %gather3A_2936[%add3A_44, %select_n3A_64, %add3A_2919] : memref<4x8x128xf32, #tpu.memory_space<vmem>>[vector<16xi32>, vector<16xi32>, vector<16xi32>], vector<16xf32>,
      %gather3A_2938 = arith.constant 4 : i32
      %gather3A_2939 = arith.constant 0 : i32
      %gather3A_2940 = arith.constant 0 : i32
      %gather3A_2941 = arith.constant 0 : i32
      %gather3A_2942 = tpu.memref_slice %arg10[%gather3A_2938, %gather3A_2939, %gather3A_2940, %gather3A_2941] : memref<8x4x8x128xf32, #tpu.memory_space<vmem>> -> memref<1x4x8x128xf32, #tpu.memory_space<vmem>>
      %gather3A_2943 = tpu.memref_squeeze %gather3A_2942 : memref<1x4x8x128xf32, #tpu.memory_space<vmem>> -> memref<4x8x128xf32, #tpu.memory_space<vmem>>
      %gather3A_2944 = tpu.vector_load_idx %gather3A_2943[%select_n3A, %select_n3A_64, %add3A_2923] : memref<4x8x128xf32, #tpu.memory_space<vmem>>[vector<16xi32>, vector<16xi32>, vector<16xi32>], vector<16xf32>,
      %gather3A_2945 = arith.constant 4 : i32
      %gather3A_2946 = arith.constant 0 : i32
      %gather3A_2947 = arith.constant 0 : i32
      %gather3A_2948 = arith.constant 0 : i32
      %gather3A_2949 = tpu.memref_slice %arg10[%gather3A_2945, %gather3A_2946, %gather3A_2947, %gather3A_2948] : memref<8x4x8x128xf32, #tpu.memory_space<vmem>> -> memref<1x4x8x128xf32, #tpu.memory_space<vmem>>
      %gather3A_2950 = tpu.memref_squeeze %gather3A_2949 : memref<1x4x8x128xf32, #tpu.memory_space<vmem>> -> memref<4x8x128xf32, #tpu.memory_space<vmem>>
      %gather3A_2951 = tpu.vector_load_idx %gather3A_2950[%add3A_44, %select_n3A_64, %add3A_2923] : memref<4x8x128xf32, #tpu.memory_space<vmem>>[vector<16xi32>, vector<16xi32>, vector<16xi32>], vector<16xf32>,
      %mul3A_2952 = arith.constant 16 : i32
      %mul3A_2953 = arith.muli %scan3A_894, %mul3A_2952 : i32
      %add3A_2954 = arith.constant 12 : i32
      %add3A_2955 = arith.addi %mul3A_2953, %add3A_2954 : i32
      %mul3A_2956 = arith.constant 16 : i32
      %mul3A_2957 = arith.muli %add3A_2955, %mul3A_2956 : i32
      %mul3A_2958 = arith.mulf %gather3A_2930, %gather3A_2944 : vector<16xf32>
      %mul3A_2959 = arith.mulf %gather3A_2937, %gather3A_2951 : vector<16xf32>
      %add3A_2960 = arith.addf %mul3A_2958, %mul3A_2959 : vector<16xf32>
      %swap3A_2961 = arith.index_cast %mul3A_2957 : i32 to index
      %swap3A_2962 = tpu.vector_load %arg11[%swap3A_2961] {strides = array<i32>} : memref<8192xf32, #tpu.memory_space<vmem>>, vector<16xf32>,
      tpu.vector_store %arg11[%swap3A_2961], %add3A_2960 {strides = array<i32>} : memref<8192xf32, #tpu.memory_space<vmem>>, vector<16xf32>,
      %get3A_2963 = arith.index_cast %mul3A_2957 : i32 to index
      %get3A_2964 = tpu.vector_load %arg11[%get3A_2963] {strides = array<i32>} : memref<8192xf32, #tpu.memory_space<vmem>>, vector<16xf32>,
      %slice3A_2965 = vector.extract_strided_slice %get3A_2964 {offsets = [0], sizes = [1], strides = [1]} : vector<16xf32> to vector<1xf32>
      %squeeze3A_2966 = vector.extract %slice3A_2965[0] : f32 from vector<1xf32>
      %eq3A_2967 = arith.cmpf oeq, %squeeze3A_2966, %squeeze3A_2966 : f32
      %select_n3A_2968 = arith.constant 1 : i32
      %select_n3A_2969 = arith.constant 0 : i32
      %select_n3A_2970 = arith.select %eq3A_2967, %select_n3A_2969, %select_n3A_2968 : i32
      %slice3A_2971 = vector.extract_strided_slice %get3A_908 {offsets = [4], sizes = [1], strides = [1]} : vector<16xi32> to vector<1xi32>
      %squeeze3A_2972 = vector.extract %slice3A_2971[0] : i32 from vector<1xi32>
      %slice3A_2973 = vector.extract_strided_slice %get3A_910 {offsets = [4], sizes = [1], strides = [1]} : vector<16xi32> to vector<1xi32>
      %squeeze3A_2974 = vector.extract %slice3A_2973[0] : i32 from vector<1xi32>
      %shift_right_arithmetic3A_2975 = arith.constant 7 : i32
      %shift_right_arithmetic3A_2976 = arith.shrsi %squeeze3A_2972, %shift_right_arithmetic3A_2975 : i32
      %mul3A_2977 = arith.constant 128 : i32
      %mul3A_2978 = arith.muli %shift_right_arithmetic3A_2976, %mul3A_2977 : i32
      %add3A_2979 = arith.addi %mul3A_2978, %select_n3A_2970 : i32
      %multiple_of3A_2980 = tpu.assume_multiple %add3A_2979, 128 : i32
      %shift_right_arithmetic3A_2981 = arith.constant 7 : i32
      %shift_right_arithmetic3A_2982 = arith.shrsi %squeeze3A_2974, %shift_right_arithmetic3A_2981 : i32
      %mul3A_2983 = arith.constant 128 : i32
      %mul3A_2984 = arith.muli %shift_right_arithmetic3A_2982, %mul3A_2983 : i32
      %add3A_2985 = arith.addi %mul3A_2984, %select_n3A_2970 : i32
      %multiple_of3A_2986 = tpu.assume_multiple %add3A_2985, 128 : i32
      %dma_start3A_2987 = arith.constant 4 : i32
      %dma_start3A_2988 = arith.constant 4 : i32
      %dma_start3A_2989 = arith.constant 0 : i32
      %dma_start3A_2990 = arith.constant 0 : i32
      %dma_start3A_2991 = arith.constant 0 : i32
      %dma_start3A_2992 = tpu.memref_slice %arg9[%dma_start3A_2987, %dma_start3A_2989, %dma_start3A_2990, %dma_start3A_2991] : memref<8x4x8x128xf32, #tpu.memory_space<vmem>> -> memref<1x4x8x128xf32, #tpu.memory_space<vmem>>
      %dma_start3A_2993 = tpu.memref_squeeze %dma_start3A_2992 : memref<1x4x8x128xf32, #tpu.memory_space<vmem>> -> memref<4x8x128xf32, #tpu.memory_space<vmem>>
      %dma_start3A_2994 = arith.constant 0 : i32
      %dma_start3A_2995 = arith.constant 0 : i32
      %dma_start3A_2996 = tpu.memref_slice %arg4[%dma_start3A_2994, %dma_start3A_2995, %multiple_of3A_2980] : memref<4x8x1000000xf32, #tpu.memory_space<hbm>> -> memref<4x8x128xf32, #tpu.memory_space<hbm>>
      %dma_start3A_2997 = tpu.memref_slice %arg13[%dma_start3A_2988] : memref<8x!tpu.dma_semaphore, #tpu.memory_space<semaphore_mem>> -> memref<1x!tpu.dma_semaphore, #tpu.memory_space<semaphore_mem>>
      %dma_start3A_2998 = tpu.memref_squeeze %dma_start3A_2997 : memref<1x!tpu.dma_semaphore, #tpu.memory_space<semaphore_mem>> -> memref<!tpu.dma_semaphore, #tpu.memory_space<semaphore_mem>>
      %dma_start3A_2999 = arith.constant 0 : i32
      %dma_start3A_3000 = arith.constant 0 : i32
      %dma_start3A_3001 = arith.constant 0 : i32
      %dma_start3A_3002 = tpu.memref_slice %arg9[%dma_start3A_2987, %dma_start3A_2999, %dma_start3A_3000, %dma_start3A_3001] : memref<8x4x8x128xf32, #tpu.memory_space<vmem>> -> memref<1x4x8x128xf32, #tpu.memory_space<vmem>>
      %dma_start3A_3003 = tpu.memref_squeeze %dma_start3A_3002 : memref<1x4x8x128xf32, #tpu.memory_space<vmem>> -> memref<4x8x128xf32, #tpu.memory_space<vmem>>
      %dma_start3A_3004 = arith.constant 0 : i32
      %dma_start3A_3005 = arith.constant 0 : i32
      %dma_start3A_3006 = tpu.memref_slice %arg4[%dma_start3A_3004, %dma_start3A_3005, %multiple_of3A_2980] : memref<4x8x1000000xf32, #tpu.memory_space<hbm>> -> memref<4x8x128xf32, #tpu.memory_space<hbm>>
      tpu.enqueue_dma source(%dma_start3A_3006 : memref<4x8x128xf32, #tpu.memory_space<hbm>>) target(%dma_start3A_3003 : memref<4x8x128xf32, #tpu.memory_space<vmem>>) target_semaphore(%dma_start3A_2998 : memref<!tpu.dma_semaphore, #tpu.memory_space<semaphore_mem>>)
      %dma_start3A_3007 = arith.constant 4 : i32
      %dma_start3A_3008 = arith.constant 4 : i32
      %dma_start3A_3009 = arith.constant 0 : i32
      %dma_start3A_3010 = arith.constant 0 : i32
      %dma_start3A_3011 = arith.constant 0 : i32
      %dma_start3A_3012 = tpu.memref_slice %arg10[%dma_start3A_3007, %dma_start3A_3009, %dma_start3A_3010, %dma_start3A_3011] : memref<8x4x8x128xf32, #tpu.memory_space<vmem>> -> memref<1x4x8x128xf32, #tpu.memory_space<vmem>>
      %dma_start3A_3013 = tpu.memref_squeeze %dma_start3A_3012 : memref<1x4x8x128xf32, #tpu.memory_space<vmem>> -> memref<4x8x128xf32, #tpu.memory_space<vmem>>
      %dma_start3A_3014 = arith.constant 0 : i32
      %dma_start3A_3015 = arith.constant 0 : i32
      %dma_start3A_3016 = tpu.memref_slice %arg5[%dma_start3A_3014, %dma_start3A_3015, %multiple_of3A_2986] : memref<4x8x1000000xf32, #tpu.memory_space<hbm>> -> memref<4x8x128xf32, #tpu.memory_space<hbm>>
      %dma_start3A_3017 = tpu.memref_slice %arg14[%dma_start3A_3008] : memref<8x!tpu.dma_semaphore, #tpu.memory_space<semaphore_mem>> -> memref<1x!tpu.dma_semaphore, #tpu.memory_space<semaphore_mem>>
      %dma_start3A_3018 = tpu.memref_squeeze %dma_start3A_3017 : memref<1x!tpu.dma_semaphore, #tpu.memory_space<semaphore_mem>> -> memref<!tpu.dma_semaphore, #tpu.memory_space<semaphore_mem>>
      %dma_start3A_3019 = arith.constant 0 : i32
      %dma_start3A_3020 = arith.constant 0 : i32
      %dma_start3A_3021 = arith.constant 0 : i32
      %dma_start3A_3022 = tpu.memref_slice %arg10[%dma_start3A_3007, %dma_start3A_3019, %dma_start3A_3020, %dma_start3A_3021] : memref<8x4x8x128xf32, #tpu.memory_space<vmem>> -> memref<1x4x8x128xf32, #tpu.memory_space<vmem>>
      %dma_start3A_3023 = tpu.memref_squeeze %dma_start3A_3022 : memref<1x4x8x128xf32, #tpu.memory_space<vmem>> -> memref<4x8x128xf32, #tpu.memory_space<vmem>>
      %dma_start3A_3024 = arith.constant 0 : i32
      %dma_start3A_3025 = arith.constant 0 : i32
      %dma_start3A_3026 = tpu.memref_slice %arg5[%dma_start3A_3024, %dma_start3A_3025, %multiple_of3A_2986] : memref<4x8x1000000xf32, #tpu.memory_space<hbm>> -> memref<4x8x128xf32, #tpu.memory_space<hbm>>
      tpu.enqueue_dma source(%dma_start3A_3026 : memref<4x8x128xf32, #tpu.memory_space<hbm>>) target(%dma_start3A_3023 : memref<4x8x128xf32, #tpu.memory_space<vmem>>) target_semaphore(%dma_start3A_3018 : memref<!tpu.dma_semaphore, #tpu.memory_space<semaphore_mem>>)
      %dma_wait3A_3027 = arith.constant 5 : i32
      %dma_wait3A_3028 = arith.constant 5 : i32
      %dma_wait3A_3029 = arith.constant 0 : i32
      %dma_wait3A_3030 = arith.constant 0 : i32
      %dma_wait3A_3031 = arith.constant 0 : i32
      %dma_wait3A_3032 = tpu.memref_slice %arg9[%dma_wait3A_3027, %dma_wait3A_3029, %dma_wait3A_3030, %dma_wait3A_3031] : memref<8x4x8x128xf32, #tpu.memory_space<vmem>> -> memref<1x4x8x128xf32, #tpu.memory_space<vmem>>
      %dma_wait3A_3033 = tpu.memref_squeeze %dma_wait3A_3032 : memref<1x4x8x128xf32, #tpu.memory_space<vmem>> -> memref<4x8x128xf32, #tpu.memory_space<vmem>>
      %dma_wait3A_3034 = arith.constant 0 : i32
      %dma_wait3A_3035 = arith.constant 0 : i32
      %dma_wait3A_3036 = arith.constant 0 : i32
      %dma_wait3A_3037 = tpu.memref_slice %arg4[%dma_wait3A_3034, %dma_wait3A_3035, %dma_wait3A_3036] : memref<4x8x1000000xf32, #tpu.memory_space<hbm>> -> memref<4x8x128xf32, #tpu.memory_space<hbm>>
      %dma_wait3A_3038 = tpu.memref_slice %arg13[%dma_wait3A_3028] : memref<8x!tpu.dma_semaphore, #tpu.memory_space<semaphore_mem>> -> memref<1x!tpu.dma_semaphore, #tpu.memory_space<semaphore_mem>>
      %dma_wait3A_3039 = tpu.memref_squeeze %dma_wait3A_3038 : memref<1x!tpu.dma_semaphore, #tpu.memory_space<semaphore_mem>> -> memref<!tpu.dma_semaphore, #tpu.memory_space<semaphore_mem>>
      %dma_wait3A_3040 = arith.constant 0 : i32
      %dma_wait3A_3041 = arith.constant 0 : i32
      %dma_wait3A_3042 = arith.constant 0 : i32
      %dma_wait3A_3043 = tpu.memref_slice %arg9[%dma_wait3A_3027, %dma_wait3A_3040, %dma_wait3A_3041, %dma_wait3A_3042] : memref<8x4x8x128xf32, #tpu.memory_space<vmem>> -> memref<1x4x8x128xf32, #tpu.memory_space<vmem>>
      %dma_wait3A_3044 = tpu.memref_squeeze %dma_wait3A_3043 : memref<1x4x8x128xf32, #tpu.memory_space<vmem>> -> memref<4x8x128xf32, #tpu.memory_space<vmem>>
      %dma_wait3A_3045 = arith.constant 0 : i32
      %dma_wait3A_3046 = arith.constant 0 : i32
      %dma_wait3A_3047 = arith.constant 0 : i32
      %dma_wait3A_3048 = tpu.memref_slice %arg4[%dma_wait3A_3045, %dma_wait3A_3046, %dma_wait3A_3047] : memref<4x8x1000000xf32, #tpu.memory_space<hbm>> -> memref<4x8x128xf32, #tpu.memory_space<hbm>>
      tpu.wait_dma2 semaphore(%dma_wait3A_3039 : memref<!tpu.dma_semaphore, #tpu.memory_space<semaphore_mem>>) src(%dma_wait3A_3048 : memref<4x8x128xf32, #tpu.memory_space<hbm>>) dst(%dma_wait3A_3044 : memref<4x8x128xf32, #tpu.memory_space<vmem>>)
      %dma_wait3A_3049 = arith.constant 5 : i32
      %dma_wait3A_3050 = arith.constant 5 : i32
      %dma_wait3A_3051 = arith.constant 0 : i32
      %dma_wait3A_3052 = arith.constant 0 : i32
      %dma_wait3A_3053 = arith.constant 0 : i32
      %dma_wait3A_3054 = tpu.memref_slice %arg10[%dma_wait3A_3049, %dma_wait3A_3051, %dma_wait3A_3052, %dma_wait3A_3053] : memref<8x4x8x128xf32, #tpu.memory_space<vmem>> -> memref<1x4x8x128xf32, #tpu.memory_space<vmem>>
      %dma_wait3A_3055 = tpu.memref_squeeze %dma_wait3A_3054 : memref<1x4x8x128xf32, #tpu.memory_space<vmem>> -> memref<4x8x128xf32, #tpu.memory_space<vmem>>
      %dma_wait3A_3056 = arith.constant 0 : i32
      %dma_wait3A_3057 = arith.constant 0 : i32
      %dma_wait3A_3058 = arith.constant 0 : i32
      %dma_wait3A_3059 = tpu.memref_slice %arg5[%dma_wait3A_3056, %dma_wait3A_3057, %dma_wait3A_3058] : memref<4x8x1000000xf32, #tpu.memory_space<hbm>> -> memref<4x8x128xf32, #tpu.memory_space<hbm>>
      %dma_wait3A_3060 = tpu.memref_slice %arg14[%dma_wait3A_3050] : memref<8x!tpu.dma_semaphore, #tpu.memory_space<semaphore_mem>> -> memref<1x!tpu.dma_semaphore, #tpu.memory_space<semaphore_mem>>
      %dma_wait3A_3061 = tpu.memref_squeeze %dma_wait3A_3060 : memref<1x!tpu.dma_semaphore, #tpu.memory_space<semaphore_mem>> -> memref<!tpu.dma_semaphore, #tpu.memory_space<semaphore_mem>>
      %dma_wait3A_3062 = arith.constant 0 : i32
      %dma_wait3A_3063 = arith.constant 0 : i32
      %dma_wait3A_3064 = arith.constant 0 : i32
      %dma_wait3A_3065 = tpu.memref_slice %arg10[%dma_wait3A_3049, %dma_wait3A_3062, %dma_wait3A_3063, %dma_wait3A_3064] : memref<8x4x8x128xf32, #tpu.memory_space<vmem>> -> memref<1x4x8x128xf32, #tpu.memory_space<vmem>>
      %dma_wait3A_3066 = tpu.memref_squeeze %dma_wait3A_3065 : memref<1x4x8x128xf32, #tpu.memory_space<vmem>> -> memref<4x8x128xf32, #tpu.memory_space<vmem>>
      %dma_wait3A_3067 = arith.constant 0 : i32
      %dma_wait3A_3068 = arith.constant 0 : i32
      %dma_wait3A_3069 = arith.constant 0 : i32
      %dma_wait3A_3070 = tpu.memref_slice %arg5[%dma_wait3A_3067, %dma_wait3A_3068, %dma_wait3A_3069] : memref<4x8x1000000xf32, #tpu.memory_space<hbm>> -> memref<4x8x128xf32, #tpu.memory_space<hbm>>
      tpu.wait_dma2 semaphore(%dma_wait3A_3061 : memref<!tpu.dma_semaphore, #tpu.memory_space<semaphore_mem>>) src(%dma_wait3A_3070 : memref<4x8x128xf32, #tpu.memory_space<hbm>>) dst(%dma_wait3A_3066 : memref<4x8x128xf32, #tpu.memory_space<vmem>>)
      %slice3A_3071 = vector.extract_strided_slice %get3A_899 {offsets = [13], sizes = [1], strides = [1]} : vector<16xi32> to vector<1xi32>
      %squeeze3A_3072 = vector.extract %slice3A_3071[0] : i32 from vector<1xi32>
      %and3A_3073 = arith.constant 127 : i32
      %and3A_3074 = arith.andi %squeeze3A_3072, %and3A_3073 : i32
      %slice3A_3075 = vector.extract_strided_slice %get3A_901 {offsets = [13], sizes = [1], strides = [1]} : vector<16xi32> to vector<1xi32>
      %squeeze3A_3076 = vector.extract %slice3A_3075[0] : i32 from vector<1xi32>
      %and3A_3077 = arith.constant 127 : i32
      %and3A_3078 = arith.andi %squeeze3A_3076, %and3A_3077 : i32
      %broadcast_in_dim3A_3079 = arith.constant 0 : i32
      %broadcast_in_dim3A_3080 = vector.broadcast %broadcast_in_dim3A_3079 : i32 to vector<16xi32>
      %add3A_3081 = vector.broadcast %and3A_3074 : i32 to vector<16xi32>
      %add3A_3082 = arith.addi %broadcast_in_dim3A_3080, %add3A_3081 : vector<16xi32>
      %broadcast_in_dim3A_3083 = arith.constant 0 : i32
      %broadcast_in_dim3A_3084 = vector.broadcast %broadcast_in_dim3A_3083 : i32 to vector<16xi32>
      %add3A_3085 = vector.broadcast %and3A_3078 : i32 to vector<16xi32>
      %add3A_3086 = arith.addi %broadcast_in_dim3A_3084, %add3A_3085 : vector<16xi32>
      %gather3A_3087 = arith.constant 5 : i32
      %gather3A_3088 = arith.constant 0 : i32
      %gather3A_3089 = arith.constant 0 : i32
      %gather3A_3090 = arith.constant 0 : i32
      %gather3A_3091 = tpu.memref_slice %arg9[%gather3A_3087, %gather3A_3088, %gather3A_3089, %gather3A_3090] : memref<8x4x8x128xf32, #tpu.memory_space<vmem>> -> memref<1x4x8x128xf32, #tpu.memory_space<vmem>>
      %gather3A_3092 = tpu.memref_squeeze %gather3A_3091 : memref<1x4x8x128xf32, #tpu.memory_space<vmem>> -> memref<4x8x128xf32, #tpu.memory_space<vmem>>
      %gather3A_3093 = tpu.vector_load_idx %gather3A_3092[%select_n3A, %select_n3A_64, %add3A_3082] : memref<4x8x128xf32, #tpu.memory_space<vmem>>[vector<16xi32>, vector<16xi32>, vector<16xi32>], vector<16xf32>,
      %gather3A_3094 = arith.constant 5 : i32
      %gather3A_3095 = arith.constant 0 : i32
      %gather3A_3096 = arith.constant 0 : i32
      %gather3A_3097 = arith.constant 0 : i32
      %gather3A_3098 = tpu.memref_slice %arg9[%gather3A_3094, %gather3A_3095, %gather3A_3096, %gather3A_3097] : memref<8x4x8x128xf32, #tpu.memory_space<vmem>> -> memref<1x4x8x128xf32, #tpu.memory_space<vmem>>
      %gather3A_3099 = tpu.memref_squeeze %gather3A_3098 : memref<1x4x8x128xf32, #tpu.memory_space<vmem>> -> memref<4x8x128xf32, #tpu.memory_space<vmem>>
      %gather3A_3100 = tpu.vector_load_idx %gather3A_3099[%add3A_44, %select_n3A_64, %add3A_3082] : memref<4x8x128xf32, #tpu.memory_space<vmem>>[vector<16xi32>, vector<16xi32>, vector<16xi32>], vector<16xf32>,
      %gather3A_3101 = arith.constant 5 : i32
      %gather3A_3102 = arith.constant 0 : i32
      %gather3A_3103 = arith.constant 0 : i32
      %gather3A_3104 = arith.constant 0 : i32
      %gather3A_3105 = tpu.memref_slice %arg10[%gather3A_3101, %gather3A_3102, %gather3A_3103, %gather3A_3104] : memref<8x4x8x128xf32, #tpu.memory_space<vmem>> -> memref<1x4x8x128xf32, #tpu.memory_space<vmem>>
      %gather3A_3106 = tpu.memref_squeeze %gather3A_3105 : memref<1x4x8x128xf32, #tpu.memory_space<vmem>> -> memref<4x8x128xf32, #tpu.memory_space<vmem>>
      %gather3A_3107 = tpu.vector_load_idx %gather3A_3106[%select_n3A, %select_n3A_64, %add3A_3086] : memref<4x8x128xf32, #tpu.memory_space<vmem>>[vector<16xi32>, vector<16xi32>, vector<16xi32>], vector<16xf32>,
      %gather3A_3108 = arith.constant 5 : i32
      %gather3A_3109 = arith.constant 0 : i32
      %gather3A_3110 = arith.constant 0 : i32
      %gather3A_3111 = arith.constant 0 : i32
      %gather3A_3112 = tpu.memref_slice %arg10[%gather3A_3108, %gather3A_3109, %gather3A_3110, %gather3A_3111] : memref<8x4x8x128xf32, #tpu.memory_space<vmem>> -> memref<1x4x8x128xf32, #tpu.memory_space<vmem>>
      %gather3A_3113 = tpu.memref_squeeze %gather3A_3112 : memref<1x4x8x128xf32, #tpu.memory_space<vmem>> -> memref<4x8x128xf32, #tpu.memory_space<vmem>>
      %gather3A_3114 = tpu.vector_load_idx %gather3A_3113[%add3A_44, %select_n3A_64, %add3A_3086] : memref<4x8x128xf32, #tpu.memory_space<vmem>>[vector<16xi32>, vector<16xi32>, vector<16xi32>], vector<16xf32>,
      %mul3A_3115 = arith.constant 16 : i32
      %mul3A_3116 = arith.muli %scan3A_894, %mul3A_3115 : i32
      %add3A_3117 = arith.constant 13 : i32
      %add3A_3118 = arith.addi %mul3A_3116, %add3A_3117 : i32
      %mul3A_3119 = arith.constant 16 : i32
      %mul3A_3120 = arith.muli %add3A_3118, %mul3A_3119 : i32
      %mul3A_3121 = arith.mulf %gather3A_3093, %gather3A_3107 : vector<16xf32>
      %mul3A_3122 = arith.mulf %gather3A_3100, %gather3A_3114 : vector<16xf32>
      %add3A_3123 = arith.addf %mul3A_3121, %mul3A_3122 : vector<16xf32>
      %swap3A_3124 = arith.index_cast %mul3A_3120 : i32 to index
      %swap3A_3125 = tpu.vector_load %arg11[%swap3A_3124] {strides = array<i32>} : memref<8192xf32, #tpu.memory_space<vmem>>, vector<16xf32>,
      tpu.vector_store %arg11[%swap3A_3124], %add3A_3123 {strides = array<i32>} : memref<8192xf32, #tpu.memory_space<vmem>>, vector<16xf32>,
      %get3A_3126 = arith.index_cast %mul3A_3120 : i32 to index
      %get3A_3127 = tpu.vector_load %arg11[%get3A_3126] {strides = array<i32>} : memref<8192xf32, #tpu.memory_space<vmem>>, vector<16xf32>,
      %slice3A_3128 = vector.extract_strided_slice %get3A_3127 {offsets = [0], sizes = [1], strides = [1]} : vector<16xf32> to vector<1xf32>
      %squeeze3A_3129 = vector.extract %slice3A_3128[0] : f32 from vector<1xf32>
      %eq3A_3130 = arith.cmpf oeq, %squeeze3A_3129, %squeeze3A_3129 : f32
      %select_n3A_3131 = arith.constant 1 : i32
      %select_n3A_3132 = arith.constant 0 : i32
      %select_n3A_3133 = arith.select %eq3A_3130, %select_n3A_3132, %select_n3A_3131 : i32
      %slice3A_3134 = vector.extract_strided_slice %get3A_908 {offsets = [5], sizes = [1], strides = [1]} : vector<16xi32> to vector<1xi32>
      %squeeze3A_3135 = vector.extract %slice3A_3134[0] : i32 from vector<1xi32>
      %slice3A_3136 = vector.extract_strided_slice %get3A_910 {offsets = [5], sizes = [1], strides = [1]} : vector<16xi32> to vector<1xi32>
      %squeeze3A_3137 = vector.extract %slice3A_3136[0] : i32 from vector<1xi32>
      %shift_right_arithmetic3A_3138 = arith.constant 7 : i32
      %shift_right_arithmetic3A_3139 = arith.shrsi %squeeze3A_3135, %shift_right_arithmetic3A_3138 : i32
      %mul3A_3140 = arith.constant 128 : i32
      %mul3A_3141 = arith.muli %shift_right_arithmetic3A_3139, %mul3A_3140 : i32
      %add3A_3142 = arith.addi %mul3A_3141, %select_n3A_3133 : i32
      %multiple_of3A_3143 = tpu.assume_multiple %add3A_3142, 128 : i32
      %shift_right_arithmetic3A_3144 = arith.constant 7 : i32
      %shift_right_arithmetic3A_3145 = arith.shrsi %squeeze3A_3137, %shift_right_arithmetic3A_3144 : i32
      %mul3A_3146 = arith.constant 128 : i32
      %mul3A_3147 = arith.muli %shift_right_arithmetic3A_3145, %mul3A_3146 : i32
      %add3A_3148 = arith.addi %mul3A_3147, %select_n3A_3133 : i32
      %multiple_of3A_3149 = tpu.assume_multiple %add3A_3148, 128 : i32
      %dma_start3A_3150 = arith.constant 5 : i32
      %dma_start3A_3151 = arith.constant 5 : i32
      %dma_start3A_3152 = arith.constant 0 : i32
      %dma_start3A_3153 = arith.constant 0 : i32
      %dma_start3A_3154 = arith.constant 0 : i32
      %dma_start3A_3155 = tpu.memref_slice %arg9[%dma_start3A_3150, %dma_start3A_3152, %dma_start3A_3153, %dma_start3A_3154] : memref<8x4x8x128xf32, #tpu.memory_space<vmem>> -> memref<1x4x8x128xf32, #tpu.memory_space<vmem>>
      %dma_start3A_3156 = tpu.memref_squeeze %dma_start3A_3155 : memref<1x4x8x128xf32, #tpu.memory_space<vmem>> -> memref<4x8x128xf32, #tpu.memory_space<vmem>>
      %dma_start3A_3157 = arith.constant 0 : i32
      %dma_start3A_3158 = arith.constant 0 : i32
      %dma_start3A_3159 = tpu.memref_slice %arg4[%dma_start3A_3157, %dma_start3A_3158, %multiple_of3A_3143] : memref<4x8x1000000xf32, #tpu.memory_space<hbm>> -> memref<4x8x128xf32, #tpu.memory_space<hbm>>
      %dma_start3A_3160 = tpu.memref_slice %arg13[%dma_start3A_3151] : memref<8x!tpu.dma_semaphore, #tpu.memory_space<semaphore_mem>> -> memref<1x!tpu.dma_semaphore, #tpu.memory_space<semaphore_mem>>
      %dma_start3A_3161 = tpu.memref_squeeze %dma_start3A_3160 : memref<1x!tpu.dma_semaphore, #tpu.memory_space<semaphore_mem>> -> memref<!tpu.dma_semaphore, #tpu.memory_space<semaphore_mem>>
      %dma_start3A_3162 = arith.constant 0 : i32
      %dma_start3A_3163 = arith.constant 0 : i32
      %dma_start3A_3164 = arith.constant 0 : i32
      %dma_start3A_3165 = tpu.memref_slice %arg9[%dma_start3A_3150, %dma_start3A_3162, %dma_start3A_3163, %dma_start3A_3164] : memref<8x4x8x128xf32, #tpu.memory_space<vmem>> -> memref<1x4x8x128xf32, #tpu.memory_space<vmem>>
      %dma_start3A_3166 = tpu.memref_squeeze %dma_start3A_3165 : memref<1x4x8x128xf32, #tpu.memory_space<vmem>> -> memref<4x8x128xf32, #tpu.memory_space<vmem>>
      %dma_start3A_3167 = arith.constant 0 : i32
      %dma_start3A_3168 = arith.constant 0 : i32
      %dma_start3A_3169 = tpu.memref_slice %arg4[%dma_start3A_3167, %dma_start3A_3168, %multiple_of3A_3143] : memref<4x8x1000000xf32, #tpu.memory_space<hbm>> -> memref<4x8x128xf32, #tpu.memory_space<hbm>>
      tpu.enqueue_dma source(%dma_start3A_3169 : memref<4x8x128xf32, #tpu.memory_space<hbm>>) target(%dma_start3A_3166 : memref<4x8x128xf32, #tpu.memory_space<vmem>>) target_semaphore(%dma_start3A_3161 : memref<!tpu.dma_semaphore, #tpu.memory_space<semaphore_mem>>)
      %dma_start3A_3170 = arith.constant 5 : i32
      %dma_start3A_3171 = arith.constant 5 : i32
      %dma_start3A_3172 = arith.constant 0 : i32
      %dma_start3A_3173 = arith.constant 0 : i32
      %dma_start3A_3174 = arith.constant 0 : i32
      %dma_start3A_3175 = tpu.memref_slice %arg10[%dma_start3A_3170, %dma_start3A_3172, %dma_start3A_3173, %dma_start3A_3174] : memref<8x4x8x128xf32, #tpu.memory_space<vmem>> -> memref<1x4x8x128xf32, #tpu.memory_space<vmem>>
      %dma_start3A_3176 = tpu.memref_squeeze %dma_start3A_3175 : memref<1x4x8x128xf32, #tpu.memory_space<vmem>> -> memref<4x8x128xf32, #tpu.memory_space<vmem>>
      %dma_start3A_3177 = arith.constant 0 : i32
      %dma_start3A_3178 = arith.constant 0 : i32
      %dma_start3A_3179 = tpu.memref_slice %arg5[%dma_start3A_3177, %dma_start3A_3178, %multiple_of3A_3149] : memref<4x8x1000000xf32, #tpu.memory_space<hbm>> -> memref<4x8x128xf32, #tpu.memory_space<hbm>>
      %dma_start3A_3180 = tpu.memref_slice %arg14[%dma_start3A_3171] : memref<8x!tpu.dma_semaphore, #tpu.memory_space<semaphore_mem>> -> memref<1x!tpu.dma_semaphore, #tpu.memory_space<semaphore_mem>>
      %dma_start3A_3181 = tpu.memref_squeeze %dma_start3A_3180 : memref<1x!tpu.dma_semaphore, #tpu.memory_space<semaphore_mem>> -> memref<!tpu.dma_semaphore, #tpu.memory_space<semaphore_mem>>
      %dma_start3A_3182 = arith.constant 0 : i32
      %dma_start3A_3183 = arith.constant 0 : i32
      %dma_start3A_3184 = arith.constant 0 : i32
      %dma_start3A_3185 = tpu.memref_slice %arg10[%dma_start3A_3170, %dma_start3A_3182, %dma_start3A_3183, %dma_start3A_3184] : memref<8x4x8x128xf32, #tpu.memory_space<vmem>> -> memref<1x4x8x128xf32, #tpu.memory_space<vmem>>
      %dma_start3A_3186 = tpu.memref_squeeze %dma_start3A_3185 : memref<1x4x8x128xf32, #tpu.memory_space<vmem>> -> memref<4x8x128xf32, #tpu.memory_space<vmem>>
      %dma_start3A_3187 = arith.constant 0 : i32
      %dma_start3A_3188 = arith.constant 0 : i32
      %dma_start3A_3189 = tpu.memref_slice %arg5[%dma_start3A_3187, %dma_start3A_3188, %multiple_of3A_3149] : memref<4x8x1000000xf32, #tpu.memory_space<hbm>> -> memref<4x8x128xf32, #tpu.memory_space<hbm>>
      tpu.enqueue_dma source(%dma_start3A_3189 : memref<4x8x128xf32, #tpu.memory_space<hbm>>) target(%dma_start3A_3186 : memref<4x8x128xf32, #tpu.memory_space<vmem>>) target_semaphore(%dma_start3A_3181 : memref<!tpu.dma_semaphore, #tpu.memory_space<semaphore_mem>>)
      %dma_wait3A_3190 = arith.constant 6 : i32
      %dma_wait3A_3191 = arith.constant 6 : i32
      %dma_wait3A_3192 = arith.constant 0 : i32
      %dma_wait3A_3193 = arith.constant 0 : i32
      %dma_wait3A_3194 = arith.constant 0 : i32
      %dma_wait3A_3195 = tpu.memref_slice %arg9[%dma_wait3A_3190, %dma_wait3A_3192, %dma_wait3A_3193, %dma_wait3A_3194] : memref<8x4x8x128xf32, #tpu.memory_space<vmem>> -> memref<1x4x8x128xf32, #tpu.memory_space<vmem>>
      %dma_wait3A_3196 = tpu.memref_squeeze %dma_wait3A_3195 : memref<1x4x8x128xf32, #tpu.memory_space<vmem>> -> memref<4x8x128xf32, #tpu.memory_space<vmem>>
      %dma_wait3A_3197 = arith.constant 0 : i32
      %dma_wait3A_3198 = arith.constant 0 : i32
      %dma_wait3A_3199 = arith.constant 0 : i32
      %dma_wait3A_3200 = tpu.memref_slice %arg4[%dma_wait3A_3197, %dma_wait3A_3198, %dma_wait3A_3199] : memref<4x8x1000000xf32, #tpu.memory_space<hbm>> -> memref<4x8x128xf32, #tpu.memory_space<hbm>>
      %dma_wait3A_3201 = tpu.memref_slice %arg13[%dma_wait3A_3191] : memref<8x!tpu.dma_semaphore, #tpu.memory_space<semaphore_mem>> -> memref<1x!tpu.dma_semaphore, #tpu.memory_space<semaphore_mem>>
      %dma_wait3A_3202 = tpu.memref_squeeze %dma_wait3A_3201 : memref<1x!tpu.dma_semaphore, #tpu.memory_space<semaphore_mem>> -> memref<!tpu.dma_semaphore, #tpu.memory_space<semaphore_mem>>
      %dma_wait3A_3203 = arith.constant 0 : i32
      %dma_wait3A_3204 = arith.constant 0 : i32
      %dma_wait3A_3205 = arith.constant 0 : i32
      %dma_wait3A_3206 = tpu.memref_slice %arg9[%dma_wait3A_3190, %dma_wait3A_3203, %dma_wait3A_3204, %dma_wait3A_3205] : memref<8x4x8x128xf32, #tpu.memory_space<vmem>> -> memref<1x4x8x128xf32, #tpu.memory_space<vmem>>
      %dma_wait3A_3207 = tpu.memref_squeeze %dma_wait3A_3206 : memref<1x4x8x128xf32, #tpu.memory_space<vmem>> -> memref<4x8x128xf32, #tpu.memory_space<vmem>>
      %dma_wait3A_3208 = arith.constant 0 : i32
      %dma_wait3A_3209 = arith.constant 0 : i32
      %dma_wait3A_3210 = arith.constant 0 : i32
      %dma_wait3A_3211 = tpu.memref_slice %arg4[%dma_wait3A_3208, %dma_wait3A_3209, %dma_wait3A_3210] : memref<4x8x1000000xf32, #tpu.memory_space<hbm>> -> memref<4x8x128xf32, #tpu.memory_space<hbm>>
      tpu.wait_dma2 semaphore(%dma_wait3A_3202 : memref<!tpu.dma_semaphore, #tpu.memory_space<semaphore_mem>>) src(%dma_wait3A_3211 : memref<4x8x128xf32, #tpu.memory_space<hbm>>) dst(%dma_wait3A_3207 : memref<4x8x128xf32, #tpu.memory_space<vmem>>)
      %dma_wait3A_3212 = arith.constant 6 : i32
      %dma_wait3A_3213 = arith.constant 6 : i32
      %dma_wait3A_3214 = arith.constant 0 : i32
      %dma_wait3A_3215 = arith.constant 0 : i32
      %dma_wait3A_3216 = arith.constant 0 : i32
      %dma_wait3A_3217 = tpu.memref_slice %arg10[%dma_wait3A_3212, %dma_wait3A_3214, %dma_wait3A_3215, %dma_wait3A_3216] : memref<8x4x8x128xf32, #tpu.memory_space<vmem>> -> memref<1x4x8x128xf32, #tpu.memory_space<vmem>>
      %dma_wait3A_3218 = tpu.memref_squeeze %dma_wait3A_3217 : memref<1x4x8x128xf32, #tpu.memory_space<vmem>> -> memref<4x8x128xf32, #tpu.memory_space<vmem>>
      %dma_wait3A_3219 = arith.constant 0 : i32
      %dma_wait3A_3220 = arith.constant 0 : i32
      %dma_wait3A_3221 = arith.constant 0 : i32
      %dma_wait3A_3222 = tpu.memref_slice %arg5[%dma_wait3A_3219, %dma_wait3A_3220, %dma_wait3A_3221] : memref<4x8x1000000xf32, #tpu.memory_space<hbm>> -> memref<4x8x128xf32, #tpu.memory_space<hbm>>
      %dma_wait3A_3223 = tpu.memref_slice %arg14[%dma_wait3A_3213] : memref<8x!tpu.dma_semaphore, #tpu.memory_space<semaphore_mem>> -> memref<1x!tpu.dma_semaphore, #tpu.memory_space<semaphore_mem>>
      %dma_wait3A_3224 = tpu.memref_squeeze %dma_wait3A_3223 : memref<1x!tpu.dma_semaphore, #tpu.memory_space<semaphore_mem>> -> memref<!tpu.dma_semaphore, #tpu.memory_space<semaphore_mem>>
      %dma_wait3A_3225 = arith.constant 0 : i32
      %dma_wait3A_3226 = arith.constant 0 : i32
      %dma_wait3A_3227 = arith.constant 0 : i32
      %dma_wait3A_3228 = tpu.memref_slice %arg10[%dma_wait3A_3212, %dma_wait3A_3225, %dma_wait3A_3226, %dma_wait3A_3227] : memref<8x4x8x128xf32, #tpu.memory_space<vmem>> -> memref<1x4x8x128xf32, #tpu.memory_space<vmem>>
      %dma_wait3A_3229 = tpu.memref_squeeze %dma_wait3A_3228 : memref<1x4x8x128xf32, #tpu.memory_space<vmem>> -> memref<4x8x128xf32, #tpu.memory_space<vmem>>
      %dma_wait3A_3230 = arith.constant 0 : i32
      %dma_wait3A_3231 = arith.constant 0 : i32
      %dma_wait3A_3232 = arith.constant 0 : i32
      %dma_wait3A_3233 = tpu.memref_slice %arg5[%dma_wait3A_3230, %dma_wait3A_3231, %dma_wait3A_3232] : memref<4x8x1000000xf32, #tpu.memory_space<hbm>> -> memref<4x8x128xf32, #tpu.memory_space<hbm>>
      tpu.wait_dma2 semaphore(%dma_wait3A_3224 : memref<!tpu.dma_semaphore, #tpu.memory_space<semaphore_mem>>) src(%dma_wait3A_3233 : memref<4x8x128xf32, #tpu.memory_space<hbm>>) dst(%dma_wait3A_3229 : memref<4x8x128xf32, #tpu.memory_space<vmem>>)
      %slice3A_3234 = vector.extract_strided_slice %get3A_899 {offsets = [14], sizes = [1], strides = [1]} : vector<16xi32> to vector<1xi32>
      %squeeze3A_3235 = vector.extract %slice3A_3234[0] : i32 from vector<1xi32>
      %and3A_3236 = arith.constant 127 : i32
      %and3A_3237 = arith.andi %squeeze3A_3235, %and3A_3236 : i32
      %slice3A_3238 = vector.extract_strided_slice %get3A_901 {offsets = [14], sizes = [1], strides = [1]} : vector<16xi32> to vector<1xi32>
      %squeeze3A_3239 = vector.extract %slice3A_3238[0] : i32 from vector<1xi32>
      %and3A_3240 = arith.constant 127 : i32
      %and3A_3241 = arith.andi %squeeze3A_3239, %and3A_3240 : i32
      %broadcast_in_dim3A_3242 = arith.constant 0 : i32
      %broadcast_in_dim3A_3243 = vector.broadcast %broadcast_in_dim3A_3242 : i32 to vector<16xi32>
      %add3A_3244 = vector.broadcast %and3A_3237 : i32 to vector<16xi32>
      %add3A_3245 = arith.addi %broadcast_in_dim3A_3243, %add3A_3244 : vector<16xi32>
      %broadcast_in_dim3A_3246 = arith.constant 0 : i32
      %broadcast_in_dim3A_3247 = vector.broadcast %broadcast_in_dim3A_3246 : i32 to vector<16xi32>
      %add3A_3248 = vector.broadcast %and3A_3241 : i32 to vector<16xi32>
      %add3A_3249 = arith.addi %broadcast_in_dim3A_3247, %add3A_3248 : vector<16xi32>
      %gather3A_3250 = arith.constant 6 : i32
      %gather3A_3251 = arith.constant 0 : i32
      %gather3A_3252 = arith.constant 0 : i32
      %gather3A_3253 = arith.constant 0 : i32
      %gather3A_3254 = tpu.memref_slice %arg9[%gather3A_3250, %gather3A_3251, %gather3A_3252, %gather3A_3253] : memref<8x4x8x128xf32, #tpu.memory_space<vmem>> -> memref<1x4x8x128xf32, #tpu.memory_space<vmem>>
      %gather3A_3255 = tpu.memref_squeeze %gather3A_3254 : memref<1x4x8x128xf32, #tpu.memory_space<vmem>> -> memref<4x8x128xf32, #tpu.memory_space<vmem>>
      %gather3A_3256 = tpu.vector_load_idx %gather3A_3255[%select_n3A, %select_n3A_64, %add3A_3245] : memref<4x8x128xf32, #tpu.memory_space<vmem>>[vector<16xi32>, vector<16xi32>, vector<16xi32>], vector<16xf32>,
      %gather3A_3257 = arith.constant 6 : i32
      %gather3A_3258 = arith.constant 0 : i32
      %gather3A_3259 = arith.constant 0 : i32
      %gather3A_3260 = arith.constant 0 : i32
      %gather3A_3261 = tpu.memref_slice %arg9[%gather3A_3257, %gather3A_3258, %gather3A_3259, %gather3A_3260] : memref<8x4x8x128xf32, #tpu.memory_space<vmem>> -> memref<1x4x8x128xf32, #tpu.memory_space<vmem>>
      %gather3A_3262 = tpu.memref_squeeze %gather3A_3261 : memref<1x4x8x128xf32, #tpu.memory_space<vmem>> -> memref<4x8x128xf32, #tpu.memory_space<vmem>>
      %gather3A_3263 = tpu.vector_load_idx %gather3A_3262[%add3A_44, %select_n3A_64, %add3A_3245] : memref<4x8x128xf32, #tpu.memory_space<vmem>>[vector<16xi32>, vector<16xi32>, vector<16xi32>], vector<16xf32>,
      %gather3A_3264 = arith.constant 6 : i32
      %gather3A_3265 = arith.constant 0 : i32
      %gather3A_3266 = arith.constant 0 : i32
      %gather3A_3267 = arith.constant 0 : i32
      %gather3A_3268 = tpu.memref_slice %arg10[%gather3A_3264, %gather3A_3265, %gather3A_3266, %gather3A_3267] : memref<8x4x8x128xf32, #tpu.memory_space<vmem>> -> memref<1x4x8x128xf32, #tpu.memory_space<vmem>>
      %gather3A_3269 = tpu.memref_squeeze %gather3A_3268 : memref<1x4x8x128xf32, #tpu.memory_space<vmem>> -> memref<4x8x128xf32, #tpu.memory_space<vmem>>
      %gather3A_3270 = tpu.vector_load_idx %gather3A_3269[%select_n3A, %select_n3A_64, %add3A_3249] : memref<4x8x128xf32, #tpu.memory_space<vmem>>[vector<16xi32>, vector<16xi32>, vector<16xi32>], vector<16xf32>,
      %gather3A_3271 = arith.constant 6 : i32
      %gather3A_3272 = arith.constant 0 : i32
      %gather3A_3273 = arith.constant 0 : i32
      %gather3A_3274 = arith.constant 0 : i32
      %gather3A_3275 = tpu.memref_slice %arg10[%gather3A_3271, %gather3A_3272, %gather3A_3273, %gather3A_3274] : memref<8x4x8x128xf32, #tpu.memory_space<vmem>> -> memref<1x4x8x128xf32, #tpu.memory_space<vmem>>
      %gather3A_3276 = tpu.memref_squeeze %gather3A_3275 : memref<1x4x8x128xf32, #tpu.memory_space<vmem>> -> memref<4x8x128xf32, #tpu.memory_space<vmem>>
      %gather3A_3277 = tpu.vector_load_idx %gather3A_3276[%add3A_44, %select_n3A_64, %add3A_3249] : memref<4x8x128xf32, #tpu.memory_space<vmem>>[vector<16xi32>, vector<16xi32>, vector<16xi32>], vector<16xf32>,
      %mul3A_3278 = arith.constant 16 : i32
      %mul3A_3279 = arith.muli %scan3A_894, %mul3A_3278 : i32
      %add3A_3280 = arith.constant 14 : i32
      %add3A_3281 = arith.addi %mul3A_3279, %add3A_3280 : i32
      %mul3A_3282 = arith.constant 16 : i32
      %mul3A_3283 = arith.muli %add3A_3281, %mul3A_3282 : i32
      %mul3A_3284 = arith.mulf %gather3A_3256, %gather3A_3270 : vector<16xf32>
      %mul3A_3285 = arith.mulf %gather3A_3263, %gather3A_3277 : vector<16xf32>
      %add3A_3286 = arith.addf %mul3A_3284, %mul3A_3285 : vector<16xf32>
      %swap3A_3287 = arith.index_cast %mul3A_3283 : i32 to index
      %swap3A_3288 = tpu.vector_load %arg11[%swap3A_3287] {strides = array<i32>} : memref<8192xf32, #tpu.memory_space<vmem>>, vector<16xf32>,
      tpu.vector_store %arg11[%swap3A_3287], %add3A_3286 {strides = array<i32>} : memref<8192xf32, #tpu.memory_space<vmem>>, vector<16xf32>,
      %get3A_3289 = arith.index_cast %mul3A_3283 : i32 to index
      %get3A_3290 = tpu.vector_load %arg11[%get3A_3289] {strides = array<i32>} : memref<8192xf32, #tpu.memory_space<vmem>>, vector<16xf32>,
      %slice3A_3291 = vector.extract_strided_slice %get3A_3290 {offsets = [0], sizes = [1], strides = [1]} : vector<16xf32> to vector<1xf32>
      %squeeze3A_3292 = vector.extract %slice3A_3291[0] : f32 from vector<1xf32>
      %eq3A_3293 = arith.cmpf oeq, %squeeze3A_3292, %squeeze3A_3292 : f32
      %select_n3A_3294 = arith.constant 1 : i32
      %select_n3A_3295 = arith.constant 0 : i32
      %select_n3A_3296 = arith.select %eq3A_3293, %select_n3A_3295, %select_n3A_3294 : i32
      %slice3A_3297 = vector.extract_strided_slice %get3A_908 {offsets = [6], sizes = [1], strides = [1]} : vector<16xi32> to vector<1xi32>
      %squeeze3A_3298 = vector.extract %slice3A_3297[0] : i32 from vector<1xi32>
      %slice3A_3299 = vector.extract_strided_slice %get3A_910 {offsets = [6], sizes = [1], strides = [1]} : vector<16xi32> to vector<1xi32>
      %squeeze3A_3300 = vector.extract %slice3A_3299[0] : i32 from vector<1xi32>
      %shift_right_arithmetic3A_3301 = arith.constant 7 : i32
      %shift_right_arithmetic3A_3302 = arith.shrsi %squeeze3A_3298, %shift_right_arithmetic3A_3301 : i32
      %mul3A_3303 = arith.constant 128 : i32
      %mul3A_3304 = arith.muli %shift_right_arithmetic3A_3302, %mul3A_3303 : i32
      %add3A_3305 = arith.addi %mul3A_3304, %select_n3A_3296 : i32
      %multiple_of3A_3306 = tpu.assume_multiple %add3A_3305, 128 : i32
      %shift_right_arithmetic3A_3307 = arith.constant 7 : i32
      %shift_right_arithmetic3A_3308 = arith.shrsi %squeeze3A_3300, %shift_right_arithmetic3A_3307 : i32
      %mul3A_3309 = arith.constant 128 : i32
      %mul3A_3310 = arith.muli %shift_right_arithmetic3A_3308, %mul3A_3309 : i32
      %add3A_3311 = arith.addi %mul3A_3310, %select_n3A_3296 : i32
      %multiple_of3A_3312 = tpu.assume_multiple %add3A_3311, 128 : i32
      %dma_start3A_3313 = arith.constant 6 : i32
      %dma_start3A_3314 = arith.constant 6 : i32
      %dma_start3A_3315 = arith.constant 0 : i32
      %dma_start3A_3316 = arith.constant 0 : i32
      %dma_start3A_3317 = arith.constant 0 : i32
      %dma_start3A_3318 = tpu.memref_slice %arg9[%dma_start3A_3313, %dma_start3A_3315, %dma_start3A_3316, %dma_start3A_3317] : memref<8x4x8x128xf32, #tpu.memory_space<vmem>> -> memref<1x4x8x128xf32, #tpu.memory_space<vmem>>
      %dma_start3A_3319 = tpu.memref_squeeze %dma_start3A_3318 : memref<1x4x8x128xf32, #tpu.memory_space<vmem>> -> memref<4x8x128xf32, #tpu.memory_space<vmem>>
      %dma_start3A_3320 = arith.constant 0 : i32
      %dma_start3A_3321 = arith.constant 0 : i32
      %dma_start3A_3322 = tpu.memref_slice %arg4[%dma_start3A_3320, %dma_start3A_3321, %multiple_of3A_3306] : memref<4x8x1000000xf32, #tpu.memory_space<hbm>> -> memref<4x8x128xf32, #tpu.memory_space<hbm>>
      %dma_start3A_3323 = tpu.memref_slice %arg13[%dma_start3A_3314] : memref<8x!tpu.dma_semaphore, #tpu.memory_space<semaphore_mem>> -> memref<1x!tpu.dma_semaphore, #tpu.memory_space<semaphore_mem>>
      %dma_start3A_3324 = tpu.memref_squeeze %dma_start3A_3323 : memref<1x!tpu.dma_semaphore, #tpu.memory_space<semaphore_mem>> -> memref<!tpu.dma_semaphore, #tpu.memory_space<semaphore_mem>>
      %dma_start3A_3325 = arith.constant 0 : i32
      %dma_start3A_3326 = arith.constant 0 : i32
      %dma_start3A_3327 = arith.constant 0 : i32
      %dma_start3A_3328 = tpu.memref_slice %arg9[%dma_start3A_3313, %dma_start3A_3325, %dma_start3A_3326, %dma_start3A_3327] : memref<8x4x8x128xf32, #tpu.memory_space<vmem>> -> memref<1x4x8x128xf32, #tpu.memory_space<vmem>>
      %dma_start3A_3329 = tpu.memref_squeeze %dma_start3A_3328 : memref<1x4x8x128xf32, #tpu.memory_space<vmem>> -> memref<4x8x128xf32, #tpu.memory_space<vmem>>
      %dma_start3A_3330 = arith.constant 0 : i32
      %dma_start3A_3331 = arith.constant 0 : i32
      %dma_start3A_3332 = tpu.memref_slice %arg4[%dma_start3A_3330, %dma_start3A_3331, %multiple_of3A_3306] : memref<4x8x1000000xf32, #tpu.memory_space<hbm>> -> memref<4x8x128xf32, #tpu.memory_space<hbm>>
      tpu.enqueue_dma source(%dma_start3A_3332 : memref<4x8x128xf32, #tpu.memory_space<hbm>>) target(%dma_start3A_3329 : memref<4x8x128xf32, #tpu.memory_space<vmem>>) target_semaphore(%dma_start3A_3324 : memref<!tpu.dma_semaphore, #tpu.memory_space<semaphore_mem>>)
      %dma_start3A_3333 = arith.constant 6 : i32
      %dma_start3A_3334 = arith.constant 6 : i32
      %dma_start3A_3335 = arith.constant 0 : i32
      %dma_start3A_3336 = arith.constant 0 : i32
      %dma_start3A_3337 = arith.constant 0 : i32
      %dma_start3A_3338 = tpu.memref_slice %arg10[%dma_start3A_3333, %dma_start3A_3335, %dma_start3A_3336, %dma_start3A_3337] : memref<8x4x8x128xf32, #tpu.memory_space<vmem>> -> memref<1x4x8x128xf32, #tpu.memory_space<vmem>>
      %dma_start3A_3339 = tpu.memref_squeeze %dma_start3A_3338 : memref<1x4x8x128xf32, #tpu.memory_space<vmem>> -> memref<4x8x128xf32, #tpu.memory_space<vmem>>
      %dma_start3A_3340 = arith.constant 0 : i32
      %dma_start3A_3341 = arith.constant 0 : i32
      %dma_start3A_3342 = tpu.memref_slice %arg5[%dma_start3A_3340, %dma_start3A_3341, %multiple_of3A_3312] : memref<4x8x1000000xf32, #tpu.memory_space<hbm>> -> memref<4x8x128xf32, #tpu.memory_space<hbm>>
      %dma_start3A_3343 = tpu.memref_slice %arg14[%dma_start3A_3334] : memref<8x!tpu.dma_semaphore, #tpu.memory_space<semaphore_mem>> -> memref<1x!tpu.dma_semaphore, #tpu.memory_space<semaphore_mem>>
      %dma_start3A_3344 = tpu.memref_squeeze %dma_start3A_3343 : memref<1x!tpu.dma_semaphore, #tpu.memory_space<semaphore_mem>> -> memref<!tpu.dma_semaphore, #tpu.memory_space<semaphore_mem>>
      %dma_start3A_3345 = arith.constant 0 : i32
      %dma_start3A_3346 = arith.constant 0 : i32
      %dma_start3A_3347 = arith.constant 0 : i32
      %dma_start3A_3348 = tpu.memref_slice %arg10[%dma_start3A_3333, %dma_start3A_3345, %dma_start3A_3346, %dma_start3A_3347] : memref<8x4x8x128xf32, #tpu.memory_space<vmem>> -> memref<1x4x8x128xf32, #tpu.memory_space<vmem>>
      %dma_start3A_3349 = tpu.memref_squeeze %dma_start3A_3348 : memref<1x4x8x128xf32, #tpu.memory_space<vmem>> -> memref<4x8x128xf32, #tpu.memory_space<vmem>>
      %dma_start3A_3350 = arith.constant 0 : i32
      %dma_start3A_3351 = arith.constant 0 : i32
      %dma_start3A_3352 = tpu.memref_slice %arg5[%dma_start3A_3350, %dma_start3A_3351, %multiple_of3A_3312] : memref<4x8x1000000xf32, #tpu.memory_space<hbm>> -> memref<4x8x128xf32, #tpu.memory_space<hbm>>
      tpu.enqueue_dma source(%dma_start3A_3352 : memref<4x8x128xf32, #tpu.memory_space<hbm>>) target(%dma_start3A_3349 : memref<4x8x128xf32, #tpu.memory_space<vmem>>) target_semaphore(%dma_start3A_3344 : memref<!tpu.dma_semaphore, #tpu.memory_space<semaphore_mem>>)
      %dma_wait3A_3353 = arith.constant 7 : i32
      %dma_wait3A_3354 = arith.constant 7 : i32
      %dma_wait3A_3355 = arith.constant 0 : i32
      %dma_wait3A_3356 = arith.constant 0 : i32
      %dma_wait3A_3357 = arith.constant 0 : i32
      %dma_wait3A_3358 = tpu.memref_slice %arg9[%dma_wait3A_3353, %dma_wait3A_3355, %dma_wait3A_3356, %dma_wait3A_3357] : memref<8x4x8x128xf32, #tpu.memory_space<vmem>> -> memref<1x4x8x128xf32, #tpu.memory_space<vmem>>
      %dma_wait3A_3359 = tpu.memref_squeeze %dma_wait3A_3358 : memref<1x4x8x128xf32, #tpu.memory_space<vmem>> -> memref<4x8x128xf32, #tpu.memory_space<vmem>>
      %dma_wait3A_3360 = arith.constant 0 : i32
      %dma_wait3A_3361 = arith.constant 0 : i32
      %dma_wait3A_3362 = arith.constant 0 : i32
      %dma_wait3A_3363 = tpu.memref_slice %arg4[%dma_wait3A_3360, %dma_wait3A_3361, %dma_wait3A_3362] : memref<4x8x1000000xf32, #tpu.memory_space<hbm>> -> memref<4x8x128xf32, #tpu.memory_space<hbm>>
      %dma_wait3A_3364 = tpu.memref_slice %arg13[%dma_wait3A_3354] : memref<8x!tpu.dma_semaphore, #tpu.memory_space<semaphore_mem>> -> memref<1x!tpu.dma_semaphore, #tpu.memory_space<semaphore_mem>>
      %dma_wait3A_3365 = tpu.memref_squeeze %dma_wait3A_3364 : memref<1x!tpu.dma_semaphore, #tpu.memory_space<semaphore_mem>> -> memref<!tpu.dma_semaphore, #tpu.memory_space<semaphore_mem>>
      %dma_wait3A_3366 = arith.constant 0 : i32
      %dma_wait3A_3367 = arith.constant 0 : i32
      %dma_wait3A_3368 = arith.constant 0 : i32
      %dma_wait3A_3369 = tpu.memref_slice %arg9[%dma_wait3A_3353, %dma_wait3A_3366, %dma_wait3A_3367, %dma_wait3A_3368] : memref<8x4x8x128xf32, #tpu.memory_space<vmem>> -> memref<1x4x8x128xf32, #tpu.memory_space<vmem>>
      %dma_wait3A_3370 = tpu.memref_squeeze %dma_wait3A_3369 : memref<1x4x8x128xf32, #tpu.memory_space<vmem>> -> memref<4x8x128xf32, #tpu.memory_space<vmem>>
      %dma_wait3A_3371 = arith.constant 0 : i32
      %dma_wait3A_3372 = arith.constant 0 : i32
      %dma_wait3A_3373 = arith.constant 0 : i32
      %dma_wait3A_3374 = tpu.memref_slice %arg4[%dma_wait3A_3371, %dma_wait3A_3372, %dma_wait3A_3373] : memref<4x8x1000000xf32, #tpu.memory_space<hbm>> -> memref<4x8x128xf32, #tpu.memory_space<hbm>>
      tpu.wait_dma2 semaphore(%dma_wait3A_3365 : memref<!tpu.dma_semaphore, #tpu.memory_space<semaphore_mem>>) src(%dma_wait3A_3374 : memref<4x8x128xf32, #tpu.memory_space<hbm>>) dst(%dma_wait3A_3370 : memref<4x8x128xf32, #tpu.memory_space<vmem>>)
      %dma_wait3A_3375 = arith.constant 7 : i32
      %dma_wait3A_3376 = arith.constant 7 : i32
      %dma_wait3A_3377 = arith.constant 0 : i32
      %dma_wait3A_3378 = arith.constant 0 : i32
      %dma_wait3A_3379 = arith.constant 0 : i32
      %dma_wait3A_3380 = tpu.memref_slice %arg10[%dma_wait3A_3375, %dma_wait3A_3377, %dma_wait3A_3378, %dma_wait3A_3379] : memref<8x4x8x128xf32, #tpu.memory_space<vmem>> -> memref<1x4x8x128xf32, #tpu.memory_space<vmem>>
      %dma_wait3A_3381 = tpu.memref_squeeze %dma_wait3A_3380 : memref<1x4x8x128xf32, #tpu.memory_space<vmem>> -> memref<4x8x128xf32, #tpu.memory_space<vmem>>
      %dma_wait3A_3382 = arith.constant 0 : i32
      %dma_wait3A_3383 = arith.constant 0 : i32
      %dma_wait3A_3384 = arith.constant 0 : i32
      %dma_wait3A_3385 = tpu.memref_slice %arg5[%dma_wait3A_3382, %dma_wait3A_3383, %dma_wait3A_3384] : memref<4x8x1000000xf32, #tpu.memory_space<hbm>> -> memref<4x8x128xf32, #tpu.memory_space<hbm>>
      %dma_wait3A_3386 = tpu.memref_slice %arg14[%dma_wait3A_3376] : memref<8x!tpu.dma_semaphore, #tpu.memory_space<semaphore_mem>> -> memref<1x!tpu.dma_semaphore, #tpu.memory_space<semaphore_mem>>
      %dma_wait3A_3387 = tpu.memref_squeeze %dma_wait3A_3386 : memref<1x!tpu.dma_semaphore, #tpu.memory_space<semaphore_mem>> -> memref<!tpu.dma_semaphore, #tpu.memory_space<semaphore_mem>>
      %dma_wait3A_3388 = arith.constant 0 : i32
      %dma_wait3A_3389 = arith.constant 0 : i32
      %dma_wait3A_3390 = arith.constant 0 : i32
      %dma_wait3A_3391 = tpu.memref_slice %arg10[%dma_wait3A_3375, %dma_wait3A_3388, %dma_wait3A_3389, %dma_wait3A_3390] : memref<8x4x8x128xf32, #tpu.memory_space<vmem>> -> memref<1x4x8x128xf32, #tpu.memory_space<vmem>>
      %dma_wait3A_3392 = tpu.memref_squeeze %dma_wait3A_3391 : memref<1x4x8x128xf32, #tpu.memory_space<vmem>> -> memref<4x8x128xf32, #tpu.memory_space<vmem>>
      %dma_wait3A_3393 = arith.constant 0 : i32
      %dma_wait3A_3394 = arith.constant 0 : i32
      %dma_wait3A_3395 = arith.constant 0 : i32
      %dma_wait3A_3396 = tpu.memref_slice %arg5[%dma_wait3A_3393, %dma_wait3A_3394, %dma_wait3A_3395] : memref<4x8x1000000xf32, #tpu.memory_space<hbm>> -> memref<4x8x128xf32, #tpu.memory_space<hbm>>
      tpu.wait_dma2 semaphore(%dma_wait3A_3387 : memref<!tpu.dma_semaphore, #tpu.memory_space<semaphore_mem>>) src(%dma_wait3A_3396 : memref<4x8x128xf32, #tpu.memory_space<hbm>>) dst(%dma_wait3A_3392 : memref<4x8x128xf32, #tpu.memory_space<vmem>>)
      %slice3A_3397 = vector.extract_strided_slice %get3A_899 {offsets = [15], sizes = [1], strides = [1]} : vector<16xi32> to vector<1xi32>
      %squeeze3A_3398 = vector.extract %slice3A_3397[0] : i32 from vector<1xi32>
      %and3A_3399 = arith.constant 127 : i32
      %and3A_3400 = arith.andi %squeeze3A_3398, %and3A_3399 : i32
      %slice3A_3401 = vector.extract_strided_slice %get3A_901 {offsets = [15], sizes = [1], strides = [1]} : vector<16xi32> to vector<1xi32>
      %squeeze3A_3402 = vector.extract %slice3A_3401[0] : i32 from vector<1xi32>
      %and3A_3403 = arith.constant 127 : i32
      %and3A_3404 = arith.andi %squeeze3A_3402, %and3A_3403 : i32
      %broadcast_in_dim3A_3405 = arith.constant 0 : i32
      %broadcast_in_dim3A_3406 = vector.broadcast %broadcast_in_dim3A_3405 : i32 to vector<16xi32>
      %add3A_3407 = vector.broadcast %and3A_3400 : i32 to vector<16xi32>
      %add3A_3408 = arith.addi %broadcast_in_dim3A_3406, %add3A_3407 : vector<16xi32>
      %broadcast_in_dim3A_3409 = arith.constant 0 : i32
      %broadcast_in_dim3A_3410 = vector.broadcast %broadcast_in_dim3A_3409 : i32 to vector<16xi32>
      %add3A_3411 = vector.broadcast %and3A_3404 : i32 to vector<16xi32>
      %add3A_3412 = arith.addi %broadcast_in_dim3A_3410, %add3A_3411 : vector<16xi32>
      %gather3A_3413 = arith.constant 7 : i32
      %gather3A_3414 = arith.constant 0 : i32
      %gather3A_3415 = arith.constant 0 : i32
      %gather3A_3416 = arith.constant 0 : i32
      %gather3A_3417 = tpu.memref_slice %arg9[%gather3A_3413, %gather3A_3414, %gather3A_3415, %gather3A_3416] : memref<8x4x8x128xf32, #tpu.memory_space<vmem>> -> memref<1x4x8x128xf32, #tpu.memory_space<vmem>>
      %gather3A_3418 = tpu.memref_squeeze %gather3A_3417 : memref<1x4x8x128xf32, #tpu.memory_space<vmem>> -> memref<4x8x128xf32, #tpu.memory_space<vmem>>
      %gather3A_3419 = tpu.vector_load_idx %gather3A_3418[%select_n3A, %select_n3A_64, %add3A_3408] : memref<4x8x128xf32, #tpu.memory_space<vmem>>[vector<16xi32>, vector<16xi32>, vector<16xi32>], vector<16xf32>,
      %gather3A_3420 = arith.constant 7 : i32
      %gather3A_3421 = arith.constant 0 : i32
      %gather3A_3422 = arith.constant 0 : i32
      %gather3A_3423 = arith.constant 0 : i32
      %gather3A_3424 = tpu.memref_slice %arg9[%gather3A_3420, %gather3A_3421, %gather3A_3422, %gather3A_3423] : memref<8x4x8x128xf32, #tpu.memory_space<vmem>> -> memref<1x4x8x128xf32, #tpu.memory_space<vmem>>
      %gather3A_3425 = tpu.memref_squeeze %gather3A_3424 : memref<1x4x8x128xf32, #tpu.memory_space<vmem>> -> memref<4x8x128xf32, #tpu.memory_space<vmem>>
      %gather3A_3426 = tpu.vector_load_idx %gather3A_3425[%add3A_44, %select_n3A_64, %add3A_3408] : memref<4x8x128xf32, #tpu.memory_space<vmem>>[vector<16xi32>, vector<16xi32>, vector<16xi32>], vector<16xf32>,
      %gather3A_3427 = arith.constant 7 : i32
      %gather3A_3428 = arith.constant 0 : i32
      %gather3A_3429 = arith.constant 0 : i32
      %gather3A_3430 = arith.constant 0 : i32
      %gather3A_3431 = tpu.memref_slice %arg10[%gather3A_3427, %gather3A_3428, %gather3A_3429, %gather3A_3430] : memref<8x4x8x128xf32, #tpu.memory_space<vmem>> -> memref<1x4x8x128xf32, #tpu.memory_space<vmem>>
      %gather3A_3432 = tpu.memref_squeeze %gather3A_3431 : memref<1x4x8x128xf32, #tpu.memory_space<vmem>> -> memref<4x8x128xf32, #tpu.memory_space<vmem>>
      %gather3A_3433 = tpu.vector_load_idx %gather3A_3432[%select_n3A, %select_n3A_64, %add3A_3412] : memref<4x8x128xf32, #tpu.memory_space<vmem>>[vector<16xi32>, vector<16xi32>, vector<16xi32>], vector<16xf32>,
      %gather3A_3434 = arith.constant 7 : i32
      %gather3A_3435 = arith.constant 0 : i32
      %gather3A_3436 = arith.constant 0 : i32
      %gather3A_3437 = arith.constant 0 : i32
      %gather3A_3438 = tpu.memref_slice %arg10[%gather3A_3434, %gather3A_3435, %gather3A_3436, %gather3A_3437] : memref<8x4x8x128xf32, #tpu.memory_space<vmem>> -> memref<1x4x8x128xf32, #tpu.memory_space<vmem>>
      %gather3A_3439 = tpu.memref_squeeze %gather3A_3438 : memref<1x4x8x128xf32, #tpu.memory_space<vmem>> -> memref<4x8x128xf32, #tpu.memory_space<vmem>>
      %gather3A_3440 = tpu.vector_load_idx %gather3A_3439[%add3A_44, %select_n3A_64, %add3A_3412] : memref<4x8x128xf32, #tpu.memory_space<vmem>>[vector<16xi32>, vector<16xi32>, vector<16xi32>], vector<16xf32>,
      %mul3A_3441 = arith.constant 16 : i32
      %mul3A_3442 = arith.muli %scan3A_894, %mul3A_3441 : i32
      %add3A_3443 = arith.constant 15 : i32
      %add3A_3444 = arith.addi %mul3A_3442, %add3A_3443 : i32
      %mul3A_3445 = arith.constant 16 : i32
      %mul3A_3446 = arith.muli %add3A_3444, %mul3A_3445 : i32
      %mul3A_3447 = arith.mulf %gather3A_3419, %gather3A_3433 : vector<16xf32>
      %mul3A_3448 = arith.mulf %gather3A_3426, %gather3A_3440 : vector<16xf32>
      %add3A_3449 = arith.addf %mul3A_3447, %mul3A_3448 : vector<16xf32>
      %swap3A_3450 = arith.index_cast %mul3A_3446 : i32 to index
      %swap3A_3451 = tpu.vector_load %arg11[%swap3A_3450] {strides = array<i32>} : memref<8192xf32, #tpu.memory_space<vmem>>, vector<16xf32>,
      tpu.vector_store %arg11[%swap3A_3450], %add3A_3449 {strides = array<i32>} : memref<8192xf32, #tpu.memory_space<vmem>>, vector<16xf32>,
      %get3A_3452 = arith.index_cast %mul3A_3446 : i32 to index
      %get3A_3453 = tpu.vector_load %arg11[%get3A_3452] {strides = array<i32>} : memref<8192xf32, #tpu.memory_space<vmem>>, vector<16xf32>,
      %slice3A_3454 = vector.extract_strided_slice %get3A_3453 {offsets = [0], sizes = [1], strides = [1]} : vector<16xf32> to vector<1xf32>
      %squeeze3A_3455 = vector.extract %slice3A_3454[0] : f32 from vector<1xf32>
      %eq3A_3456 = arith.cmpf oeq, %squeeze3A_3455, %squeeze3A_3455 : f32
      %select_n3A_3457 = arith.constant 1 : i32
      %select_n3A_3458 = arith.constant 0 : i32
      %select_n3A_3459 = arith.select %eq3A_3456, %select_n3A_3458, %select_n3A_3457 : i32
      %slice3A_3460 = vector.extract_strided_slice %get3A_908 {offsets = [7], sizes = [1], strides = [1]} : vector<16xi32> to vector<1xi32>
      %squeeze3A_3461 = vector.extract %slice3A_3460[0] : i32 from vector<1xi32>
      %slice3A_3462 = vector.extract_strided_slice %get3A_910 {offsets = [7], sizes = [1], strides = [1]} : vector<16xi32> to vector<1xi32>
      %squeeze3A_3463 = vector.extract %slice3A_3462[0] : i32 from vector<1xi32>
      %shift_right_arithmetic3A_3464 = arith.constant 7 : i32
      %shift_right_arithmetic3A_3465 = arith.shrsi %squeeze3A_3461, %shift_right_arithmetic3A_3464 : i32
      %mul3A_3466 = arith.constant 128 : i32
      %mul3A_3467 = arith.muli %shift_right_arithmetic3A_3465, %mul3A_3466 : i32
      %add3A_3468 = arith.addi %mul3A_3467, %select_n3A_3459 : i32
      %multiple_of3A_3469 = tpu.assume_multiple %add3A_3468, 128 : i32
      %shift_right_arithmetic3A_3470 = arith.constant 7 : i32
      %shift_right_arithmetic3A_3471 = arith.shrsi %squeeze3A_3463, %shift_right_arithmetic3A_3470 : i32
      %mul3A_3472 = arith.constant 128 : i32
      %mul3A_3473 = arith.muli %shift_right_arithmetic3A_3471, %mul3A_3472 : i32
      %add3A_3474 = arith.addi %mul3A_3473, %select_n3A_3459 : i32
      %multiple_of3A_3475 = tpu.assume_multiple %add3A_3474, 128 : i32
      %dma_start3A_3476 = arith.constant 7 : i32
      %dma_start3A_3477 = arith.constant 7 : i32
      %dma_start3A_3478 = arith.constant 0 : i32
      %dma_start3A_3479 = arith.constant 0 : i32
      %dma_start3A_3480 = arith.constant 0 : i32
      %dma_start3A_3481 = tpu.memref_slice %arg9[%dma_start3A_3476, %dma_start3A_3478, %dma_start3A_3479, %dma_start3A_3480] : memref<8x4x8x128xf32, #tpu.memory_space<vmem>> -> memref<1x4x8x128xf32, #tpu.memory_space<vmem>>
      %dma_start3A_3482 = tpu.memref_squeeze %dma_start3A_3481 : memref<1x4x8x128xf32, #tpu.memory_space<vmem>> -> memref<4x8x128xf32, #tpu.memory_space<vmem>>
      %dma_start3A_3483 = arith.constant 0 : i32
      %dma_start3A_3484 = arith.constant 0 : i32
      %dma_start3A_3485 = tpu.memref_slice %arg4[%dma_start3A_3483, %dma_start3A_3484, %multiple_of3A_3469] : memref<4x8x1000000xf32, #tpu.memory_space<hbm>> -> memref<4x8x128xf32, #tpu.memory_space<hbm>>
      %dma_start3A_3486 = tpu.memref_slice %arg13[%dma_start3A_3477] : memref<8x!tpu.dma_semaphore, #tpu.memory_space<semaphore_mem>> -> memref<1x!tpu.dma_semaphore, #tpu.memory_space<semaphore_mem>>
      %dma_start3A_3487 = tpu.memref_squeeze %dma_start3A_3486 : memref<1x!tpu.dma_semaphore, #tpu.memory_space<semaphore_mem>> -> memref<!tpu.dma_semaphore, #tpu.memory_space<semaphore_mem>>
      %dma_start3A_3488 = arith.constant 0 : i32
      %dma_start3A_3489 = arith.constant 0 : i32
      %dma_start3A_3490 = arith.constant 0 : i32
      %dma_start3A_3491 = tpu.memref_slice %arg9[%dma_start3A_3476, %dma_start3A_3488, %dma_start3A_3489, %dma_start3A_3490] : memref<8x4x8x128xf32, #tpu.memory_space<vmem>> -> memref<1x4x8x128xf32, #tpu.memory_space<vmem>>
      %dma_start3A_3492 = tpu.memref_squeeze %dma_start3A_3491 : memref<1x4x8x128xf32, #tpu.memory_space<vmem>> -> memref<4x8x128xf32, #tpu.memory_space<vmem>>
      %dma_start3A_3493 = arith.constant 0 : i32
      %dma_start3A_3494 = arith.constant 0 : i32
      %dma_start3A_3495 = tpu.memref_slice %arg4[%dma_start3A_3493, %dma_start3A_3494, %multiple_of3A_3469] : memref<4x8x1000000xf32, #tpu.memory_space<hbm>> -> memref<4x8x128xf32, #tpu.memory_space<hbm>>
      tpu.enqueue_dma source(%dma_start3A_3495 : memref<4x8x128xf32, #tpu.memory_space<hbm>>) target(%dma_start3A_3492 : memref<4x8x128xf32, #tpu.memory_space<vmem>>) target_semaphore(%dma_start3A_3487 : memref<!tpu.dma_semaphore, #tpu.memory_space<semaphore_mem>>)
      %dma_start3A_3496 = arith.constant 7 : i32
      %dma_start3A_3497 = arith.constant 7 : i32
      %dma_start3A_3498 = arith.constant 0 : i32
      %dma_start3A_3499 = arith.constant 0 : i32
      %dma_start3A_3500 = arith.constant 0 : i32
      %dma_start3A_3501 = tpu.memref_slice %arg10[%dma_start3A_3496, %dma_start3A_3498, %dma_start3A_3499, %dma_start3A_3500] : memref<8x4x8x128xf32, #tpu.memory_space<vmem>> -> memref<1x4x8x128xf32, #tpu.memory_space<vmem>>
      %dma_start3A_3502 = tpu.memref_squeeze %dma_start3A_3501 : memref<1x4x8x128xf32, #tpu.memory_space<vmem>> -> memref<4x8x128xf32, #tpu.memory_space<vmem>>
      %dma_start3A_3503 = arith.constant 0 : i32
      %dma_start3A_3504 = arith.constant 0 : i32
      %dma_start3A_3505 = tpu.memref_slice %arg5[%dma_start3A_3503, %dma_start3A_3504, %multiple_of3A_3475] : memref<4x8x1000000xf32, #tpu.memory_space<hbm>> -> memref<4x8x128xf32, #tpu.memory_space<hbm>>
      %dma_start3A_3506 = tpu.memref_slice %arg14[%dma_start3A_3497] : memref<8x!tpu.dma_semaphore, #tpu.memory_space<semaphore_mem>> -> memref<1x!tpu.dma_semaphore, #tpu.memory_space<semaphore_mem>>
      %dma_start3A_3507 = tpu.memref_squeeze %dma_start3A_3506 : memref<1x!tpu.dma_semaphore, #tpu.memory_space<semaphore_mem>> -> memref<!tpu.dma_semaphore, #tpu.memory_space<semaphore_mem>>
      %dma_start3A_3508 = arith.constant 0 : i32
      %dma_start3A_3509 = arith.constant 0 : i32
      %dma_start3A_3510 = arith.constant 0 : i32
      %dma_start3A_3511 = tpu.memref_slice %arg10[%dma_start3A_3496, %dma_start3A_3508, %dma_start3A_3509, %dma_start3A_3510] : memref<8x4x8x128xf32, #tpu.memory_space<vmem>> -> memref<1x4x8x128xf32, #tpu.memory_space<vmem>>
      %dma_start3A_3512 = tpu.memref_squeeze %dma_start3A_3511 : memref<1x4x8x128xf32, #tpu.memory_space<vmem>> -> memref<4x8x128xf32, #tpu.memory_space<vmem>>
      %dma_start3A_3513 = arith.constant 0 : i32
      %dma_start3A_3514 = arith.constant 0 : i32
      %dma_start3A_3515 = tpu.memref_slice %arg5[%dma_start3A_3513, %dma_start3A_3514, %multiple_of3A_3475] : memref<4x8x1000000xf32, #tpu.memory_space<hbm>> -> memref<4x8x128xf32, #tpu.memory_space<hbm>>
      tpu.enqueue_dma source(%dma_start3A_3515 : memref<4x8x128xf32, #tpu.memory_space<hbm>>) target(%dma_start3A_3512 : memref<4x8x128xf32, #tpu.memory_space<vmem>>) target_semaphore(%dma_start3A_3507 : memref<!tpu.dma_semaphore, #tpu.memory_space<semaphore_mem>>)
      %scan3A_3516 = arith.constant 0 : i32
      scf.yield %scan3A_3516 : i32
    }
    %scan3A_532 = arith.constant 32 : i32
    %dma_wait3A = arith.constant 0 : i32
    %dma_wait3A_533 = arith.constant 0 : i32
    %dma_wait3A_534 = arith.constant 0 : i32
    %dma_wait3A_535 = arith.constant 0 : i32
    %dma_wait3A_536 = arith.constant 0 : i32
    %dma_wait3A_537 = tpu.memref_slice %arg9[%dma_wait3A, %dma_wait3A_534, %dma_wait3A_535, %dma_wait3A_536] : memref<8x4x8x128xf32, #tpu.memory_space<vmem>> -> memref<1x4x8x128xf32, #tpu.memory_space<vmem>>
    %dma_wait3A_538 = tpu.memref_squeeze %dma_wait3A_537 : memref<1x4x8x128xf32, #tpu.memory_space<vmem>> -> memref<4x8x128xf32, #tpu.memory_space<vmem>>
    %dma_wait3A_539 = arith.constant 0 : i32
    %dma_wait3A_540 = arith.constant 0 : i32
    %dma_wait3A_541 = arith.constant 0 : i32
    %dma_wait3A_542 = tpu.memref_slice %arg4[%dma_wait3A_539, %dma_wait3A_540, %dma_wait3A_541] : memref<4x8x1000000xf32, #tpu.memory_space<hbm>> -> memref<4x8x128xf32, #tpu.memory_space<hbm>>
    %dma_wait3A_543 = tpu.memref_slice %arg13[%dma_wait3A_533] : memref<8x!tpu.dma_semaphore, #tpu.memory_space<semaphore_mem>> -> memref<1x!tpu.dma_semaphore, #tpu.memory_space<semaphore_mem>>
    %dma_wait3A_544 = tpu.memref_squeeze %dma_wait3A_543 : memref<1x!tpu.dma_semaphore, #tpu.memory_space<semaphore_mem>> -> memref<!tpu.dma_semaphore, #tpu.memory_space<semaphore_mem>>
    %dma_wait3A_545 = arith.constant 0 : i32
    %dma_wait3A_546 = arith.constant 0 : i32
    %dma_wait3A_547 = arith.constant 0 : i32
    %dma_wait3A_548 = tpu.memref_slice %arg9[%dma_wait3A, %dma_wait3A_545, %dma_wait3A_546, %dma_wait3A_547] : memref<8x4x8x128xf32, #tpu.memory_space<vmem>> -> memref<1x4x8x128xf32, #tpu.memory_space<vmem>>
    %dma_wait3A_549 = tpu.memref_squeeze %dma_wait3A_548 : memref<1x4x8x128xf32, #tpu.memory_space<vmem>> -> memref<4x8x128xf32, #tpu.memory_space<vmem>>
    %dma_wait3A_550 = arith.constant 0 : i32
    %dma_wait3A_551 = arith.constant 0 : i32
    %dma_wait3A_552 = arith.constant 0 : i32
    %dma_wait3A_553 = tpu.memref_slice %arg4[%dma_wait3A_550, %dma_wait3A_551, %dma_wait3A_552] : memref<4x8x1000000xf32, #tpu.memory_space<hbm>> -> memref<4x8x128xf32, #tpu.memory_space<hbm>>
    tpu.wait_dma2 semaphore(%dma_wait3A_544 : memref<!tpu.dma_semaphore, #tpu.memory_space<semaphore_mem>>) src(%dma_wait3A_553 : memref<4x8x128xf32, #tpu.memory_space<hbm>>) dst(%dma_wait3A_549 : memref<4x8x128xf32, #tpu.memory_space<vmem>>)
    %dma_wait3A_554 = arith.constant 0 : i32
    %dma_wait3A_555 = arith.constant 0 : i32
    %dma_wait3A_556 = arith.constant 0 : i32
    %dma_wait3A_557 = arith.constant 0 : i32
    %dma_wait3A_558 = arith.constant 0 : i32
    %dma_wait3A_559 = tpu.memref_slice %arg10[%dma_wait3A_554, %dma_wait3A_556, %dma_wait3A_557, %dma_wait3A_558] : memref<8x4x8x128xf32, #tpu.memory_space<vmem>> -> memref<1x4x8x128xf32, #tpu.memory_space<vmem>>
    %dma_wait3A_560 = tpu.memref_squeeze %dma_wait3A_559 : memref<1x4x8x128xf32, #tpu.memory_space<vmem>> -> memref<4x8x128xf32, #tpu.memory_space<vmem>>
    %dma_wait3A_561 = arith.constant 0 : i32
    %dma_wait3A_562 = arith.constant 0 : i32
    %dma_wait3A_563 = arith.constant 0 : i32
    %dma_wait3A_564 = tpu.memref_slice %arg5[%dma_wait3A_561, %dma_wait3A_562, %dma_wait3A_563] : memref<4x8x1000000xf32, #tpu.memory_space<hbm>> -> memref<4x8x128xf32, #tpu.memory_space<hbm>>
    %dma_wait3A_565 = tpu.memref_slice %arg14[%dma_wait3A_555] : memref<8x!tpu.dma_semaphore, #tpu.memory_space<semaphore_mem>> -> memref<1x!tpu.dma_semaphore, #tpu.memory_space<semaphore_mem>>
    %dma_wait3A_566 = tpu.memref_squeeze %dma_wait3A_565 : memref<1x!tpu.dma_semaphore, #tpu.memory_space<semaphore_mem>> -> memref<!tpu.dma_semaphore, #tpu.memory_space<semaphore_mem>>
    %dma_wait3A_567 = arith.constant 0 : i32
    %dma_wait3A_568 = arith.constant 0 : i32
    %dma_wait3A_569 = arith.constant 0 : i32
    %dma_wait3A_570 = tpu.memref_slice %arg10[%dma_wait3A_554, %dma_wait3A_567, %dma_wait3A_568, %dma_wait3A_569] : memref<8x4x8x128xf32, #tpu.memory_space<vmem>> -> memref<1x4x8x128xf32, #tpu.memory_space<vmem>>
    %dma_wait3A_571 = tpu.memref_squeeze %dma_wait3A_570 : memref<1x4x8x128xf32, #tpu.memory_space<vmem>> -> memref<4x8x128xf32, #tpu.memory_space<vmem>>
    %dma_wait3A_572 = arith.constant 0 : i32
    %dma_wait3A_573 = arith.constant 0 : i32
    %dma_wait3A_574 = arith.constant 0 : i32
    %dma_wait3A_575 = tpu.memref_slice %arg5[%dma_wait3A_572, %dma_wait3A_573, %dma_wait3A_574] : memref<4x8x1000000xf32, #tpu.memory_space<hbm>> -> memref<4x8x128xf32, #tpu.memory_space<hbm>>
    tpu.wait_dma2 semaphore(%dma_wait3A_566 : memref<!tpu.dma_semaphore, #tpu.memory_space<semaphore_mem>>) src(%dma_wait3A_575 : memref<4x8x128xf32, #tpu.memory_space<hbm>>) dst(%dma_wait3A_571 : memref<4x8x128xf32, #tpu.memory_space<vmem>>)
    %dma_wait3A_576 = arith.constant 1 : i32
    %dma_wait3A_577 = arith.constant 1 : i32
    %dma_wait3A_578 = arith.constant 0 : i32
    %dma_wait3A_579 = arith.constant 0 : i32
    %dma_wait3A_580 = arith.constant 0 : i32
    %dma_wait3A_581 = tpu.memref_slice %arg9[%dma_wait3A_576, %dma_wait3A_578, %dma_wait3A_579, %dma_wait3A_580] : memref<8x4x8x128xf32, #tpu.memory_space<vmem>> -> memref<1x4x8x128xf32, #tpu.memory_space<vmem>>
    %dma_wait3A_582 = tpu.memref_squeeze %dma_wait3A_581 : memref<1x4x8x128xf32, #tpu.memory_space<vmem>> -> memref<4x8x128xf32, #tpu.memory_space<vmem>>
    %dma_wait3A_583 = arith.constant 0 : i32
    %dma_wait3A_584 = arith.constant 0 : i32
    %dma_wait3A_585 = arith.constant 0 : i32
    %dma_wait3A_586 = tpu.memref_slice %arg4[%dma_wait3A_583, %dma_wait3A_584, %dma_wait3A_585] : memref<4x8x1000000xf32, #tpu.memory_space<hbm>> -> memref<4x8x128xf32, #tpu.memory_space<hbm>>
    %dma_wait3A_587 = tpu.memref_slice %arg13[%dma_wait3A_577] : memref<8x!tpu.dma_semaphore, #tpu.memory_space<semaphore_mem>> -> memref<1x!tpu.dma_semaphore, #tpu.memory_space<semaphore_mem>>
    %dma_wait3A_588 = tpu.memref_squeeze %dma_wait3A_587 : memref<1x!tpu.dma_semaphore, #tpu.memory_space<semaphore_mem>> -> memref<!tpu.dma_semaphore, #tpu.memory_space<semaphore_mem>>
    %dma_wait3A_589 = arith.constant 0 : i32
    %dma_wait3A_590 = arith.constant 0 : i32
    %dma_wait3A_591 = arith.constant 0 : i32
    %dma_wait3A_592 = tpu.memref_slice %arg9[%dma_wait3A_576, %dma_wait3A_589, %dma_wait3A_590, %dma_wait3A_591] : memref<8x4x8x128xf32, #tpu.memory_space<vmem>> -> memref<1x4x8x128xf32, #tpu.memory_space<vmem>>
    %dma_wait3A_593 = tpu.memref_squeeze %dma_wait3A_592 : memref<1x4x8x128xf32, #tpu.memory_space<vmem>> -> memref<4x8x128xf32, #tpu.memory_space<vmem>>
    %dma_wait3A_594 = arith.constant 0 : i32
    %dma_wait3A_595 = arith.constant 0 : i32
    %dma_wait3A_596 = arith.constant 0 : i32
    %dma_wait3A_597 = tpu.memref_slice %arg4[%dma_wait3A_594, %dma_wait3A_595, %dma_wait3A_596] : memref<4x8x1000000xf32, #tpu.memory_space<hbm>> -> memref<4x8x128xf32, #tpu.memory_space<hbm>>
    tpu.wait_dma2 semaphore(%dma_wait3A_588 : memref<!tpu.dma_semaphore, #tpu.memory_space<semaphore_mem>>) src(%dma_wait3A_597 : memref<4x8x128xf32, #tpu.memory_space<hbm>>) dst(%dma_wait3A_593 : memref<4x8x128xf32, #tpu.memory_space<vmem>>)
    %dma_wait3A_598 = arith.constant 1 : i32
    %dma_wait3A_599 = arith.constant 1 : i32
    %dma_wait3A_600 = arith.constant 0 : i32
    %dma_wait3A_601 = arith.constant 0 : i32
    %dma_wait3A_602 = arith.constant 0 : i32
    %dma_wait3A_603 = tpu.memref_slice %arg10[%dma_wait3A_598, %dma_wait3A_600, %dma_wait3A_601, %dma_wait3A_602] : memref<8x4x8x128xf32, #tpu.memory_space<vmem>> -> memref<1x4x8x128xf32, #tpu.memory_space<vmem>>
    %dma_wait3A_604 = tpu.memref_squeeze %dma_wait3A_603 : memref<1x4x8x128xf32, #tpu.memory_space<vmem>> -> memref<4x8x128xf32, #tpu.memory_space<vmem>>
    %dma_wait3A_605 = arith.constant 0 : i32
    %dma_wait3A_606 = arith.constant 0 : i32
    %dma_wait3A_607 = arith.constant 0 : i32
    %dma_wait3A_608 = tpu.memref_slice %arg5[%dma_wait3A_605, %dma_wait3A_606, %dma_wait3A_607] : memref<4x8x1000000xf32, #tpu.memory_space<hbm>> -> memref<4x8x128xf32, #tpu.memory_space<hbm>>
    %dma_wait3A_609 = tpu.memref_slice %arg14[%dma_wait3A_599] : memref<8x!tpu.dma_semaphore, #tpu.memory_space<semaphore_mem>> -> memref<1x!tpu.dma_semaphore, #tpu.memory_space<semaphore_mem>>
    %dma_wait3A_610 = tpu.memref_squeeze %dma_wait3A_609 : memref<1x!tpu.dma_semaphore, #tpu.memory_space<semaphore_mem>> -> memref<!tpu.dma_semaphore, #tpu.memory_space<semaphore_mem>>
    %dma_wait3A_611 = arith.constant 0 : i32
    %dma_wait3A_612 = arith.constant 0 : i32
    %dma_wait3A_613 = arith.constant 0 : i32
    %dma_wait3A_614 = tpu.memref_slice %arg10[%dma_wait3A_598, %dma_wait3A_611, %dma_wait3A_612, %dma_wait3A_613] : memref<8x4x8x128xf32, #tpu.memory_space<vmem>> -> memref<1x4x8x128xf32, #tpu.memory_space<vmem>>
    %dma_wait3A_615 = tpu.memref_squeeze %dma_wait3A_614 : memref<1x4x8x128xf32, #tpu.memory_space<vmem>> -> memref<4x8x128xf32, #tpu.memory_space<vmem>>
    %dma_wait3A_616 = arith.constant 0 : i32
    %dma_wait3A_617 = arith.constant 0 : i32
    %dma_wait3A_618 = arith.constant 0 : i32
    %dma_wait3A_619 = tpu.memref_slice %arg5[%dma_wait3A_616, %dma_wait3A_617, %dma_wait3A_618] : memref<4x8x1000000xf32, #tpu.memory_space<hbm>> -> memref<4x8x128xf32, #tpu.memory_space<hbm>>
    tpu.wait_dma2 semaphore(%dma_wait3A_610 : memref<!tpu.dma_semaphore, #tpu.memory_space<semaphore_mem>>) src(%dma_wait3A_619 : memref<4x8x128xf32, #tpu.memory_space<hbm>>) dst(%dma_wait3A_615 : memref<4x8x128xf32, #tpu.memory_space<vmem>>)
    %dma_wait3A_620 = arith.constant 2 : i32
    %dma_wait3A_621 = arith.constant 2 : i32
    %dma_wait3A_622 = arith.constant 0 : i32
    %dma_wait3A_623 = arith.constant 0 : i32
    %dma_wait3A_624 = arith.constant 0 : i32
    %dma_wait3A_625 = tpu.memref_slice %arg9[%dma_wait3A_620, %dma_wait3A_622, %dma_wait3A_623, %dma_wait3A_624] : memref<8x4x8x128xf32, #tpu.memory_space<vmem>> -> memref<1x4x8x128xf32, #tpu.memory_space<vmem>>
    %dma_wait3A_626 = tpu.memref_squeeze %dma_wait3A_625 : memref<1x4x8x128xf32, #tpu.memory_space<vmem>> -> memref<4x8x128xf32, #tpu.memory_space<vmem>>
    %dma_wait3A_627 = arith.constant 0 : i32
    %dma_wait3A_628 = arith.constant 0 : i32
    %dma_wait3A_629 = arith.constant 0 : i32
    %dma_wait3A_630 = tpu.memref_slice %arg4[%dma_wait3A_627, %dma_wait3A_628, %dma_wait3A_629] : memref<4x8x1000000xf32, #tpu.memory_space<hbm>> -> memref<4x8x128xf32, #tpu.memory_space<hbm>>
    %dma_wait3A_631 = tpu.memref_slice %arg13[%dma_wait3A_621] : memref<8x!tpu.dma_semaphore, #tpu.memory_space<semaphore_mem>> -> memref<1x!tpu.dma_semaphore, #tpu.memory_space<semaphore_mem>>
    %dma_wait3A_632 = tpu.memref_squeeze %dma_wait3A_631 : memref<1x!tpu.dma_semaphore, #tpu.memory_space<semaphore_mem>> -> memref<!tpu.dma_semaphore, #tpu.memory_space<semaphore_mem>>
    %dma_wait3A_633 = arith.constant 0 : i32
    %dma_wait3A_634 = arith.constant 0 : i32
    %dma_wait3A_635 = arith.constant 0 : i32
    %dma_wait3A_636 = tpu.memref_slice %arg9[%dma_wait3A_620, %dma_wait3A_633, %dma_wait3A_634, %dma_wait3A_635] : memref<8x4x8x128xf32, #tpu.memory_space<vmem>> -> memref<1x4x8x128xf32, #tpu.memory_space<vmem>>
    %dma_wait3A_637 = tpu.memref_squeeze %dma_wait3A_636 : memref<1x4x8x128xf32, #tpu.memory_space<vmem>> -> memref<4x8x128xf32, #tpu.memory_space<vmem>>
    %dma_wait3A_638 = arith.constant 0 : i32
    %dma_wait3A_639 = arith.constant 0 : i32
    %dma_wait3A_640 = arith.constant 0 : i32
    %dma_wait3A_641 = tpu.memref_slice %arg4[%dma_wait3A_638, %dma_wait3A_639, %dma_wait3A_640] : memref<4x8x1000000xf32, #tpu.memory_space<hbm>> -> memref<4x8x128xf32, #tpu.memory_space<hbm>>
    tpu.wait_dma2 semaphore(%dma_wait3A_632 : memref<!tpu.dma_semaphore, #tpu.memory_space<semaphore_mem>>) src(%dma_wait3A_641 : memref<4x8x128xf32, #tpu.memory_space<hbm>>) dst(%dma_wait3A_637 : memref<4x8x128xf32, #tpu.memory_space<vmem>>)
    %dma_wait3A_642 = arith.constant 2 : i32
    %dma_wait3A_643 = arith.constant 2 : i32
    %dma_wait3A_644 = arith.constant 0 : i32
    %dma_wait3A_645 = arith.constant 0 : i32
    %dma_wait3A_646 = arith.constant 0 : i32
    %dma_wait3A_647 = tpu.memref_slice %arg10[%dma_wait3A_642, %dma_wait3A_644, %dma_wait3A_645, %dma_wait3A_646] : memref<8x4x8x128xf32, #tpu.memory_space<vmem>> -> memref<1x4x8x128xf32, #tpu.memory_space<vmem>>
    %dma_wait3A_648 = tpu.memref_squeeze %dma_wait3A_647 : memref<1x4x8x128xf32, #tpu.memory_space<vmem>> -> memref<4x8x128xf32, #tpu.memory_space<vmem>>
    %dma_wait3A_649 = arith.constant 0 : i32
    %dma_wait3A_650 = arith.constant 0 : i32
    %dma_wait3A_651 = arith.constant 0 : i32
    %dma_wait3A_652 = tpu.memref_slice %arg5[%dma_wait3A_649, %dma_wait3A_650, %dma_wait3A_651] : memref<4x8x1000000xf32, #tpu.memory_space<hbm>> -> memref<4x8x128xf32, #tpu.memory_space<hbm>>
    %dma_wait3A_653 = tpu.memref_slice %arg14[%dma_wait3A_643] : memref<8x!tpu.dma_semaphore, #tpu.memory_space<semaphore_mem>> -> memref<1x!tpu.dma_semaphore, #tpu.memory_space<semaphore_mem>>
    %dma_wait3A_654 = tpu.memref_squeeze %dma_wait3A_653 : memref<1x!tpu.dma_semaphore, #tpu.memory_space<semaphore_mem>> -> memref<!tpu.dma_semaphore, #tpu.memory_space<semaphore_mem>>
    %dma_wait3A_655 = arith.constant 0 : i32
    %dma_wait3A_656 = arith.constant 0 : i32
    %dma_wait3A_657 = arith.constant 0 : i32
    %dma_wait3A_658 = tpu.memref_slice %arg10[%dma_wait3A_642, %dma_wait3A_655, %dma_wait3A_656, %dma_wait3A_657] : memref<8x4x8x128xf32, #tpu.memory_space<vmem>> -> memref<1x4x8x128xf32, #tpu.memory_space<vmem>>
    %dma_wait3A_659 = tpu.memref_squeeze %dma_wait3A_658 : memref<1x4x8x128xf32, #tpu.memory_space<vmem>> -> memref<4x8x128xf32, #tpu.memory_space<vmem>>
    %dma_wait3A_660 = arith.constant 0 : i32
    %dma_wait3A_661 = arith.constant 0 : i32
    %dma_wait3A_662 = arith.constant 0 : i32
    %dma_wait3A_663 = tpu.memref_slice %arg5[%dma_wait3A_660, %dma_wait3A_661, %dma_wait3A_662] : memref<4x8x1000000xf32, #tpu.memory_space<hbm>> -> memref<4x8x128xf32, #tpu.memory_space<hbm>>
    tpu.wait_dma2 semaphore(%dma_wait3A_654 : memref<!tpu.dma_semaphore, #tpu.memory_space<semaphore_mem>>) src(%dma_wait3A_663 : memref<4x8x128xf32, #tpu.memory_space<hbm>>) dst(%dma_wait3A_659 : memref<4x8x128xf32, #tpu.memory_space<vmem>>)
    %dma_wait3A_664 = arith.constant 3 : i32
    %dma_wait3A_665 = arith.constant 3 : i32
    %dma_wait3A_666 = arith.constant 0 : i32
    %dma_wait3A_667 = arith.constant 0 : i32
    %dma_wait3A_668 = arith.constant 0 : i32
    %dma_wait3A_669 = tpu.memref_slice %arg9[%dma_wait3A_664, %dma_wait3A_666, %dma_wait3A_667, %dma_wait3A_668] : memref<8x4x8x128xf32, #tpu.memory_space<vmem>> -> memref<1x4x8x128xf32, #tpu.memory_space<vmem>>
    %dma_wait3A_670 = tpu.memref_squeeze %dma_wait3A_669 : memref<1x4x8x128xf32, #tpu.memory_space<vmem>> -> memref<4x8x128xf32, #tpu.memory_space<vmem>>
    %dma_wait3A_671 = arith.constant 0 : i32
    %dma_wait3A_672 = arith.constant 0 : i32
    %dma_wait3A_673 = arith.constant 0 : i32
    %dma_wait3A_674 = tpu.memref_slice %arg4[%dma_wait3A_671, %dma_wait3A_672, %dma_wait3A_673] : memref<4x8x1000000xf32, #tpu.memory_space<hbm>> -> memref<4x8x128xf32, #tpu.memory_space<hbm>>
    %dma_wait3A_675 = tpu.memref_slice %arg13[%dma_wait3A_665] : memref<8x!tpu.dma_semaphore, #tpu.memory_space<semaphore_mem>> -> memref<1x!tpu.dma_semaphore, #tpu.memory_space<semaphore_mem>>
    %dma_wait3A_676 = tpu.memref_squeeze %dma_wait3A_675 : memref<1x!tpu.dma_semaphore, #tpu.memory_space<semaphore_mem>> -> memref<!tpu.dma_semaphore, #tpu.memory_space<semaphore_mem>>
    %dma_wait3A_677 = arith.constant 0 : i32
    %dma_wait3A_678 = arith.constant 0 : i32
    %dma_wait3A_679 = arith.constant 0 : i32
    %dma_wait3A_680 = tpu.memref_slice %arg9[%dma_wait3A_664, %dma_wait3A_677, %dma_wait3A_678, %dma_wait3A_679] : memref<8x4x8x128xf32, #tpu.memory_space<vmem>> -> memref<1x4x8x128xf32, #tpu.memory_space<vmem>>
    %dma_wait3A_681 = tpu.memref_squeeze %dma_wait3A_680 : memref<1x4x8x128xf32, #tpu.memory_space<vmem>> -> memref<4x8x128xf32, #tpu.memory_space<vmem>>
    %dma_wait3A_682 = arith.constant 0 : i32
    %dma_wait3A_683 = arith.constant 0 : i32
    %dma_wait3A_684 = arith.constant 0 : i32
    %dma_wait3A_685 = tpu.memref_slice %arg4[%dma_wait3A_682, %dma_wait3A_683, %dma_wait3A_684] : memref<4x8x1000000xf32, #tpu.memory_space<hbm>> -> memref<4x8x128xf32, #tpu.memory_space<hbm>>
    tpu.wait_dma2 semaphore(%dma_wait3A_676 : memref<!tpu.dma_semaphore, #tpu.memory_space<semaphore_mem>>) src(%dma_wait3A_685 : memref<4x8x128xf32, #tpu.memory_space<hbm>>) dst(%dma_wait3A_681 : memref<4x8x128xf32, #tpu.memory_space<vmem>>)
    %dma_wait3A_686 = arith.constant 3 : i32
    %dma_wait3A_687 = arith.constant 3 : i32
    %dma_wait3A_688 = arith.constant 0 : i32
    %dma_wait3A_689 = arith.constant 0 : i32
    %dma_wait3A_690 = arith.constant 0 : i32
    %dma_wait3A_691 = tpu.memref_slice %arg10[%dma_wait3A_686, %dma_wait3A_688, %dma_wait3A_689, %dma_wait3A_690] : memref<8x4x8x128xf32, #tpu.memory_space<vmem>> -> memref<1x4x8x128xf32, #tpu.memory_space<vmem>>
    %dma_wait3A_692 = tpu.memref_squeeze %dma_wait3A_691 : memref<1x4x8x128xf32, #tpu.memory_space<vmem>> -> memref<4x8x128xf32, #tpu.memory_space<vmem>>
    %dma_wait3A_693 = arith.constant 0 : i32
    %dma_wait3A_694 = arith.constant 0 : i32
    %dma_wait3A_695 = arith.constant 0 : i32
    %dma_wait3A_696 = tpu.memref_slice %arg5[%dma_wait3A_693, %dma_wait3A_694, %dma_wait3A_695] : memref<4x8x1000000xf32, #tpu.memory_space<hbm>> -> memref<4x8x128xf32, #tpu.memory_space<hbm>>
    %dma_wait3A_697 = tpu.memref_slice %arg14[%dma_wait3A_687] : memref<8x!tpu.dma_semaphore, #tpu.memory_space<semaphore_mem>> -> memref<1x!tpu.dma_semaphore, #tpu.memory_space<semaphore_mem>>
    %dma_wait3A_698 = tpu.memref_squeeze %dma_wait3A_697 : memref<1x!tpu.dma_semaphore, #tpu.memory_space<semaphore_mem>> -> memref<!tpu.dma_semaphore, #tpu.memory_space<semaphore_mem>>
    %dma_wait3A_699 = arith.constant 0 : i32
    %dma_wait3A_700 = arith.constant 0 : i32
    %dma_wait3A_701 = arith.constant 0 : i32
    %dma_wait3A_702 = tpu.memref_slice %arg10[%dma_wait3A_686, %dma_wait3A_699, %dma_wait3A_700, %dma_wait3A_701] : memref<8x4x8x128xf32, #tpu.memory_space<vmem>> -> memref<1x4x8x128xf32, #tpu.memory_space<vmem>>
    %dma_wait3A_703 = tpu.memref_squeeze %dma_wait3A_702 : memref<1x4x8x128xf32, #tpu.memory_space<vmem>> -> memref<4x8x128xf32, #tpu.memory_space<vmem>>
    %dma_wait3A_704 = arith.constant 0 : i32
    %dma_wait3A_705 = arith.constant 0 : i32
    %dma_wait3A_706 = arith.constant 0 : i32
    %dma_wait3A_707 = tpu.memref_slice %arg5[%dma_wait3A_704, %dma_wait3A_705, %dma_wait3A_706] : memref<4x8x1000000xf32, #tpu.memory_space<hbm>> -> memref<4x8x128xf32, #tpu.memory_space<hbm>>
    tpu.wait_dma2 semaphore(%dma_wait3A_698 : memref<!tpu.dma_semaphore, #tpu.memory_space<semaphore_mem>>) src(%dma_wait3A_707 : memref<4x8x128xf32, #tpu.memory_space<hbm>>) dst(%dma_wait3A_703 : memref<4x8x128xf32, #tpu.memory_space<vmem>>)
    %dma_wait3A_708 = arith.constant 4 : i32
    %dma_wait3A_709 = arith.constant 4 : i32
    %dma_wait3A_710 = arith.constant 0 : i32
    %dma_wait3A_711 = arith.constant 0 : i32
    %dma_wait3A_712 = arith.constant 0 : i32
    %dma_wait3A_713 = tpu.memref_slice %arg9[%dma_wait3A_708, %dma_wait3A_710, %dma_wait3A_711, %dma_wait3A_712] : memref<8x4x8x128xf32, #tpu.memory_space<vmem>> -> memref<1x4x8x128xf32, #tpu.memory_space<vmem>>
    %dma_wait3A_714 = tpu.memref_squeeze %dma_wait3A_713 : memref<1x4x8x128xf32, #tpu.memory_space<vmem>> -> memref<4x8x128xf32, #tpu.memory_space<vmem>>
    %dma_wait3A_715 = arith.constant 0 : i32
    %dma_wait3A_716 = arith.constant 0 : i32
    %dma_wait3A_717 = arith.constant 0 : i32
    %dma_wait3A_718 = tpu.memref_slice %arg4[%dma_wait3A_715, %dma_wait3A_716, %dma_wait3A_717] : memref<4x8x1000000xf32, #tpu.memory_space<hbm>> -> memref<4x8x128xf32, #tpu.memory_space<hbm>>
    %dma_wait3A_719 = tpu.memref_slice %arg13[%dma_wait3A_709] : memref<8x!tpu.dma_semaphore, #tpu.memory_space<semaphore_mem>> -> memref<1x!tpu.dma_semaphore, #tpu.memory_space<semaphore_mem>>
    %dma_wait3A_720 = tpu.memref_squeeze %dma_wait3A_719 : memref<1x!tpu.dma_semaphore, #tpu.memory_space<semaphore_mem>> -> memref<!tpu.dma_semaphore, #tpu.memory_space<semaphore_mem>>
    %dma_wait3A_721 = arith.constant 0 : i32
    %dma_wait3A_722 = arith.constant 0 : i32
    %dma_wait3A_723 = arith.constant 0 : i32
    %dma_wait3A_724 = tpu.memref_slice %arg9[%dma_wait3A_708, %dma_wait3A_721, %dma_wait3A_722, %dma_wait3A_723] : memref<8x4x8x128xf32, #tpu.memory_space<vmem>> -> memref<1x4x8x128xf32, #tpu.memory_space<vmem>>
    %dma_wait3A_725 = tpu.memref_squeeze %dma_wait3A_724 : memref<1x4x8x128xf32, #tpu.memory_space<vmem>> -> memref<4x8x128xf32, #tpu.memory_space<vmem>>
    %dma_wait3A_726 = arith.constant 0 : i32
    %dma_wait3A_727 = arith.constant 0 : i32
    %dma_wait3A_728 = arith.constant 0 : i32
    %dma_wait3A_729 = tpu.memref_slice %arg4[%dma_wait3A_726, %dma_wait3A_727, %dma_wait3A_728] : memref<4x8x1000000xf32, #tpu.memory_space<hbm>> -> memref<4x8x128xf32, #tpu.memory_space<hbm>>
    tpu.wait_dma2 semaphore(%dma_wait3A_720 : memref<!tpu.dma_semaphore, #tpu.memory_space<semaphore_mem>>) src(%dma_wait3A_729 : memref<4x8x128xf32, #tpu.memory_space<hbm>>) dst(%dma_wait3A_725 : memref<4x8x128xf32, #tpu.memory_space<vmem>>)
    %dma_wait3A_730 = arith.constant 4 : i32
    %dma_wait3A_731 = arith.constant 4 : i32
    %dma_wait3A_732 = arith.constant 0 : i32
    %dma_wait3A_733 = arith.constant 0 : i32
    %dma_wait3A_734 = arith.constant 0 : i32
    %dma_wait3A_735 = tpu.memref_slice %arg10[%dma_wait3A_730, %dma_wait3A_732, %dma_wait3A_733, %dma_wait3A_734] : memref<8x4x8x128xf32, #tpu.memory_space<vmem>> -> memref<1x4x8x128xf32, #tpu.memory_space<vmem>>
    %dma_wait3A_736 = tpu.memref_squeeze %dma_wait3A_735 : memref<1x4x8x128xf32, #tpu.memory_space<vmem>> -> memref<4x8x128xf32, #tpu.memory_space<vmem>>
    %dma_wait3A_737 = arith.constant 0 : i32
    %dma_wait3A_738 = arith.constant 0 : i32
    %dma_wait3A_739 = arith.constant 0 : i32
    %dma_wait3A_740 = tpu.memref_slice %arg5[%dma_wait3A_737, %dma_wait3A_738, %dma_wait3A_739] : memref<4x8x1000000xf32, #tpu.memory_space<hbm>> -> memref<4x8x128xf32, #tpu.memory_space<hbm>>
    %dma_wait3A_741 = tpu.memref_slice %arg14[%dma_wait3A_731] : memref<8x!tpu.dma_semaphore, #tpu.memory_space<semaphore_mem>> -> memref<1x!tpu.dma_semaphore, #tpu.memory_space<semaphore_mem>>
    %dma_wait3A_742 = tpu.memref_squeeze %dma_wait3A_741 : memref<1x!tpu.dma_semaphore, #tpu.memory_space<semaphore_mem>> -> memref<!tpu.dma_semaphore, #tpu.memory_space<semaphore_mem>>
    %dma_wait3A_743 = arith.constant 0 : i32
    %dma_wait3A_744 = arith.constant 0 : i32
    %dma_wait3A_745 = arith.constant 0 : i32
    %dma_wait3A_746 = tpu.memref_slice %arg10[%dma_wait3A_730, %dma_wait3A_743, %dma_wait3A_744, %dma_wait3A_745] : memref<8x4x8x128xf32, #tpu.memory_space<vmem>> -> memref<1x4x8x128xf32, #tpu.memory_space<vmem>>
    %dma_wait3A_747 = tpu.memref_squeeze %dma_wait3A_746 : memref<1x4x8x128xf32, #tpu.memory_space<vmem>> -> memref<4x8x128xf32, #tpu.memory_space<vmem>>
    %dma_wait3A_748 = arith.constant 0 : i32
    %dma_wait3A_749 = arith.constant 0 : i32
    %dma_wait3A_750 = arith.constant 0 : i32
    %dma_wait3A_751 = tpu.memref_slice %arg5[%dma_wait3A_748, %dma_wait3A_749, %dma_wait3A_750] : memref<4x8x1000000xf32, #tpu.memory_space<hbm>> -> memref<4x8x128xf32, #tpu.memory_space<hbm>>
    tpu.wait_dma2 semaphore(%dma_wait3A_742 : memref<!tpu.dma_semaphore, #tpu.memory_space<semaphore_mem>>) src(%dma_wait3A_751 : memref<4x8x128xf32, #tpu.memory_space<hbm>>) dst(%dma_wait3A_747 : memref<4x8x128xf32, #tpu.memory_space<vmem>>)
    %dma_wait3A_752 = arith.constant 5 : i32
    %dma_wait3A_753 = arith.constant 5 : i32
    %dma_wait3A_754 = arith.constant 0 : i32
    %dma_wait3A_755 = arith.constant 0 : i32
    %dma_wait3A_756 = arith.constant 0 : i32
    %dma_wait3A_757 = tpu.memref_slice %arg9[%dma_wait3A_752, %dma_wait3A_754, %dma_wait3A_755, %dma_wait3A_756] : memref<8x4x8x128xf32, #tpu.memory_space<vmem>> -> memref<1x4x8x128xf32, #tpu.memory_space<vmem>>
    %dma_wait3A_758 = tpu.memref_squeeze %dma_wait3A_757 : memref<1x4x8x128xf32, #tpu.memory_space<vmem>> -> memref<4x8x128xf32, #tpu.memory_space<vmem>>
    %dma_wait3A_759 = arith.constant 0 : i32
    %dma_wait3A_760 = arith.constant 0 : i32
    %dma_wait3A_761 = arith.constant 0 : i32
    %dma_wait3A_762 = tpu.memref_slice %arg4[%dma_wait3A_759, %dma_wait3A_760, %dma_wait3A_761] : memref<4x8x1000000xf32, #tpu.memory_space<hbm>> -> memref<4x8x128xf32, #tpu.memory_space<hbm>>
    %dma_wait3A_763 = tpu.memref_slice %arg13[%dma_wait3A_753] : memref<8x!tpu.dma_semaphore, #tpu.memory_space<semaphore_mem>> -> memref<1x!tpu.dma_semaphore, #tpu.memory_space<semaphore_mem>>
    %dma_wait3A_764 = tpu.memref_squeeze %dma_wait3A_763 : memref<1x!tpu.dma_semaphore, #tpu.memory_space<semaphore_mem>> -> memref<!tpu.dma_semaphore, #tpu.memory_space<semaphore_mem>>
    %dma_wait3A_765 = arith.constant 0 : i32
    %dma_wait3A_766 = arith.constant 0 : i32
    %dma_wait3A_767 = arith.constant 0 : i32
    %dma_wait3A_768 = tpu.memref_slice %arg9[%dma_wait3A_752, %dma_wait3A_765, %dma_wait3A_766, %dma_wait3A_767] : memref<8x4x8x128xf32, #tpu.memory_space<vmem>> -> memref<1x4x8x128xf32, #tpu.memory_space<vmem>>
    %dma_wait3A_769 = tpu.memref_squeeze %dma_wait3A_768 : memref<1x4x8x128xf32, #tpu.memory_space<vmem>> -> memref<4x8x128xf32, #tpu.memory_space<vmem>>
    %dma_wait3A_770 = arith.constant 0 : i32
    %dma_wait3A_771 = arith.constant 0 : i32
    %dma_wait3A_772 = arith.constant 0 : i32
    %dma_wait3A_773 = tpu.memref_slice %arg4[%dma_wait3A_770, %dma_wait3A_771, %dma_wait3A_772] : memref<4x8x1000000xf32, #tpu.memory_space<hbm>> -> memref<4x8x128xf32, #tpu.memory_space<hbm>>
    tpu.wait_dma2 semaphore(%dma_wait3A_764 : memref<!tpu.dma_semaphore, #tpu.memory_space<semaphore_mem>>) src(%dma_wait3A_773 : memref<4x8x128xf32, #tpu.memory_space<hbm>>) dst(%dma_wait3A_769 : memref<4x8x128xf32, #tpu.memory_space<vmem>>)
    %dma_wait3A_774 = arith.constant 5 : i32
    %dma_wait3A_775 = arith.constant 5 : i32
    %dma_wait3A_776 = arith.constant 0 : i32
    %dma_wait3A_777 = arith.constant 0 : i32
    %dma_wait3A_778 = arith.constant 0 : i32
    %dma_wait3A_779 = tpu.memref_slice %arg10[%dma_wait3A_774, %dma_wait3A_776, %dma_wait3A_777, %dma_wait3A_778] : memref<8x4x8x128xf32, #tpu.memory_space<vmem>> -> memref<1x4x8x128xf32, #tpu.memory_space<vmem>>
    %dma_wait3A_780 = tpu.memref_squeeze %dma_wait3A_779 : memref<1x4x8x128xf32, #tpu.memory_space<vmem>> -> memref<4x8x128xf32, #tpu.memory_space<vmem>>
    %dma_wait3A_781 = arith.constant 0 : i32
    %dma_wait3A_782 = arith.constant 0 : i32
    %dma_wait3A_783 = arith.constant 0 : i32
    %dma_wait3A_784 = tpu.memref_slice %arg5[%dma_wait3A_781, %dma_wait3A_782, %dma_wait3A_783] : memref<4x8x1000000xf32, #tpu.memory_space<hbm>> -> memref<4x8x128xf32, #tpu.memory_space<hbm>>
    %dma_wait3A_785 = tpu.memref_slice %arg14[%dma_wait3A_775] : memref<8x!tpu.dma_semaphore, #tpu.memory_space<semaphore_mem>> -> memref<1x!tpu.dma_semaphore, #tpu.memory_space<semaphore_mem>>
    %dma_wait3A_786 = tpu.memref_squeeze %dma_wait3A_785 : memref<1x!tpu.dma_semaphore, #tpu.memory_space<semaphore_mem>> -> memref<!tpu.dma_semaphore, #tpu.memory_space<semaphore_mem>>
    %dma_wait3A_787 = arith.constant 0 : i32
    %dma_wait3A_788 = arith.constant 0 : i32
    %dma_wait3A_789 = arith.constant 0 : i32
    %dma_wait3A_790 = tpu.memref_slice %arg10[%dma_wait3A_774, %dma_wait3A_787, %dma_wait3A_788, %dma_wait3A_789] : memref<8x4x8x128xf32, #tpu.memory_space<vmem>> -> memref<1x4x8x128xf32, #tpu.memory_space<vmem>>
    %dma_wait3A_791 = tpu.memref_squeeze %dma_wait3A_790 : memref<1x4x8x128xf32, #tpu.memory_space<vmem>> -> memref<4x8x128xf32, #tpu.memory_space<vmem>>
    %dma_wait3A_792 = arith.constant 0 : i32
    %dma_wait3A_793 = arith.constant 0 : i32
    %dma_wait3A_794 = arith.constant 0 : i32
    %dma_wait3A_795 = tpu.memref_slice %arg5[%dma_wait3A_792, %dma_wait3A_793, %dma_wait3A_794] : memref<4x8x1000000xf32, #tpu.memory_space<hbm>> -> memref<4x8x128xf32, #tpu.memory_space<hbm>>
    tpu.wait_dma2 semaphore(%dma_wait3A_786 : memref<!tpu.dma_semaphore, #tpu.memory_space<semaphore_mem>>) src(%dma_wait3A_795 : memref<4x8x128xf32, #tpu.memory_space<hbm>>) dst(%dma_wait3A_791 : memref<4x8x128xf32, #tpu.memory_space<vmem>>)
    %dma_wait3A_796 = arith.constant 6 : i32
    %dma_wait3A_797 = arith.constant 6 : i32
    %dma_wait3A_798 = arith.constant 0 : i32
    %dma_wait3A_799 = arith.constant 0 : i32
    %dma_wait3A_800 = arith.constant 0 : i32
    %dma_wait3A_801 = tpu.memref_slice %arg9[%dma_wait3A_796, %dma_wait3A_798, %dma_wait3A_799, %dma_wait3A_800] : memref<8x4x8x128xf32, #tpu.memory_space<vmem>> -> memref<1x4x8x128xf32, #tpu.memory_space<vmem>>
    %dma_wait3A_802 = tpu.memref_squeeze %dma_wait3A_801 : memref<1x4x8x128xf32, #tpu.memory_space<vmem>> -> memref<4x8x128xf32, #tpu.memory_space<vmem>>
    %dma_wait3A_803 = arith.constant 0 : i32
    %dma_wait3A_804 = arith.constant 0 : i32
    %dma_wait3A_805 = arith.constant 0 : i32
    %dma_wait3A_806 = tpu.memref_slice %arg4[%dma_wait3A_803, %dma_wait3A_804, %dma_wait3A_805] : memref<4x8x1000000xf32, #tpu.memory_space<hbm>> -> memref<4x8x128xf32, #tpu.memory_space<hbm>>
    %dma_wait3A_807 = tpu.memref_slice %arg13[%dma_wait3A_797] : memref<8x!tpu.dma_semaphore, #tpu.memory_space<semaphore_mem>> -> memref<1x!tpu.dma_semaphore, #tpu.memory_space<semaphore_mem>>
    %dma_wait3A_808 = tpu.memref_squeeze %dma_wait3A_807 : memref<1x!tpu.dma_semaphore, #tpu.memory_space<semaphore_mem>> -> memref<!tpu.dma_semaphore, #tpu.memory_space<semaphore_mem>>
    %dma_wait3A_809 = arith.constant 0 : i32
    %dma_wait3A_810 = arith.constant 0 : i32
    %dma_wait3A_811 = arith.constant 0 : i32
    %dma_wait3A_812 = tpu.memref_slice %arg9[%dma_wait3A_796, %dma_wait3A_809, %dma_wait3A_810, %dma_wait3A_811] : memref<8x4x8x128xf32, #tpu.memory_space<vmem>> -> memref<1x4x8x128xf32, #tpu.memory_space<vmem>>
    %dma_wait3A_813 = tpu.memref_squeeze %dma_wait3A_812 : memref<1x4x8x128xf32, #tpu.memory_space<vmem>> -> memref<4x8x128xf32, #tpu.memory_space<vmem>>
    %dma_wait3A_814 = arith.constant 0 : i32
    %dma_wait3A_815 = arith.constant 0 : i32
    %dma_wait3A_816 = arith.constant 0 : i32
    %dma_wait3A_817 = tpu.memref_slice %arg4[%dma_wait3A_814, %dma_wait3A_815, %dma_wait3A_816] : memref<4x8x1000000xf32, #tpu.memory_space<hbm>> -> memref<4x8x128xf32, #tpu.memory_space<hbm>>
    tpu.wait_dma2 semaphore(%dma_wait3A_808 : memref<!tpu.dma_semaphore, #tpu.memory_space<semaphore_mem>>) src(%dma_wait3A_817 : memref<4x8x128xf32, #tpu.memory_space<hbm>>) dst(%dma_wait3A_813 : memref<4x8x128xf32, #tpu.memory_space<vmem>>)
    %dma_wait3A_818 = arith.constant 6 : i32
    %dma_wait3A_819 = arith.constant 6 : i32
    %dma_wait3A_820 = arith.constant 0 : i32
    %dma_wait3A_821 = arith.constant 0 : i32
    %dma_wait3A_822 = arith.constant 0 : i32
    %dma_wait3A_823 = tpu.memref_slice %arg10[%dma_wait3A_818, %dma_wait3A_820, %dma_wait3A_821, %dma_wait3A_822] : memref<8x4x8x128xf32, #tpu.memory_space<vmem>> -> memref<1x4x8x128xf32, #tpu.memory_space<vmem>>
    %dma_wait3A_824 = tpu.memref_squeeze %dma_wait3A_823 : memref<1x4x8x128xf32, #tpu.memory_space<vmem>> -> memref<4x8x128xf32, #tpu.memory_space<vmem>>
    %dma_wait3A_825 = arith.constant 0 : i32
    %dma_wait3A_826 = arith.constant 0 : i32
    %dma_wait3A_827 = arith.constant 0 : i32
    %dma_wait3A_828 = tpu.memref_slice %arg5[%dma_wait3A_825, %dma_wait3A_826, %dma_wait3A_827] : memref<4x8x1000000xf32, #tpu.memory_space<hbm>> -> memref<4x8x128xf32, #tpu.memory_space<hbm>>
    %dma_wait3A_829 = tpu.memref_slice %arg14[%dma_wait3A_819] : memref<8x!tpu.dma_semaphore, #tpu.memory_space<semaphore_mem>> -> memref<1x!tpu.dma_semaphore, #tpu.memory_space<semaphore_mem>>
    %dma_wait3A_830 = tpu.memref_squeeze %dma_wait3A_829 : memref<1x!tpu.dma_semaphore, #tpu.memory_space<semaphore_mem>> -> memref<!tpu.dma_semaphore, #tpu.memory_space<semaphore_mem>>
    %dma_wait3A_831 = arith.constant 0 : i32
    %dma_wait3A_832 = arith.constant 0 : i32
    %dma_wait3A_833 = arith.constant 0 : i32
    %dma_wait3A_834 = tpu.memref_slice %arg10[%dma_wait3A_818, %dma_wait3A_831, %dma_wait3A_832, %dma_wait3A_833] : memref<8x4x8x128xf32, #tpu.memory_space<vmem>> -> memref<1x4x8x128xf32, #tpu.memory_space<vmem>>
    %dma_wait3A_835 = tpu.memref_squeeze %dma_wait3A_834 : memref<1x4x8x128xf32, #tpu.memory_space<vmem>> -> memref<4x8x128xf32, #tpu.memory_space<vmem>>
    %dma_wait3A_836 = arith.constant 0 : i32
    %dma_wait3A_837 = arith.constant 0 : i32
    %dma_wait3A_838 = arith.constant 0 : i32
    %dma_wait3A_839 = tpu.memref_slice %arg5[%dma_wait3A_836, %dma_wait3A_837, %dma_wait3A_838] : memref<4x8x1000000xf32, #tpu.memory_space<hbm>> -> memref<4x8x128xf32, #tpu.memory_space<hbm>>
    tpu.wait_dma2 semaphore(%dma_wait3A_830 : memref<!tpu.dma_semaphore, #tpu.memory_space<semaphore_mem>>) src(%dma_wait3A_839 : memref<4x8x128xf32, #tpu.memory_space<hbm>>) dst(%dma_wait3A_835 : memref<4x8x128xf32, #tpu.memory_space<vmem>>)
    %dma_wait3A_840 = arith.constant 7 : i32
    %dma_wait3A_841 = arith.constant 7 : i32
    %dma_wait3A_842 = arith.constant 0 : i32
    %dma_wait3A_843 = arith.constant 0 : i32
    %dma_wait3A_844 = arith.constant 0 : i32
    %dma_wait3A_845 = tpu.memref_slice %arg9[%dma_wait3A_840, %dma_wait3A_842, %dma_wait3A_843, %dma_wait3A_844] : memref<8x4x8x128xf32, #tpu.memory_space<vmem>> -> memref<1x4x8x128xf32, #tpu.memory_space<vmem>>
    %dma_wait3A_846 = tpu.memref_squeeze %dma_wait3A_845 : memref<1x4x8x128xf32, #tpu.memory_space<vmem>> -> memref<4x8x128xf32, #tpu.memory_space<vmem>>
    %dma_wait3A_847 = arith.constant 0 : i32
    %dma_wait3A_848 = arith.constant 0 : i32
    %dma_wait3A_849 = arith.constant 0 : i32
    %dma_wait3A_850 = tpu.memref_slice %arg4[%dma_wait3A_847, %dma_wait3A_848, %dma_wait3A_849] : memref<4x8x1000000xf32, #tpu.memory_space<hbm>> -> memref<4x8x128xf32, #tpu.memory_space<hbm>>
    %dma_wait3A_851 = tpu.memref_slice %arg13[%dma_wait3A_841] : memref<8x!tpu.dma_semaphore, #tpu.memory_space<semaphore_mem>> -> memref<1x!tpu.dma_semaphore, #tpu.memory_space<semaphore_mem>>
    %dma_wait3A_852 = tpu.memref_squeeze %dma_wait3A_851 : memref<1x!tpu.dma_semaphore, #tpu.memory_space<semaphore_mem>> -> memref<!tpu.dma_semaphore, #tpu.memory_space<semaphore_mem>>
    %dma_wait3A_853 = arith.constant 0 : i32
    %dma_wait3A_854 = arith.constant 0 : i32
    %dma_wait3A_855 = arith.constant 0 : i32
    %dma_wait3A_856 = tpu.memref_slice %arg9[%dma_wait3A_840, %dma_wait3A_853, %dma_wait3A_854, %dma_wait3A_855] : memref<8x4x8x128xf32, #tpu.memory_space<vmem>> -> memref<1x4x8x128xf32, #tpu.memory_space<vmem>>
    %dma_wait3A_857 = tpu.memref_squeeze %dma_wait3A_856 : memref<1x4x8x128xf32, #tpu.memory_space<vmem>> -> memref<4x8x128xf32, #tpu.memory_space<vmem>>
    %dma_wait3A_858 = arith.constant 0 : i32
    %dma_wait3A_859 = arith.constant 0 : i32
    %dma_wait3A_860 = arith.constant 0 : i32
    %dma_wait3A_861 = tpu.memref_slice %arg4[%dma_wait3A_858, %dma_wait3A_859, %dma_wait3A_860] : memref<4x8x1000000xf32, #tpu.memory_space<hbm>> -> memref<4x8x128xf32, #tpu.memory_space<hbm>>
    tpu.wait_dma2 semaphore(%dma_wait3A_852 : memref<!tpu.dma_semaphore, #tpu.memory_space<semaphore_mem>>) src(%dma_wait3A_861 : memref<4x8x128xf32, #tpu.memory_space<hbm>>) dst(%dma_wait3A_857 : memref<4x8x128xf32, #tpu.memory_space<vmem>>)
    %dma_wait3A_862 = arith.constant 7 : i32
    %dma_wait3A_863 = arith.constant 7 : i32
    %dma_wait3A_864 = arith.constant 0 : i32
    %dma_wait3A_865 = arith.constant 0 : i32
    %dma_wait3A_866 = arith.constant 0 : i32
    %dma_wait3A_867 = tpu.memref_slice %arg10[%dma_wait3A_862, %dma_wait3A_864, %dma_wait3A_865, %dma_wait3A_866] : memref<8x4x8x128xf32, #tpu.memory_space<vmem>> -> memref<1x4x8x128xf32, #tpu.memory_space<vmem>>
    %dma_wait3A_868 = tpu.memref_squeeze %dma_wait3A_867 : memref<1x4x8x128xf32, #tpu.memory_space<vmem>> -> memref<4x8x128xf32, #tpu.memory_space<vmem>>
    %dma_wait3A_869 = arith.constant 0 : i32
    %dma_wait3A_870 = arith.constant 0 : i32
    %dma_wait3A_871 = arith.constant 0 : i32
    %dma_wait3A_872 = tpu.memref_slice %arg5[%dma_wait3A_869, %dma_wait3A_870, %dma_wait3A_871] : memref<4x8x1000000xf32, #tpu.memory_space<hbm>> -> memref<4x8x128xf32, #tpu.memory_space<hbm>>
    %dma_wait3A_873 = tpu.memref_slice %arg14[%dma_wait3A_863] : memref<8x!tpu.dma_semaphore, #tpu.memory_space<semaphore_mem>> -> memref<1x!tpu.dma_semaphore, #tpu.memory_space<semaphore_mem>>
    %dma_wait3A_874 = tpu.memref_squeeze %dma_wait3A_873 : memref<1x!tpu.dma_semaphore, #tpu.memory_space<semaphore_mem>> -> memref<!tpu.dma_semaphore, #tpu.memory_space<semaphore_mem>>
    %dma_wait3A_875 = arith.constant 0 : i32
    %dma_wait3A_876 = arith.constant 0 : i32
    %dma_wait3A_877 = arith.constant 0 : i32
    %dma_wait3A_878 = tpu.memref_slice %arg10[%dma_wait3A_862, %dma_wait3A_875, %dma_wait3A_876, %dma_wait3A_877] : memref<8x4x8x128xf32, #tpu.memory_space<vmem>> -> memref<1x4x8x128xf32, #tpu.memory_space<vmem>>
    %dma_wait3A_879 = tpu.memref_squeeze %dma_wait3A_878 : memref<1x4x8x128xf32, #tpu.memory_space<vmem>> -> memref<4x8x128xf32, #tpu.memory_space<vmem>>
    %dma_wait3A_880 = arith.constant 0 : i32
    %dma_wait3A_881 = arith.constant 0 : i32
    %dma_wait3A_882 = arith.constant 0 : i32
    %dma_wait3A_883 = tpu.memref_slice %arg5[%dma_wait3A_880, %dma_wait3A_881, %dma_wait3A_882] : memref<4x8x1000000xf32, #tpu.memory_space<hbm>> -> memref<4x8x128xf32, #tpu.memory_space<hbm>>
    tpu.wait_dma2 semaphore(%dma_wait3A_874 : memref<!tpu.dma_semaphore, #tpu.memory_space<semaphore_mem>>) src(%dma_wait3A_883 : memref<4x8x128xf32, #tpu.memory_space<hbm>>) dst(%dma_wait3A_879 : memref<4x8x128xf32, #tpu.memory_space<vmem>>)
    %mul3A_884 = arith.constant 16 : i32
    %mul3A_885 = vector.broadcast %mul3A_884 : i32 to vector<16xi32>
    %mul3A_886 = arith.muli %iota3A, %mul3A_885 : vector<16xi32>
    %scan3A_887 = arith.constant 0 : i32
    %scan3A_888 = arith.constant 0 : i32
    %scan3A_889 = arith.constant 32 : i32
    %scan3A_890 = arith.addi %scan3A_888, %scan3A_889 : i32
    %scan3A_891 = arith.constant 1 : i32
    %scan3A_892 = scf.for %scan3A_894 = %scan3A_888 to %scan3A_890 step %scan3A_891 iter_args(%scan3A_895 = %scan3A_887) -> (i32)  : i32 {
      %mul3A_896 = arith.constant 256 : i32
      %mul3A_897 = arith.muli %scan3A_894, %mul3A_896 : i32
      %add3A_898 = vector.broadcast %mul3A_897 : i32 to vector<16xi32>
      %add3A_899 = arith.addi %mul3A_886, %add3A_898 : vector<16xi32>
      %gather3A = tpu.vector_load_idx %arg11[%add3A_899] : memref<8192xf32, #tpu.memory_space<vmem>>[vector<16xi32>], vector<16xf32>,
      %add3A_900 = arith.constant 1 : i32
      %add3A_901 = arith.addi %mul3A_897, %add3A_900 : i32
      %add3A_902 = vector.broadcast %add3A_901 : i32 to vector<16xi32>
      %add3A_903 = arith.addi %mul3A_886, %add3A_902 : vector<16xi32>
      %gather3A_904 = tpu.vector_load_idx %arg11[%add3A_903] : memref<8192xf32, #tpu.memory_space<vmem>>[vector<16xi32>], vector<16xf32>,
      %add3A_905 = arith.addf %gather3A, %gather3A_904 : vector<16xf32>
      %add3A_906 = arith.constant 2 : i32
      %add3A_907 = arith.addi %mul3A_897, %add3A_906 : i32
      %add3A_908 = vector.broadcast %add3A_907 : i32 to vector<16xi32>
      %add3A_909 = arith.addi %mul3A_886, %add3A_908 : vector<16xi32>
      %gather3A_910 = tpu.vector_load_idx %arg11[%add3A_909] : memref<8192xf32, #tpu.memory_space<vmem>>[vector<16xi32>], vector<16xf32>,
      %add3A_911 = arith.addf %add3A_905, %gather3A_910 : vector<16xf32>
      %add3A_912 = arith.constant 3 : i32
      %add3A_913 = arith.addi %mul3A_897, %add3A_912 : i32
      %add3A_914 = vector.broadcast %add3A_913 : i32 to vector<16xi32>
      %add3A_915 = arith.addi %mul3A_886, %add3A_914 : vector<16xi32>
      %gather3A_916 = tpu.vector_load_idx %arg11[%add3A_915] : memref<8192xf32, #tpu.memory_space<vmem>>[vector<16xi32>], vector<16xf32>,
      %add3A_917 = arith.addf %add3A_911, %gather3A_916 : vector<16xf32>
      %add3A_918 = arith.constant 4 : i32
      %add3A_919 = arith.addi %mul3A_897, %add3A_918 : i32
      %add3A_920 = vector.broadcast %add3A_919 : i32 to vector<16xi32>
      %add3A_921 = arith.addi %mul3A_886, %add3A_920 : vector<16xi32>
      %gather3A_922 = tpu.vector_load_idx %arg11[%add3A_921] : memref<8192xf32, #tpu.memory_space<vmem>>[vector<16xi32>], vector<16xf32>,
      %add3A_923 = arith.addf %add3A_917, %gather3A_922 : vector<16xf32>
      %add3A_924 = arith.constant 5 : i32
      %add3A_925 = arith.addi %mul3A_897, %add3A_924 : i32
      %add3A_926 = vector.broadcast %add3A_925 : i32 to vector<16xi32>
      %add3A_927 = arith.addi %mul3A_886, %add3A_926 : vector<16xi32>
      %gather3A_928 = tpu.vector_load_idx %arg11[%add3A_927] : memref<8192xf32, #tpu.memory_space<vmem>>[vector<16xi32>], vector<16xf32>,
      %add3A_929 = arith.addf %add3A_923, %gather3A_928 : vector<16xf32>
      %add3A_930 = arith.constant 6 : i32
      %add3A_931 = arith.addi %mul3A_897, %add3A_930 : i32
      %add3A_932 = vector.broadcast %add3A_931 : i32 to vector<16xi32>
      %add3A_933 = arith.addi %mul3A_886, %add3A_932 : vector<16xi32>
      %gather3A_934 = tpu.vector_load_idx %arg11[%add3A_933] : memref<8192xf32, #tpu.memory_space<vmem>>[vector<16xi32>], vector<16xf32>,
      %add3A_935 = arith.addf %add3A_929, %gather3A_934 : vector<16xf32>
      %add3A_936 = arith.constant 7 : i32
      %add3A_937 = arith.addi %mul3A_897, %add3A_936 : i32
      %add3A_938 = vector.broadcast %add3A_937 : i32 to vector<16xi32>
      %add3A_939 = arith.addi %mul3A_886, %add3A_938 : vector<16xi32>
      %gather3A_940 = tpu.vector_load_idx %arg11[%add3A_939] : memref<8192xf32, #tpu.memory_space<vmem>>[vector<16xi32>], vector<16xf32>,
      %add3A_941 = arith.addf %add3A_935, %gather3A_940 : vector<16xf32>
      %add3A_942 = arith.constant 8 : i32
      %add3A_943 = arith.addi %mul3A_897, %add3A_942 : i32
      %add3A_944 = vector.broadcast %add3A_943 : i32 to vector<16xi32>
      %add3A_945 = arith.addi %mul3A_886, %add3A_944 : vector<16xi32>
      %gather3A_946 = tpu.vector_load_idx %arg11[%add3A_945] : memref<8192xf32, #tpu.memory_space<vmem>>[vector<16xi32>], vector<16xf32>,
      %add3A_947 = arith.addf %add3A_941, %gather3A_946 : vector<16xf32>
      %add3A_948 = arith.constant 9 : i32
      %add3A_949 = arith.addi %mul3A_897, %add3A_948 : i32
      %add3A_950 = vector.broadcast %add3A_949 : i32 to vector<16xi32>
      %add3A_951 = arith.addi %mul3A_886, %add3A_950 : vector<16xi32>
      %gather3A_952 = tpu.vector_load_idx %arg11[%add3A_951] : memref<8192xf32, #tpu.memory_space<vmem>>[vector<16xi32>], vector<16xf32>,
      %add3A_953 = arith.addf %add3A_947, %gather3A_952 : vector<16xf32>
      %add3A_954 = arith.constant 10 : i32
      %add3A_955 = arith.addi %mul3A_897, %add3A_954 : i32
      %add3A_956 = vector.broadcast %add3A_955 : i32 to vector<16xi32>
      %add3A_957 = arith.addi %mul3A_886, %add3A_956 : vector<16xi32>
      %gather3A_958 = tpu.vector_load_idx %arg11[%add3A_957] : memref<8192xf32, #tpu.memory_space<vmem>>[vector<16xi32>], vector<16xf32>,
      %add3A_959 = arith.addf %add3A_953, %gather3A_958 : vector<16xf32>
      %add3A_960 = arith.constant 11 : i32
      %add3A_961 = arith.addi %mul3A_897, %add3A_960 : i32
      %add3A_962 = vector.broadcast %add3A_961 : i32 to vector<16xi32>
      %add3A_963 = arith.addi %mul3A_886, %add3A_962 : vector<16xi32>
      %gather3A_964 = tpu.vector_load_idx %arg11[%add3A_963] : memref<8192xf32, #tpu.memory_space<vmem>>[vector<16xi32>], vector<16xf32>,
      %add3A_965 = arith.addf %add3A_959, %gather3A_964 : vector<16xf32>
      %add3A_966 = arith.constant 12 : i32
      %add3A_967 = arith.addi %mul3A_897, %add3A_966 : i32
      %add3A_968 = vector.broadcast %add3A_967 : i32 to vector<16xi32>
      %add3A_969 = arith.addi %mul3A_886, %add3A_968 : vector<16xi32>
      %gather3A_970 = tpu.vector_load_idx %arg11[%add3A_969] : memref<8192xf32, #tpu.memory_space<vmem>>[vector<16xi32>], vector<16xf32>,
      %add3A_971 = arith.addf %add3A_965, %gather3A_970 : vector<16xf32>
      %add3A_972 = arith.constant 13 : i32
      %add3A_973 = arith.addi %mul3A_897, %add3A_972 : i32
      %add3A_974 = vector.broadcast %add3A_973 : i32 to vector<16xi32>
      %add3A_975 = arith.addi %mul3A_886, %add3A_974 : vector<16xi32>
      %gather3A_976 = tpu.vector_load_idx %arg11[%add3A_975] : memref<8192xf32, #tpu.memory_space<vmem>>[vector<16xi32>], vector<16xf32>,
      %add3A_977 = arith.addf %add3A_971, %gather3A_976 : vector<16xf32>
      %add3A_978 = arith.constant 14 : i32
      %add3A_979 = arith.addi %mul3A_897, %add3A_978 : i32
      %add3A_980 = vector.broadcast %add3A_979 : i32 to vector<16xi32>
      %add3A_981 = arith.addi %mul3A_886, %add3A_980 : vector<16xi32>
      %gather3A_982 = tpu.vector_load_idx %arg11[%add3A_981] : memref<8192xf32, #tpu.memory_space<vmem>>[vector<16xi32>], vector<16xf32>,
      %add3A_983 = arith.addf %add3A_977, %gather3A_982 : vector<16xf32>
      %add3A_984 = arith.constant 15 : i32
      %add3A_985 = arith.addi %mul3A_897, %add3A_984 : i32
      %add3A_986 = vector.broadcast %add3A_985 : i32 to vector<16xi32>
      %add3A_987 = arith.addi %mul3A_886, %add3A_986 : vector<16xi32>
      %gather3A_988 = tpu.vector_load_idx %arg11[%add3A_987] : memref<8192xf32, #tpu.memory_space<vmem>>[vector<16xi32>], vector<16xf32>,
      %add3A_989 = arith.addf %add3A_983, %gather3A_988 : vector<16xf32>
      %abs3A = math.absf %add3A_989 : vector<16xf32>
      %neg3A = arith.constant 0.000000e+00 : f32
      %neg3A_990 = vector.broadcast %neg3A : f32 to vector<16xf32>
      %neg3A_991 = arith.subf %neg3A_990, %abs3A : vector<16xf32>
      %exp3A = math.exp %neg3A_991 : vector<16xf32>
      %add3A_992 = arith.constant 1.000000e+00 : f32
      %add3A_993 = vector.broadcast %add3A_992 : f32 to vector<16xf32>
      %add3A_994 = arith.addf %add3A_993, %exp3A : vector<16xf32>
      %ge3A = arith.constant 0.000000e+00 : f32
      %ge3A_995 = vector.broadcast %ge3A : f32 to vector<16xf32>
      %ge3A_996 = arith.cmpf oge, %add3A_989, %ge3A_995 : vector<16xf32>
      %div3A_997 = arith.constant 1.000000e+00 : f32
      %div3A_998 = vector.broadcast %div3A_997 : f32 to vector<16xf32>
      %div3A_999 = arith.divf %div3A_998, %add3A_994 : vector<16xf32>
      %div3A_1000 = arith.divf %exp3A, %add3A_994 : vector<16xf32>
      %select_n3A_1001 = arith.select %ge3A_996, %div3A_999, %div3A_1000 : vector<16xi1>, vector<16xf32>
      %mul3A_1002 = arith.constant 16 : i32
      %mul3A_1003 = arith.muli %scan3A_894, %mul3A_1002 : i32
      %swap3A = arith.index_cast %mul3A_1003 : i32 to index
      %swap3A_1004 = tpu.vector_load %arg12[%swap3A] {strides = array<i32>} : memref<512xf32, #tpu.memory_space<vmem>>, vector<16xf32>,
      tpu.vector_store %arg12[%swap3A], %select_n3A_1001 {strides = array<i32>} : memref<512xf32, #tpu.memory_space<vmem>>, vector<16xf32>,
      %scan3A_1005 = arith.constant 0 : i32
      scf.yield %scan3A_1005 : i32
    }
    %scan3A_893 = arith.constant 32 : i32
    "tpu.region"() ({
      %run_scoped3A = tpu.sem_alloc : memref<!tpu.dma_semaphore, #tpu.memory_space<semaphore_mem>>
      %dma_start3A_894 = tpu.memref_slice %arg6[%mul3A_2] : memref<16384xf32, #tpu.memory_space<hbm>> -> memref<512xf32, #tpu.memory_space<hbm>>
      %dma_start3A_895 = tpu.memref_slice %arg6[%mul3A_2] : memref<16384xf32, #tpu.memory_space<hbm>> -> memref<512xf32, #tpu.memory_space<hbm>>
      tpu.enqueue_dma source(%arg12 : memref<512xf32, #tpu.memory_space<vmem>>) target(%dma_start3A_895 : memref<512xf32, #tpu.memory_space<hbm>>) target_semaphore(%run_scoped3A : memref<!tpu.dma_semaphore, #tpu.memory_space<semaphore_mem>>)
      %dma_wait3A_896 = tpu.memref_slice %arg6[%mul3A_2] : memref<16384xf32, #tpu.memory_space<hbm>> -> memref<512xf32, #tpu.memory_space<hbm>>
      %dma_wait3A_897 = tpu.memref_slice %arg6[%mul3A_2] : memref<16384xf32, #tpu.memory_space<hbm>> -> memref<512xf32, #tpu.memory_space<hbm>>
      tpu.wait_dma2 semaphore(%run_scoped3A : memref<!tpu.dma_semaphore, #tpu.memory_space<semaphore_mem>>) src(%arg12 : memref<512xf32, #tpu.memory_space<vmem>>) dst(%dma_wait3A_897 : memref<512xf32, #tpu.memory_space<hbm>>)
      tpu.yield
    }) : () -> ()
    return
  }
}

</mosaic_0001>

<sc_bundles>
// kernel: kernel.3.cloned.1.call-start
scs
__scs_entry_jumppad:
0x0: {  	(pc) =	sbr.rel $0x88, $3  }
0x1: {  	(tag) =	ssettag $0x0;
	lr =	simm.s32 $0x1  }
0x2: {  	[smem:$0x3F9D] =	sst lr;
	_ =	strace $0xD0000000  }
0x3: {  	_ = 	snop  }
0x4: {  	_ = 	snop  }
0x5: {  	_ = 	snop  }
0x6: {  	_ = 	snop  }
0x7: {  	_ = 	snop  }
__scs_overlays_trampoline_lowered:
0x8: {  	[smem:$0x3FAC] =	sst s0  }
0x9: {  	[smem:$0x3FAD] =	sst s1  }
0xa: {  	[smem:$0x3FAE] =	sst s2  }
0xb: {  	[smem:$0x3FAF] =	sst s3  }
0xc: {  	[smem:$0x3FB0] =	sst s4  }
0xd: {  	[smem:$0x3FB1] =	sst s5  }
0xe: {  	[smem:$0x3FB2] =	sst s6  }
0xf: {  	[smem:$0x3FB3] =	sst s7  }
0x10: {  	[smem:$0x3FB4] =	sst s8  }
0x11: {  	[smem:$0x3FB5] =	sst s9;
	s0 =	simm.s32 @!p0 $0x0  }
0x12: {  	s1 =	sld [smem:$0x3F9B];
	s0 =	simm.s32 @p0 $0x1  }
0x13: {  	[smem:$0x3FB6] =	sst s0;
	s0 =	simm.s32 @!p1 $0x0  }
0x14: {  	s2 =	sld [smem:$0x3F9A];
	s0 =	simm.s32 @p1 $0x1  }
0x15: {  	[smem:$0x3FB7] =	sst s0;
	s0 =	simm.s32 @!p2 $0x0  }
0x16: {  	s3 =	sld [smem:$0x3FDB];
	s0 =	simm.s32 @p2 $0x1  }
0x17: {  	s4 =	simm.s32 $0x1BF5;
	[smem:$0x3FB9] =	sst s0  }
0x18: {  	s0 =	sld [smem:$0x3F9C];
	_ =	swait.ge [sflag:s4], $0x0  }
0x19: {  	s7 =	sld [smem:$0x3F9D]  }
0x1a: {  	s8 =	sadd.s32 $0xFFFFE003, lr  }
0x1b: {  	s9 =	sadd.s32 $0xFFFFFEF7, lr;
	s5 =	simm.s32 $0xFFFFFFFF;
	p2 =	slt.u32 s8, $0xFFFFF086  }
0x1c: {  	p1 =	slt.u32 s9, $0xF7A;
	s5 =	simm.s32 @!p2 $0x0  }
0x1d: {  	s5 =	simm.s32 @p1 $0x1;
	p0 =	seq.s32 s7, s2  }
0x1e: {  	s7 =	smul.u32 @!p0 $0xF7A, s2;
	p2 =	seq.s32 @!p0 s5, $0x0  }
0x1f: {  	s9 =	smul.u32 $0xF7A, s1;
	s8 =	simm.s32 @!p0 $0x1BF5;
	p2 =	por !p2, p0  }
0x20: {  	[sflag:s8] =	ssyncset.s32 @!p0 $0xFFFFF086;
	s6 =	sadd.s32 @!p0 s3, s7;
	s7 =	simm.s32 @!p0 $0x108  }
0x21: {  	s3 =	sadd.s32 s3, s9;
	s6 =	sadd.s32 @!p0 $0x88, s6;
	s7 =	simm.s32 @p2 $0x1082  }
0x22: {  	[simem:s7], [sflag:s8] =	dma.local @!p0 [hbm:s6], $0xF7A  }
0x23: {  	s9 =	sor.u32 $0xD0000000, s2;
	s6 =	simm.s32 $0x108;
	_ =	swait.ge @!p0 [sflag:s8], $0x0  }
0x24: {  	s3 =	sadd.s32 $0x88, s3;
	s6 =	simm.s32 @!p1 $0x1082;
	[sflag:s4] =	ssyncset.s32 $0xFFFFF086  }
0x25: {  	[simem:s6], [sflag:s4] =	dma.local [hbm:s3], $0xF7A  }
0x26: {  	[smem:$0x3F9D] =	sst s1;
	(tag) =	ssettag s2;
	_ =	strace s9  }
0x27: {  	s1 =	sld [smem:$0x3FAD]  }
0x28: {  	s2 =	sld [smem:$0x3FAE]  }
0x29: {  	s4 =	sld [smem:$0x3FB0]  }
0x2a: {  	p0 =	seq.s32 s5, $0x0;
	s5 =	sld [smem:$0x3FB1]  }
0x2b: {  	s6 =	sld [smem:$0x3FB2]  }
0x2c: {  	s7 =	sld [smem:$0x3FB3]  }
0x2d: {  	s3 =	simm.s32 $0x108;
	s8 =	sld [smem:$0x3FB4]  }
0x2e: {  	s3 =	simm.s32 @!p0 $0x1082;
	s9 =	sld [smem:$0x3FB5]  }
0x2f: {  	lr =	sadd.s32 s0, s3;
	s0 =	sld [smem:$0x3FAC]  }
0x30: {  	s3 =	sld [smem:$0x3FAF]  }
0x31: {  	[smem:$0x3FB8] =	sst s10  }
0x32: {  	s10 =	sld [smem:$0x3FB6];
	_ =	sdelay $0x3  }
0x33: {  	p0 =	seq.s32 s10, $0x1;
	s10 =	sld [smem:$0x3FB8];
	_ =	sdelay $0x3  }
0x34: {  	[smem:$0x3FB8] =	sst s10  }
0x35: {  	s10 =	sld [smem:$0x3FB7];
	_ =	sdelay $0x3  }
0x36: {  	p1 =	seq.s32 s10, $0x1;
	s10 =	sld [smem:$0x3FB8];
	_ =	sdelay $0x3  }
0x37: {  	[smem:$0x3FB8] =	sst s10  }
0x38: {  	s10 =	sld [smem:$0x3FB9]  }
0x39: {  	_ = 	snop;
	(pc) =	sbr.ind lr, $3  }
0x3a: {  	_ = 	snop  }
0x3b: {  	_ = 	snop  }
0x3c: {  	p2 =	seq.s32 s10, $0x1;
	s10 =	sld [smem:$0x3FB8]  }
0x3d: {  	_ =	shalt  }
0x3e: {  	_ =	shalt  }
0x3f: {  	_ =	shalt  }
0x40: {  	_ =	shalt  }
0x41: {  	_ =	shalt  }
0x42: {  	_ =	shalt  }
0x43: {  	_ =	shalt  }
0x44: {  	_ =	shalt  }
0x45: {  	_ =	shalt  }
0x46: {  	_ =	shalt  }
0x47: {  	_ =	shalt  }
0x48: {  	_ =	shalt  }
0x49: {  	_ =	shalt  }
0x4a: {  	_ =	shalt  }
0x4b: {  	_ =	shalt  }
0x4c: {  	_ =	shalt  }
0x4d: {  	_ =	shalt  }
0x4e: {  	_ =	shalt  }
0x4f: {  	_ =	shalt  }
0x50: {  	_ =	shalt  }
0x51: {  	_ =	shalt  }
0x52: {  	_ =	shalt  }
0x53: {  	_ =	shalt  }
0x54: {  	_ =	shalt  }
0x55: {  	_ =	shalt  }
0x56: {  	_ =	shalt  }
0x57: {  	_ =	shalt  }
0x58: {  	_ =	shalt  }
0x59: {  	_ =	shalt  }
0x5a: {  	_ =	shalt  }
0x5b: {  	_ =	shalt  }
0x5c: {  	_ =	shalt  }
0x5d: {  	_ =	shalt  }
0x5e: {  	_ =	shalt  }
0x5f: {  	_ =	shalt  }
0x60: {  	_ =	shalt  }
0x61: {  	_ =	shalt  }
0x62: {  	_ =	shalt  }
0x63: {  	_ =	shalt  }
0x64: {  	_ =	shalt  }
0x65: {  	_ =	shalt  }
0x66: {  	_ =	shalt  }
0x67: {  	_ =	shalt  }
0x68: {  	_ =	shalt  }
0x69: {  	_ =	shalt  }
0x6a: {  	_ =	shalt  }
0x6b: {  	_ =	shalt  }
0x6c: {  	_ =	shalt  }
0x6d: {  	_ =	shalt  }
0x6e: {  	_ =	shalt  }
0x6f: {  	_ =	shalt  }
0x70: {  	_ =	shalt  }
0x71: {  	_ =	shalt  }
0x72: {  	_ =	shalt  }
0x73: {  	_ =	shalt  }
0x74: {  	_ =	shalt  }
0x75: {  	_ =	shalt  }
0x76: {  	_ =	shalt  }
0x77: {  	_ =	shalt  }
0x78: {  	_ =	shalt  }
0x79: {  	_ =	shalt  }
0x7a: {  	_ =	shalt  }
0x7b: {  	_ =	shalt  }
0x7c: {  	_ =	shalt  }
0x7d: {  	_ =	shalt  }
0x7e: {  	_ =	shalt  }
0x7f: {  	_ =	shalt  }
0x80: {  	_ =	shalt  }
0x81: {  	_ =	shalt  }
0x82: {  	_ =	shalt  }
0x83: {  	_ =	shalt  }
0x84: {  	_ =	shalt  }
0x85: {  	_ =	shalt  }
0x86: {  	_ =	shalt  }
0x87: {  	_ =	shalt  }
.Lfunc_end0:
.L_simem_size_0:
called_computation_lowered:
.L_overlay_start_0:
0x88: {  	s2 =	sld [smem:$0x3FD9]  }
0x89: {  	s3 =	sld [smem:$0x3FFE];
	_ =	sdelay $0x1  }
0x8a: {  	s1 =	srdreg.scid  }
0x8b: {  	s0 =	sand.u32 $0x1, s1  }
0x8c: {  	s18 =	sshll.u32 s0, $0xA;
	s2 =	sadd.s32 s3, s2  }
0x8d: {  	s2 =	sadd.s32 s2, s18  }
0x8e: {  	[smem:$0x3FC4] =	sst s2  }
0x8f: {  	_ = 	snop  }
0x90: {  	s2 =	sld [smem:$0x3FC9]  }
0x91: {  	s19 =	sld [smem:$0x3FC8]  }
0x92: {  	s4 =	sld [smem:$0x3FC7]  }
0x93: {  	s5 =	sld [smem:$0x3FC6]  }
0x94: {  	s6 =	sld [smem:$0x3FD0];
	(tm) =	ssettm $0x1  }
0x95: {  	s7 =	sld [smem:$0x3FFB];
	_ =	sdelay $0x3  }
0x96: {  	_ =	strace s7  }
0x97: {  	s7 =	sld [smem:$0x3FFC];
	_ =	sdelay $0x3  }
0x98: {  	_ =	strace s7  }
0x99: {  	s7 =	sld [smem:$0x3FFD];
	_ =	sdelay $0x3  }
0x9a: {  	_ =	strace s7  }
0x9b: {  	_ =	strace $0x8FFFFFFF  }
0x9c: {  	s20 =	sld [smem:$0x3FDB];
	_ =	sdelay $0x1  }
0x9d: {  	s8 =	simm.s32 $_scs_section_size  }
0x9e: {  	s9 =	simm.s32 $_size__tile_overlayer_lowered;
	s10 =	simm.s32 $_tile_overlayer_lowered  }
0x9f: {  	s23 =	simm.s32 $0x1BFF;
	s22 =	sshll.u32 s10, $0x1;
	s7 =	sadd.s32 s8, s20  }
0xa0: {  	s11 =	simm.s32 $0x0;
	s21 =	sshll.u32 s9, $0x1;
	s9 =	sadd.s32 s22, s7  }
0xa1: {  	[timem:s11], [sflag:s23] =	dma.local [hbm:s9], s21  }
0xa2: {  	_ =	swait.ge [sflag:s23], s21  }
0xa3: {  	s8 =	ssub.s32 $0x0, s21;
	[sflag:s23] =	ssyncset.done $0x0  }
0xa4: {  	[sflag:s23] =	ssyncadd.s32 s8;
	_ =	sdelay $0x1  }
0xa5: {  	s24 =	simm.s32 $0x1B8B  }
0xa6: {  	_ =	swait.ge [sflag:s24], $0x1  }
0xa7: {  	[sflag:s24] =	ssyncset.done $0x0  }
0xa8: {  	s25 =	simm.s32 $0x1B8E;
	[sflag:s24] =	ssyncadd.s32 $0xFFFFFFFF  }
0xa9: {  	s26 =	simm.s32 $execute0_lowered;
	[smem:$0x3FD2] =	sst s25  }
0xaa: {  	s8 =	sshll.u32 s26, $0x1;
	_ =	strace $0x80000046;
	[dreg:$0x1] =	wrdreg $0xFFFFFFFF  }
0xab: {  	s28 =	simm.s32 $_size_execute0_lowered;
	s7 =	sadd.s32 s7, s8;
	[dreg:$0x0] =	wrdreg $0x0  }
0xac: {  	s8 =	sshll.u32 s28, $0x1;
	[dreg:$0x2] =	wrdreg s7  }
0xad: {  	[dreg:$0x3] =	wrdreg s8  }
0xae: {  	[dreg:$0x4] =	wrdreg $0xC0  }
0xaf: {  	_ =	task [dreg:s11], $0x5FFFF  }
0xb0: {  	[dreg:$0x1] =	wrdreg $0xFFFFFFFF  }
0xb1: {  	[dreg:$0x0] =	wrdreg $0x60  }
0xb2: {  	[dreg:$0x2] =	wrdreg s2  }
0xb3: {  	[dreg:$0x3] =	wrdreg s19  }
0xb4: {  	[dreg:$0x4] =	wrdreg s4  }
0xb5: {  	[dreg:$0x5] =	wrdreg s5  }
0xb6: {  	[dreg:$0x6] =	wrdreg s6  }
0xb7: {  	[dreg:$0x7] =	wrdreg $0x9  }
0xb8: {  	_ =	task.clear_ibuf [dreg:s11], $0x8FFFF;
	_ =	strace $0x90000046  }
0xb9: {  	s29 =	simm.s32 $0x9;
	_ =	strace $0x80000048  }
0xba: {  	_ =	swait.ge [sflag:s29], $0x1  }
0xbb: {  	[sflag:s29] =	ssyncadd.s32 $0xFFFFFFFF  }
0xbc: {  	_ =	strace $0x90000048  }
0xbd: {  	_ =	sfence  }
0xbe: {  	s30 =	sld [smem:$0x0];
	_ =	sdelay $0x2  }
0xbf: {  	s31 =	sshll.u32 s1, $0xD;
	s1 =	sshrl.u32 s1, $0x2  }
0xc0: {  	s3 =	sand.u32 $0x4000, s31;
	s1 =	sadd.s32 s1, s30  }
0xc1: {  	s0 =	sor.u32 s3, s0;
	s1 =	sshll.u32 s1, $0x11  }
0xc2: {  	s0 =	sor.u32 s1, s0  }
0xc3: {  	s0 =	sadd.s32 $0x8F2B, s0  }
0xc4: {  	[sflag:s0] =	ssyncadd.remote.s32 $0x1  }
0xc5: {  	_ =	sfence.sel $0xFFFF  }
0xc6: {  	[dreg:$0x0] =	wrdreg $0xFFFFFFFF;
	(pc) =	sbr.abs _section_cstart, $3  }
0xc7: {  	[dreg:$0x1] =	wrdreg $0xFFFFFFFF  }
0xc8: {  	_ =	task.clear_ibuf [dreg:s11], $0x2FFFF;
	_ =	strace $0x9FFFFFFF  }
0xc9: {  	(tm) =	ssettm $0x7FFFFFFF  }
tec
execute0_lowered:
.L_overlay_start_1:
0x0: {  	(tag) =	ssettag $0x1  }
0x1: {  	s0 =	rddreg [dreg:$0x0]  }
0x2: {  	s3 =	rddreg [dreg:$0x1]  }
0x3: {  	s1 =	rddreg [dreg:$0x2]  }
0x4: {  	s2 =	rddreg [dreg:$0x3]  }
0x5: {  	s4 =	rddreg [dreg:$0x4]  }
0x6: {  	s9 =	simm.s32 $0x0;
	s5 =	srdreg.scid;
	s7 =	stileid.u32  }
0x7: {  	s17 =	simm.s32 $0xA400;
	s14 =	simm.s32 $0xB400;
	s10 =	simm.s32 $0xD400  }
0x8: {  	s11 =	simm.s32 $0x6400;
	s12 =	simm.s32 $0xE400;
	s13 =	simm.s32 $0x7400  }
0x9: {  	s29 =	simm.s32 $0x10400;
	s30 =	simm.s32 $0xE;
	s5 =	sand.u32 $0x1, s5  }
0xa: {  	s28 =	simm.s32 $0x8;
	[smem:$0x7FF] =	sst s9;
	s6 =	ssub.s32 $0x2, s5  }
0xb: {  	s7 =	sshll.u32 s7, $0x7;
	s5 =	sshll.u32 s5, $0x6;
	s8 =	sshrl.u32 s6, $0x1  }
0xc: {  	_ =	strace $0x80000047;
	s5 =	sor.u32 s5, s7;
	s6 =	ssub.s32 s6, s8  }
0xd: {  	s7 =	sadd.s32 s0, s5;
	s19 =	sor.u32 $0x10, s5;
	s20 =	sadd.s32 s3, s5  }
0xe: {  	s22 =	sor.u32 $0x20, s5;
	s24 =	sor.u32 $0x30, s5;
	[dreg:$0x6] =	wrdreg s7  }
0xf: {  	s26 =	sadd.s32 s4, s5;
	s4 =	simm.s32 $0x3400;
	[dreg:$0x7] =	wrdreg s20  }
0x10: {  	s5 =	simm.s32 $0x0;
	s21 =	sadd.s32 s0, s19;
	[dreg:$0xe] =	wrdreg s26  }
0x11: {  	s7 =	sadd.s32 s3, s19;
	s23 =	sadd.s32 s0, s22;
	[dreg:$0x8] =	wrdreg s21  }
0x12: {  	s8 =	sadd.s32 s3, s22;
	s0 =	sadd.s32 s0, s24;
	[dreg:$0x9] =	wrdreg s7  }
0x13: {  	s25 =	sadd.s32 s3, s24;
	s31 =	smax.u32 s6, $0x1;
	[dreg:$0xa] =	wrdreg s23  }
0x14: {  	s3 =	simm.s32 $0x11;
	s22 =	simm.s32 $0x7A1400;
	[dreg:$0xb] =	wrdreg s8  }
0x15: {  	v2 =	vlaneseq.u32;
	s6 =	simm.s32 $0x4400;
	s24 =	simm.s32 $0xF400;
	[dreg:$0xc] =	wrdreg s0  }
0x16: {  	v0 =	vmul.u32 $0x80, v2;
	s19 =	simm.s32 $0x5400;
	s20 =	simm.s32 $0xD400;
	[dreg:$0xd] =	wrdreg s25  }
0x17: {  	v2 =	vmul.u32 $0x10, v2;
	s26 =	simm.s32 $0x10;
	[dreg:$0xf] =	wrdreg s31;
	s23 =	simm.s32 $0x400  }
0x18: {  	v1 =	vor.u32 $0x800, v0;
	s7 =	simm.s32 $0xC400;
	s8 =	simm.s32 $0x5400;
	s21 =	simm.s32 $0x4  }
.LBB2_1:
0x19: {  	[dreg:$0x10] =	wrdreg s5  }
0x1a: {  	s0 =	rddreg [dreg:$0x6]  }
0x1b: {  	[tilespmem:s9], [sflag:$0x11] =	stream.linear.gather [hbm4b:s0+s9], $0x80, $0x38;
	[tilespmem:$0x12600] =	vst v63  }
0x1c: {  	_ =	swait.ge [sflag:s3], $0x80  }
0x1d: {  	[sflag:s3] =	ssyncset.done $0x0  }
0x1e: {  	s15 =	simm.s32 $0x200;
	s16 =	rddreg [dreg:$0x7];
	[sflag:s3] =	ssyncadd.s32 $0xFFFFFF80  }
0x1f: {  	[tilespmem:s15], [sflag:$0x11] =	stream.linear.gather [hbm4b:s16+s9], $0x80, $0x38;
	[tilespmem:$0x12600] =	vst v63  }
0x20: {  	_ =	swait.ge [sflag:s3], $0x80  }
0x21: {  	[sflag:s3] =	ssyncset.done $0x0  }
0x22: {  	s25 =	simm.s32 $0x80;
	s18 =	rddreg [dreg:$0x8];
	[sflag:s3] =	ssyncadd.s32 $0xFFFFFF80  }
0x23: {  	[tilespmem:s25], [sflag:$0x11] =	stream.linear.gather [hbm4b:s18+s9], $0x80, $0x38;
	[tilespmem:$0x12600] =	vst v63  }
0x24: {  	_ =	swait.ge [sflag:s3], $0x80  }
0x25: {  	[sflag:s3] =	ssyncset.done $0x0  }
0x26: {  	s16 =	simm.s32 $0x280;
	s5 =	rddreg [dreg:$0x9];
	[sflag:s3] =	ssyncadd.s32 $0xFFFFFF80  }
0x27: {  	[tilespmem:s16], [sflag:$0x11] =	stream.linear.gather [hbm4b:s5+s9], $0x80, $0x38;
	[tilespmem:$0x12600] =	vst v63  }
0x28: {  	_ =	swait.ge [sflag:s3], $0x80  }
0x29: {  	[sflag:s3] =	ssyncset.done $0x0  }
0x2a: {  	s25 =	simm.s32 $0x100;
	s18 =	rddreg [dreg:$0xa];
	[sflag:s3] =	ssyncadd.s32 $0xFFFFFF80  }
0x2b: {  	[tilespmem:s25], [sflag:$0x11] =	stream.linear.gather [hbm4b:s18+s9], $0x80, $0x38;
	[tilespmem:$0x12600] =	vst v63  }
0x2c: {  	_ =	swait.ge [sflag:s3], $0x80  }
0x2d: {  	[sflag:s3] =	ssyncset.done $0x0  }
0x2e: {  	s16 =	simm.s32 $0x300;
	s5 =	rddreg [dreg:$0xb];
	[sflag:s3] =	ssyncadd.s32 $0xFFFFFF80  }
0x2f: {  	[tilespmem:s16], [sflag:$0x11] =	stream.linear.gather [hbm4b:s5+s9], $0x80, $0x38;
	[tilespmem:$0x12600] =	vst v63  }
0x30: {  	_ =	swait.ge [sflag:s3], $0x80  }
0x31: {  	[sflag:s3] =	ssyncset.done $0x0  }
0x32: {  	s25 =	simm.s32 $0x180;
	s18 =	rddreg [dreg:$0xc];
	[sflag:s3] =	ssyncadd.s32 $0xFFFFFF80  }
0x33: {  	[tilespmem:s25], [sflag:$0x11] =	stream.linear.gather [hbm4b:s18+s9], $0x80, $0x38;
	[tilespmem:$0x12600] =	vst v63  }
0x34: {  	_ =	swait.ge [sflag:s3], $0x80  }
0x35: {  	[sflag:s3] =	ssyncset.done $0x0  }
0x36: {  	s18 =	simm.s32 $0x380;
	s16 =	rddreg [dreg:$0xd];
	[sflag:s3] =	ssyncadd.s32 $0xFFFFFF80  }
0x37: {  	[tilespmem:s18], [sflag:$0x11] =	stream.linear.gather [hbm4b:s16+s9], $0x80, $0x38;
	[tilespmem:$0x12600] =	vst v63  }
0x38: {  	_ =	swait.ge [sflag:s3], $0x80  }
0x39: {  	[sflag:s3] =	ssyncset.done $0x0  }
0x3a: {  	[sflag:s3] =	ssyncadd.s32 $0xFFFFFF80  }
0x3b: {  	v3 =	vld [tilespmem:$0x0]  }
0x3c: {  	v4 =	vld [tilespmem:$0x200];
	_ =	sdelay $0x3  }
0x3d: {  	(v2sf) =	vpush v3, $0x0  }
0x3e: {  	(v2sf) =	vpush v4, $0x0;
	_ =	sdelay $0x5  }
0x3f: {  	(v2sf) =	vpush v3, $0x1;
	_ =	sdelay $0x2  }
0x40: {  	(v2sf) =	vpush v4, $0x1;
	_ =	sdelay $0x4  }
0x41: {  	s25 =	spop (v2sf);
	(v2sf) =	vpush v3, $0x2  }
0x42: {  	s3 =	spop (v2sf);
	(v2sf) =	vpush v4, $0x2;
	_ =	sdelay $0x1  }
0x43: {  	s0 =	sand.u32 $0xFFFFF80, s25  }
0x44: {  	s0 =	sadd.s32 s1, s0  }
0x45: {  	[tilespmem:s23], [sflag:$0x1] =	stream.strided.gather [hbm4b:s0+s23], $0x1000, s22, s23, $0x38;
	[tilespmem:$0x12600] =	vst v63  }
0x46: {  	s0 =	sand.u32 $0xFFFFF80, s3  }
0x47: {  	s5 =	simm.s32 $0x8400;
	s9 =	spop (v2sf);
	s0 =	sadd.s32 s2, s0  }
0x48: {  	(v2sf) =	vpush v3, $0x3;
	[tilespmem:s5], [sflag:$0x9] =	stream.strided.gather [hbm4b:s0+s23], $0x1000, s22, s23, $0x38;
	[tilespmem:$0x12600] =	vst v63  }
0x49: {  	s0 =	sand.u32 $0xFFFFF80, s9  }
0x4a: {  	s16 =	simm.s32 $0x1400;
	s18 =	spop (v2sf);
	(v2sf) =	vpush v4, $0x3;
	s0 =	sadd.s32 s1, s0  }
0x4b: {  	[tilespmem:s16], [sflag:$0x2] =	stream.strided.gather [hbm4b:s0+s23], $0x1000, s22, s23, $0x38;
	[tilespmem:$0x12600] =	vst v63  }
0x4c: {  	s0 =	sand.u32 $0xFFFFF80, s18  }
0x4d: {  	s25 =	simm.s32 $0x9400;
	s0 =	sadd.s32 s2, s0  }
0x4e: {  	[tilespmem:s25], [sflag:$0xA] =	stream.strided.gather [hbm4b:s0+s23], $0x1000, s22, s23, $0x38;
	[tilespmem:$0x12600] =	vst v63  }
0x4f: {  	s5 =	spop (v2sf);
	(v2sf) =	vpush v3, $0x4  }
0x50: {  	s16 =	spop (v2sf);
	(v2sf) =	vpush v4, $0x4  }
0x51: {  	s0 =	sand.u32 $0xFFFFF80, s5  }
0x52: {  	s9 =	simm.s32 $0x2400;
	s0 =	sadd.s32 s1, s0  }
0x53: {  	(v2sf) =	vpush v3, $0x5;
	[tilespmem:s9], [sflag:$0x3] =	stream.strided.gather [hbm4b:s0+s23], $0x1000, s22, s23, $0x38;
	[tilespmem:$0x12600] =	vst v63  }
0x54: {  	s0 =	sand.u32 $0xFFFFF80, s16  }
0x55: {  	s0 =	sadd.s32 s2, s0  }
0x56: {  	[tilespmem:s17], [sflag:$0xB] =	stream.strided.gather [hbm4b:s0+s23], $0x1000, s22, s23, $0x38;
	[tilespmem:$0x12600] =	vst v63  }
0x57: {  	s17 =	spop (v2sf);
	(v2sf) =	vpush v4, $0x5  }
0x58: {  	s0 =	sand.u32 $0xFFFFF80, s17  }
0x59: {  	s18 =	spop (v2sf);
	(v2sf) =	vpush v3, $0x6;
	s0 =	sadd.s32 s1, s0  }
0x5a: {  	[tilespmem:s4], [sflag:$0x4] =	stream.strided.gather [hbm4b:s0+s23], $0x1000, s22, s23, $0x38;
	[tilespmem:$0x12600] =	vst v63  }
0x5b: {  	s0 =	sand.u32 $0xFFFFF80, s18  }
0x5c: {  	s0 =	sadd.s32 s2, s0  }
0x5d: {  	[tilespmem:s14], [sflag:$0xC] =	stream.strided.gather [hbm4b:s0+s23], $0x1000, s22, s23, $0x38;
	[tilespmem:$0x12600] =	vst v63  }
0x5e: {  	s25 =	spop (v2sf);
	(v2sf) =	vpush v4, $0x6  }
0x5f: {  	s0 =	sand.u32 $0xFFFFF80, s25;
	s3 =	spop (v2sf);
	(v2sf) =	vpush v3, $0x7  }
0x60: {  	s0 =	sadd.s32 s1, s0  }
0x61: {  	[tilespmem:s6], [sflag:$0x5] =	stream.strided.gather [hbm4b:s0+s23], $0x1000, s22, s23, $0x38;
	[tilespmem:$0x12600] =	vst v63  }
0x62: {  	s5 =	spop (v2sf);
	(v2sf) =	vpush v4, $0x7;
	s0 =	sand.u32 $0xFFFFF80, s3  }
0x63: {  	s0 =	sadd.s32 s2, s0  }
0x64: {  	[tilespmem:s7], [sflag:$0xD] =	stream.strided.gather [hbm4b:s0+s23], $0x1000, s22, s23, $0x38;
	[tilespmem:$0x12600] =	vst v63  }
0x65: {  	s0 =	sand.u32 $0xFFFFF80, s5  }
0x66: {  	s6 =	spop (v2sf);
	s0 =	sadd.s32 s1, s0  }
0x67: {  	[tilespmem:s8], [sflag:$0x6] =	stream.strided.gather [hbm4b:s0+s23], $0x1000, s22, s23, $0x38;
	[tilespmem:$0x12600] =	vst v63  }
0x68: {  	s7 =	sand.u32 $0xFFFFF80, s6;
	s8 =	spop (v2sf)  }
0x69: {  	s0 =	sadd.s32 s2, s7;
	s9 =	sand.u32 $0xFFFFF80, s8  }
0x6a: {  	[tilespmem:s10], [sflag:$0xE] =	stream.strided.gather [hbm4b:s0+s23], $0x1000, s22, s23, $0x38;
	[tilespmem:$0x12600] =	vst v63  }
0x6b: {  	s0 =	sadd.s32 s1, s9  }
0x6c: {  	[tilespmem:s11], [sflag:$0x7] =	stream.strided.gather [hbm4b:s0+s23], $0x1000, s22, s23, $0x38;
	[tilespmem:$0x12600] =	vst v63  }
0x6d: {  	s10 =	spop (v2sf)  }
0x6e: {  	s16 =	sand.u32 $0xFFFFF80, s10;
	s17 =	spop (v2sf)  }
0x6f: {  	s0 =	sadd.s32 s2, s16;
	s18 =	sand.u32 $0xFFFFF80, s17  }
0x70: {  	[tilespmem:s12], [sflag:$0xF] =	stream.strided.gather [hbm4b:s0+s23], $0x1000, s22, s23, $0x38;
	[tilespmem:$0x12600] =	vst v63  }
0x71: {  	s25 =	spop (v2sf);
	s0 =	sadd.s32 s1, s18  }
0x72: {  	[tilespmem:s13], [sflag:$0x8] =	stream.strided.gather [hbm4b:s0+s23], $0x1000, s22, s23, $0x38;
	[tilespmem:$0x12600] =	vst v63  }
0x73: {  	s0 =	sand.u32 $0xFFFFF80, s25  }
0x74: {  	s31 =	simm.s32 $0x10480;
	s0 =	sadd.s32 s2, s0  }
0x75: {  	[tilespmem:s24], [sflag:$0x10] =	stream.strided.gather [hbm4b:s0+s23], $0x1000, s22, s23, $0x38;
	[tilespmem:$0x12600] =	vst v63  }
0x76: {  	s11 =	simm.s32 $0xF;
	s25 =	simm.s32 $0x0;
	s0 =	simm.s32 $0x1  }
.LBB2_2:
0x77: {  	v6 =	vld [tilespmem:s25+$0x0];
	s5 =	smin.u32 s0, $0x1F  }
0x78: {  	v5 =	vld [tilespmem:s15+$0x0];
	s5 =	sshll.u32 s5, $0x4  }
0x79: {  	[dreg:$0x11] =	wrdreg s15;
	s17 =	simm.s32 $0x1;
	v4 =	vld [tilespmem:s5+$0x0]  }
0x7a: {  	v3 =	vld [tilespmem:s5+$0x200];
	_ =	swait.ge [sflag:s17], $0x1000  }
0x7b: {  	[sflag:s17] =	ssyncset.done $0x0  }
0x7c: {  	s7 =	simm.s32 $0x9;
	[sflag:s17] =	ssyncadd.s32 $0xFFFFF000  }
0x7d: {  	_ =	swait.ge [sflag:s7], $0x1000  }
0x7e: {  	(v2sf) =	vpush v6, $0x0;
	_ =	sdelay $0x1  }
0x7f: {  	(v2sf) =	vpush v5, $0x0;
	_ =	sdelay $0xc  }
0x80: {  	s10 =	spop (v2sf)  }
0x81: {  	s5 =	sand.u32 $0x7F, s10  }
0x82: {  	(v2sf) =	vpush v6, $0x8;
	s6 =	spop (v2sf);
	v7 =	vor.u32 s5, v0  }
0x83: {  	(v2sf) =	vpush v5, $0x8;
	s6 =	sand.u32 $0x7F, s6;
	v8 =	vor.u32 s5, v1  }
0x84: {  	v9 =	vor.u32 s6, v0  }
0x85: {  	[sflag:s7] =	ssyncset.done $0x0;
	v10 =	vor.u32 s6, v1  }
0x86: {  	[sflag:s7] =	ssyncadd.s32 $0xFFFFF000  }
0x87: {  	v7 =	vld.idx.msk [tilespmem:v7+s23+$0x0], $0xffff  }
0x88: {  	s12 =	simm.s32 $0x8400;
	v8 =	vld.idx.msk [tilespmem:v8+s23+$0x0], $0xffff  }
0x89: {  	v9 =	vld.idx.msk [tilespmem:v9+s12+$0x0], $0xffff  }
0x8a: {  	v10 =	vld.idx.msk [tilespmem:v10+s12+$0x0], $0xffff;
	_ =	sdelay $0x4  }
0x8b: {  	v7 =	vmul.f32 v9, v7;
	v8 =	vmul.f32 v10, v8;
	_ =	sdelay $0x1  }
0x8c: {  	v7 =	vadd.f32 v8, v7;
	s3 =	spop (v2sf)  }
0x8d: {  	s13 =	sand.u32 $0xFFFFF80, s3;
	s18 =	spop (v2sf)  }
0x8e: {  	s15 =	simm.s32 $0x8400;
	[tilespmem:s31+$0xFFFFFF80] =	vst v7;
	s5 =	sadd.s32 s1, s13;
	s16 =	sand.u32 $0xFFFFF80, s18  }
0x8f: {  	[tilespmem:s23], [sflag:$0x1] =	stream.strided.gather [hbm4b:s5+s23], $0x1000, s22, s23, $0x38;
	[tilespmem:$0x12600] =	vst v63  }
0x90: {  	s24 =	simm.s32 $0x2;
	[dreg:$0x12] =	wrdreg s3;
	s5 =	sadd.s32 s2, s16  }
0x91: {  	[tilespmem:s15], [sflag:$0x9] =	stream.strided.gather [hbm4b:s5+s23], $0x1000, s22, s23, $0x38;
	[tilespmem:$0x12600] =	vst v63  }
0x92: {  	_ =	swait.ge [sflag:s24], $0x1000  }
0x93: {  	[sflag:s24] =	ssyncset.done $0x0  }
0x94: {  	s5 =	simm.s32 $0xA;
	[sflag:s24] =	ssyncadd.s32 $0xFFFFF000  }
0x95: {  	_ =	swait.ge [sflag:s5], $0x1000  }
0x96: {  	(v2sf) =	vpush v6, $0x1;
	_ =	sdelay $0x1  }
0x97: {  	(v2sf) =	vpush v5, $0x1;
	_ =	sdelay $0xc  }
0x98: {  	s6 =	spop (v2sf)  }
0x99: {  	s5 =	sand.u32 $0x7F, s6  }
0x9a: {  	(v2sf) =	vpush v6, $0x9;
	s7 =	spop (v2sf);
	v54 =	vor.u32 s5, v0  }
0x9b: {  	(v2sf) =	vpush v5, $0x9;
	s6 =	sand.u32 $0x7F, s7;
	v55 =	vor.u32 s5, v1  }
0x9c: {  	s8 =	simm.s32 $0xA;
	v56 =	vor.u32 s6, v0  }
0x9d: {  	[sflag:s8] =	ssyncset.done $0x0;
	v57 =	vor.u32 s6, v1  }
0x9e: {  	s9 =	simm.s32 $0x1400;
	[sflag:s8] =	ssyncadd.s32 $0xFFFFF000  }
0x9f: {  	v7 =	vld.idx.msk [tilespmem:v54+s9+$0x0], $0xffff  }
0xa0: {  	s10 =	simm.s32 $0x9400;
	v8 =	vld.idx.msk [tilespmem:v55+s9+$0x0], $0xffff  }
0xa1: {  	v9 =	vld.idx.msk [tilespmem:v56+s10+$0x0], $0xffff  }
0xa2: {  	v10 =	vld.idx.msk [tilespmem:v57+s10+$0x0], $0xffff;
	_ =	sdelay $0x4  }
0xa3: {  	v7 =	vmul.f32 v9, v7;
	v8 =	vmul.f32 v10, v8;
	_ =	sdelay $0x1  }
0xa4: {  	s12 =	simm.s32 $0x9400;
	v7 =	vadd.f32 v8, v7;
	s13 =	spop (v2sf)  }
0xa5: {  	s16 =	simm.s32 $0x1400;
	s15 =	sand.u32 $0xFFFFF80, s13;
	s24 =	spop (v2sf)  }
0xa6: {  	[dreg:$0x13] =	wrdreg s13;
	[tilespmem:s31+$0xFFFFFF90] =	vst v7;
	s5 =	sadd.s32 s1, s15;
	s6 =	sand.u32 $0xFFFFF80, s24  }
0xa7: {  	[tilespmem:s16], [sflag:$0x2] =	stream.strided.gather [hbm4b:s5+s23], $0x1000, s22, s23, $0x38;
	[tilespmem:$0x12600] =	vst v63  }
0xa8: {  	s7 =	simm.s32 $0x3;
	[dreg:$0x14] =	wrdreg s24;
	s5 =	sadd.s32 s2, s6  }
0xa9: {  	[tilespmem:s12], [sflag:$0xA] =	stream.strided.gather [hbm4b:s5+s23], $0x1000, s22, s23, $0x38;
	[tilespmem:$0x12600] =	vst v63  }
0xaa: {  	_ =	swait.ge [sflag:s7], $0x1000  }
0xab: {  	[sflag:s7] =	ssyncset.done $0x0  }
0xac: {  	s8 =	simm.s32 $0xB;
	[sflag:s7] =	ssyncadd.s32 $0xFFFFF000  }
0xad: {  	_ =	swait.ge [sflag:s8], $0x1000  }
0xae: {  	(v2sf) =	vpush v6, $0x2;
	_ =	sdelay $0x1  }
0xaf: {  	(v2sf) =	vpush v5, $0x2;
	_ =	sdelay $0xc  }
0xb0: {  	s9 =	spop (v2sf)  }
0xb1: {  	s5 =	sand.u32 $0x7F, s9  }
0xb2: {  	(v2sf) =	vpush v6, $0xA;
	s10 =	spop (v2sf);
	v58 =	vor.u32 s5, v0  }
0xb3: {  	(v2sf) =	vpush v5, $0xA;
	s6 =	sand.u32 $0x7F, s10;
	v59 =	vor.u32 s5, v1  }
0xb4: {  	v60 =	vor.u32 s6, v0  }
0xb5: {  	[sflag:s8] =	ssyncset.done $0x0;
	v61 =	vor.u32 s6, v1  }
0xb6: {  	s12 =	simm.s32 $0x2400;
	[sflag:s8] =	ssyncadd.s32 $0xFFFFF000  }
0xb7: {  	v7 =	vld.idx.msk [tilespmem:v58+s12+$0x0], $0xffff  }
0xb8: {  	s13 =	simm.s32 $0xA400;
	v8 =	vld.idx.msk [tilespmem:v59+s12+$0x0], $0xffff  }
0xb9: {  	v9 =	vld.idx.msk [tilespmem:v60+s13+$0x0], $0xffff  }
0xba: {  	v10 =	vld.idx.msk [tilespmem:v61+s13+$0x0], $0xffff;
	_ =	sdelay $0x4  }
0xbb: {  	v7 =	vmul.f32 v9, v7;
	v8 =	vmul.f32 v10, v8;
	_ =	sdelay $0x1  }
0xbc: {  	v7 =	vadd.f32 v8, v7;
	s15 =	spop (v2sf)  }
0xbd: {  	s16 =	simm.s32 $0x2400;
	s5 =	sand.u32 $0xFFFFF80, s15;
	s24 =	spop (v2sf)  }
0xbe: {  	[dreg:$0x15] =	wrdreg s15;
	[tilespmem:s31+$0xFFFFFFA0] =	vst v7;
	s5 =	sadd.s32 s1, s5;
	s7 =	sand.u32 $0xFFFFF80, s24  }
0xbf: {  	[tilespmem:s16], [sflag:$0x3] =	stream.strided.gather [hbm4b:s5+s23], $0x1000, s22, s23, $0x38;
	[tilespmem:$0x12600] =	vst v63  }
0xc0: {  	[dreg:$0x16] =	wrdreg s24;
	s5 =	sadd.s32 s2, s7  }
0xc1: {  	[tilespmem:s13], [sflag:$0xB] =	stream.strided.gather [hbm4b:s5+s23], $0x1000, s22, s23, $0x38;
	[tilespmem:$0x12600] =	vst v63  }
0xc2: {  	_ =	swait.ge [sflag:s21], $0x1000  }
0xc3: {  	[sflag:s21] =	ssyncset.done $0x0  }
0xc4: {  	s8 =	simm.s32 $0xC;
	[sflag:s21] =	ssyncadd.s32 $0xFFFFF000  }
0xc5: {  	_ =	swait.ge [sflag:s8], $0x1000  }
0xc6: {  	(v2sf) =	vpush v6, $0x3;
	_ =	sdelay $0x1  }
0xc7: {  	(v2sf) =	vpush v5, $0x3;
	_ =	sdelay $0xc  }
0xc8: {  	s9 =	spop (v2sf)  }
0xc9: {  	s5 =	sand.u32 $0x7F, s9  }
0xca: {  	(v2sf) =	vpush v6, $0xB;
	s10 =	spop (v2sf);
	v62 =	vor.u32 s5, v0  }
0xcb: {  	(v2sf) =	vpush v5, $0xB;
	s6 =	sand.u32 $0x7F, s10;
	v63 =	vor.u32 s5, v1  }
0xcc: {  	s12 =	simm.s32 $0xC;
	v12 =	vor.u32 s6, v0  }
0xcd: {  	[sflag:s12] =	ssyncset.done $0x0;
	v13 =	vor.u32 s6, v1  }
0xce: {  	[sflag:s12] =	ssyncadd.s32 $0xFFFFF000  }
0xcf: {  	v7 =	vld.idx.msk [tilespmem:v62+s4+$0x0], $0xffff  }
0xd0: {  	v8 =	vld.idx.msk [tilespmem:v63+s4+$0x0], $0xffff  }
0xd1: {  	v9 =	vld.idx.msk [tilespmem:v12+s14+$0x0], $0xffff  }
0xd2: {  	v10 =	vld.idx.msk [tilespmem:v13+s14+$0x0], $0xffff;
	_ =	sdelay $0x4  }
0xd3: {  	v7 =	vmul.f32 v9, v7;
	v8 =	vmul.f32 v10, v8;
	_ =	sdelay $0x1  }
0xd4: {  	v7 =	vadd.f32 v8, v7;
	s5 =	spop (v2sf)  }
0xd5: {  	s13 =	sand.u32 $0xFFFFF80, s5;
	s15 =	spop (v2sf)  }
0xd6: {  	s14 =	simm.s32 $0xB400;
	[tilespmem:s31+$0xFFFFFFB0] =	vst v7;
	s6 =	sadd.s32 s1, s13;
	s16 =	sand.u32 $0xFFFFF80, s15  }
0xd7: {  	[tilespmem:s4], [sflag:$0x4] =	stream.strided.gather [hbm4b:s6+s23], $0x1000, s22, s23, $0x38;
	[tilespmem:$0x12600] =	vst v63  }
0xd8: {  	[dreg:$0x17] =	wrdreg s15;
	s6 =	sadd.s32 s2, s16;
	s16 =	simm.s32 $0x5  }
0xd9: {  	[tilespmem:s14], [sflag:$0xC] =	stream.strided.gather [hbm4b:s6+s23], $0x1000, s22, s23, $0x38;
	[tilespmem:$0x12600] =	vst v63  }
0xda: {  	_ =	swait.ge [sflag:s16], $0x1000  }
0xdb: {  	[sflag:s16] =	ssyncset.done $0x0  }
0xdc: {  	s24 =	simm.s32 $0xD;
	[sflag:s16] =	ssyncadd.s32 $0xFFFFF000  }
0xdd: {  	_ =	swait.ge [sflag:s24], $0x1000  }
0xde: {  	(v2sf) =	vpush v6, $0x4;
	_ =	sdelay $0x1  }
0xdf: {  	(v2sf) =	vpush v5, $0x4;
	_ =	sdelay $0xc  }
0xe0: {  	s3 =	spop (v2sf)  }
0xe1: {  	s6 =	sand.u32 $0x7F, s3  }
0xe2: {  	(v2sf) =	vpush v6, $0xC;
	s4 =	spop (v2sf);
	v14 =	vor.u32 s6, v0  }
0xe3: {  	(v2sf) =	vpush v5, $0xC;
	s7 =	sand.u32 $0x7F, s4;
	v15 =	vor.u32 s6, v1  }
0xe4: {  	s8 =	simm.s32 $0xD;
	v16 =	vor.u32 s7, v0  }
0xe5: {  	[sflag:s8] =	ssyncset.done $0x0;
	v17 =	vor.u32 s7, v1  }
0xe6: {  	s9 =	simm.s32 $0x4400;
	[sflag:s8] =	ssyncadd.s32 $0xFFFFF000  }
0xe7: {  	v7 =	vld.idx.msk [tilespmem:v14+s9+$0x0], $0xffff  }
0xe8: {  	s12 =	simm.s32 $0xC400;
	v8 =	vld.idx.msk [tilespmem:v15+s9+$0x0], $0xffff  }
0xe9: {  	v9 =	vld.idx.msk [tilespmem:v16+s12+$0x0], $0xffff  }
0xea: {  	v10 =	vld.idx.msk [tilespmem:v17+s12+$0x0], $0xffff;
	_ =	sdelay $0x4  }
0xeb: {  	v7 =	vmul.f32 v9, v7;
	v8 =	vmul.f32 v10, v8;
	_ =	sdelay $0x1  }
0xec: {  	s10 =	simm.s32 $0x4400;
	v7 =	vadd.f32 v8, v7;
	s14 =	spop (v2sf)  }
0xed: {  	s13 =	simm.s32 $0xC400;
	s8 =	sand.u32 $0xFFFFF80, s14;
	s15 =	spop (v2sf)  }
0xee: {  	[dreg:$0x18] =	wrdreg s14;
	[tilespmem:s31+$0xFFFFFFC0] =	vst v7;
	s8 =	sadd.s32 s1, s8;
	s24 =	sand.u32 $0xFFFFF80, s15  }
0xef: {  	[tilespmem:s10], [sflag:$0x5] =	stream.strided.gather [hbm4b:s8+s23], $0x1000, s22, s23, $0x38;
	[tilespmem:$0x12600] =	vst v63  }
0xf0: {  	[dreg:$0x19] =	wrdreg s15;
	s15 =	simm.s32 $0x6;
	s8 =	sadd.s32 s2, s24  }
0xf1: {  	[tilespmem:s13], [sflag:$0xD] =	stream.strided.gather [hbm4b:s8+s23], $0x1000, s22, s23, $0x38;
	[tilespmem:$0x12600] =	vst v63  }
0xf2: {  	_ =	swait.ge [sflag:s15], $0x1000  }
0xf3: {  	[sflag:s15] =	ssyncset.done $0x0  }
0xf4: {  	[sflag:s15] =	ssyncadd.s32 $0xFFFFF000  }
0xf5: {  	_ =	swait.ge [sflag:s30], $0x1000  }
0xf6: {  	(v2sf) =	vpush v6, $0x5;
	_ =	sdelay $0x1  }
0xf7: {  	(v2sf) =	vpush v5, $0x5;
	_ =	sdelay $0xc  }
0xf8: {  	s4 =	spop (v2sf)  }
0xf9: {  	s8 =	sand.u32 $0x7F, s4  }
0xfa: {  	(v2sf) =	vpush v6, $0xD;
	s9 =	spop (v2sf);
	v18 =	vor.u32 s8, v0  }
0xfb: {  	(v2sf) =	vpush v5, $0xD;
	s9 =	sand.u32 $0x7F, s9;
	v19 =	vor.u32 s8, v1  }
0xfc: {  	v20 =	vor.u32 s9, v0  }
0xfd: {  	[sflag:s30] =	ssyncset.done $0x0;
	v21 =	vor.u32 s9, v1  }
0xfe: {  	[sflag:s30] =	ssyncadd.s32 $0xFFFFF000  }
0xff: {  	v7 =	vld.idx.msk [tilespmem:v18+s19+$0x0], $0xffff  }
0x100: {  	v8 =	vld.idx.msk [tilespmem:v19+s19+$0x0], $0xffff  }
0x101: {  	v9 =	vld.idx.msk [tilespmem:v20+s20+$0x0], $0xffff  }
0x102: {  	v10 =	vld.idx.msk [tilespmem:v21+s20+$0x0], $0xffff;
	_ =	sdelay $0x4  }
0x103: {  	v7 =	vmul.f32 v9, v7;
	v8 =	vmul.f32 v10, v8;
	_ =	sdelay $0x1  }
0x104: {  	v7 =	vadd.f32 v8, v7;
	s6 =	spop (v2sf)  }
0x105: {  	s10 =	sand.u32 $0xFFFFF80, s6;
	s7 =	spop (v2sf)  }
0x106: {  	[dreg:$0x1a] =	wrdreg s6;
	[tilespmem:s31+$0xFFFFFFD0] =	vst v7;
	s10 =	sadd.s32 s1, s10;
	s8 =	sand.u32 $0xFFFFF80, s7  }
0x107: {  	[tilespmem:s19], [sflag:$0x6] =	stream.strided.gather [hbm4b:s10+s23], $0x1000, s22, s23, $0x38;
	[tilespmem:$0x12600] =	vst v63  }
0x108: {  	s24 =	simm.s32 $0x7;
	[dreg:$0x1b] =	wrdreg s7;
	s10 =	sadd.s32 s2, s8  }
0x109: {  	[tilespmem:s20], [sflag:$0xE] =	stream.strided.gather [hbm4b:s10+s23], $0x1000, s22, s23, $0x38;
	[tilespmem:$0x12600] =	vst v63  }
0x10a: {  	_ =	swait.ge [sflag:s24], $0x1000  }
0x10b: {  	[sflag:s24] =	ssyncset.done $0x0  }
0x10c: {  	[sflag:s24] =	ssyncadd.s32 $0xFFFFF000  }
0x10d: {  	_ =	swait.ge [sflag:s11], $0x1000  }
0x10e: {  	(v2sf) =	vpush v6, $0x6;
	_ =	sdelay $0x1  }
0x10f: {  	(v2sf) =	vpush v5, $0x6;
	_ =	sdelay $0xc  }
0x110: {  	s9 =	spop (v2sf)  }
0x111: {  	s10 =	sand.u32 $0x7F, s9  }
0x112: {  	(v2sf) =	vpush v6, $0xE;
	s11 =	spop (v2sf);
	v22 =	vor.u32 s10, v0  }
0x113: {  	(v2sf) =	vpush v5, $0xE;
	s11 =	sand.u32 $0x7F, s11;
	v23 =	vor.u32 s10, v1  }
0x114: {  	s10 =	simm.s32 $0xF;
	v24 =	vor.u32 s11, v0  }
0x115: {  	s12 =	simm.s32 $0xF;
	[sflag:s10] =	ssyncset.done $0x0;
	v25 =	vor.u32 s11, v1  }
0x116: {  	s8 =	simm.s32 $0x6400;
	[sflag:s12] =	ssyncadd.s32 $0xFFFFF000  }
0x117: {  	v7 =	vld.idx.msk [tilespmem:v22+s8+$0x0], $0xffff  }
0x118: {  	s9 =	simm.s32 $0xE400;
	v8 =	vld.idx.msk [tilespmem:v23+s8+$0x0], $0xffff  }
0x119: {  	v9 =	vld.idx.msk [tilespmem:v24+s9+$0x0], $0xffff  }
0x11a: {  	v10 =	vld.idx.msk [tilespmem:v25+s9+$0x0], $0xffff;
	_ =	sdelay $0x4  }
0x11b: {  	v7 =	vmul.f32 v9, v7;
	v8 =	vmul.f32 v10, v8;
	_ =	sdelay $0x1  }
0x11c: {  	v7 =	vadd.f32 v8, v7;
	s11 =	spop (v2sf)  }
0x11d: {  	s12 =	sand.u32 $0xFFFFF80, s11;
	s10 =	spop (v2sf)  }
0x11e: {  	[tilespmem:s31+$0xFFFFFFE0] =	vst v7;
	s12 =	sadd.s32 s1, s12;
	s13 =	sand.u32 $0xFFFFF80, s10  }
0x11f: {  	[tilespmem:s8], [sflag:$0x7] =	stream.strided.gather [hbm4b:s12+s23], $0x1000, s22, s23, $0x38;
	[tilespmem:$0x12600] =	vst v63  }
0x120: {  	s12 =	sadd.s32 s2, s13  }
0x121: {  	[tilespmem:s9], [sflag:$0xF] =	stream.strided.gather [hbm4b:s12+s23], $0x1000, s22, s23, $0x38;
	[tilespmem:$0x12600] =	vst v63  }
0x122: {  	_ =	swait.ge [sflag:s28], $0x1000  }
0x123: {  	[sflag:s28] =	ssyncset.done $0x0  }
0x124: {  	[sflag:s28] =	ssyncadd.s32 $0xFFFFF000  }
0x125: {  	_ =	swait.ge [sflag:s26], $0x1000  }
0x126: {  	(v2sf) =	vpush v6, $0x7;
	_ =	sdelay $0x1  }
0x127: {  	(v2sf) =	vpush v5, $0x7;
	_ =	sdelay $0xc  }
0x128: {  	s14 =	spop (v2sf)  }
0x129: {  	s12 =	sand.u32 $0x7F, s14  }
0x12a: {  	(v2sf) =	vpush v6, $0xF;
	s13 =	spop (v2sf);
	v26 =	vor.u32 s12, v0  }
0x12b: {  	(v2sf) =	vpush v5, $0xF;
	s13 =	sand.u32 $0x7F, s13;
	v27 =	vor.u32 s12, v1  }
0x12c: {  	v28 =	vor.u32 s13, v0  }
0x12d: {  	[sflag:s26] =	ssyncset.done $0x0;
	v29 =	vor.u32 s13, v1  }
0x12e: {  	s6 =	simm.s32 $0x7400;
	[sflag:s26] =	ssyncadd.s32 $0xFFFFF000  }
0x12f: {  	v7 =	vld.idx.msk [tilespmem:v26+s6+$0x0], $0xffff  }
0x130: {  	s7 =	simm.s32 $0xF400;
	v6 =	vld.idx.msk [tilespmem:v27+s6+$0x0], $0xffff  }
0x131: {  	v8 =	vld.idx.msk [tilespmem:v28+s7+$0x0], $0xffff  }
0x132: {  	v5 =	vld.idx.msk [tilespmem:v29+s7+$0x0], $0xffff;
	_ =	sdelay $0x4  }
0x133: {  	v7 =	vmul.f32 v8, v7;
	v5 =	vmul.f32 v5, v6;
	_ =	sdelay $0x1  }
0x134: {  	v5 =	vadd.f32 v5, v7;
	s13 =	spop (v2sf)  }
0x135: {  	s3 =	sand.u32 $0xFFFFF80, s13;
	s12 =	spop (v2sf)  }
0x136: {  	[tilespmem:s31+$0xFFFFFFF0] =	vst v5;
	s14 =	sadd.s32 s1, s3;
	s3 =	sand.u32 $0xFFFFF80, s12  }
0x137: {  	[tilespmem:s6], [sflag:$0x8] =	stream.strided.gather [hbm4b:s14+s23], $0x1000, s22, s23, $0x38;
	[tilespmem:$0x12600] =	vst v63  }
0x138: {  	s14 =	sadd.s32 s2, s3  }
0x139: {  	[tilespmem:s7], [sflag:$0x10] =	stream.strided.gather [hbm4b:s14+s23], $0x1000, s22, s23, $0x38;
	[tilespmem:$0x12600] =	vst v63  }
0x13a: {  	_ =	swait.ge [sflag:s17], $0x1000  }
0x13b: {  	[sflag:s17] =	ssyncset.done $0x0  }
0x13c: {  	s3 =	simm.s32 $0x9;
	[sflag:s17] =	ssyncadd.s32 $0xFFFFF000  }
0x13d: {  	s18 =	sand.u32 $0x7F, s18;
	_ =	swait.ge [sflag:s3], $0x1000  }
0x13e: {  	v32 =	vor.u32 s18, v0;
	s14 =	rddreg [dreg:$0x12];
	(v2sf) =	vpush v4, $0x0  }
0x13f: {  	v33 =	vor.u32 s18, v1;
	s17 =	sand.u32 $0x7F, s14  }
0x140: {  	s3 =	simm.s32 $0x9;
	(v2sf) =	vpush v3, $0x0;
	v30 =	vor.u32 s17, v0  }
0x141: {  	[sflag:s3] =	ssyncset.done $0x0;
	v31 =	vor.u32 s17, v1  }
0x142: {  	[sflag:s3] =	ssyncadd.s32 $0xFFFFF000;
	s17 =	simm.s32 $0x8400  }
0x143: {  	v7 =	vld.idx.msk [tilespmem:v32+s17+$0x0], $0xffff  }
0x144: {  	v8 =	vld.idx.msk [tilespmem:v33+s17+$0x0], $0xffff  }
0x145: {  	v5 =	vld.idx.msk [tilespmem:v30+s23+$0x0], $0xffff  }
0x146: {  	v6 =	vld.idx.msk [tilespmem:v31+s23+$0x0], $0xffff;
	_ =	sdelay $0x4  }
0x147: {  	v5 =	vmul.f32 v7, v5;
	v6 =	vmul.f32 v8, v6;
	_ =	sdelay $0x1  }
0x148: {  	v5 =	vadd.f32 v6, v5;
	s18 =	spop (v2sf)  }
0x149: {  	s14 =	sand.u32 $0xFFFFF80, s18  }
0x14a: {  	[tilespmem:s31+$0x0] =	vst v5;
	s3 =	spop (v2sf);
	s14 =	sadd.s32 s1, s14  }
0x14b: {  	[tilespmem:s23], [sflag:$0x1] =	stream.strided.gather [hbm4b:s14+s23], $0x1000, s22, s23, $0x38;
	[tilespmem:$0x12600] =	vst v63  }
0x14c: {  	s14 =	sand.u32 $0xFFFFF80, s3  }
0x14d: {  	s18 =	simm.s32 $0x2;
	s14 =	sadd.s32 s2, s14  }
0x14e: {  	[tilespmem:s17], [sflag:$0x9] =	stream.strided.gather [hbm4b:s14+s23], $0x1000, s22, s23, $0x38;
	[tilespmem:$0x12600] =	vst v63  }
0x14f: {  	_ =	swait.ge [sflag:s18], $0x1000  }
0x150: {  	[sflag:s18] =	ssyncset.done $0x0  }
0x151: {  	[sflag:s18] =	ssyncadd.s32 $0xFFFFF000;
	s18 =	simm.s32 $0xA  }
0x152: {  	_ =	swait.ge [sflag:s18], $0x1000  }
0x153: {  	s14 =	rddreg [dreg:$0x13]  }
0x154: {  	s17 =	sand.u32 $0x7F, s14  }
0x155: {  	(v2sf) =	vpush v4, $0x1;
	v34 =	vor.u32 s17, v0;
	v35 =	vor.u32 s17, v1;
	s17 =	rddreg [dreg:$0x14]  }
0x156: {  	s14 =	sand.u32 $0x7F, s17  }
0x157: {  	(v2sf) =	vpush v3, $0x1;
	v36 =	vor.u32 s14, v0  }
0x158: {  	[sflag:s18] =	ssyncset.done $0x0;
	s18 =	simm.s32 $0xA;
	v37 =	vor.u32 s14, v1  }
0x159: {  	[sflag:s18] =	ssyncadd.s32 $0xFFFFF000;
	s17 =	simm.s32 $0x1400  }
0x15a: {  	v5 =	vld.idx.msk [tilespmem:v34+s17+$0x0], $0xffff  }
0x15b: {  	s3 =	simm.s32 $0x9400;
	v6 =	vld.idx.msk [tilespmem:v35+s17+$0x0], $0xffff  }
0x15c: {  	v7 =	vld.idx.msk [tilespmem:v36+s3+$0x0], $0xffff  }
0x15d: {  	v8 =	vld.idx.msk [tilespmem:v37+s3+$0x0], $0xffff;
	_ =	sdelay $0x4  }
0x15e: {  	v5 =	vmul.f32 v7, v5;
	v6 =	vmul.f32 v8, v6;
	_ =	sdelay $0x1  }
0x15f: {  	s18 =	spop (v2sf);
	v5 =	vadd.f32 v6, v5  }
0x160: {  	s14 =	sand.u32 $0xFFFFF80, s18  }
0x161: {  	s18 =	spop (v2sf);
	s14 =	sadd.s32 s1, s14;
	[tilespmem:s31+$0x10] =	vst v5  }
0x162: {  	[tilespmem:s17], [sflag:$0x2] =	stream.strided.gather [hbm4b:s14+s23], $0x1000, s22, s23, $0x38;
	[tilespmem:$0x12600] =	vst v63  }
0x163: {  	s14 =	sand.u32 $0xFFFFF80, s18  }
0x164: {  	s14 =	sadd.s32 s2, s14  }
0x165: {  	[tilespmem:s3], [sflag:$0xA] =	stream.strided.gather [hbm4b:s14+s23], $0x1000, s22, s23, $0x38;
	[tilespmem:$0x12600] =	vst v63  }
0x166: {  	s14 =	simm.s32 $0x3  }
0x167: {  	_ =	swait.ge [sflag:s14], $0x1000  }
0x168: {  	[sflag:s14] =	ssyncset.done $0x0  }
0x169: {  	s17 =	simm.s32 $0xB;
	[sflag:s14] =	ssyncadd.s32 $0xFFFFF000  }
0x16a: {  	_ =	swait.ge [sflag:s17], $0x1000  }
0x16b: {  	s18 =	rddreg [dreg:$0x15]  }
0x16c: {  	s3 =	sand.u32 $0x7F, s18  }
0x16d: {  	(v2sf) =	vpush v4, $0x2;
	s14 =	rddreg [dreg:$0x16];
	v38 =	vor.u32 s3, v0  }
0x16e: {  	s18 =	sand.u32 $0x7F, s14;
	v39 =	vor.u32 s3, v1  }
0x16f: {  	s17 =	simm.s32 $0xB;
	(v2sf) =	vpush v3, $0x2;
	v40 =	vor.u32 s18, v0  }
0x170: {  	[sflag:s17] =	ssyncset.done $0x0;
	v41 =	vor.u32 s18, v1  }
0x171: {  	[sflag:s17] =	ssyncadd.s32 $0xFFFFF000;
	s3 =	simm.s32 $0x2400  }
0x172: {  	v5 =	vld.idx.msk [tilespmem:v38+s3+$0x0], $0xffff  }
0x173: {  	s4 =	simm.s32 $0xA400;
	v6 =	vld.idx.msk [tilespmem:v39+s3+$0x0], $0xffff  }
0x174: {  	v7 =	vld.idx.msk [tilespmem:v40+s4+$0x0], $0xffff  }
0x175: {  	v8 =	vld.idx.msk [tilespmem:v41+s4+$0x0], $0xffff;
	_ =	sdelay $0x4  }
0x176: {  	v5 =	vmul.f32 v7, v5;
	v6 =	vmul.f32 v8, v6;
	_ =	sdelay $0x1  }
0x177: {  	v5 =	vadd.f32 v6, v5;
	s18 =	spop (v2sf)  }
0x178: {  	s14 =	sand.u32 $0xFFFFF80, s18  }
0x179: {  	[tilespmem:s31+$0x20] =	vst v5;
	s17 =	spop (v2sf);
	s14 =	sadd.s32 s1, s14  }
0x17a: {  	[tilespmem:s3], [sflag:$0x3] =	stream.strided.gather [hbm4b:s14+s23], $0x1000, s22, s23, $0x38;
	[tilespmem:$0x12600] =	vst v63  }
0x17b: {  	s14 =	sand.u32 $0xFFFFF80, s17  }
0x17c: {  	s14 =	sadd.s32 s2, s14  }
0x17d: {  	[tilespmem:s4], [sflag:$0xB] =	stream.strided.gather [hbm4b:s14+s23], $0x1000, s22, s23, $0x38;
	[tilespmem:$0x12600] =	vst v63  }
0x17e: {  	_ =	swait.ge [sflag:s21], $0x1000  }
0x17f: {  	[sflag:s21] =	ssyncset.done $0x0  }
0x180: {  	s18 =	simm.s32 $0xC;
	[sflag:s21] =	ssyncadd.s32 $0xFFFFF000  }
0x181: {  	s5 =	sand.u32 $0x7F, s5;
	_ =	swait.ge [sflag:s18], $0x1000  }
0x182: {  	v42 =	vor.u32 s5, v0;
	(v2sf) =	vpush v4, $0x3;
	s14 =	rddreg [dreg:$0x17]  }
0x183: {  	v43 =	vor.u32 s5, v1;
	s5 =	sand.u32 $0x7F, s14  }
0x184: {  	(v2sf) =	vpush v3, $0x3;
	v44 =	vor.u32 s5, v0  }
0x185: {  	[sflag:s18] =	ssyncset.done $0x0;
	s18 =	simm.s32 $0xC;
	v45 =	vor.u32 s5, v1  }
0x186: {  	s4 =	simm.s32 $0x3400;
	[sflag:s18] =	ssyncadd.s32 $0xFFFFF000  }
0x187: {  	v5 =	vld.idx.msk [tilespmem:v42+s4+$0x0], $0xffff  }
0x188: {  	s14 =	simm.s32 $0xB400;
	v6 =	vld.idx.msk [tilespmem:v43+s4+$0x0], $0xffff  }
0x189: {  	v7 =	vld.idx.msk [tilespmem:v44+s14+$0x0], $0xffff  }
0x18a: {  	v8 =	vld.idx.msk [tilespmem:v45+s14+$0x0], $0xffff;
	_ =	sdelay $0x4  }
0x18b: {  	v5 =	vmul.f32 v7, v5;
	v6 =	vmul.f32 v8, v6;
	_ =	sdelay $0x1  }
0x18c: {  	v5 =	vadd.f32 v6, v5;
	s18 =	spop (v2sf)  }
0x18d: {  	s5 =	sand.u32 $0xFFFFF80, s18  }
0x18e: {  	[tilespmem:s31+$0x30] =	vst v5;
	s3 =	spop (v2sf);
	s5 =	sadd.s32 s1, s5  }
0x18f: {  	[tilespmem:s4], [sflag:$0x4] =	stream.strided.gather [hbm4b:s5+s23], $0x1000, s22, s23, $0x38;
	[tilespmem:$0x12600] =	vst v63  }
0x190: {  	s5 =	sand.u32 $0xFFFFF80, s3  }
0x191: {  	s5 =	sadd.s32 s2, s5  }
0x192: {  	[tilespmem:s14], [sflag:$0xC] =	stream.strided.gather [hbm4b:s5+s23], $0x1000, s22, s23, $0x38;
	[tilespmem:$0x12600] =	vst v63  }
0x193: {  	_ =	swait.ge [sflag:s16], $0x1000  }
0x194: {  	[sflag:s16] =	ssyncset.done $0x0  }
0x195: {  	s3 =	simm.s32 $0xD;
	[sflag:s16] =	ssyncadd.s32 $0xFFFFF000  }
0x196: {  	_ =	swait.ge [sflag:s3], $0x1000  }
0x197: {  	s16 =	rddreg [dreg:$0x18]  }
0x198: {  	s5 =	sand.u32 $0x7F, s16  }
0x199: {  	(v2sf) =	vpush v4, $0x4;
	s18 =	rddreg [dreg:$0x19];
	v46 =	vor.u32 s5, v0  }
0x19a: {  	v47 =	vor.u32 s5, v1;
	s5 =	sand.u32 $0x7F, s18  }
0x19b: {  	v48 =	vor.u32 s5, v0  }
0x19c: {  	[sflag:s3] =	ssyncset.done $0x0;
	s16 =	simm.s32 $0xD;
	v49 =	vor.u32 s5, v1  }
0x19d: {  	(v2sf) =	vpush v3, $0x4;
	[sflag:s16] =	ssyncadd.s32 $0xFFFFF000;
	s18 =	simm.s32 $0x4400  }
0x19e: {  	v5 =	vld.idx.msk [tilespmem:v46+s18+$0x0], $0xffff  }
0x19f: {  	s5 =	simm.s32 $0xC400;
	v6 =	vld.idx.msk [tilespmem:v47+s18+$0x0], $0xffff  }
0x1a0: {  	v7 =	vld.idx.msk [tilespmem:v48+s5+$0x0], $0xffff  }
0x1a1: {  	v8 =	vld.idx.msk [tilespmem:v49+s5+$0x0], $0xffff;
	_ =	sdelay $0x4  }
0x1a2: {  	v5 =	vmul.f32 v7, v5;
	v6 =	vmul.f32 v8, v6;
	_ =	sdelay $0x1  }
0x1a3: {  	v5 =	vadd.f32 v6, v5;
	s18 =	spop (v2sf)  }
0x1a4: {  	s5 =	sand.u32 $0xFFFFF80, s18  }
0x1a5: {  	s16 =	simm.s32 $0x4400;
	[tilespmem:s31+$0x40] =	vst v5;
	s5 =	sadd.s32 s1, s5  }
0x1a6: {  	[tilespmem:s16], [sflag:$0x5] =	stream.strided.gather [hbm4b:s5+s23], $0x1000, s22, s23, $0x38;
	[tilespmem:$0x12600] =	vst v63  }
0x1a7: {  	s16 =	spop (v2sf)  }
0x1a8: {  	s5 =	sand.u32 $0xFFFFF80, s16  }
0x1a9: {  	s3 =	simm.s32 $0xC400;
	s5 =	sadd.s32 s2, s5  }
0x1aa: {  	[tilespmem:s3], [sflag:$0xD] =	stream.strided.gather [hbm4b:s5+s23], $0x1000, s22, s23, $0x38;
	[tilespmem:$0x12600] =	vst v63  }
0x1ab: {  	_ =	swait.ge [sflag:s15], $0x1000  }
0x1ac: {  	[sflag:s15] =	ssyncset.done $0x0  }
0x1ad: {  	[sflag:s15] =	ssyncadd.s32 $0xFFFFF000  }
0x1ae: {  	s15 =	rddreg [dreg:$0x11];
	_ =	swait.ge [sflag:s30], $0x1000  }
0x1af: {  	s18 =	rddreg [dreg:$0x1a]  }
0x1b0: {  	s3 =	sand.u32 $0x7F, s18  }
0x1b1: {  	(v2sf) =	vpush v4, $0x5;
	s5 =	rddreg [dreg:$0x1b];
	v50 =	vor.u32 s3, v0  }
0x1b2: {  	s16 =	sand.u32 $0x7F, s5;
	v51 =	vor.u32 s3, v1  }
0x1b3: {  	(v2sf) =	vpush v3, $0x5;
	v52 =	vor.u32 s16, v0  }
0x1b4: {  	[sflag:s30] =	ssyncset.done $0x0;
	v53 =	vor.u32 s16, v1  }
0x1b5: {  	[sflag:s30] =	ssyncadd.s32 $0xFFFFF000  }
0x1b6: {  	v5 =	vld.idx.msk [tilespmem:v50+s19+$0x0], $0xffff  }
0x1b7: {  	v6 =	vld.idx.msk [tilespmem:v51+s19+$0x0], $0xffff  }
0x1b8: {  	v7 =	vld.idx.msk [tilespmem:v52+s20+$0x0], $0xffff  }
0x1b9: {  	v8 =	vld.idx.msk [tilespmem:v53+s20+$0x0], $0xffff;
	_ =	sdelay $0x4  }
0x1ba: {  	v5 =	vmul.f32 v7, v5;
	v6 =	vmul.f32 v8, v6;
	_ =	sdelay $0x1  }
0x1bb: {  	v5 =	vadd.f32 v6, v5;
	s18 =	spop (v2sf)  }
0x1bc: {  	s5 =	sand.u32 $0xFFFFF80, s18  }
0x1bd: {  	[tilespmem:s31+$0x50] =	vst v5;
	s3 =	spop (v2sf);
	s5 =	sadd.s32 s1, s5  }
0x1be: {  	[tilespmem:s19], [sflag:$0x6] =	stream.strided.gather [hbm4b:s5+s23], $0x1000, s22, s23, $0x38;
	[tilespmem:$0x12600] =	vst v63  }
0x1bf: {  	s5 =	sand.u32 $0xFFFFF80, s3  }
0x1c0: {  	s5 =	sadd.s32 s2, s5  }
0x1c1: {  	[tilespmem:s20], [sflag:$0xE] =	stream.strided.gather [hbm4b:s5+s23], $0x1000, s22, s23, $0x38;
	[tilespmem:$0x12600] =	vst v63  }
0x1c2: {  	_ =	swait.ge [sflag:s24], $0x1000  }
0x1c3: {  	[sflag:s24] =	ssyncset.done $0x0  }
0x1c4: {  	s16 =	simm.s32 $0xF;
	[sflag:s24] =	ssyncadd.s32 $0xFFFFF000  }
0x1c5: {  	s18 =	sand.u32 $0x7F, s11;
	_ =	swait.ge [sflag:s16], $0x1000  }
0x1c6: {  	v54 =	vor.u32 s18, v0;
	(v2sf) =	vpush v4, $0x6  }
0x1c7: {  	v55 =	vor.u32 s18, v1;
	s24 =	sand.u32 $0x7F, s10  }
0x1c8: {  	s11 =	simm.s32 $0xF;
	v56 =	vor.u32 s24, v0;
	(v2sf) =	vpush v3, $0x6  }
0x1c9: {  	v57 =	vor.u32 s24, v1;
	[sflag:s11] =	ssyncset.done $0x0  }
0x1ca: {  	[sflag:s11] =	ssyncadd.s32 $0xFFFFF000  }
0x1cb: {  	v5 =	vld.idx.msk [tilespmem:v54+s8+$0x0], $0xffff  }
0x1cc: {  	v6 =	vld.idx.msk [tilespmem:v55+s8+$0x0], $0xffff  }
0x1cd: {  	v7 =	vld.idx.msk [tilespmem:v56+s9+$0x0], $0xffff  }
0x1ce: {  	v8 =	vld.idx.msk [tilespmem:v57+s9+$0x0], $0xffff;
	_ =	sdelay $0x4  }
0x1cf: {  	v5 =	vmul.f32 v7, v5;
	v6 =	vmul.f32 v8, v6;
	_ =	sdelay $0x1  }
0x1d0: {  	v5 =	vadd.f32 v6, v5;
	s3 =	spop (v2sf)  }
0x1d1: {  	s5 =	sand.u32 $0xFFFFF80, s3  }
0x1d2: {  	[tilespmem:s31+$0x60] =	vst v5;
	s10 =	spop (v2sf);
	s5 =	sadd.s32 s1, s5  }
0x1d3: {  	[tilespmem:s8], [sflag:$0x7] =	stream.strided.gather [hbm4b:s5+s23], $0x1000, s22, s23, $0x38;
	[tilespmem:$0x12600] =	vst v63  }
0x1d4: {  	s5 =	sand.u32 $0xFFFFF80, s10  }
0x1d5: {  	s5 =	sadd.s32 s2, s5  }
0x1d6: {  	[tilespmem:s9], [sflag:$0xF] =	stream.strided.gather [hbm4b:s5+s23], $0x1000, s22, s23, $0x38;
	[tilespmem:$0x12600] =	vst v63  }
0x1d7: {  	_ =	swait.ge [sflag:s28], $0x1000  }
0x1d8: {  	[sflag:s28] =	ssyncset.done $0x0  }
0x1d9: {  	[sflag:s28] =	ssyncadd.s32 $0xFFFFF000  }
0x1da: {  	s13 =	sand.u32 $0x7F, s13;
	_ =	swait.ge [sflag:s26], $0x1000  }
0x1db: {  	v58 =	vor.u32 s13, v0;
	(v2sf) =	vpush v4, $0x7  }
0x1dc: {  	v59 =	vor.u32 s13, v1;
	s16 =	sand.u32 $0x7F, s12  }
0x1dd: {  	v60 =	vor.u32 s16, v0;
	(v2sf) =	vpush v3, $0x7  }
0x1de: {  	v61 =	vor.u32 s16, v1;
	[sflag:s26] =	ssyncset.done $0x0  }
0x1df: {  	[sflag:s26] =	ssyncadd.s32 $0xFFFFF000  }
0x1e0: {  	v3 =	vld.idx.msk [tilespmem:v58+s6+$0x0], $0xffff  }
0x1e1: {  	v4 =	vld.idx.msk [tilespmem:v59+s6+$0x0], $0xffff  }
0x1e2: {  	v62 =	vld.idx.msk [tilespmem:v60+s7+$0x0], $0xffff  }
0x1e3: {  	v63 =	vld.idx.msk [tilespmem:v61+s7+$0x0], $0xffff;
	_ =	sdelay $0x4  }
0x1e4: {  	v3 =	vmul.f32 v62, v3;
	v4 =	vmul.f32 v63, v4;
	_ =	sdelay $0x1  }
0x1e5: {  	v3 =	vadd.f32 v4, v3;
	s18 =	spop (v2sf)  }
0x1e6: {  	p0 =	sne.s32 s0, $0x20;
	s25 =	sadd.s32 $0x10, s25;
	s5 =	sand.u32 $0xFFFFF80, s18  }
.Ltmp0:
0x1e7: {  	[tilespmem:s31+$0x70] =	vst v3;
	s24 =	spop (v2sf);
	s5 =	sadd.s32 s1, s5;
	(pc) =	sbr.rel @p0 .LBB2_2-.Ltmp0, $4  }
0x1e8: {  	[tilespmem:s6], [sflag:$0x8] =	stream.strided.gather [hbm4b:s5+s23], $0x1000, s22, s23, $0x38;
	[tilespmem:$0x12600] =	vst v63  }
0x1e9: {  	s0 =	sadd.s32 $0x1, s0;
	s17 =	simm.s32 $0xA400;
	s5 =	sand.u32 $0xFFFFF80, s24  }
0x1ea: {  	s15 =	sadd.s32 $0x10, s15;
	s31 =	sadd.s32 $0x100, s31;
	s5 =	sadd.s32 s2, s5  }
0x1eb: {  	[tilespmem:s7], [sflag:$0x10] =	stream.strided.gather [hbm4b:s5+s23], $0x1000, s22, s23, $0x38;
	[tilespmem:$0x12600] =	vst v63  }
0x1ec: {  	s0 =	simm.s32 $0x1  }
0x1ed: {  	_ =	swait.ge [sflag:s0], $0x1000  }
0x1ee: {  	[sflag:s0] =	ssyncset.done $0x0  }
0x1ef: {  	s6 =	simm.s32 $0x9;
	[sflag:s0] =	ssyncadd.s32 $0xFFFFF000  }
0x1f0: {  	_ =	swait.ge [sflag:s6], $0x1000  }
0x1f1: {  	[sflag:s6] =	ssyncset.done $0x0  }
0x1f2: {  	s7 =	simm.s32 $0x2;
	[sflag:s6] =	ssyncadd.s32 $0xFFFFF000  }
0x1f3: {  	_ =	swait.ge [sflag:s7], $0x1000  }
0x1f4: {  	[sflag:s7] =	ssyncset.done $0x0  }
0x1f5: {  	s8 =	simm.s32 $0xA;
	[sflag:s7] =	ssyncadd.s32 $0xFFFFF000  }
0x1f6: {  	_ =	swait.ge [sflag:s8], $0x1000  }
0x1f7: {  	[sflag:s8] =	ssyncset.done $0x0  }
0x1f8: {  	s9 =	simm.s32 $0x3;
	[sflag:s8] =	ssyncadd.s32 $0xFFFFF000  }
0x1f9: {  	_ =	swait.ge [sflag:s9], $0x1000  }
0x1fa: {  	[sflag:s9] =	ssyncset.done $0x0  }
0x1fb: {  	s10 =	simm.s32 $0xB;
	[sflag:s9] =	ssyncadd.s32 $0xFFFFF000  }
0x1fc: {  	_ =	swait.ge [sflag:s10], $0x1000  }
0x1fd: {  	[sflag:s10] =	ssyncset.done $0x0  }
0x1fe: {  	s11 =	simm.s32 $0x4;
	[sflag:s10] =	ssyncadd.s32 $0xFFFFF000  }
0x1ff: {  	_ =	swait.ge [sflag:s11], $0x1000  }
0x200: {  	[sflag:s11] =	ssyncset.done $0x0  }
0x201: {  	s12 =	simm.s32 $0xC;
	[sflag:s11] =	ssyncadd.s32 $0xFFFFF000  }
0x202: {  	_ =	swait.ge [sflag:s12], $0x1000  }
0x203: {  	[sflag:s12] =	ssyncset.done $0x0  }
0x204: {  	s13 =	simm.s32 $0x5;
	[sflag:s12] =	ssyncadd.s32 $0xFFFFF000  }
0x205: {  	_ =	swait.ge [sflag:s13], $0x1000  }
0x206: {  	[sflag:s13] =	ssyncset.done $0x0  }
0x207: {  	s15 =	simm.s32 $0xD;
	[sflag:s13] =	ssyncadd.s32 $0xFFFFF000  }
0x208: {  	_ =	swait.ge [sflag:s15], $0x1000  }
0x209: {  	[sflag:s15] =	ssyncset.done $0x0  }
0x20a: {  	s16 =	simm.s32 $0x6;
	[sflag:s15] =	ssyncadd.s32 $0xFFFFF000  }
0x20b: {  	_ =	swait.ge [sflag:s16], $0x1000  }
0x20c: {  	[sflag:s16] =	ssyncset.done $0x0  }
0x20d: {  	s18 =	simm.s32 $0xE;
	[sflag:s16] =	ssyncadd.s32 $0xFFFFF000  }
0x20e: {  	_ =	swait.ge [sflag:s18], $0x1000  }
0x20f: {  	[sflag:s18] =	ssyncset.done $0x0  }
0x210: {  	s24 =	simm.s32 $0x7;
	[sflag:s18] =	ssyncadd.s32 $0xFFFFF000  }
0x211: {  	_ =	swait.ge [sflag:s24], $0x1000  }
0x212: {  	[sflag:s24] =	ssyncset.done $0x0  }
0x213: {  	s0 =	simm.s32 $0xF;
	[sflag:s24] =	ssyncadd.s32 $0xFFFFF000  }
0x214: {  	_ =	swait.ge [sflag:s0], $0x1000  }
0x215: {  	[sflag:s0] =	ssyncset.done $0x0  }
0x216: {  	s6 =	simm.s32 $0x8;
	[sflag:s0] =	ssyncadd.s32 $0xFFFFF000  }
0x217: {  	s3 =	simm.s32 $0x1;
	_ =	swait.ge [sflag:s6], $0x1000  }
0x218: {  	s5 =	simm.s32 $0x0;
	v3 =	vor.u32 s3, v2;
	[sflag:s6] =	ssyncset.done $0x0  }
0x219: {  	s25 =	simm.s32 $0x10;
	v4 =	vor.u32 s5, v2;
	[sflag:s6] =	ssyncadd.s32 $0xFFFFF000  }
0x21a: {  	s31 =	simm.s32 $0x2;
	_ =	swait.ge [sflag:s25], $0x1000  }
0x21b: {  	v5 =	vor.u32 s31, v2;
	[sflag:s25] =	ssyncset.done $0x0  }
0x21c: {  	s6 =	simm.s32 $0x3;
	[sflag:s25] =	ssyncadd.s32 $0xFFFFF000  }
0x21d: {  	v6 =	vor.u32 s6, v2;
	v3 =	vld.idx.msk [tilespmem:v3+s29+$0x0], $0xffff  }
0x21e: {  	s7 =	simm.s32 $0x4;
	v4 =	vld.idx.msk [tilespmem:v4+s29+$0x0], $0xffff  }
0x21f: {  	v7 =	vor.u32 s7, v2  }
0x220: {  	s8 =	simm.s32 $0x5;
	v5 =	vld.idx.msk [tilespmem:v5+s29+$0x0], $0xffff  }
0x221: {  	v8 =	vor.u32 s8, v2  }
0x222: {  	s9 =	simm.s32 $0x6;
	v6 =	vld.idx.msk [tilespmem:v6+s29+$0x0], $0xffff  }
0x223: {  	v9 =	vor.u32 s9, v2;
	v3 =	vadd.f32 v3, v4  }
0x224: {  	s10 =	simm.s32 $0x7;
	v4 =	vld.idx.msk [tilespmem:v7+s29+$0x0], $0xffff  }
0x225: {  	v7 =	vor.u32 s10, v2;
	v3 =	vadd.f32 v5, v3  }
0x226: {  	s11 =	simm.s32 $0x8;
	v5 =	vld.idx.msk [tilespmem:v8+s29+$0x0], $0xffff  }
0x227: {  	v8 =	vor.u32 s11, v2;
	v3 =	vadd.f32 v6, v3  }
0x228: {  	s12 =	simm.s32 $0x9;
	v6 =	vld.idx.msk [tilespmem:v9+s29+$0x0], $0xffff  }
0x229: {  	v57 =	vor.u32 s12, v2;
	v3 =	vadd.f32 v4, v3  }
0x22a: {  	s13 =	simm.s32 $0xA;
	v4 =	vld.idx.msk [tilespmem:v7+s29+$0x0], $0xffff  }
0x22b: {  	v7 =	vor.u32 s13, v2;
	v3 =	vadd.f32 v5, v3  }
0x22c: {  	s15 =	simm.s32 $0xB;
	v5 =	vld.idx.msk [tilespmem:v8+s29+$0x0], $0xffff  }
0x22d: {  	v8 =	vor.u32 s15, v2;
	v3 =	vadd.f32 v6, v3  }
0x22e: {  	s16 =	simm.s32 $0xC;
	v6 =	vld.idx.msk [tilespmem:v57+s29+$0x0], $0xffff  }
0x22f: {  	v58 =	vor.u32 s16, v2;
	v3 =	vadd.f32 v4, v3  }
0x230: {  	s18 =	simm.s32 $0xD;
	v4 =	vld.idx.msk [tilespmem:v7+s29+$0x0], $0xffff  }
0x231: {  	v7 =	vor.u32 s18, v2;
	v3 =	vadd.f32 v5, v3  }
0x232: {  	s24 =	simm.s32 $0xE;
	v5 =	vld.idx.msk [tilespmem:v8+s29+$0x0], $0xffff  }
0x233: {  	v8 =	vor.u32 s24, v2;
	v3 =	vadd.f32 v6, v3  }
0x234: {  	v6 =	vld.idx.msk [tilespmem:v58+s29+$0x0], $0xffff  }
0x235: {  	v59 =	vor.u32 s0, v2;
	v3 =	vadd.f32 v4, v3  }
0x236: {  	v4 =	vld.idx.msk [tilespmem:v7+s29+$0x0], $0xffff  }
0x237: {  	v3 =	vadd.f32 v5, v3  }
0x238: {  	v5 =	vld.idx.msk [tilespmem:v8+s29+$0x0], $0xffff  }
0x239: {  	v3 =	vadd.f32 v6, v3  }
0x23a: {  	v6 =	vld.idx.msk [tilespmem:v59+s29+$0x0], $0xffff  }
0x23b: {  	v3 =	vadd.f32 v4, v3;
	_ =	sdelay $0x1  }
0x23c: {  	v3 =	vadd.f32 v5, v3;
	_ =	sdelay $0x1  }
0x23d: {  	v3 =	vadd.f32 v6, v3;
	_ =	sdelay $0x1  }
0x23e: {  	v4 =	vand.u32 $0x7FFFFFFF, v3  }
0x23f: {  	v4 =	vsub.f32 $0.0e+00, v4;
	_ =	sdelay $0x1  }
0x240: {  	v4 =	vmul.f32 $1.442695020e+00, v4;
	_ =	sdelay $0x1  }
0x241: {  	(erf) = vpow2.f32 v4;
	_ =	sdelay $0x8  }
0x242: {  	v4 =	vpop (erf)  }
0x243: {  	v5 =	vadd.f32 $1.000000000e+00, v4;
	_ =	sdelay $0x1  }
0x244: {  	(erf) = vrcp.f32 v5;
	_ =	sdelay $0x7  }
0x245: {  	s25 =	simm.s32 $0x101  }
0x246: {  	s31 =	simm.s32 $0x100;
	v5 =	vor.u32 s25, v2;
	v6 =	vpop (erf)  }
0x247: {  	v7 =	vor.u32 s31, v2;
	v4 =	vmul.f32 v6, v4  }
0x248: {  	s5 =	simm.s32 $0x102;
	vm0 =	vge.f32 v3, $0.0e+00  }
0x249: {  	s0 =	simm.s32 $0x12400;
	v3 =	vor.u32 s5, v2;
	v4 =	vsel vm0, v6, v4  }
0x24a: {  	s6 =	simm.s32 $0x103;
	[tilespmem:s0+$0x0] =	vst v4  }
0x24b: {  	v4 =	vld.idx.msk [tilespmem:v5+s29+$0x0], $0xffff;
	v5 =	vor.u32 s6, v2  }
0x24c: {  	s7 =	simm.s32 $0x104;
	v6 =	vld.idx.msk [tilespmem:v7+s29+$0x0], $0xffff  }
0x24d: {  	v7 =	vor.u32 s7, v2  }
0x24e: {  	s8 =	simm.s32 $0x105;
	v3 =	vld.idx.msk [tilespmem:v3+s29+$0x0], $0xffff  }
0x24f: {  	v8 =	vor.u32 s8, v2  }
0x250: {  	s9 =	simm.s32 $0x106;
	v5 =	vld.idx.msk [tilespmem:v5+s29+$0x0], $0xffff  }
0x251: {  	v60 =	vor.u32 s9, v2;
	v4 =	vadd.f32 v4, v6  }
0x252: {  	s10 =	simm.s32 $0x107;
	v6 =	vld.idx.msk [tilespmem:v7+s29+$0x0], $0xffff  }
0x253: {  	v7 =	vor.u32 s10, v2;
	v3 =	vadd.f32 v3, v4  }
0x254: {  	s11 =	simm.s32 $0x108;
	v4 =	vld.idx.msk [tilespmem:v8+s29+$0x0], $0xffff  }
0x255: {  	v8 =	vor.u32 s11, v2;
	v3 =	vadd.f32 v5, v3  }
0x256: {  	s12 =	simm.s32 $0x109;
	v5 =	vld.idx.msk [tilespmem:v60+s29+$0x0], $0xffff  }
0x257: {  	v61 =	vor.u32 s12, v2;
	v3 =	vadd.f32 v6, v3  }
0x258: {  	s13 =	simm.s32 $0x10A;
	v6 =	vld.idx.msk [tilespmem:v7+s29+$0x0], $0xffff  }
0x259: {  	v7 =	vor.u32 s13, v2;
	v3 =	vadd.f32 v4, v3  }
0x25a: {  	s15 =	simm.s32 $0x10B;
	v4 =	vld.idx.msk [tilespmem:v8+s29+$0x0], $0xffff  }
0x25b: {  	v8 =	vor.u32 s15, v2;
	v3 =	vadd.f32 v5, v3  }
0x25c: {  	s16 =	simm.s32 $0x10C;
	v5 =	vld.idx.msk [tilespmem:v61+s29+$0x0], $0xffff  }
0x25d: {  	v62 =	vor.u32 s16, v2;
	v3 =	vadd.f32 v6, v3  }
0x25e: {  	s18 =	simm.s32 $0x10D;
	v6 =	vld.idx.msk [tilespmem:v7+s29+$0x0], $0xffff  }
0x25f: {  	v7 =	vor.u32 s18, v2;
	v3 =	vadd.f32 v4, v3  }
0x260: {  	s24 =	simm.s32 $0x10E;
	v4 =	vld.idx.msk [tilespmem:v8+s29+$0x0], $0xffff  }
0x261: {  	v8 =	vor.u32 s24, v2;
	v3 =	vadd.f32 v5, v3  }
0x262: {  	s25 =	simm.s32 $0x10F;
	v5 =	vld.idx.msk [tilespmem:v62+s29+$0x0], $0xffff  }
0x263: {  	v63 =	vor.u32 s25, v2;
	v3 =	vadd.f32 v6, v3  }
0x264: {  	v6 =	vld.idx.msk [tilespmem:v7+s29+$0x0], $0xffff  }
0x265: {  	v3 =	vadd.f32 v4, v3  }
0x266: {  	v4 =	vld.idx.msk [tilespmem:v8+s29+$0x0], $0xffff  }
0x267: {  	v3 =	vadd.f32 v5, v3  }
0x268: {  	v5 =	vld.idx.msk [tilespmem:v63+s29+$0x0], $0xffff  }
0x269: {  	v3 =	vadd.f32 v6, v3;
	_ =	sdelay $0x1  }
0x26a: {  	v3 =	vadd.f32 v4, v3;
	_ =	sdelay $0x1  }
0x26b: {  	v3 =	vadd.f32 v5, v3;
	_ =	sdelay $0x1  }
0x26c: {  	v4 =	vand.u32 $0x7FFFFFFF, v3  }
0x26d: {  	v4 =	vsub.f32 $0.0e+00, v4;
	_ =	sdelay $0x1  }
0x26e: {  	v4 =	vmul.f32 $1.442695020e+00, v4;
	_ =	sdelay $0x1  }
0x26f: {  	(erf) = vpow2.f32 v4;
	_ =	sdelay $0x8  }
0x270: {  	v4 =	vpop (erf)  }
0x271: {  	v5 =	vadd.f32 $1.000000000e+00, v4;
	_ =	sdelay $0x1  }
0x272: {  	(erf) = vrcp.f32 v5;
	_ =	sdelay $0x7  }
0x273: {  	s31 =	simm.s32 $0x201  }
0x274: {  	s3 =	simm.s32 $0x20F;
	s5 =	simm.s32 $0x30F;
	s6 =	simm.s32 $0x200;
	v5 =	vor.u32 s31, v2;
	v6 =	vpop (erf)  }
.LBB2_4:
0x275: {  	p0 =	sne.s32 s5, $0x1F0F;
	v7 =	vor.u32 s6, v2;
	v4 =	vmul.f32 v6, v4  }
0x276: {  	s6 =	sadd.s32 $0xFFFFFFF3, s3;
	vm0 =	vge.f32 v3, $0.0e+00  }
0x277: {  	s0 =	sadd.s32 $0x10, s0;
	v3 =	vor.u32 s6, v2;
	v4 =	vsel vm0, v6, v4  }
0x278: {  	s6 =	sadd.s32 $0xFFFFFFF4, s3;
	[tilespmem:s0+$0x0] =	vst v4  }
0x279: {  	v4 =	vld.idx.msk [tilespmem:v5+s29+$0x0], $0xffff;
	v5 =	vor.u32 s6, v2  }
0x27a: {  	s6 =	sadd.s32 $0xFFFFFFF5, s3;
	v6 =	vld.idx.msk [tilespmem:v7+s29+$0x0], $0xffff  }
0x27b: {  	v7 =	vor.u32 s6, v2  }
0x27c: {  	s6 =	sadd.s32 $0xFFFFFFF6, s3;
	v3 =	vld.idx.msk [tilespmem:v3+s29+$0x0], $0xffff  }
0x27d: {  	v8 =	vor.u32 s6, v2  }
0x27e: {  	s6 =	sadd.s32 $0xFFFFFFF7, s3;
	v5 =	vld.idx.msk [tilespmem:v5+s29+$0x0], $0xffff  }
0x27f: {  	v9 =	vor.u32 s6, v2  }
0x280: {  	s6 =	sadd.s32 $0xFFFFFFF8, s3;
	v4 =	vadd.f32 v4, v6;
	v6 =	vld.idx.msk [tilespmem:v7+s29+$0x0], $0xffff  }
0x281: {  	v7 =	vor.u32 s6, v2  }
0x282: {  	s6 =	sadd.s32 $0xFFFFFFF9, s3;
	v3 =	vadd.f32 v3, v4;
	v4 =	vld.idx.msk [tilespmem:v8+s29+$0x0], $0xffff  }
0x283: {  	v8 =	vor.u32 s6, v2  }
0x284: {  	s6 =	sadd.s32 $0xFFFFFFFA, s3;
	v3 =	vadd.f32 v5, v3;
	v5 =	vld.idx.msk [tilespmem:v9+s29+$0x0], $0xffff  }
0x285: {  	v9 =	vor.u32 s6, v2  }
0x286: {  	s6 =	sadd.s32 $0xFFFFFFFB, s3;
	v3 =	vadd.f32 v6, v3;
	v6 =	vld.idx.msk [tilespmem:v7+s29+$0x0], $0xffff  }
0x287: {  	v7 =	vor.u32 s6, v2  }
0x288: {  	s6 =	sadd.s32 $0xFFFFFFFC, s3;
	v3 =	vadd.f32 v4, v3;
	v4 =	vld.idx.msk [tilespmem:v8+s29+$0x0], $0xffff  }
0x289: {  	v8 =	vor.u32 s6, v2  }
0x28a: {  	s6 =	sadd.s32 $0xFFFFFFFD, s3;
	v3 =	vadd.f32 v5, v3;
	v5 =	vld.idx.msk [tilespmem:v9+s29+$0x0], $0xffff  }
0x28b: {  	v9 =	vor.u32 s6, v2  }
0x28c: {  	s6 =	sadd.s32 $0xFFFFFFFE, s3;
	v3 =	vadd.f32 v6, v3;
	v6 =	vld.idx.msk [tilespmem:v7+s29+$0x0], $0xffff  }
0x28d: {  	v7 =	vor.u32 s6, v2  }
0x28e: {  	s6 =	sadd.s32 $0xFFFFFFFF, s3;
	v3 =	vadd.f32 v4, v3;
	v4 =	vld.idx.msk [tilespmem:v8+s29+$0x0], $0xffff  }
0x28f: {  	v8 =	vor.u32 s6, v2  }
0x290: {  	v3 =	vadd.f32 v5, v3;
	v5 =	vld.idx.msk [tilespmem:v9+s29+$0x0], $0xffff  }
0x291: {  	v9 =	vor.u32 s3, v2;
	s3 =	smov.u32 s5  }
0x292: {  	v3 =	vadd.f32 v6, v3;
	v6 =	vld.idx.msk [tilespmem:v7+s29+$0x0], $0xffff;
	_ =	sdelay $0x1  }
0x293: {  	v3 =	vadd.f32 v4, v3;
	v4 =	vld.idx.msk [tilespmem:v8+s29+$0x0], $0xffff;
	_ =	sdelay $0x1  }
0x294: {  	v3 =	vadd.f32 v5, v3;
	v5 =	vld.idx.msk [tilespmem:v9+s29+$0x0], $0xffff;
	_ =	sdelay $0x1  }
0x295: {  	v3 =	vadd.f32 v6, v3;
	_ =	sdelay $0x1  }
0x296: {  	v3 =	vadd.f32 v4, v3;
	_ =	sdelay $0x1  }
0x297: {  	v3 =	vadd.f32 v5, v3;
	_ =	sdelay $0x1  }
0x298: {  	v4 =	vand.u32 $0x7FFFFFFF, v3  }
0x299: {  	v4 =	vsub.f32 $0.0e+00, v4;
	_ =	sdelay $0x1  }
0x29a: {  	v4 =	vmul.f32 $1.442695020e+00, v4;
	_ =	sdelay $0x1  }
0x29b: {  	(erf) = vpow2.f32 v4;
	_ =	sdelay $0x8  }
0x29c: {  	v4 =	vpop (erf)  }
0x29d: {  	v5 =	vadd.f32 $1.000000000e+00, v4;
	_ =	sdelay $0x1  }
0x29e: {  	(erf) = vrcp.f32 v5;
	_ =	sdelay $0x4  }
.Ltmp1:
0x29f: {  	(pc) =	sbr.rel @p0 .LBB2_4-.Ltmp1, $3  }
0x2a0: {  	_ =	sdelay $0x1  }
0x2a1: {  	s7 =	sadd.s32 $0xFFFFFFF2, s5  }
0x2a2: {  	s5 =	sadd.s32 $0x100, s5;
	s6 =	sadd.s32 $0xFFFFFFF1, s3;
	v5 =	vor.u32 s7, v2;
	v6 =	vpop (erf)  }
0x2a3: {  	v7 =	vor.u32 s6, v2;
	v4 =	vmul.f32 v6, v4  }
0x2a4: {  	s5 =	sadd.s32 $0xFFFFFFF3, s3;
	vm0 =	vge.f32 v3, $0.0e+00  }
0x2a5: {  	s0 =	sadd.s32 $0x10, s0;
	v3 =	vor.u32 s5, v2;
	v4 =	vsel vm0, v6, v4  }
0x2a6: {  	s25 =	sadd.s32 $0xFFFFFFF4, s3;
	[tilespmem:s0+$0x0] =	vst v4  }
0x2a7: {  	v38 =	vor.u32 s25, v2;
	v4 =	vld.idx.msk [tilespmem:v5+s29+$0x0], $0xffff  }
0x2a8: {  	s31 =	sadd.s32 $0xFFFFFFF5, s3;
	v39 =	vld.idx.msk [tilespmem:v7+s29+$0x0], $0xffff  }
0x2a9: {  	v40 =	vor.u32 s31, v2  }
0x2aa: {  	s6 =	sadd.s32 $0xFFFFFFF6, s3;
	v3 =	vld.idx.msk [tilespmem:v3+s29+$0x0], $0xffff  }
0x2ab: {  	v8 =	vor.u32 s6, v2  }
0x2ac: {  	s7 =	sadd.s32 $0xFFFFFFF7, s3;
	v5 =	vld.idx.msk [tilespmem:v38+s29+$0x0], $0xffff  }
0x2ad: {  	v9 =	vor.u32 s7, v2;
	v4 =	vadd.f32 v4, v39  }
0x2ae: {  	s8 =	sadd.s32 $0xFFFFFFF8, s3;
	v41 =	vld.idx.msk [tilespmem:v40+s29+$0x0], $0xffff  }
0x2af: {  	v42 =	vor.u32 s8, v2;
	v3 =	vadd.f32 v3, v4  }
0x2b0: {  	s9 =	sadd.s32 $0xFFFFFFF9, s3;
	v43 =	vld.idx.msk [tilespmem:v8+s29+$0x0], $0xffff  }
0x2b1: {  	v44 =	vor.u32 s9, v2;
	v3 =	vadd.f32 v5, v3  }
0x2b2: {  	s10 =	sadd.s32 $0xFFFFFFFA, s3;
	v45 =	vld.idx.msk [tilespmem:v9+s29+$0x0], $0xffff  }
0x2b3: {  	v46 =	vor.u32 s10, v2;
	v3 =	vadd.f32 v41, v3  }
0x2b4: {  	s11 =	sadd.s32 $0xFFFFFFFB, s3;
	v47 =	vld.idx.msk [tilespmem:v42+s29+$0x0], $0xffff  }
0x2b5: {  	v48 =	vor.u32 s11, v2;
	v3 =	vadd.f32 v43, v3  }
0x2b6: {  	s12 =	sadd.s32 $0xFFFFFFFC, s3;
	v49 =	vld.idx.msk [tilespmem:v44+s29+$0x0], $0xffff  }
0x2b7: {  	v50 =	vor.u32 s12, v2;
	v3 =	vadd.f32 v45, v3  }
0x2b8: {  	s13 =	sadd.s32 $0xFFFFFFFD, s3;
	v51 =	vld.idx.msk [tilespmem:v46+s29+$0x0], $0xffff  }
0x2b9: {  	v52 =	vor.u32 s13, v2;
	v3 =	vadd.f32 v47, v3  }
0x2ba: {  	s15 =	sadd.s32 $0xFFFFFFFE, s3;
	v53 =	vld.idx.msk [tilespmem:v48+s29+$0x0], $0xffff  }
0x2bb: {  	v54 =	vor.u32 s15, v2;
	v3 =	vadd.f32 v49, v3  }
0x2bc: {  	s16 =	sadd.s32 $0xFFFFFFFF, s3;
	v55 =	vld.idx.msk [tilespmem:v50+s29+$0x0], $0xffff  }
0x2bd: {  	v56 =	vor.u32 s16, v2;
	v3 =	vadd.f32 v51, v3  }
0x2be: {  	v57 =	vld.idx.msk [tilespmem:v52+s29+$0x0], $0xffff  }
0x2bf: {  	v58 =	vor.u32 s3, v2;
	v3 =	vadd.f32 v53, v3  }
0x2c0: {  	v59 =	vld.idx.msk [tilespmem:v54+s29+$0x0], $0xffff  }
0x2c1: {  	v3 =	vadd.f32 v55, v3  }
0x2c2: {  	v60 =	vld.idx.msk [tilespmem:v56+s29+$0x0], $0xffff  }
0x2c3: {  	v3 =	vadd.f32 v57, v3  }
0x2c4: {  	v61 =	vld.idx.msk [tilespmem:v58+s29+$0x0], $0xffff  }
0x2c5: {  	v3 =	vadd.f32 v59, v3;
	_ =	sdelay $0x1  }
0x2c6: {  	v3 =	vadd.f32 v60, v3;
	_ =	sdelay $0x1  }
0x2c7: {  	v3 =	vadd.f32 v61, v3;
	_ =	sdelay $0x1  }
0x2c8: {  	v62 =	vand.u32 $0x7FFFFFFF, v3  }
0x2c9: {  	v4 =	vsub.f32 $0.0e+00, v62;
	_ =	sdelay $0x1  }
0x2ca: {  	v4 =	vmul.f32 $1.442695020e+00, v4;
	_ =	sdelay $0x1  }
0x2cb: {  	(erf) = vpow2.f32 v4;
	_ =	sdelay $0x8  }
0x2cc: {  	v4 =	vpop (erf)  }
0x2cd: {  	v63 =	vadd.f32 $1.000000000e+00, v4;
	_ =	sdelay $0x1  }
0x2ce: {  	(erf) = vrcp.f32 v63;
	_ =	sdelay $0x8  }
0x2cf: {  	v5 =	vpop (erf)  }
0x2d0: {  	v4 =	vmul.f32 v5, v4  }
0x2d1: {  	vm15 =	vge.f32 v3, $0.0e+00  }
0x2d2: {  	s18 =	rddreg [dreg:$0xe];
	s0 =	sadd.s32 $0x10, s0;
	v3 =	vsel vm15, v5, v4  }
0x2d3: {  	s24 =	simm.s32 $0x12400;
	s3 =	simm.s32 $0x11;
	s9 =	simm.s32 $0x0;
	[tilespmem:s0+$0x0] =	vst v3  }
0x2d4: {  	[hbm4b:s18+s9] =	stream.linear.scatter [tilespmem:s24], [sflag:$0x11], $0x200, $0x38;
	[tilespmem:$0x12600] =	vst v63  }
0x2d5: {  	_ =	swait.ge [sflag:s3], $0x200  }
0x2d6: {  	s25 =	rddreg [dreg:$0x10]  }
0x2d7: {  	s31 =	rddreg [dreg:$0xf];
	s5 =	sadd.s32 $0x1, s25  }
0x2d8: {  	p0 =	sne.s32 s5, s31  }
.Ltmp2:
0x2d9: {  	_ = 	snop;
	(pc) =	sbr.rel @p0 .LBB2_1-.Ltmp2, $4  }
0x2da: {  	s6 =	simm.s32 $0x4400  }
0x2db: {  	s7 =	simm.s32 $0xC400;
	s8 =	simm.s32 $0x5400;
	s10 =	simm.s32 $0xD400  }
0x2dc: {  	s11 =	simm.s32 $0x6400;
	s12 =	simm.s32 $0xE400;
	[sflag:s3] =	ssyncset.done $0x0  }
0x2dd: {  	s13 =	simm.s32 $0x7400;
	s24 =	simm.s32 $0xF400;
	[sflag:s3] =	ssyncadd.s32 $0xFFFFFE00  }
0x2de: {  	_ =	sfence.sel $0x180000  }
0x2df: {  	[bflag:$0x0] =	sbarrier.arrive $0xFFFF  }
0x2e0: {  	_ =	strace $0x90000047  }
0x2e1: {  	s0 =	stileid.u32;
	[bflag:$0x2] =	sbarrier.arrive $0xFFFF  }
0x2e2: {  	p0 =	sne.s32 s0, $0x0;
	s0 =	rddreg [dreg:$0x5]  }
0x2e3: {  	s0 =	sadd.s32 @!p0 $0x100000, s0  }
0x2e4: {  	[sflag:s0] =	ssyncadd.tile.s32 @!p0 $0x1;
	_ =	shalt  }
.Lfunc_end2:
_tile_overlayer_lowered:
.L_overlay_start_2:
0x2e5: {  	(tag) =	ssettag $0x2  }
0x2e6: {  	s0 =	rddreg [dreg:$0x0];
	s2 =	stileid.u32  }
0x2e7: {  	s1 =	rddreg [dreg:$0x1];
	p0 =	sne.s32 s2, $0x0  }
0x2e8: {  	s3 =	rddreg [dreg:$0x2];
	[bflag:$0x3] =	sbarrier.arrive $0xFFFF;
	s2 =	simm.s32 @!p0 $0x1C11  }
0x2e9: {  	[timem:s3], [sflag:s2] =	dma.local @!p0 [hbm:s0], s1  }
0x2ea: {  	s0 =	simm.s32 @!p0 $0x11  }
0x2eb: {  	_ =	swait.ge @!p0 [sflag:s0], s1  }
0x2ec: {  	s1 =	ssub.s32 @!p0 $0x0, s1;
	[sflag:s0] =	ssyncset.done @!p0 $0x0  }
0x2ed: {  	[sflag:s0] =	ssyncadd.s32 @!p0 s1  }
0x2ee: {  	[bflag:$0x3] =	sbarrier.arrive $0xFFFF  }
0x2ef: {  	_ =	shalt  }

</sc_bundles>
